<compile_context>
chip_gen: v7x
topology: tpu7x:2x2x1
jax: 0.10.2.dev20260603
libtpu: 0.0.44.dev20260713+nightly
codegen_flags: <defaults>
</compile_context>

<pallas_src>
import functools

import jax
import jax.numpy as jnp
import numpy as np
from jax import lax
from jax.experimental import pallas as pl
from jax.experimental.pallas import tpu as pltpu
from jax.experimental.pallas import tpu_sc as plsc

DECAY = 0.99
EPS = 1e-05


def _softmax_stats(dist):
    s = jnp.sqrt(jnp.maximum(dist, 0.0))
    neg = -s
    m1 = jnp.max(neg, axis=-1, keepdims=True)
    sh = neg - m1
    e1 = jnp.exp(sh)
    z1 = jnp.sum(e1, axis=-1, keepdims=True)
    return sh, e1, z1


def _argmin_idx(dist, iota):
    rmin = jnp.min(dist, axis=-1, keepdims=True)
    big = jnp.int32(dist.shape[-1])
    return jnp.min(jnp.where(dist == rmin, iota, big), axis=-1)


def _main_kernel(a_ref, v_ref, emb_ref,
                 lpa_ref, lpv_ref, p2a_ref, p2v_ref,
                 ca_ref, cv_ref, hwa_ref, hwv_ref,
                 sv2_ref, i2_ref,
                 *, T, D, M):
    emb = emb_ref[...]
    embsq = jnp.sum(emb * emb, axis=1)[None, :]
    iota = jax.lax.broadcasted_iota(jnp.int32, (T, M), 1)
    log_max_ent = np.float32(np.log(M))

    a = a_ref[0]
    v = v_ref[0]

    adjs = []
    for slot, (x, lp_ref, p2_ref, c_ref, hw_ref) in enumerate((
            (a, lpa_ref, p2a_ref, ca_ref, hwa_ref),
            (v, lpv_ref, p2v_ref, cv_ref, hwv_ref))):
        xe = jax.lax.dot_general(x, emb, (((1,), (1,)), ((), ())),
                                 preferred_element_type=jnp.float32)
        xsq = jnp.sum(x * x, axis=1, keepdims=True)
        dist = xsq + embsq - 2.0 * xe
        sh, e1, z1 = _softmax_stats(dist)
        logz = jnp.log(z1)
        u = jnp.log(e1 + 1e-05 * z1)
        ent = (logz - jnp.sum(e1 * u, axis=-1, keepdims=True) / z1)[:, 0]
        adj = 1.0 - ent / log_max_ent
        lp_ref[...] = (sh - logz).reshape(T, 1, 1, M)
        e2 = e1 * e1
        p2_ref[...] = (e2 / jnp.sum(e2, axis=-1, keepdims=True)).reshape(T, 1, 1, M)
        idx = _argmin_idx(dist, iota)
        i2_ref[1 - slot, 0] = idx.reshape(1, T)
        onehot = (iota == idx[:, None]).astype(jnp.float32)
        c_ref[...] = jnp.sum(onehot, axis=0).reshape(1, 1, M)
        hw_ref[...] = jnp.sum(onehot * adj[:, None], axis=0).reshape(1, 1, M)
        adjs.append(adj)

    adj_a, adj_v = adjs
    va = v + a
    sv2_ref[0, 0] = va * adj_v[:, None]
    sv2_ref[1, 0] = va * adj_a[:, None]


def _sc_scatter_kernel(sv_hbm, idx_hbm, zero_hbm, w_hbm, rowbuf, idxbuf, acc,
                       *, M, W, N, CH, CPT):
    c = lax.axis_index("c")
    s = lax.axis_index("s")
    co = s % 8
    cg = co // 4
    h = (co % 4) * CPT
    th = s // 8
    col0 = pl.multiple_of(cg * 128, 128)
    lane = lax.iota(jnp.int32, 16)
    ngrp = CPT // 16
    nhalf = N // 2

    pltpu.sync_copy(zero_hbm, acc)

    for k in range(nhalf // CH):
        off = pl.multiple_of(th * nhalf + k * CH, CH)

        pltpu.sync_copy(idx_hbm.at[c, pl.ds(off, CH)], idxbuf)
        pltpu.sync_copy(sv_hbm.at[c, pl.ds(off, CH), pl.ds(col0, 128)],
                        rowbuf)

        def tok_body(t0, carry):
            for u in range(8):
                t = jnp.full((16,), t0 * 8 + u, jnp.int32)
                row = plsc.load_gather(idxbuf, [t])
                fbase = row * CPT
                for g in range(ngrp):
                    f = fbase + (g * 16) + lane
                    vals = plsc.load_gather(rowbuf, [t, lane + (g * 16 + h)])
                    plsc.addupdate_scatter(
                        acc, [jax.lax.shift_right_logical(f, 7),
                              jax.lax.bitwise_and(f, 127)], vals)
            return carry

        jax.lax.fori_loop(0, CH // 8, tok_body, 0)

    pltpu.sync_copy(acc, w_hbm.at[c, th, co])


def _scode_kernel(p2a_ref, p2v_ref, lpa_ref, lpv_ref, s1_ref, s2_ref,
                  *, G, B, M):
    R = G * B
    dn = (((1,), (1,)), ((), ()))
    for a_ref, l_ref, out_ref in ((p2a_ref, lpv_ref, s1_ref),
                                  (p2v_ref, lpa_ref, s2_ref)):
        amat = a_ref[...].reshape(R, M)
        lmat = l_ref[...].reshape(R, M)
        full = jax.lax.dot_general(amat, lmat, dn,
                                   preferred_element_type=jnp.float32)
        out_ref[...] = jnp.stack(
            [full[t * B:(t + 1) * B, t * B:(t + 1) * B] for t in range(G)])


def _loss_kernel(s1_ref, s2_ref, out_ref, *, T, B):
    eye = (jax.lax.broadcasted_iota(jnp.int32, (B, B), 0) ==
           jax.lax.broadcasted_iota(jnp.int32, (B, B), 1)).astype(jnp.float32)
    losses = []
    for s_ref in (s1_ref, s2_ref):
        sc = s_ref[...]
        mx = jnp.max(-sc)
        es = jnp.exp(sc + mx)
        ssum = jnp.sum(es, axis=-1)
        diag = jnp.sum(es * eye[None, :, :], axis=-1)
        losses.append(-jnp.mean(jnp.log(diag / (ssum + EPS))))
    out_ref[...] = (0.5 * (losses[0] + losses[1])).reshape(1, 1)


def _tail_kernel(hwa_ref, hwv_ref, wa_ref, wv_ref, ca_ref, cv_ref,
                 ecnt_ref, ew_ref, un_ref,
                 emb2_ref, ec2_ref, ew2_ref, unout_ref, eq_ref,
                 *, B, D, M):
    one_m_d = 1.0 - DECAY

    def fold(w_ref):
        return w_ref[0] + w_ref[1]

    hwa = jnp.sum(hwa_ref[:, 0, :], axis=0, keepdims=True)
    hwv = jnp.sum(hwv_ref[:, 0, :], axis=0, keepdims=True)

    ec = DECAY * ecnt_ref[...] + one_m_d * hwv
    n = jnp.sum(ec)
    ec = (ec + EPS) / (n + M * EPS) * n
    ew = DECAY * ew_ref[...] + 0.5 * one_m_d * fold(wv_ref)

    ec2 = DECAY * ec + one_m_d * hwa
    n2 = jnp.sum(ec2)
    ec2 = (ec2 + EPS) / (n2 + M * EPS) * n2
    ew2 = DECAY * ew + 0.5 * one_m_d * fold(wa_ref)

    ec2_ref[...] = ec2
    ew2_ref[...] = ew2
    emb2_ref[...] = ew2 / ec2.reshape(M, 1)

    ca = ca_ref[:, 0, :]
    cv = cv_ref[:, 0, :]
    total = jnp.sum(ca, axis=0) + jnp.sum(cv, axis=0)
    unout_ref[...] = jnp.where(total[None, :] > 0.0, 0.0, un_ref[...] + 1.0)

    iota = jax.lax.broadcasted_iota(jnp.int32, (B, M), 1)
    big = jnp.int32(M)
    am = jnp.min(jnp.where(ca == jnp.max(ca, axis=-1, keepdims=True), iota, big), axis=-1)
    vm = jnp.min(jnp.where(cv == jnp.max(cv, axis=-1, keepdims=True), iota, big), axis=-1)
    eq_ref[...] = jnp.sum((am == vm).astype(jnp.int32)).reshape(1, 1)


def kernel(audio_semantic, video_semantic, embedding, ema_count, ema_weight,
           unactivated_count):
    B, T, D = audio_semantic.shape
    M = embedding.shape[0]
    f32 = jnp.float32

    nm = functools.partial(jax.ShapeDtypeStruct, dtype=f32)
    W = D
    N = B * T
    CH = 256
    CPT = 32
    main_out = (
        nm((T, B, 1, M)), nm((T, B, 1, M)),
        nm((T, B, 1, M)), nm((T, B, 1, M)),
        nm((B, 1, M)), nm((B, 1, M)),
        nm((B, 1, M)), nm((B, 1, M)),
        nm((2, B, T, W)),
        jax.ShapeDtypeStruct((2, B, 1, T), jnp.int32),
    )
    tok_spec = pl.BlockSpec((1, T, D), lambda b: (b, 0, 0))
    full_nm_spec = pl.BlockSpec((T, 1, 1, M), lambda b: (0, b, 0, 0))
    cnt_spec = pl.BlockSpec((1, 1, M), lambda b: (b, 0, 0))
    sv_spec = pl.BlockSpec((2, 1, T, W), lambda b: (0, b, 0, 0))
    idx_spec = pl.BlockSpec((2, 1, 1, T), lambda b: (0, b, 0, 0))
    lpa, lpv, p2a, p2v, ca, cv, hwa, hwv, sv2, i2 = pl.pallas_call(
        functools.partial(_main_kernel, T=T, D=D, M=M),
        grid=(B,),
        in_specs=[tok_spec, tok_spec, pl.BlockSpec((M, D), lambda b: (0, 0))],
        out_specs=(full_nm_spec,) * 4 + (cnt_spec,) * 4
                  + (sv_spec, idx_spec),
        out_shape=main_out,
        compiler_params=pltpu.CompilerParams(
            dimension_semantics=("parallel",)),
    )(audio_semantic, video_semantic, embedding)

    mesh = plsc.VectorSubcoreMesh(core_axis_name="c", subcore_axis_name="s")
    w2 = pl.kernel(
        functools.partial(_sc_scatter_kernel, M=M, W=W, N=N, CH=CH, CPT=CPT),
        mesh=mesh,
        compiler_params=pltpu.CompilerParams(needs_layout_passes=False),
        out_type=nm((2, 2, 8, M * CPT // 128, 128)),
        scratch_types=[
            pltpu.VMEM((CH, 128), f32),
            pltpu.VMEM((CH,), jnp.int32),
            pltpu.VMEM((M * CPT // 128, 128), f32),
        ],
    )(sv2.reshape(2, N, W), i2.reshape(2, N),
      jnp.zeros((M * CPT // 128, 128), f32))
    w2 = w2.reshape(2, 2, 8, M, CPT).transpose(0, 1, 3, 2, 4).reshape(2, 2, M, W)
    wv, wa = w2[0], w2[1]

    G = 128 // B
    nm_tb_spec = pl.BlockSpec((G, B, 1, M), lambda t: (t, 0, 0, 0))
    sc_spec = pl.BlockSpec((G, B, B), lambda t: (t, 0, 0))
    s1, s2 = pl.pallas_call(
        functools.partial(_scode_kernel, G=G, B=B, M=M),
        grid=(T // G,),
        in_specs=[nm_tb_spec] * 4,
        out_specs=(sc_spec, sc_spec),
        out_shape=(nm((T, B, B)), nm((T, B, B))),
        compiler_params=pltpu.CompilerParams(
            dimension_semantics=("parallel",)),
    )(p2a, p2v, lpa, lpv)

    loss = pl.pallas_call(
        functools.partial(_loss_kernel, T=T, B=B),
        out_shape=nm((1, 1)),
    )(s1, s2)

    emb2, ec2, ew2, unact, eq = pl.pallas_call(
        functools.partial(_tail_kernel, B=B, D=D, M=M),
        out_shape=(nm((M, D)), nm((1, M)), nm((M, D)), nm((1, M)),
                   jax.ShapeDtypeStruct((1, 1), jnp.int32)),
    )(hwa, hwv, wa, wv, ca, cv, ema_count.reshape(1, M), ema_weight,
      unactivated_count.reshape(1, M))

    return (loss.reshape(()), emb2, ec2.reshape(M), ew2, unact.reshape(M),
            eq.reshape(()))

# --- scband reference (transcript-rebuilt; emitter-appended) ---
"""Pipeline reference for scband-cross-pclema-87668872446318 (READ-ONLY COPY).

The authoritative reference and input builder live on the scoring server;
editing this copy changes nothing except your own understanding.
"""

import jax, jax.numpy as jnp
import numpy as np

DECAY = 0.99
EPS = 1e-05

def _dist(flat, emb):
    return jnp.sum(emb ** 2, axis=1)[None, :] + jnp.sum(flat ** 2, axis=1, keepdims=True) - 2.0 * (flat @ emb.T)

def _dist_to_ph(dist, t):
    return jax.nn.softmax(-jnp.sqrt(jnp.maximum(dist, 0.0)) / t, axis=-1)

def setup_inputs(seed: int = 0):
    key = jax.random.key(seed)
    k1, k2, k3 = jax.random.split(key, 3)
    B, T, D, M = 16, 256, 256, 1024
    audio = jax.random.normal(k1, (B, T, D), dtype=jnp.float32)
    video = jax.random.normal(k2, (B, T, D), dtype=jnp.float32)
    init_bound = 1.0 / 400.0
    emb = jax.random.uniform(k3, (M, D), minval=-init_bound, maxval=init_bound, dtype=jnp.float32)
    return {
        'audio_semantic': audio,
        'video_semantic': video,
        'embedding': emb,
        'ema_count': jnp.zeros((M,), dtype=jnp.float32),
        'ema_weight': emb,
        'unactivated_count': -jnp.ones((M,), dtype=jnp.float32),
    }

def reference(audio_semantic, video_semantic, embedding, ema_count, ema_weight, unactivated_count):
    sg = jax.lax.stop_gradient
    B, T, D = audio_semantic.shape
    M = embedding.shape[0]
    a_flat = sg(audio_semantic).reshape(-1, D)
    v_flat = sg(video_semantic).reshape(-1, D)
    a_distances = _dist(a_flat, embedding)
    v_distances = _dist(v_flat, embedding)
    a_indices = jnp.argmin(a_distances, axis=-1)
    v_indices = jnp.argmin(v_distances, axis=-1)
    a_encodings = jax.nn.one_hot(a_indices, M, dtype=jnp.float32)
    v_encodings = jax.nn.one_hot(v_indices, M, dtype=jnp.float32)
    a_dg = _dist(audio_semantic.reshape(-1, D), embedding)
    v_dg = _dist(video_semantic.reshape(-1, D), embedding)
    a_ph = _dist_to_ph(a_dg, 1.0)
    v_ph = _dist_to_ph(v_dg, 1.0)
    a_entropy = -jnp.sum(a_ph * jnp.log(a_ph + 1e-05), axis=-1)
    v_entropy = -jnp.sum(v_ph * jnp.log(v_ph + 1e-05), axis=-1)
    max_entropy = np.log(M)
    a_adjustment = 1.0 - a_entropy / max_entropy
    v_adjustment = 1.0 - v_entropy / max_entropy
    a_ph_r = a_ph.reshape(B, T, M)
    v_ph_r = v_ph.reshape(B, T, M)
    a_pH = jnp.transpose(a_ph_r, (1, 0, 2))
    v_pH = jnp.transpose(v_ph_r, (1, 0, 2))
    a_adj_ph = _dist_to_ph(a_dg, 0.5).reshape(B, T, M)
    v_adj_ph = _dist_to_ph(v_dg, 0.5).reshape(B, T, M)
    Scode = jnp.matmul(jnp.transpose(a_adj_ph, (1, 0, 2)), jnp.log(jnp.transpose(v_pH, (0, 2, 1)) + 1e-10))
    MaxScode = jnp.max(-Scode)
    EScode = jnp.exp(Scode + MaxScode)
    EScode_sum = jnp.sum(EScode, axis=-1)
    diag1 = jnp.diagonal(EScode, axis1=-2, axis2=-1)
    Lcmcm = -jnp.mean(jnp.log(diag1 / (EScode_sum + EPS)))
    Scode2 = jnp.matmul(jnp.transpose(v_adj_ph, (1, 0, 2)), jnp.log(jnp.transpose(a_pH, (0, 2, 1)) + 1e-10))
    MaxScode2 = jnp.max(-Scode2)
    EScode2 = jnp.exp(Scode2 + MaxScode2)
    EScode2_sum = jnp.sum(EScode2, axis=-1)
    diag2 = jnp.diagonal(EScode2, axis1=-2, axis2=-1)
    Lcmcm2 = -jnp.mean(jnp.log(diag2 / (EScode2_sum + EPS)))
    cmcm_loss = 0.5 * (Lcmcm + Lcmcm2)
    a_idx_r = a_indices.reshape(B, T)
    v_idx_r = v_indices.reshape(B, T)
    a_counts = jnp.sum(jax.nn.one_hot(a_idx_r, M, dtype=jnp.float32), axis=1)
    v_counts = jnp.sum(jax.nn.one_hot(v_idx_r, M, dtype=jnp.float32), axis=1)
    a_mode = jnp.argmax(a_counts, axis=-1)
    v_mode = jnp.argmax(v_counts, axis=-1)
    equal_num = jnp.sum(a_mode == v_mode)
    a_encodings_w = sg(a_adjustment[:, None] * a_encodings)
    v_encodings_w = sg(v_adjustment[:, None] * v_encodings)
    ec = DECAY * ema_count + (1.0 - DECAY) * jnp.sum(v_encodings_w, axis=0)
    n = jnp.sum(ec)
    ec = (ec + EPS) / (n + M * EPS) * n
    v_dw = v_encodings_w.T @ v_flat
    va_dw = v_encodings_w.T @ a_flat
    ew = DECAY * ema_weight + 0.5 * (1.0 - DECAY) * v_dw + 0.5 * (1.0 - DECAY) * va_dw
    emb1 = ew / ec[:, None]
    ec2 = DECAY * ec + (1.0 - DECAY) * jnp.sum(a_encodings_w, axis=0)
    n2 = jnp.sum(ec2)
    ec2 = (ec2 + EPS) / (n2 + M * EPS) * n2
    a_dw = a_encodings_w.T @ a_flat
    av_dw = a_encodings_w.T @ v_flat
    ew2 = DECAY * ew + 0.5 * (1.0 - DECAY) * a_dw + 0.5 * (1.0 - DECAY) * av_dw
    emb2 = ew2 / ec2[:, None]
    unact = (unactivated_count + 1.0).at[a_indices].set(0.0).at[v_indices].set(0.0)
    return (cmcm_loss, emb2, ec2, ew2, unact, equal_num)

if __name__ == "__main__":
    import jax
    _d = setup_inputs()
    print(jax.jit(kernel)(*tuple(_d.values())))

</pallas_src>

<mosaic_0001>
#map = affine_map<(d0, d1) -> (0, 0, 0)>
#map1 = affine_map<(d0, d1) -> (0, 0)>
#map2 = affine_map<(d0, d1) -> (0, 0, 0, 0, 0)>
module attributes {stable_mosaic.version = 14 : i64} {
  func.func @_sc_scatter_kernel(%arg0: i32, %arg1: i32, %arg2: memref<2x4096x256xf32, #tpu.memory_space<hbm>>, %arg3: memref<2x4096xi32, #tpu.memory_space<hbm>>, %arg4: memref<256x128xf32, #tpu.memory_space<hbm>>, %arg5: memref<2x2x8x256x128xf32, #tpu.memory_space<hbm>>, %arg6: memref<256x128xf32, #tpu.memory_space<vmem>>, %arg7: memref<256xi32, #tpu.memory_space<vmem>>, %arg8: memref<256x128xf32, #tpu.memory_space<vmem>>) attributes {dimension_semantics = [#tpu.dimension_semantics<core_parallel>, #tpu.dimension_semantics<subcore_parallel>], iteration_bounds = array<i64: 2, 16>, scalar_prefetch = 0 : i64, scratch_operands = 3 : i64, tpu.core_type = #tpu.core_type<sc_vector_subcore>, window_params = [{transform_indices = #map}, {transform_indices = #map1}, {transform_indices = #map1}, {transform_indices = #map2}]} {
    %jit3A = arith.constant 8 : i32
    %eq3A = arith.constant 0 : i32
    %eq3A_0 = arith.cmpi eq, %jit3A, %eq3A : i32
    %jit3A_1 = arith.constant 1 : i32
    %select_n3A = arith.select %eq3A_0, %jit3A_1, %jit3A : i32
    %rem3A = arith.remsi %arg1, %select_n3A : i32
    %ne3A = arith.constant 0 : i32
    %ne3A_2 = arith.cmpi ne, %rem3A, %ne3A : i32
    %lt3A = arith.constant 0 : i32
    %lt3A_3 = arith.cmpi slt, %rem3A, %lt3A : i32
    %lt3A_4 = arith.constant 0 : i32
    %lt3A_5 = arith.cmpi slt, %select_n3A, %lt3A_4 : i32
    %ne3A_6 = arith.xori %lt3A_3, %lt3A_5 : i1
    %and3A = arith.andi %ne3A_6, %ne3A_2 : i1
    %add3A = arith.addi %rem3A, %select_n3A : i32
    %select_n3A_7 = arith.select %and3A, %add3A, %rem3A : i32
    %jit3A_8 = arith.constant 4 : i32
    %div3A = arith.divsi %select_n3A_7, %jit3A_8 : i32
    %sign3A = arith.constant 0 : i32
    %sign3A_9 = arith.cmpi sgt, %select_n3A_7, %sign3A : i32
    %sign3A_10 = arith.extui %sign3A_9 : i1 to i32
    %sign3A_11 = arith.constant 0 : i32
    %sign3A_12 = arith.cmpi slt, %select_n3A_7, %sign3A_11 : i32
    %sign3A_13 = arith.extui %sign3A_12 : i1 to i32
    %sign3A_14 = arith.subi %sign3A_10, %sign3A_13 : i32
    %sign3A_15 = arith.constant 0 : i32
    %sign3A_16 = arith.cmpi sgt, %jit3A_8, %sign3A_15 : i32
    %sign3A_17 = arith.extui %sign3A_16 : i1 to i32
    %sign3A_18 = arith.constant 0 : i32
    %sign3A_19 = arith.cmpi slt, %jit3A_8, %sign3A_18 : i32
    %sign3A_20 = arith.extui %sign3A_19 : i1 to i32
    %sign3A_21 = arith.subi %sign3A_17, %sign3A_20 : i32
    %ne3A_22 = arith.cmpi ne, %sign3A_14, %sign3A_21 : i32
    %rem3A_23 = arith.remsi %select_n3A_7, %jit3A_8 : i32
    %ne3A_24 = arith.constant 0 : i32
    %ne3A_25 = arith.cmpi ne, %rem3A_23, %ne3A_24 : i32
    %and3A_26 = arith.andi %ne3A_22, %ne3A_25 : i1
    %sub3A = arith.constant 1 : i32
    %sub3A_27 = arith.subi %div3A, %sub3A : i32
    %select_n3A_28 = arith.select %and3A_26, %sub3A_27, %div3A : i32
    %jit3A_29 = arith.constant 4 : i32
    %eq3A_30 = arith.constant 0 : i32
    %eq3A_31 = arith.cmpi eq, %jit3A_29, %eq3A_30 : i32
    %jit3A_32 = arith.constant 1 : i32
    %select_n3A_33 = arith.select %eq3A_31, %jit3A_32, %jit3A_29 : i32
    %rem3A_34 = arith.remsi %select_n3A_7, %select_n3A_33 : i32
    %ne3A_35 = arith.constant 0 : i32
    %ne3A_36 = arith.cmpi ne, %rem3A_34, %ne3A_35 : i32
    %lt3A_37 = arith.constant 0 : i32
    %lt3A_38 = arith.cmpi slt, %rem3A_34, %lt3A_37 : i32
    %lt3A_39 = arith.constant 0 : i32
    %lt3A_40 = arith.cmpi slt, %select_n3A_33, %lt3A_39 : i32
    %ne3A_41 = arith.xori %lt3A_38, %lt3A_40 : i1
    %and3A_42 = arith.andi %ne3A_41, %ne3A_36 : i1
    %add3A_43 = arith.addi %rem3A_34, %select_n3A_33 : i32
    %select_n3A_44 = arith.select %and3A_42, %add3A_43, %rem3A_34 : i32
    %mul3A = arith.constant 32 : i32
    %mul3A_45 = arith.muli %select_n3A_44, %mul3A : i32
    %jit3A_46 = arith.constant 8 : i32
    %div3A_47 = arith.divsi %arg1, %jit3A_46 : i32
    %sign3A_48 = arith.constant 0 : i32
    %sign3A_49 = arith.cmpi sgt, %arg1, %sign3A_48 : i32
    %sign3A_50 = arith.extui %sign3A_49 : i1 to i32
    %sign3A_51 = arith.constant 0 : i32
    %sign3A_52 = arith.cmpi slt, %arg1, %sign3A_51 : i32
    %sign3A_53 = arith.extui %sign3A_52 : i1 to i32
    %sign3A_54 = arith.subi %sign3A_50, %sign3A_53 : i32
    %sign3A_55 = arith.constant 0 : i32
    %sign3A_56 = arith.cmpi sgt, %jit3A_46, %sign3A_55 : i32
    %sign3A_57 = arith.extui %sign3A_56 : i1 to i32
    %sign3A_58 = arith.constant 0 : i32
    %sign3A_59 = arith.cmpi slt, %jit3A_46, %sign3A_58 : i32
    %sign3A_60 = arith.extui %sign3A_59 : i1 to i32
    %sign3A_61 = arith.subi %sign3A_57, %sign3A_60 : i32
    %ne3A_62 = arith.cmpi ne, %sign3A_54, %sign3A_61 : i32
    %rem3A_63 = arith.remsi %arg1, %jit3A_46 : i32
    %ne3A_64 = arith.constant 0 : i32
    %ne3A_65 = arith.cmpi ne, %rem3A_63, %ne3A_64 : i32
    %and3A_66 = arith.andi %ne3A_62, %ne3A_65 : i1
    %sub3A_67 = arith.constant 1 : i32
    %sub3A_68 = arith.subi %div3A_47, %sub3A_67 : i32
    %select_n3A_69 = arith.select %and3A_66, %sub3A_68, %div3A_47 : i32
    %mul3A_70 = arith.constant 128 : i32
    %mul3A_71 = arith.muli %select_n3A_28, %mul3A_70 : i32
    %multiple_of3A = tpu.assume_multiple %mul3A_71, 128 : i32
    %iota3A = tpu.iota {dimensions = array<i32: 0>} : vector<16xi32>
    "tpu.region"() ({
      %run_scoped3A = tpu.sem_alloc : memref<!tpu.dma_semaphore, #tpu.memory_space<semaphore_mem>>
      tpu.enqueue_dma source(%arg4 : memref<256x128xf32, #tpu.memory_space<hbm>>) target(%arg8 : memref<256x128xf32, #tpu.memory_space<vmem>>) target_semaphore(%run_scoped3A : memref<!tpu.dma_semaphore, #tpu.memory_space<semaphore_mem>>)
      tpu.wait_dma2 semaphore(%run_scoped3A : memref<!tpu.dma_semaphore, #tpu.memory_space<semaphore_mem>>) src(%arg4 : memref<256x128xf32, #tpu.memory_space<hbm>>) dst(%arg8 : memref<256x128xf32, #tpu.memory_space<vmem>>)
      tpu.yield
    }) : () -> ()
    %mul3A_72 = arith.constant 2048 : i32
    %mul3A_73 = arith.muli %select_n3A_69, %mul3A_72 : i32
    %add3A_74 = arith.constant 0 : i32
    %add3A_75 = arith.addi %mul3A_73, %add3A_74 : i32
    %multiple_of3A_76 = tpu.assume_multiple %add3A_75, 256 : i32
    "tpu.region"() ({
      %run_scoped3A = tpu.sem_alloc : memref<!tpu.dma_semaphore, #tpu.memory_space<semaphore_mem>>
      %dma_start3A = tpu.memref_slice %arg3[%arg0, %multiple_of3A_76] : memref<2x4096xi32, #tpu.memory_space<hbm>> -> memref<1x256xi32, #tpu.memory_space<hbm>>
      %dma_start3A_159 = tpu.memref_squeeze %dma_start3A : memref<1x256xi32, #tpu.memory_space<hbm>> -> memref<256xi32, #tpu.memory_space<hbm>>
      %dma_start3A_160 = tpu.memref_slice %arg3[%arg0, %multiple_of3A_76] : memref<2x4096xi32, #tpu.memory_space<hbm>> -> memref<1x256xi32, #tpu.memory_space<hbm>>
      %dma_start3A_161 = tpu.memref_squeeze %dma_start3A_160 : memref<1x256xi32, #tpu.memory_space<hbm>> -> memref<256xi32, #tpu.memory_space<hbm>>
      tpu.enqueue_dma source(%dma_start3A_161 : memref<256xi32, #tpu.memory_space<hbm>>) target(%arg7 : memref<256xi32, #tpu.memory_space<vmem>>) target_semaphore(%run_scoped3A : memref<!tpu.dma_semaphore, #tpu.memory_space<semaphore_mem>>)
      %dma_wait3A = tpu.memref_slice %arg3[%arg0, %multiple_of3A_76] : memref<2x4096xi32, #tpu.memory_space<hbm>> -> memref<1x256xi32, #tpu.memory_space<hbm>>
      %dma_wait3A_162 = tpu.memref_squeeze %dma_wait3A : memref<1x256xi32, #tpu.memory_space<hbm>> -> memref<256xi32, #tpu.memory_space<hbm>>
      %dma_wait3A_163 = tpu.memref_slice %arg3[%arg0, %multiple_of3A_76] : memref<2x4096xi32, #tpu.memory_space<hbm>> -> memref<1x256xi32, #tpu.memory_space<hbm>>
      %dma_wait3A_164 = tpu.memref_squeeze %dma_wait3A_163 : memref<1x256xi32, #tpu.memory_space<hbm>> -> memref<256xi32, #tpu.memory_space<hbm>>
      tpu.wait_dma2 semaphore(%run_scoped3A : memref<!tpu.dma_semaphore, #tpu.memory_space<semaphore_mem>>) src(%dma_wait3A_164 : memref<256xi32, #tpu.memory_space<hbm>>) dst(%arg7 : memref<256xi32, #tpu.memory_space<vmem>>)
      tpu.yield
    }) : () -> ()
    "tpu.region"() ({
      %run_scoped3A = tpu.sem_alloc : memref<!tpu.dma_semaphore, #tpu.memory_space<semaphore_mem>>
      %dma_start3A = tpu.memref_slice %arg2[%arg0, %multiple_of3A_76, %multiple_of3A] : memref<2x4096x256xf32, #tpu.memory_space<hbm>> -> memref<1x256x128xf32, #tpu.memory_space<hbm>>
      %dma_start3A_159 = tpu.memref_squeeze %dma_start3A : memref<1x256x128xf32, #tpu.memory_space<hbm>> -> memref<256x128xf32, #tpu.memory_space<hbm>>
      %dma_start3A_160 = tpu.memref_slice %arg2[%arg0, %multiple_of3A_76, %multiple_of3A] : memref<2x4096x256xf32, #tpu.memory_space<hbm>> -> memref<1x256x128xf32, #tpu.memory_space<hbm>>
      %dma_start3A_161 = tpu.memref_squeeze %dma_start3A_160 : memref<1x256x128xf32, #tpu.memory_space<hbm>> -> memref<256x128xf32, #tpu.memory_space<hbm>>
      tpu.enqueue_dma source(%dma_start3A_161 : memref<256x128xf32, #tpu.memory_space<hbm>>) target(%arg6 : memref<256x128xf32, #tpu.memory_space<vmem>>) target_semaphore(%run_scoped3A : memref<!tpu.dma_semaphore, #tpu.memory_space<semaphore_mem>>)
      %dma_wait3A = tpu.memref_slice %arg2[%arg0, %multiple_of3A_76, %multiple_of3A] : memref<2x4096x256xf32, #tpu.memory_space<hbm>> -> memref<1x256x128xf32, #tpu.memory_space<hbm>>
      %dma_wait3A_162 = tpu.memref_squeeze %dma_wait3A : memref<1x256x128xf32, #tpu.memory_space<hbm>> -> memref<256x128xf32, #tpu.memory_space<hbm>>
      %dma_wait3A_163 = tpu.memref_slice %arg2[%arg0, %multiple_of3A_76, %multiple_of3A] : memref<2x4096x256xf32, #tpu.memory_space<hbm>> -> memref<1x256x128xf32, #tpu.memory_space<hbm>>
      %dma_wait3A_164 = tpu.memref_squeeze %dma_wait3A_163 : memref<1x256x128xf32, #tpu.memory_space<hbm>> -> memref<256x128xf32, #tpu.memory_space<hbm>>
      tpu.wait_dma2 semaphore(%run_scoped3A : memref<!tpu.dma_semaphore, #tpu.memory_space<semaphore_mem>>) src(%dma_wait3A_164 : memref<256x128xf32, #tpu.memory_space<hbm>>) dst(%arg6 : memref<256x128xf32, #tpu.memory_space<vmem>>)
      tpu.yield
    }) : () -> ()
    %scan3A = arith.constant 0 : i32
    %scan3A_77 = arith.constant 0 : i32
    %scan3A_78 = arith.constant 32 : i32
    %scan3A_79 = arith.addi %scan3A_77, %scan3A_78 : i32
    %scan3A_80 = arith.constant 1 : i32
    scf.for %scan3A_159 = %scan3A_77 to %scan3A_79 step %scan3A_80  : i32 {
      %mul3A_160 = arith.constant 8 : i32
      %mul3A_161 = arith.muli %scan3A_159, %mul3A_160 : i32
      %add3A_162 = arith.constant 0 : i32
      %add3A_163 = arith.addi %mul3A_161, %add3A_162 : i32
      %broadcast_in_dim3A = vector.broadcast %add3A_163 : i32 to vector<16xi32>
      %gather3A = tpu.vector_load_idx %arg7[%broadcast_in_dim3A] : memref<256xi32, #tpu.memory_space<vmem>>[vector<16xi32>], vector<16xi32>,
      %mul3A_164 = arith.constant 32 : i32
      %mul3A_165 = vector.broadcast %mul3A_164 : i32 to vector<16xi32>
      %mul3A_166 = arith.muli %gather3A, %mul3A_165 : vector<16xi32>
      %add3A_167 = arith.constant 0 : i32
      %add3A_168 = vector.broadcast %add3A_167 : i32 to vector<16xi32>
      %add3A_169 = arith.addi %mul3A_166, %add3A_168 : vector<16xi32>
      %add3A_170 = arith.addi %add3A_169, %iota3A : vector<16xi32>
      %add3A_171 = arith.constant 0 : i32
      %add3A_172 = arith.addi %add3A_171, %mul3A_45 : i32
      %add3A_173 = vector.broadcast %add3A_172 : i32 to vector<16xi32>
      %add3A_174 = arith.addi %iota3A, %add3A_173 : vector<16xi32>
      %gather3A_175 = tpu.vector_load_idx %arg6[%broadcast_in_dim3A, %add3A_174] : memref<256x128xf32, #tpu.memory_space<vmem>>[vector<16xi32>, vector<16xi32>], vector<16xf32>,
      %shift_right_logical3A = arith.constant 7 : i32
      %shift_right_logical3A_176 = vector.broadcast %shift_right_logical3A : i32 to vector<16xi32>
      %shift_right_logical3A_177 = arith.shrui %add3A_170, %shift_right_logical3A_176 : vector<16xi32>
      %and3A_178 = arith.constant 127 : i32
      %and3A_179 = vector.broadcast %and3A_178 : i32 to vector<16xi32>
      %and3A_180 = arith.andi %add3A_170, %and3A_179 : vector<16xi32>
      tpu.vector_store_idx %arg8[%shift_right_logical3A_177, %and3A_180], %gather3A_175 {add = true} : memref<256x128xf32, #tpu.memory_space<vmem>>[vector<16xi32>, vector<16xi32>], vector<16xf32>,
      %add3A_181 = arith.constant 16 : i32
      %add3A_182 = vector.broadcast %add3A_181 : i32 to vector<16xi32>
      %add3A_183 = arith.addi %mul3A_166, %add3A_182 : vector<16xi32>
      %add3A_184 = arith.addi %add3A_183, %iota3A : vector<16xi32>
      %add3A_185 = arith.constant 16 : i32
      %add3A_186 = arith.addi %add3A_185, %mul3A_45 : i32
      %add3A_187 = vector.broadcast %add3A_186 : i32 to vector<16xi32>
      %add3A_188 = arith.addi %iota3A, %add3A_187 : vector<16xi32>
      %gather3A_189 = tpu.vector_load_idx %arg6[%broadcast_in_dim3A, %add3A_188] : memref<256x128xf32, #tpu.memory_space<vmem>>[vector<16xi32>, vector<16xi32>], vector<16xf32>,
      %shift_right_logical3A_190 = arith.constant 7 : i32
      %shift_right_logical3A_191 = vector.broadcast %shift_right_logical3A_190 : i32 to vector<16xi32>
      %shift_right_logical3A_192 = arith.shrui %add3A_184, %shift_right_logical3A_191 : vector<16xi32>
      %and3A_193 = arith.constant 127 : i32
      %and3A_194 = vector.broadcast %and3A_193 : i32 to vector<16xi32>
      %and3A_195 = arith.andi %add3A_184, %and3A_194 : vector<16xi32>
      tpu.vector_store_idx %arg8[%shift_right_logical3A_192, %and3A_195], %gather3A_189 {add = true} : memref<256x128xf32, #tpu.memory_space<vmem>>[vector<16xi32>, vector<16xi32>], vector<16xf32>,
      %mul3A_196 = arith.constant 8 : i32
      %mul3A_197 = arith.muli %scan3A_159, %mul3A_196 : i32
      %add3A_198 = arith.constant 1 : i32
      %add3A_199 = arith.addi %mul3A_197, %add3A_198 : i32
      %broadcast_in_dim3A_200 = vector.broadcast %add3A_199 : i32 to vector<16xi32>
      %gather3A_201 = tpu.vector_load_idx %arg7[%broadcast_in_dim3A_200] : memref<256xi32, #tpu.memory_space<vmem>>[vector<16xi32>], vector<16xi32>,
      %mul3A_202 = arith.constant 32 : i32
      %mul3A_203 = vector.broadcast %mul3A_202 : i32 to vector<16xi32>
      %mul3A_204 = arith.muli %gather3A_201, %mul3A_203 : vector<16xi32>
      %add3A_205 = arith.constant 0 : i32
      %add3A_206 = vector.broadcast %add3A_205 : i32 to vector<16xi32>
      %add3A_207 = arith.addi %mul3A_204, %add3A_206 : vector<16xi32>
      %add3A_208 = arith.addi %add3A_207, %iota3A : vector<16xi32>
      %add3A_209 = arith.constant 0 : i32
      %add3A_210 = arith.addi %add3A_209, %mul3A_45 : i32
      %add3A_211 = vector.broadcast %add3A_210 : i32 to vector<16xi32>
      %add3A_212 = arith.addi %iota3A, %add3A_211 : vector<16xi32>
      %gather3A_213 = tpu.vector_load_idx %arg6[%broadcast_in_dim3A_200, %add3A_212] : memref<256x128xf32, #tpu.memory_space<vmem>>[vector<16xi32>, vector<16xi32>], vector<16xf32>,
      %shift_right_logical3A_214 = arith.constant 7 : i32
      %shift_right_logical3A_215 = vector.broadcast %shift_right_logical3A_214 : i32 to vector<16xi32>
      %shift_right_logical3A_216 = arith.shrui %add3A_208, %shift_right_logical3A_215 : vector<16xi32>
      %and3A_217 = arith.constant 127 : i32
      %and3A_218 = vector.broadcast %and3A_217 : i32 to vector<16xi32>
      %and3A_219 = arith.andi %add3A_208, %and3A_218 : vector<16xi32>
      tpu.vector_store_idx %arg8[%shift_right_logical3A_216, %and3A_219], %gather3A_213 {add = true} : memref<256x128xf32, #tpu.memory_space<vmem>>[vector<16xi32>, vector<16xi32>], vector<16xf32>,
      %add3A_220 = arith.constant 16 : i32
      %add3A_221 = vector.broadcast %add3A_220 : i32 to vector<16xi32>
      %add3A_222 = arith.addi %mul3A_204, %add3A_221 : vector<16xi32>
      %add3A_223 = arith.addi %add3A_222, %iota3A : vector<16xi32>
      %add3A_224 = arith.constant 16 : i32
      %add3A_225 = arith.addi %add3A_224, %mul3A_45 : i32
      %add3A_226 = vector.broadcast %add3A_225 : i32 to vector<16xi32>
      %add3A_227 = arith.addi %iota3A, %add3A_226 : vector<16xi32>
      %gather3A_228 = tpu.vector_load_idx %arg6[%broadcast_in_dim3A_200, %add3A_227] : memref<256x128xf32, #tpu.memory_space<vmem>>[vector<16xi32>, vector<16xi32>], vector<16xf32>,
      %shift_right_logical3A_229 = arith.constant 7 : i32
      %shift_right_logical3A_230 = vector.broadcast %shift_right_logical3A_229 : i32 to vector<16xi32>
      %shift_right_logical3A_231 = arith.shrui %add3A_223, %shift_right_logical3A_230 : vector<16xi32>
      %and3A_232 = arith.constant 127 : i32
      %and3A_233 = vector.broadcast %and3A_232 : i32 to vector<16xi32>
      %and3A_234 = arith.andi %add3A_223, %and3A_233 : vector<16xi32>
      tpu.vector_store_idx %arg8[%shift_right_logical3A_231, %and3A_234], %gather3A_228 {add = true} : memref<256x128xf32, #tpu.memory_space<vmem>>[vector<16xi32>, vector<16xi32>], vector<16xf32>,
      %mul3A_235 = arith.constant 8 : i32
      %mul3A_236 = arith.muli %scan3A_159, %mul3A_235 : i32
      %add3A_237 = arith.constant 2 : i32
      %add3A_238 = arith.addi %mul3A_236, %add3A_237 : i32
      %broadcast_in_dim3A_239 = vector.broadcast %add3A_238 : i32 to vector<16xi32>
      %gather3A_240 = tpu.vector_load_idx %arg7[%broadcast_in_dim3A_239] : memref<256xi32, #tpu.memory_space<vmem>>[vector<16xi32>], vector<16xi32>,
      %mul3A_241 = arith.constant 32 : i32
      %mul3A_242 = vector.broadcast %mul3A_241 : i32 to vector<16xi32>
      %mul3A_243 = arith.muli %gather3A_240, %mul3A_242 : vector<16xi32>
      %add3A_244 = arith.constant 0 : i32
      %add3A_245 = vector.broadcast %add3A_244 : i32 to vector<16xi32>
      %add3A_246 = arith.addi %mul3A_243, %add3A_245 : vector<16xi32>
      %add3A_247 = arith.addi %add3A_246, %iota3A : vector<16xi32>
      %add3A_248 = arith.constant 0 : i32
      %add3A_249 = arith.addi %add3A_248, %mul3A_45 : i32
      %add3A_250 = vector.broadcast %add3A_249 : i32 to vector<16xi32>
      %add3A_251 = arith.addi %iota3A, %add3A_250 : vector<16xi32>
      %gather3A_252 = tpu.vector_load_idx %arg6[%broadcast_in_dim3A_239, %add3A_251] : memref<256x128xf32, #tpu.memory_space<vmem>>[vector<16xi32>, vector<16xi32>], vector<16xf32>,
      %shift_right_logical3A_253 = arith.constant 7 : i32
      %shift_right_logical3A_254 = vector.broadcast %shift_right_logical3A_253 : i32 to vector<16xi32>
      %shift_right_logical3A_255 = arith.shrui %add3A_247, %shift_right_logical3A_254 : vector<16xi32>
      %and3A_256 = arith.constant 127 : i32
      %and3A_257 = vector.broadcast %and3A_256 : i32 to vector<16xi32>
      %and3A_258 = arith.andi %add3A_247, %and3A_257 : vector<16xi32>
      tpu.vector_store_idx %arg8[%shift_right_logical3A_255, %and3A_258], %gather3A_252 {add = true} : memref<256x128xf32, #tpu.memory_space<vmem>>[vector<16xi32>, vector<16xi32>], vector<16xf32>,
      %add3A_259 = arith.constant 16 : i32
      %add3A_260 = vector.broadcast %add3A_259 : i32 to vector<16xi32>
      %add3A_261 = arith.addi %mul3A_243, %add3A_260 : vector<16xi32>
      %add3A_262 = arith.addi %add3A_261, %iota3A : vector<16xi32>
      %add3A_263 = arith.constant 16 : i32
      %add3A_264 = arith.addi %add3A_263, %mul3A_45 : i32
      %add3A_265 = vector.broadcast %add3A_264 : i32 to vector<16xi32>
      %add3A_266 = arith.addi %iota3A, %add3A_265 : vector<16xi32>
      %gather3A_267 = tpu.vector_load_idx %arg6[%broadcast_in_dim3A_239, %add3A_266] : memref<256x128xf32, #tpu.memory_space<vmem>>[vector<16xi32>, vector<16xi32>], vector<16xf32>,
      %shift_right_logical3A_268 = arith.constant 7 : i32
      %shift_right_logical3A_269 = vector.broadcast %shift_right_logical3A_268 : i32 to vector<16xi32>
      %shift_right_logical3A_270 = arith.shrui %add3A_262, %shift_right_logical3A_269 : vector<16xi32>
      %and3A_271 = arith.constant 127 : i32
      %and3A_272 = vector.broadcast %and3A_271 : i32 to vector<16xi32>
      %and3A_273 = arith.andi %add3A_262, %and3A_272 : vector<16xi32>
      tpu.vector_store_idx %arg8[%shift_right_logical3A_270, %and3A_273], %gather3A_267 {add = true} : memref<256x128xf32, #tpu.memory_space<vmem>>[vector<16xi32>, vector<16xi32>], vector<16xf32>,
      %mul3A_274 = arith.constant 8 : i32
      %mul3A_275 = arith.muli %scan3A_159, %mul3A_274 : i32
      %add3A_276 = arith.constant 3 : i32
      %add3A_277 = arith.addi %mul3A_275, %add3A_276 : i32
      %broadcast_in_dim3A_278 = vector.broadcast %add3A_277 : i32 to vector<16xi32>
      %gather3A_279 = tpu.vector_load_idx %arg7[%broadcast_in_dim3A_278] : memref<256xi32, #tpu.memory_space<vmem>>[vector<16xi32>], vector<16xi32>,
      %mul3A_280 = arith.constant 32 : i32
      %mul3A_281 = vector.broadcast %mul3A_280 : i32 to vector<16xi32>
      %mul3A_282 = arith.muli %gather3A_279, %mul3A_281 : vector<16xi32>
      %add3A_283 = arith.constant 0 : i32
      %add3A_284 = vector.broadcast %add3A_283 : i32 to vector<16xi32>
      %add3A_285 = arith.addi %mul3A_282, %add3A_284 : vector<16xi32>
      %add3A_286 = arith.addi %add3A_285, %iota3A : vector<16xi32>
      %add3A_287 = arith.constant 0 : i32
      %add3A_288 = arith.addi %add3A_287, %mul3A_45 : i32
      %add3A_289 = vector.broadcast %add3A_288 : i32 to vector<16xi32>
      %add3A_290 = arith.addi %iota3A, %add3A_289 : vector<16xi32>
      %gather3A_291 = tpu.vector_load_idx %arg6[%broadcast_in_dim3A_278, %add3A_290] : memref<256x128xf32, #tpu.memory_space<vmem>>[vector<16xi32>, vector<16xi32>], vector<16xf32>,
      %shift_right_logical3A_292 = arith.constant 7 : i32
      %shift_right_logical3A_293 = vector.broadcast %shift_right_logical3A_292 : i32 to vector<16xi32>
      %shift_right_logical3A_294 = arith.shrui %add3A_286, %shift_right_logical3A_293 : vector<16xi32>
      %and3A_295 = arith.constant 127 : i32
      %and3A_296 = vector.broadcast %and3A_295 : i32 to vector<16xi32>
      %and3A_297 = arith.andi %add3A_286, %and3A_296 : vector<16xi32>
      tpu.vector_store_idx %arg8[%shift_right_logical3A_294, %and3A_297], %gather3A_291 {add = true} : memref<256x128xf32, #tpu.memory_space<vmem>>[vector<16xi32>, vector<16xi32>], vector<16xf32>,
      %add3A_298 = arith.constant 16 : i32
      %add3A_299 = vector.broadcast %add3A_298 : i32 to vector<16xi32>
      %add3A_300 = arith.addi %mul3A_282, %add3A_299 : vector<16xi32>
      %add3A_301 = arith.addi %add3A_300, %iota3A : vector<16xi32>
      %add3A_302 = arith.constant 16 : i32
      %add3A_303 = arith.addi %add3A_302, %mul3A_45 : i32
      %add3A_304 = vector.broadcast %add3A_303 : i32 to vector<16xi32>
      %add3A_305 = arith.addi %iota3A, %add3A_304 : vector<16xi32>
      %gather3A_306 = tpu.vector_load_idx %arg6[%broadcast_in_dim3A_278, %add3A_305] : memref<256x128xf32, #tpu.memory_space<vmem>>[vector<16xi32>, vector<16xi32>], vector<16xf32>,
      %shift_right_logical3A_307 = arith.constant 7 : i32
      %shift_right_logical3A_308 = vector.broadcast %shift_right_logical3A_307 : i32 to vector<16xi32>
      %shift_right_logical3A_309 = arith.shrui %add3A_301, %shift_right_logical3A_308 : vector<16xi32>
      %and3A_310 = arith.constant 127 : i32
      %and3A_311 = vector.broadcast %and3A_310 : i32 to vector<16xi32>
      %and3A_312 = arith.andi %add3A_301, %and3A_311 : vector<16xi32>
      tpu.vector_store_idx %arg8[%shift_right_logical3A_309, %and3A_312], %gather3A_306 {add = true} : memref<256x128xf32, #tpu.memory_space<vmem>>[vector<16xi32>, vector<16xi32>], vector<16xf32>,
      %mul3A_313 = arith.constant 8 : i32
      %mul3A_314 = arith.muli %scan3A_159, %mul3A_313 : i32
      %add3A_315 = arith.constant 4 : i32
      %add3A_316 = arith.addi %mul3A_314, %add3A_315 : i32
      %broadcast_in_dim3A_317 = vector.broadcast %add3A_316 : i32 to vector<16xi32>
      %gather3A_318 = tpu.vector_load_idx %arg7[%broadcast_in_dim3A_317] : memref<256xi32, #tpu.memory_space<vmem>>[vector<16xi32>], vector<16xi32>,
      %mul3A_319 = arith.constant 32 : i32
      %mul3A_320 = vector.broadcast %mul3A_319 : i32 to vector<16xi32>
      %mul3A_321 = arith.muli %gather3A_318, %mul3A_320 : vector<16xi32>
      %add3A_322 = arith.constant 0 : i32
      %add3A_323 = vector.broadcast %add3A_322 : i32 to vector<16xi32>
      %add3A_324 = arith.addi %mul3A_321, %add3A_323 : vector<16xi32>
      %add3A_325 = arith.addi %add3A_324, %iota3A : vector<16xi32>
      %add3A_326 = arith.constant 0 : i32
      %add3A_327 = arith.addi %add3A_326, %mul3A_45 : i32
      %add3A_328 = vector.broadcast %add3A_327 : i32 to vector<16xi32>
      %add3A_329 = arith.addi %iota3A, %add3A_328 : vector<16xi32>
      %gather3A_330 = tpu.vector_load_idx %arg6[%broadcast_in_dim3A_317, %add3A_329] : memref<256x128xf32, #tpu.memory_space<vmem>>[vector<16xi32>, vector<16xi32>], vector<16xf32>,
      %shift_right_logical3A_331 = arith.constant 7 : i32
      %shift_right_logical3A_332 = vector.broadcast %shift_right_logical3A_331 : i32 to vector<16xi32>
      %shift_right_logical3A_333 = arith.shrui %add3A_325, %shift_right_logical3A_332 : vector<16xi32>
      %and3A_334 = arith.constant 127 : i32
      %and3A_335 = vector.broadcast %and3A_334 : i32 to vector<16xi32>
      %and3A_336 = arith.andi %add3A_325, %and3A_335 : vector<16xi32>
      tpu.vector_store_idx %arg8[%shift_right_logical3A_333, %and3A_336], %gather3A_330 {add = true} : memref<256x128xf32, #tpu.memory_space<vmem>>[vector<16xi32>, vector<16xi32>], vector<16xf32>,
      %add3A_337 = arith.constant 16 : i32
      %add3A_338 = vector.broadcast %add3A_337 : i32 to vector<16xi32>
      %add3A_339 = arith.addi %mul3A_321, %add3A_338 : vector<16xi32>
      %add3A_340 = arith.addi %add3A_339, %iota3A : vector<16xi32>
      %add3A_341 = arith.constant 16 : i32
      %add3A_342 = arith.addi %add3A_341, %mul3A_45 : i32
      %add3A_343 = vector.broadcast %add3A_342 : i32 to vector<16xi32>
      %add3A_344 = arith.addi %iota3A, %add3A_343 : vector<16xi32>
      %gather3A_345 = tpu.vector_load_idx %arg6[%broadcast_in_dim3A_317, %add3A_344] : memref<256x128xf32, #tpu.memory_space<vmem>>[vector<16xi32>, vector<16xi32>], vector<16xf32>,
      %shift_right_logical3A_346 = arith.constant 7 : i32
      %shift_right_logical3A_347 = vector.broadcast %shift_right_logical3A_346 : i32 to vector<16xi32>
      %shift_right_logical3A_348 = arith.shrui %add3A_340, %shift_right_logical3A_347 : vector<16xi32>
      %and3A_349 = arith.constant 127 : i32
      %and3A_350 = vector.broadcast %and3A_349 : i32 to vector<16xi32>
      %and3A_351 = arith.andi %add3A_340, %and3A_350 : vector<16xi32>
      tpu.vector_store_idx %arg8[%shift_right_logical3A_348, %and3A_351], %gather3A_345 {add = true} : memref<256x128xf32, #tpu.memory_space<vmem>>[vector<16xi32>, vector<16xi32>], vector<16xf32>,
      %mul3A_352 = arith.constant 8 : i32
      %mul3A_353 = arith.muli %scan3A_159, %mul3A_352 : i32
      %add3A_354 = arith.constant 5 : i32
      %add3A_355 = arith.addi %mul3A_353, %add3A_354 : i32
      %broadcast_in_dim3A_356 = vector.broadcast %add3A_355 : i32 to vector<16xi32>
      %gather3A_357 = tpu.vector_load_idx %arg7[%broadcast_in_dim3A_356] : memref<256xi32, #tpu.memory_space<vmem>>[vector<16xi32>], vector<16xi32>,
      %mul3A_358 = arith.constant 32 : i32
      %mul3A_359 = vector.broadcast %mul3A_358 : i32 to vector<16xi32>
      %mul3A_360 = arith.muli %gather3A_357, %mul3A_359 : vector<16xi32>
      %add3A_361 = arith.constant 0 : i32
      %add3A_362 = vector.broadcast %add3A_361 : i32 to vector<16xi32>
      %add3A_363 = arith.addi %mul3A_360, %add3A_362 : vector<16xi32>
      %add3A_364 = arith.addi %add3A_363, %iota3A : vector<16xi32>
      %add3A_365 = arith.constant 0 : i32
      %add3A_366 = arith.addi %add3A_365, %mul3A_45 : i32
      %add3A_367 = vector.broadcast %add3A_366 : i32 to vector<16xi32>
      %add3A_368 = arith.addi %iota3A, %add3A_367 : vector<16xi32>
      %gather3A_369 = tpu.vector_load_idx %arg6[%broadcast_in_dim3A_356, %add3A_368] : memref<256x128xf32, #tpu.memory_space<vmem>>[vector<16xi32>, vector<16xi32>], vector<16xf32>,
      %shift_right_logical3A_370 = arith.constant 7 : i32
      %shift_right_logical3A_371 = vector.broadcast %shift_right_logical3A_370 : i32 to vector<16xi32>
      %shift_right_logical3A_372 = arith.shrui %add3A_364, %shift_right_logical3A_371 : vector<16xi32>
      %and3A_373 = arith.constant 127 : i32
      %and3A_374 = vector.broadcast %and3A_373 : i32 to vector<16xi32>
      %and3A_375 = arith.andi %add3A_364, %and3A_374 : vector<16xi32>
      tpu.vector_store_idx %arg8[%shift_right_logical3A_372, %and3A_375], %gather3A_369 {add = true} : memref<256x128xf32, #tpu.memory_space<vmem>>[vector<16xi32>, vector<16xi32>], vector<16xf32>,
      %add3A_376 = arith.constant 16 : i32
      %add3A_377 = vector.broadcast %add3A_376 : i32 to vector<16xi32>
      %add3A_378 = arith.addi %mul3A_360, %add3A_377 : vector<16xi32>
      %add3A_379 = arith.addi %add3A_378, %iota3A : vector<16xi32>
      %add3A_380 = arith.constant 16 : i32
      %add3A_381 = arith.addi %add3A_380, %mul3A_45 : i32
      %add3A_382 = vector.broadcast %add3A_381 : i32 to vector<16xi32>
      %add3A_383 = arith.addi %iota3A, %add3A_382 : vector<16xi32>
      %gather3A_384 = tpu.vector_load_idx %arg6[%broadcast_in_dim3A_356, %add3A_383] : memref<256x128xf32, #tpu.memory_space<vmem>>[vector<16xi32>, vector<16xi32>], vector<16xf32>,
      %shift_right_logical3A_385 = arith.constant 7 : i32
      %shift_right_logical3A_386 = vector.broadcast %shift_right_logical3A_385 : i32 to vector<16xi32>
      %shift_right_logical3A_387 = arith.shrui %add3A_379, %shift_right_logical3A_386 : vector<16xi32>
      %and3A_388 = arith.constant 127 : i32
      %and3A_389 = vector.broadcast %and3A_388 : i32 to vector<16xi32>
      %and3A_390 = arith.andi %add3A_379, %and3A_389 : vector<16xi32>
      tpu.vector_store_idx %arg8[%shift_right_logical3A_387, %and3A_390], %gather3A_384 {add = true} : memref<256x128xf32, #tpu.memory_space<vmem>>[vector<16xi32>, vector<16xi32>], vector<16xf32>,
      %mul3A_391 = arith.constant 8 : i32
      %mul3A_392 = arith.muli %scan3A_159, %mul3A_391 : i32
      %add3A_393 = arith.constant 6 : i32
      %add3A_394 = arith.addi %mul3A_392, %add3A_393 : i32
      %broadcast_in_dim3A_395 = vector.broadcast %add3A_394 : i32 to vector<16xi32>
      %gather3A_396 = tpu.vector_load_idx %arg7[%broadcast_in_dim3A_395] : memref<256xi32, #tpu.memory_space<vmem>>[vector<16xi32>], vector<16xi32>,
      %mul3A_397 = arith.constant 32 : i32
      %mul3A_398 = vector.broadcast %mul3A_397 : i32 to vector<16xi32>
      %mul3A_399 = arith.muli %gather3A_396, %mul3A_398 : vector<16xi32>
      %add3A_400 = arith.constant 0 : i32
      %add3A_401 = vector.broadcast %add3A_400 : i32 to vector<16xi32>
      %add3A_402 = arith.addi %mul3A_399, %add3A_401 : vector<16xi32>
      %add3A_403 = arith.addi %add3A_402, %iota3A : vector<16xi32>
      %add3A_404 = arith.constant 0 : i32
      %add3A_405 = arith.addi %add3A_404, %mul3A_45 : i32
      %add3A_406 = vector.broadcast %add3A_405 : i32 to vector<16xi32>
      %add3A_407 = arith.addi %iota3A, %add3A_406 : vector<16xi32>
      %gather3A_408 = tpu.vector_load_idx %arg6[%broadcast_in_dim3A_395, %add3A_407] : memref<256x128xf32, #tpu.memory_space<vmem>>[vector<16xi32>, vector<16xi32>], vector<16xf32>,
      %shift_right_logical3A_409 = arith.constant 7 : i32
      %shift_right_logical3A_410 = vector.broadcast %shift_right_logical3A_409 : i32 to vector<16xi32>
      %shift_right_logical3A_411 = arith.shrui %add3A_403, %shift_right_logical3A_410 : vector<16xi32>
      %and3A_412 = arith.constant 127 : i32
      %and3A_413 = vector.broadcast %and3A_412 : i32 to vector<16xi32>
      %and3A_414 = arith.andi %add3A_403, %and3A_413 : vector<16xi32>
      tpu.vector_store_idx %arg8[%shift_right_logical3A_411, %and3A_414], %gather3A_408 {add = true} : memref<256x128xf32, #tpu.memory_space<vmem>>[vector<16xi32>, vector<16xi32>], vector<16xf32>,
      %add3A_415 = arith.constant 16 : i32
      %add3A_416 = vector.broadcast %add3A_415 : i32 to vector<16xi32>
      %add3A_417 = arith.addi %mul3A_399, %add3A_416 : vector<16xi32>
      %add3A_418 = arith.addi %add3A_417, %iota3A : vector<16xi32>
      %add3A_419 = arith.constant 16 : i32
      %add3A_420 = arith.addi %add3A_419, %mul3A_45 : i32
      %add3A_421 = vector.broadcast %add3A_420 : i32 to vector<16xi32>
      %add3A_422 = arith.addi %iota3A, %add3A_421 : vector<16xi32>
      %gather3A_423 = tpu.vector_load_idx %arg6[%broadcast_in_dim3A_395, %add3A_422] : memref<256x128xf32, #tpu.memory_space<vmem>>[vector<16xi32>, vector<16xi32>], vector<16xf32>,
      %shift_right_logical3A_424 = arith.constant 7 : i32
      %shift_right_logical3A_425 = vector.broadcast %shift_right_logical3A_424 : i32 to vector<16xi32>
      %shift_right_logical3A_426 = arith.shrui %add3A_418, %shift_right_logical3A_425 : vector<16xi32>
      %and3A_427 = arith.constant 127 : i32
      %and3A_428 = vector.broadcast %and3A_427 : i32 to vector<16xi32>
      %and3A_429 = arith.andi %add3A_418, %and3A_428 : vector<16xi32>
      tpu.vector_store_idx %arg8[%shift_right_logical3A_426, %and3A_429], %gather3A_423 {add = true} : memref<256x128xf32, #tpu.memory_space<vmem>>[vector<16xi32>, vector<16xi32>], vector<16xf32>,
      %mul3A_430 = arith.constant 8 : i32
      %mul3A_431 = arith.muli %scan3A_159, %mul3A_430 : i32
      %add3A_432 = arith.constant 7 : i32
      %add3A_433 = arith.addi %mul3A_431, %add3A_432 : i32
      %broadcast_in_dim3A_434 = vector.broadcast %add3A_433 : i32 to vector<16xi32>
      %gather3A_435 = tpu.vector_load_idx %arg7[%broadcast_in_dim3A_434] : memref<256xi32, #tpu.memory_space<vmem>>[vector<16xi32>], vector<16xi32>,
      %mul3A_436 = arith.constant 32 : i32
      %mul3A_437 = vector.broadcast %mul3A_436 : i32 to vector<16xi32>
      %mul3A_438 = arith.muli %gather3A_435, %mul3A_437 : vector<16xi32>
      %add3A_439 = arith.constant 0 : i32
      %add3A_440 = vector.broadcast %add3A_439 : i32 to vector<16xi32>
      %add3A_441 = arith.addi %mul3A_438, %add3A_440 : vector<16xi32>
      %add3A_442 = arith.addi %add3A_441, %iota3A : vector<16xi32>
      %add3A_443 = arith.constant 0 : i32
      %add3A_444 = arith.addi %add3A_443, %mul3A_45 : i32
      %add3A_445 = vector.broadcast %add3A_444 : i32 to vector<16xi32>
      %add3A_446 = arith.addi %iota3A, %add3A_445 : vector<16xi32>
      %gather3A_447 = tpu.vector_load_idx %arg6[%broadcast_in_dim3A_434, %add3A_446] : memref<256x128xf32, #tpu.memory_space<vmem>>[vector<16xi32>, vector<16xi32>], vector<16xf32>,
      %shift_right_logical3A_448 = arith.constant 7 : i32
      %shift_right_logical3A_449 = vector.broadcast %shift_right_logical3A_448 : i32 to vector<16xi32>
      %shift_right_logical3A_450 = arith.shrui %add3A_442, %shift_right_logical3A_449 : vector<16xi32>
      %and3A_451 = arith.constant 127 : i32
      %and3A_452 = vector.broadcast %and3A_451 : i32 to vector<16xi32>
      %and3A_453 = arith.andi %add3A_442, %and3A_452 : vector<16xi32>
      tpu.vector_store_idx %arg8[%shift_right_logical3A_450, %and3A_453], %gather3A_447 {add = true} : memref<256x128xf32, #tpu.memory_space<vmem>>[vector<16xi32>, vector<16xi32>], vector<16xf32>,
      %add3A_454 = arith.constant 16 : i32
      %add3A_455 = vector.broadcast %add3A_454 : i32 to vector<16xi32>
      %add3A_456 = arith.addi %mul3A_438, %add3A_455 : vector<16xi32>
      %add3A_457 = arith.addi %add3A_456, %iota3A : vector<16xi32>
      %add3A_458 = arith.constant 16 : i32
      %add3A_459 = arith.addi %add3A_458, %mul3A_45 : i32
      %add3A_460 = vector.broadcast %add3A_459 : i32 to vector<16xi32>
      %add3A_461 = arith.addi %iota3A, %add3A_460 : vector<16xi32>
      %gather3A_462 = tpu.vector_load_idx %arg6[%broadcast_in_dim3A_434, %add3A_461] : memref<256x128xf32, #tpu.memory_space<vmem>>[vector<16xi32>, vector<16xi32>], vector<16xf32>,
      %shift_right_logical3A_463 = arith.constant 7 : i32
      %shift_right_logical3A_464 = vector.broadcast %shift_right_logical3A_463 : i32 to vector<16xi32>
      %shift_right_logical3A_465 = arith.shrui %add3A_457, %shift_right_logical3A_464 : vector<16xi32>
      %and3A_466 = arith.constant 127 : i32
      %and3A_467 = vector.broadcast %and3A_466 : i32 to vector<16xi32>
      %and3A_468 = arith.andi %add3A_457, %and3A_467 : vector<16xi32>
      tpu.vector_store_idx %arg8[%shift_right_logical3A_465, %and3A_468], %gather3A_462 {add = true} : memref<256x128xf32, #tpu.memory_space<vmem>>[vector<16xi32>, vector<16xi32>], vector<16xf32>,
    }
    %scan3A_81 = arith.constant 32 : i32
    %mul3A_82 = arith.constant 2048 : i32
    %mul3A_83 = arith.muli %select_n3A_69, %mul3A_82 : i32
    %add3A_84 = arith.constant 256 : i32
    %add3A_85 = arith.addi %mul3A_83, %add3A_84 : i32
    %multiple_of3A_86 = tpu.assume_multiple %add3A_85, 256 : i32
    "tpu.region"() ({
      %run_scoped3A = tpu.sem_alloc : memref<!tpu.dma_semaphore, #tpu.memory_space<semaphore_mem>>
      %dma_start3A = tpu.memref_slice %arg3[%arg0, %multiple_of3A_86] : memref<2x4096xi32, #tpu.memory_space<hbm>> -> memref<1x256xi32, #tpu.memory_space<hbm>>
      %dma_start3A_159 = tpu.memref_squeeze %dma_start3A : memref<1x256xi32, #tpu.memory_space<hbm>> -> memref<256xi32, #tpu.memory_space<hbm>>
      %dma_start3A_160 = tpu.memref_slice %arg3[%arg0, %multiple_of3A_86] : memref<2x4096xi32, #tpu.memory_space<hbm>> -> memref<1x256xi32, #tpu.memory_space<hbm>>
      %dma_start3A_161 = tpu.memref_squeeze %dma_start3A_160 : memref<1x256xi32, #tpu.memory_space<hbm>> -> memref<256xi32, #tpu.memory_space<hbm>>
      tpu.enqueue_dma source(%dma_start3A_161 : memref<256xi32, #tpu.memory_space<hbm>>) target(%arg7 : memref<256xi32, #tpu.memory_space<vmem>>) target_semaphore(%run_scoped3A : memref<!tpu.dma_semaphore, #tpu.memory_space<semaphore_mem>>)
      %dma_wait3A = tpu.memref_slice %arg3[%arg0, %multiple_of3A_86] : memref<2x4096xi32, #tpu.memory_space<hbm>> -> memref<1x256xi32, #tpu.memory_space<hbm>>
      %dma_wait3A_162 = tpu.memref_squeeze %dma_wait3A : memref<1x256xi32, #tpu.memory_space<hbm>> -> memref<256xi32, #tpu.memory_space<hbm>>
      %dma_wait3A_163 = tpu.memref_slice %arg3[%arg0, %multiple_of3A_86] : memref<2x4096xi32, #tpu.memory_space<hbm>> -> memref<1x256xi32, #tpu.memory_space<hbm>>
      %dma_wait3A_164 = tpu.memref_squeeze %dma_wait3A_163 : memref<1x256xi32, #tpu.memory_space<hbm>> -> memref<256xi32, #tpu.memory_space<hbm>>
      tpu.wait_dma2 semaphore(%run_scoped3A : memref<!tpu.dma_semaphore, #tpu.memory_space<semaphore_mem>>) src(%dma_wait3A_164 : memref<256xi32, #tpu.memory_space<hbm>>) dst(%arg7 : memref<256xi32, #tpu.memory_space<vmem>>)
      tpu.yield
    }) : () -> ()
    "tpu.region"() ({
      %run_scoped3A = tpu.sem_alloc : memref<!tpu.dma_semaphore, #tpu.memory_space<semaphore_mem>>
      %dma_start3A = tpu.memref_slice %arg2[%arg0, %multiple_of3A_86, %multiple_of3A] : memref<2x4096x256xf32, #tpu.memory_space<hbm>> -> memref<1x256x128xf32, #tpu.memory_space<hbm>>
      %dma_start3A_159 = tpu.memref_squeeze %dma_start3A : memref<1x256x128xf32, #tpu.memory_space<hbm>> -> memref<256x128xf32, #tpu.memory_space<hbm>>
      %dma_start3A_160 = tpu.memref_slice %arg2[%arg0, %multiple_of3A_86, %multiple_of3A] : memref<2x4096x256xf32, #tpu.memory_space<hbm>> -> memref<1x256x128xf32, #tpu.memory_space<hbm>>
      %dma_start3A_161 = tpu.memref_squeeze %dma_start3A_160 : memref<1x256x128xf32, #tpu.memory_space<hbm>> -> memref<256x128xf32, #tpu.memory_space<hbm>>
      tpu.enqueue_dma source(%dma_start3A_161 : memref<256x128xf32, #tpu.memory_space<hbm>>) target(%arg6 : memref<256x128xf32, #tpu.memory_space<vmem>>) target_semaphore(%run_scoped3A : memref<!tpu.dma_semaphore, #tpu.memory_space<semaphore_mem>>)
      %dma_wait3A = tpu.memref_slice %arg2[%arg0, %multiple_of3A_86, %multiple_of3A] : memref<2x4096x256xf32, #tpu.memory_space<hbm>> -> memref<1x256x128xf32, #tpu.memory_space<hbm>>
      %dma_wait3A_162 = tpu.memref_squeeze %dma_wait3A : memref<1x256x128xf32, #tpu.memory_space<hbm>> -> memref<256x128xf32, #tpu.memory_space<hbm>>
      %dma_wait3A_163 = tpu.memref_slice %arg2[%arg0, %multiple_of3A_86, %multiple_of3A] : memref<2x4096x256xf32, #tpu.memory_space<hbm>> -> memref<1x256x128xf32, #tpu.memory_space<hbm>>
      %dma_wait3A_164 = tpu.memref_squeeze %dma_wait3A_163 : memref<1x256x128xf32, #tpu.memory_space<hbm>> -> memref<256x128xf32, #tpu.memory_space<hbm>>
      tpu.wait_dma2 semaphore(%run_scoped3A : memref<!tpu.dma_semaphore, #tpu.memory_space<semaphore_mem>>) src(%dma_wait3A_164 : memref<256x128xf32, #tpu.memory_space<hbm>>) dst(%arg6 : memref<256x128xf32, #tpu.memory_space<vmem>>)
      tpu.yield
    }) : () -> ()
    %scan3A_87 = arith.constant 0 : i32
    %scan3A_88 = arith.constant 0 : i32
    %scan3A_89 = arith.constant 32 : i32
    %scan3A_90 = arith.addi %scan3A_88, %scan3A_89 : i32
    %scan3A_91 = arith.constant 1 : i32
    scf.for %scan3A_159 = %scan3A_88 to %scan3A_90 step %scan3A_91  : i32 {
      %mul3A_160 = arith.constant 8 : i32
      %mul3A_161 = arith.muli %scan3A_159, %mul3A_160 : i32
      %add3A_162 = arith.constant 0 : i32
      %add3A_163 = arith.addi %mul3A_161, %add3A_162 : i32
      %broadcast_in_dim3A = vector.broadcast %add3A_163 : i32 to vector<16xi32>
      %gather3A = tpu.vector_load_idx %arg7[%broadcast_in_dim3A] : memref<256xi32, #tpu.memory_space<vmem>>[vector<16xi32>], vector<16xi32>,
      %mul3A_164 = arith.constant 32 : i32
      %mul3A_165 = vector.broadcast %mul3A_164 : i32 to vector<16xi32>
      %mul3A_166 = arith.muli %gather3A, %mul3A_165 : vector<16xi32>
      %add3A_167 = arith.constant 0 : i32
      %add3A_168 = vector.broadcast %add3A_167 : i32 to vector<16xi32>
      %add3A_169 = arith.addi %mul3A_166, %add3A_168 : vector<16xi32>
      %add3A_170 = arith.addi %add3A_169, %iota3A : vector<16xi32>
      %add3A_171 = arith.constant 0 : i32
      %add3A_172 = arith.addi %add3A_171, %mul3A_45 : i32
      %add3A_173 = vector.broadcast %add3A_172 : i32 to vector<16xi32>
      %add3A_174 = arith.addi %iota3A, %add3A_173 : vector<16xi32>
      %gather3A_175 = tpu.vector_load_idx %arg6[%broadcast_in_dim3A, %add3A_174] : memref<256x128xf32, #tpu.memory_space<vmem>>[vector<16xi32>, vector<16xi32>], vector<16xf32>,
      %shift_right_logical3A = arith.constant 7 : i32
      %shift_right_logical3A_176 = vector.broadcast %shift_right_logical3A : i32 to vector<16xi32>
      %shift_right_logical3A_177 = arith.shrui %add3A_170, %shift_right_logical3A_176 : vector<16xi32>
      %and3A_178 = arith.constant 127 : i32
      %and3A_179 = vector.broadcast %and3A_178 : i32 to vector<16xi32>
      %and3A_180 = arith.andi %add3A_170, %and3A_179 : vector<16xi32>
      tpu.vector_store_idx %arg8[%shift_right_logical3A_177, %and3A_180], %gather3A_175 {add = true} : memref<256x128xf32, #tpu.memory_space<vmem>>[vector<16xi32>, vector<16xi32>], vector<16xf32>,
      %add3A_181 = arith.constant 16 : i32
      %add3A_182 = vector.broadcast %add3A_181 : i32 to vector<16xi32>
      %add3A_183 = arith.addi %mul3A_166, %add3A_182 : vector<16xi32>
      %add3A_184 = arith.addi %add3A_183, %iota3A : vector<16xi32>
      %add3A_185 = arith.constant 16 : i32
      %add3A_186 = arith.addi %add3A_185, %mul3A_45 : i32
      %add3A_187 = vector.broadcast %add3A_186 : i32 to vector<16xi32>
      %add3A_188 = arith.addi %iota3A, %add3A_187 : vector<16xi32>
      %gather3A_189 = tpu.vector_load_idx %arg6[%broadcast_in_dim3A, %add3A_188] : memref<256x128xf32, #tpu.memory_space<vmem>>[vector<16xi32>, vector<16xi32>], vector<16xf32>,
      %shift_right_logical3A_190 = arith.constant 7 : i32
      %shift_right_logical3A_191 = vector.broadcast %shift_right_logical3A_190 : i32 to vector<16xi32>
      %shift_right_logical3A_192 = arith.shrui %add3A_184, %shift_right_logical3A_191 : vector<16xi32>
      %and3A_193 = arith.constant 127 : i32
      %and3A_194 = vector.broadcast %and3A_193 : i32 to vector<16xi32>
      %and3A_195 = arith.andi %add3A_184, %and3A_194 : vector<16xi32>
      tpu.vector_store_idx %arg8[%shift_right_logical3A_192, %and3A_195], %gather3A_189 {add = true} : memref<256x128xf32, #tpu.memory_space<vmem>>[vector<16xi32>, vector<16xi32>], vector<16xf32>,
      %mul3A_196 = arith.constant 8 : i32
      %mul3A_197 = arith.muli %scan3A_159, %mul3A_196 : i32
      %add3A_198 = arith.constant 1 : i32
      %add3A_199 = arith.addi %mul3A_197, %add3A_198 : i32
      %broadcast_in_dim3A_200 = vector.broadcast %add3A_199 : i32 to vector<16xi32>
      %gather3A_201 = tpu.vector_load_idx %arg7[%broadcast_in_dim3A_200] : memref<256xi32, #tpu.memory_space<vmem>>[vector<16xi32>], vector<16xi32>,
      %mul3A_202 = arith.constant 32 : i32
      %mul3A_203 = vector.broadcast %mul3A_202 : i32 to vector<16xi32>
      %mul3A_204 = arith.muli %gather3A_201, %mul3A_203 : vector<16xi32>
      %add3A_205 = arith.constant 0 : i32
      %add3A_206 = vector.broadcast %add3A_205 : i32 to vector<16xi32>
      %add3A_207 = arith.addi %mul3A_204, %add3A_206 : vector<16xi32>
      %add3A_208 = arith.addi %add3A_207, %iota3A : vector<16xi32>
      %add3A_209 = arith.constant 0 : i32
      %add3A_210 = arith.addi %add3A_209, %mul3A_45 : i32
      %add3A_211 = vector.broadcast %add3A_210 : i32 to vector<16xi32>
      %add3A_212 = arith.addi %iota3A, %add3A_211 : vector<16xi32>
      %gather3A_213 = tpu.vector_load_idx %arg6[%broadcast_in_dim3A_200, %add3A_212] : memref<256x128xf32, #tpu.memory_space<vmem>>[vector<16xi32>, vector<16xi32>], vector<16xf32>,
      %shift_right_logical3A_214 = arith.constant 7 : i32
      %shift_right_logical3A_215 = vector.broadcast %shift_right_logical3A_214 : i32 to vector<16xi32>
      %shift_right_logical3A_216 = arith.shrui %add3A_208, %shift_right_logical3A_215 : vector<16xi32>
      %and3A_217 = arith.constant 127 : i32
      %and3A_218 = vector.broadcast %and3A_217 : i32 to vector<16xi32>
      %and3A_219 = arith.andi %add3A_208, %and3A_218 : vector<16xi32>
      tpu.vector_store_idx %arg8[%shift_right_logical3A_216, %and3A_219], %gather3A_213 {add = true} : memref<256x128xf32, #tpu.memory_space<vmem>>[vector<16xi32>, vector<16xi32>], vector<16xf32>,
      %add3A_220 = arith.constant 16 : i32
      %add3A_221 = vector.broadcast %add3A_220 : i32 to vector<16xi32>
      %add3A_222 = arith.addi %mul3A_204, %add3A_221 : vector<16xi32>
      %add3A_223 = arith.addi %add3A_222, %iota3A : vector<16xi32>
      %add3A_224 = arith.constant 16 : i32
      %add3A_225 = arith.addi %add3A_224, %mul3A_45 : i32
      %add3A_226 = vector.broadcast %add3A_225 : i32 to vector<16xi32>
      %add3A_227 = arith.addi %iota3A, %add3A_226 : vector<16xi32>
      %gather3A_228 = tpu.vector_load_idx %arg6[%broadcast_in_dim3A_200, %add3A_227] : memref<256x128xf32, #tpu.memory_space<vmem>>[vector<16xi32>, vector<16xi32>], vector<16xf32>,
      %shift_right_logical3A_229 = arith.constant 7 : i32
      %shift_right_logical3A_230 = vector.broadcast %shift_right_logical3A_229 : i32 to vector<16xi32>
      %shift_right_logical3A_231 = arith.shrui %add3A_223, %shift_right_logical3A_230 : vector<16xi32>
      %and3A_232 = arith.constant 127 : i32
      %and3A_233 = vector.broadcast %and3A_232 : i32 to vector<16xi32>
      %and3A_234 = arith.andi %add3A_223, %and3A_233 : vector<16xi32>
      tpu.vector_store_idx %arg8[%shift_right_logical3A_231, %and3A_234], %gather3A_228 {add = true} : memref<256x128xf32, #tpu.memory_space<vmem>>[vector<16xi32>, vector<16xi32>], vector<16xf32>,
      %mul3A_235 = arith.constant 8 : i32
      %mul3A_236 = arith.muli %scan3A_159, %mul3A_235 : i32
      %add3A_237 = arith.constant 2 : i32
      %add3A_238 = arith.addi %mul3A_236, %add3A_237 : i32
      %broadcast_in_dim3A_239 = vector.broadcast %add3A_238 : i32 to vector<16xi32>
      %gather3A_240 = tpu.vector_load_idx %arg7[%broadcast_in_dim3A_239] : memref<256xi32, #tpu.memory_space<vmem>>[vector<16xi32>], vector<16xi32>,
      %mul3A_241 = arith.constant 32 : i32
      %mul3A_242 = vector.broadcast %mul3A_241 : i32 to vector<16xi32>
      %mul3A_243 = arith.muli %gather3A_240, %mul3A_242 : vector<16xi32>
      %add3A_244 = arith.constant 0 : i32
      %add3A_245 = vector.broadcast %add3A_244 : i32 to vector<16xi32>
      %add3A_246 = arith.addi %mul3A_243, %add3A_245 : vector<16xi32>
      %add3A_247 = arith.addi %add3A_246, %iota3A : vector<16xi32>
      %add3A_248 = arith.constant 0 : i32
      %add3A_249 = arith.addi %add3A_248, %mul3A_45 : i32
      %add3A_250 = vector.broadcast %add3A_249 : i32 to vector<16xi32>
      %add3A_251 = arith.addi %iota3A, %add3A_250 : vector<16xi32>
      %gather3A_252 = tpu.vector_load_idx %arg6[%broadcast_in_dim3A_239, %add3A_251] : memref<256x128xf32, #tpu.memory_space<vmem>>[vector<16xi32>, vector<16xi32>], vector<16xf32>,
      %shift_right_logical3A_253 = arith.constant 7 : i32
      %shift_right_logical3A_254 = vector.broadcast %shift_right_logical3A_253 : i32 to vector<16xi32>
      %shift_right_logical3A_255 = arith.shrui %add3A_247, %shift_right_logical3A_254 : vector<16xi32>
      %and3A_256 = arith.constant 127 : i32
      %and3A_257 = vector.broadcast %and3A_256 : i32 to vector<16xi32>
      %and3A_258 = arith.andi %add3A_247, %and3A_257 : vector<16xi32>
      tpu.vector_store_idx %arg8[%shift_right_logical3A_255, %and3A_258], %gather3A_252 {add = true} : memref<256x128xf32, #tpu.memory_space<vmem>>[vector<16xi32>, vector<16xi32>], vector<16xf32>,
      %add3A_259 = arith.constant 16 : i32
      %add3A_260 = vector.broadcast %add3A_259 : i32 to vector<16xi32>
      %add3A_261 = arith.addi %mul3A_243, %add3A_260 : vector<16xi32>
      %add3A_262 = arith.addi %add3A_261, %iota3A : vector<16xi32>
      %add3A_263 = arith.constant 16 : i32
      %add3A_264 = arith.addi %add3A_263, %mul3A_45 : i32
      %add3A_265 = vector.broadcast %add3A_264 : i32 to vector<16xi32>
      %add3A_266 = arith.addi %iota3A, %add3A_265 : vector<16xi32>
      %gather3A_267 = tpu.vector_load_idx %arg6[%broadcast_in_dim3A_239, %add3A_266] : memref<256x128xf32, #tpu.memory_space<vmem>>[vector<16xi32>, vector<16xi32>], vector<16xf32>,
      %shift_right_logical3A_268 = arith.constant 7 : i32
      %shift_right_logical3A_269 = vector.broadcast %shift_right_logical3A_268 : i32 to vector<16xi32>
      %shift_right_logical3A_270 = arith.shrui %add3A_262, %shift_right_logical3A_269 : vector<16xi32>
      %and3A_271 = arith.constant 127 : i32
      %and3A_272 = vector.broadcast %and3A_271 : i32 to vector<16xi32>
      %and3A_273 = arith.andi %add3A_262, %and3A_272 : vector<16xi32>
      tpu.vector_store_idx %arg8[%shift_right_logical3A_270, %and3A_273], %gather3A_267 {add = true} : memref<256x128xf32, #tpu.memory_space<vmem>>[vector<16xi32>, vector<16xi32>], vector<16xf32>,
      %mul3A_274 = arith.constant 8 : i32
      %mul3A_275 = arith.muli %scan3A_159, %mul3A_274 : i32
      %add3A_276 = arith.constant 3 : i32
      %add3A_277 = arith.addi %mul3A_275, %add3A_276 : i32
      %broadcast_in_dim3A_278 = vector.broadcast %add3A_277 : i32 to vector<16xi32>
      %gather3A_279 = tpu.vector_load_idx %arg7[%broadcast_in_dim3A_278] : memref<256xi32, #tpu.memory_space<vmem>>[vector<16xi32>], vector<16xi32>,
      %mul3A_280 = arith.constant 32 : i32
      %mul3A_281 = vector.broadcast %mul3A_280 : i32 to vector<16xi32>
      %mul3A_282 = arith.muli %gather3A_279, %mul3A_281 : vector<16xi32>
      %add3A_283 = arith.constant 0 : i32
      %add3A_284 = vector.broadcast %add3A_283 : i32 to vector<16xi32>
      %add3A_285 = arith.addi %mul3A_282, %add3A_284 : vector<16xi32>
      %add3A_286 = arith.addi %add3A_285, %iota3A : vector<16xi32>
      %add3A_287 = arith.constant 0 : i32
      %add3A_288 = arith.addi %add3A_287, %mul3A_45 : i32
      %add3A_289 = vector.broadcast %add3A_288 : i32 to vector<16xi32>
      %add3A_290 = arith.addi %iota3A, %add3A_289 : vector<16xi32>
      %gather3A_291 = tpu.vector_load_idx %arg6[%broadcast_in_dim3A_278, %add3A_290] : memref<256x128xf32, #tpu.memory_space<vmem>>[vector<16xi32>, vector<16xi32>], vector<16xf32>,
      %shift_right_logical3A_292 = arith.constant 7 : i32
      %shift_right_logical3A_293 = vector.broadcast %shift_right_logical3A_292 : i32 to vector<16xi32>
      %shift_right_logical3A_294 = arith.shrui %add3A_286, %shift_right_logical3A_293 : vector<16xi32>
      %and3A_295 = arith.constant 127 : i32
      %and3A_296 = vector.broadcast %and3A_295 : i32 to vector<16xi32>
      %and3A_297 = arith.andi %add3A_286, %and3A_296 : vector<16xi32>
      tpu.vector_store_idx %arg8[%shift_right_logical3A_294, %and3A_297], %gather3A_291 {add = true} : memref<256x128xf32, #tpu.memory_space<vmem>>[vector<16xi32>, vector<16xi32>], vector<16xf32>,
      %add3A_298 = arith.constant 16 : i32
      %add3A_299 = vector.broadcast %add3A_298 : i32 to vector<16xi32>
      %add3A_300 = arith.addi %mul3A_282, %add3A_299 : vector<16xi32>
      %add3A_301 = arith.addi %add3A_300, %iota3A : vector<16xi32>
      %add3A_302 = arith.constant 16 : i32
      %add3A_303 = arith.addi %add3A_302, %mul3A_45 : i32
      %add3A_304 = vector.broadcast %add3A_303 : i32 to vector<16xi32>
      %add3A_305 = arith.addi %iota3A, %add3A_304 : vector<16xi32>
      %gather3A_306 = tpu.vector_load_idx %arg6[%broadcast_in_dim3A_278, %add3A_305] : memref<256x128xf32, #tpu.memory_space<vmem>>[vector<16xi32>, vector<16xi32>], vector<16xf32>,
      %shift_right_logical3A_307 = arith.constant 7 : i32
      %shift_right_logical3A_308 = vector.broadcast %shift_right_logical3A_307 : i32 to vector<16xi32>
      %shift_right_logical3A_309 = arith.shrui %add3A_301, %shift_right_logical3A_308 : vector<16xi32>
      %and3A_310 = arith.constant 127 : i32
      %and3A_311 = vector.broadcast %and3A_310 : i32 to vector<16xi32>
      %and3A_312 = arith.andi %add3A_301, %and3A_311 : vector<16xi32>
      tpu.vector_store_idx %arg8[%shift_right_logical3A_309, %and3A_312], %gather3A_306 {add = true} : memref<256x128xf32, #tpu.memory_space<vmem>>[vector<16xi32>, vector<16xi32>], vector<16xf32>,
      %mul3A_313 = arith.constant 8 : i32
      %mul3A_314 = arith.muli %scan3A_159, %mul3A_313 : i32
      %add3A_315 = arith.constant 4 : i32
      %add3A_316 = arith.addi %mul3A_314, %add3A_315 : i32
      %broadcast_in_dim3A_317 = vector.broadcast %add3A_316 : i32 to vector<16xi32>
      %gather3A_318 = tpu.vector_load_idx %arg7[%broadcast_in_dim3A_317] : memref<256xi32, #tpu.memory_space<vmem>>[vector<16xi32>], vector<16xi32>,
      %mul3A_319 = arith.constant 32 : i32
      %mul3A_320 = vector.broadcast %mul3A_319 : i32 to vector<16xi32>
      %mul3A_321 = arith.muli %gather3A_318, %mul3A_320 : vector<16xi32>
      %add3A_322 = arith.constant 0 : i32
      %add3A_323 = vector.broadcast %add3A_322 : i32 to vector<16xi32>
      %add3A_324 = arith.addi %mul3A_321, %add3A_323 : vector<16xi32>
      %add3A_325 = arith.addi %add3A_324, %iota3A : vector<16xi32>
      %add3A_326 = arith.constant 0 : i32
      %add3A_327 = arith.addi %add3A_326, %mul3A_45 : i32
      %add3A_328 = vector.broadcast %add3A_327 : i32 to vector<16xi32>
      %add3A_329 = arith.addi %iota3A, %add3A_328 : vector<16xi32>
      %gather3A_330 = tpu.vector_load_idx %arg6[%broadcast_in_dim3A_317, %add3A_329] : memref<256x128xf32, #tpu.memory_space<vmem>>[vector<16xi32>, vector<16xi32>], vector<16xf32>,
      %shift_right_logical3A_331 = arith.constant 7 : i32
      %shift_right_logical3A_332 = vector.broadcast %shift_right_logical3A_331 : i32 to vector<16xi32>
      %shift_right_logical3A_333 = arith.shrui %add3A_325, %shift_right_logical3A_332 : vector<16xi32>
      %and3A_334 = arith.constant 127 : i32
      %and3A_335 = vector.broadcast %and3A_334 : i32 to vector<16xi32>
      %and3A_336 = arith.andi %add3A_325, %and3A_335 : vector<16xi32>
      tpu.vector_store_idx %arg8[%shift_right_logical3A_333, %and3A_336], %gather3A_330 {add = true} : memref<256x128xf32, #tpu.memory_space<vmem>>[vector<16xi32>, vector<16xi32>], vector<16xf32>,
      %add3A_337 = arith.constant 16 : i32
      %add3A_338 = vector.broadcast %add3A_337 : i32 to vector<16xi32>
      %add3A_339 = arith.addi %mul3A_321, %add3A_338 : vector<16xi32>
      %add3A_340 = arith.addi %add3A_339, %iota3A : vector<16xi32>
      %add3A_341 = arith.constant 16 : i32
      %add3A_342 = arith.addi %add3A_341, %mul3A_45 : i32
      %add3A_343 = vector.broadcast %add3A_342 : i32 to vector<16xi32>
      %add3A_344 = arith.addi %iota3A, %add3A_343 : vector<16xi32>
      %gather3A_345 = tpu.vector_load_idx %arg6[%broadcast_in_dim3A_317, %add3A_344] : memref<256x128xf32, #tpu.memory_space<vmem>>[vector<16xi32>, vector<16xi32>], vector<16xf32>,
      %shift_right_logical3A_346 = arith.constant 7 : i32
      %shift_right_logical3A_347 = vector.broadcast %shift_right_logical3A_346 : i32 to vector<16xi32>
      %shift_right_logical3A_348 = arith.shrui %add3A_340, %shift_right_logical3A_347 : vector<16xi32>
      %and3A_349 = arith.constant 127 : i32
      %and3A_350 = vector.broadcast %and3A_349 : i32 to vector<16xi32>
      %and3A_351 = arith.andi %add3A_340, %and3A_350 : vector<16xi32>
      tpu.vector_store_idx %arg8[%shift_right_logical3A_348, %and3A_351], %gather3A_345 {add = true} : memref<256x128xf32, #tpu.memory_space<vmem>>[vector<16xi32>, vector<16xi32>], vector<16xf32>,
      %mul3A_352 = arith.constant 8 : i32
      %mul3A_353 = arith.muli %scan3A_159, %mul3A_352 : i32
      %add3A_354 = arith.constant 5 : i32
      %add3A_355 = arith.addi %mul3A_353, %add3A_354 : i32
      %broadcast_in_dim3A_356 = vector.broadcast %add3A_355 : i32 to vector<16xi32>
      %gather3A_357 = tpu.vector_load_idx %arg7[%broadcast_in_dim3A_356] : memref<256xi32, #tpu.memory_space<vmem>>[vector<16xi32>], vector<16xi32>,
      %mul3A_358 = arith.constant 32 : i32
      %mul3A_359 = vector.broadcast %mul3A_358 : i32 to vector<16xi32>
      %mul3A_360 = arith.muli %gather3A_357, %mul3A_359 : vector<16xi32>
      %add3A_361 = arith.constant 0 : i32
      %add3A_362 = vector.broadcast %add3A_361 : i32 to vector<16xi32>
      %add3A_363 = arith.addi %mul3A_360, %add3A_362 : vector<16xi32>
      %add3A_364 = arith.addi %add3A_363, %iota3A : vector<16xi32>
      %add3A_365 = arith.constant 0 : i32
      %add3A_366 = arith.addi %add3A_365, %mul3A_45 : i32
      %add3A_367 = vector.broadcast %add3A_366 : i32 to vector<16xi32>
      %add3A_368 = arith.addi %iota3A, %add3A_367 : vector<16xi32>
      %gather3A_369 = tpu.vector_load_idx %arg6[%broadcast_in_dim3A_356, %add3A_368] : memref<256x128xf32, #tpu.memory_space<vmem>>[vector<16xi32>, vector<16xi32>], vector<16xf32>,
      %shift_right_logical3A_370 = arith.constant 7 : i32
      %shift_right_logical3A_371 = vector.broadcast %shift_right_logical3A_370 : i32 to vector<16xi32>
      %shift_right_logical3A_372 = arith.shrui %add3A_364, %shift_right_logical3A_371 : vector<16xi32>
      %and3A_373 = arith.constant 127 : i32
      %and3A_374 = vector.broadcast %and3A_373 : i32 to vector<16xi32>
      %and3A_375 = arith.andi %add3A_364, %and3A_374 : vector<16xi32>
      tpu.vector_store_idx %arg8[%shift_right_logical3A_372, %and3A_375], %gather3A_369 {add = true} : memref<256x128xf32, #tpu.memory_space<vmem>>[vector<16xi32>, vector<16xi32>], vector<16xf32>,
      %add3A_376 = arith.constant 16 : i32
      %add3A_377 = vector.broadcast %add3A_376 : i32 to vector<16xi32>
      %add3A_378 = arith.addi %mul3A_360, %add3A_377 : vector<16xi32>
      %add3A_379 = arith.addi %add3A_378, %iota3A : vector<16xi32>
      %add3A_380 = arith.constant 16 : i32
      %add3A_381 = arith.addi %add3A_380, %mul3A_45 : i32
      %add3A_382 = vector.broadcast %add3A_381 : i32 to vector<16xi32>
      %add3A_383 = arith.addi %iota3A, %add3A_382 : vector<16xi32>
      %gather3A_384 = tpu.vector_load_idx %arg6[%broadcast_in_dim3A_356, %add3A_383] : memref<256x128xf32, #tpu.memory_space<vmem>>[vector<16xi32>, vector<16xi32>], vector<16xf32>,
      %shift_right_logical3A_385 = arith.constant 7 : i32
      %shift_right_logical3A_386 = vector.broadcast %shift_right_logical3A_385 : i32 to vector<16xi32>
      %shift_right_logical3A_387 = arith.shrui %add3A_379, %shift_right_logical3A_386 : vector<16xi32>
      %and3A_388 = arith.constant 127 : i32
      %and3A_389 = vector.broadcast %and3A_388 : i32 to vector<16xi32>
      %and3A_390 = arith.andi %add3A_379, %and3A_389 : vector<16xi32>
      tpu.vector_store_idx %arg8[%shift_right_logical3A_387, %and3A_390], %gather3A_384 {add = true} : memref<256x128xf32, #tpu.memory_space<vmem>>[vector<16xi32>, vector<16xi32>], vector<16xf32>,
      %mul3A_391 = arith.constant 8 : i32
      %mul3A_392 = arith.muli %scan3A_159, %mul3A_391 : i32
      %add3A_393 = arith.constant 6 : i32
      %add3A_394 = arith.addi %mul3A_392, %add3A_393 : i32
      %broadcast_in_dim3A_395 = vector.broadcast %add3A_394 : i32 to vector<16xi32>
      %gather3A_396 = tpu.vector_load_idx %arg7[%broadcast_in_dim3A_395] : memref<256xi32, #tpu.memory_space<vmem>>[vector<16xi32>], vector<16xi32>,
      %mul3A_397 = arith.constant 32 : i32
      %mul3A_398 = vector.broadcast %mul3A_397 : i32 to vector<16xi32>
      %mul3A_399 = arith.muli %gather3A_396, %mul3A_398 : vector<16xi32>
      %add3A_400 = arith.constant 0 : i32
      %add3A_401 = vector.broadcast %add3A_400 : i32 to vector<16xi32>
      %add3A_402 = arith.addi %mul3A_399, %add3A_401 : vector<16xi32>
      %add3A_403 = arith.addi %add3A_402, %iota3A : vector<16xi32>
      %add3A_404 = arith.constant 0 : i32
      %add3A_405 = arith.addi %add3A_404, %mul3A_45 : i32
      %add3A_406 = vector.broadcast %add3A_405 : i32 to vector<16xi32>
      %add3A_407 = arith.addi %iota3A, %add3A_406 : vector<16xi32>
      %gather3A_408 = tpu.vector_load_idx %arg6[%broadcast_in_dim3A_395, %add3A_407] : memref<256x128xf32, #tpu.memory_space<vmem>>[vector<16xi32>, vector<16xi32>], vector<16xf32>,
      %shift_right_logical3A_409 = arith.constant 7 : i32
      %shift_right_logical3A_410 = vector.broadcast %shift_right_logical3A_409 : i32 to vector<16xi32>
      %shift_right_logical3A_411 = arith.shrui %add3A_403, %shift_right_logical3A_410 : vector<16xi32>
      %and3A_412 = arith.constant 127 : i32
      %and3A_413 = vector.broadcast %and3A_412 : i32 to vector<16xi32>
      %and3A_414 = arith.andi %add3A_403, %and3A_413 : vector<16xi32>
      tpu.vector_store_idx %arg8[%shift_right_logical3A_411, %and3A_414], %gather3A_408 {add = true} : memref<256x128xf32, #tpu.memory_space<vmem>>[vector<16xi32>, vector<16xi32>], vector<16xf32>,
      %add3A_415 = arith.constant 16 : i32
      %add3A_416 = vector.broadcast %add3A_415 : i32 to vector<16xi32>
      %add3A_417 = arith.addi %mul3A_399, %add3A_416 : vector<16xi32>
      %add3A_418 = arith.addi %add3A_417, %iota3A : vector<16xi32>
      %add3A_419 = arith.constant 16 : i32
      %add3A_420 = arith.addi %add3A_419, %mul3A_45 : i32
      %add3A_421 = vector.broadcast %add3A_420 : i32 to vector<16xi32>
      %add3A_422 = arith.addi %iota3A, %add3A_421 : vector<16xi32>
      %gather3A_423 = tpu.vector_load_idx %arg6[%broadcast_in_dim3A_395, %add3A_422] : memref<256x128xf32, #tpu.memory_space<vmem>>[vector<16xi32>, vector<16xi32>], vector<16xf32>,
      %shift_right_logical3A_424 = arith.constant 7 : i32
      %shift_right_logical3A_425 = vector.broadcast %shift_right_logical3A_424 : i32 to vector<16xi32>
      %shift_right_logical3A_426 = arith.shrui %add3A_418, %shift_right_logical3A_425 : vector<16xi32>
      %and3A_427 = arith.constant 127 : i32
      %and3A_428 = vector.broadcast %and3A_427 : i32 to vector<16xi32>
      %and3A_429 = arith.andi %add3A_418, %and3A_428 : vector<16xi32>
      tpu.vector_store_idx %arg8[%shift_right_logical3A_426, %and3A_429], %gather3A_423 {add = true} : memref<256x128xf32, #tpu.memory_space<vmem>>[vector<16xi32>, vector<16xi32>], vector<16xf32>,
      %mul3A_430 = arith.constant 8 : i32
      %mul3A_431 = arith.muli %scan3A_159, %mul3A_430 : i32
      %add3A_432 = arith.constant 7 : i32
      %add3A_433 = arith.addi %mul3A_431, %add3A_432 : i32
      %broadcast_in_dim3A_434 = vector.broadcast %add3A_433 : i32 to vector<16xi32>
      %gather3A_435 = tpu.vector_load_idx %arg7[%broadcast_in_dim3A_434] : memref<256xi32, #tpu.memory_space<vmem>>[vector<16xi32>], vector<16xi32>,
      %mul3A_436 = arith.constant 32 : i32
      %mul3A_437 = vector.broadcast %mul3A_436 : i32 to vector<16xi32>
      %mul3A_438 = arith.muli %gather3A_435, %mul3A_437 : vector<16xi32>
      %add3A_439 = arith.constant 0 : i32
      %add3A_440 = vector.broadcast %add3A_439 : i32 to vector<16xi32>
      %add3A_441 = arith.addi %mul3A_438, %add3A_440 : vector<16xi32>
      %add3A_442 = arith.addi %add3A_441, %iota3A : vector<16xi32>
      %add3A_443 = arith.constant 0 : i32
      %add3A_444 = arith.addi %add3A_443, %mul3A_45 : i32
      %add3A_445 = vector.broadcast %add3A_444 : i32 to vector<16xi32>
      %add3A_446 = arith.addi %iota3A, %add3A_445 : vector<16xi32>
      %gather3A_447 = tpu.vector_load_idx %arg6[%broadcast_in_dim3A_434, %add3A_446] : memref<256x128xf32, #tpu.memory_space<vmem>>[vector<16xi32>, vector<16xi32>], vector<16xf32>,
      %shift_right_logical3A_448 = arith.constant 7 : i32
      %shift_right_logical3A_449 = vector.broadcast %shift_right_logical3A_448 : i32 to vector<16xi32>
      %shift_right_logical3A_450 = arith.shrui %add3A_442, %shift_right_logical3A_449 : vector<16xi32>
      %and3A_451 = arith.constant 127 : i32
      %and3A_452 = vector.broadcast %and3A_451 : i32 to vector<16xi32>
      %and3A_453 = arith.andi %add3A_442, %and3A_452 : vector<16xi32>
      tpu.vector_store_idx %arg8[%shift_right_logical3A_450, %and3A_453], %gather3A_447 {add = true} : memref<256x128xf32, #tpu.memory_space<vmem>>[vector<16xi32>, vector<16xi32>], vector<16xf32>,
      %add3A_454 = arith.constant 16 : i32
      %add3A_455 = vector.broadcast %add3A_454 : i32 to vector<16xi32>
      %add3A_456 = arith.addi %mul3A_438, %add3A_455 : vector<16xi32>
      %add3A_457 = arith.addi %add3A_456, %iota3A : vector<16xi32>
      %add3A_458 = arith.constant 16 : i32
      %add3A_459 = arith.addi %add3A_458, %mul3A_45 : i32
      %add3A_460 = vector.broadcast %add3A_459 : i32 to vector<16xi32>
      %add3A_461 = arith.addi %iota3A, %add3A_460 : vector<16xi32>
      %gather3A_462 = tpu.vector_load_idx %arg6[%broadcast_in_dim3A_434, %add3A_461] : memref<256x128xf32, #tpu.memory_space<vmem>>[vector<16xi32>, vector<16xi32>], vector<16xf32>,
      %shift_right_logical3A_463 = arith.constant 7 : i32
      %shift_right_logical3A_464 = vector.broadcast %shift_right_logical3A_463 : i32 to vector<16xi32>
      %shift_right_logical3A_465 = arith.shrui %add3A_457, %shift_right_logical3A_464 : vector<16xi32>
      %and3A_466 = arith.constant 127 : i32
      %and3A_467 = vector.broadcast %and3A_466 : i32 to vector<16xi32>
      %and3A_468 = arith.andi %add3A_457, %and3A_467 : vector<16xi32>
      tpu.vector_store_idx %arg8[%shift_right_logical3A_465, %and3A_468], %gather3A_462 {add = true} : memref<256x128xf32, #tpu.memory_space<vmem>>[vector<16xi32>, vector<16xi32>], vector<16xf32>,
    }
    %scan3A_92 = arith.constant 32 : i32
    %mul3A_93 = arith.constant 2048 : i32
    %mul3A_94 = arith.muli %select_n3A_69, %mul3A_93 : i32
    %add3A_95 = arith.constant 512 : i32
    %add3A_96 = arith.addi %mul3A_94, %add3A_95 : i32
    %multiple_of3A_97 = tpu.assume_multiple %add3A_96, 256 : i32
    "tpu.region"() ({
      %run_scoped3A = tpu.sem_alloc : memref<!tpu.dma_semaphore, #tpu.memory_space<semaphore_mem>>
      %dma_start3A = tpu.memref_slice %arg3[%arg0, %multiple_of3A_97] : memref<2x4096xi32, #tpu.memory_space<hbm>> -> memref<1x256xi32, #tpu.memory_space<hbm>>
      %dma_start3A_159 = tpu.memref_squeeze %dma_start3A : memref<1x256xi32, #tpu.memory_space<hbm>> -> memref<256xi32, #tpu.memory_space<hbm>>
      %dma_start3A_160 = tpu.memref_slice %arg3[%arg0, %multiple_of3A_97] : memref<2x4096xi32, #tpu.memory_space<hbm>> -> memref<1x256xi32, #tpu.memory_space<hbm>>
      %dma_start3A_161 = tpu.memref_squeeze %dma_start3A_160 : memref<1x256xi32, #tpu.memory_space<hbm>> -> memref<256xi32, #tpu.memory_space<hbm>>
      tpu.enqueue_dma source(%dma_start3A_161 : memref<256xi32, #tpu.memory_space<hbm>>) target(%arg7 : memref<256xi32, #tpu.memory_space<vmem>>) target_semaphore(%run_scoped3A : memref<!tpu.dma_semaphore, #tpu.memory_space<semaphore_mem>>)
      %dma_wait3A = tpu.memref_slice %arg3[%arg0, %multiple_of3A_97] : memref<2x4096xi32, #tpu.memory_space<hbm>> -> memref<1x256xi32, #tpu.memory_space<hbm>>
      %dma_wait3A_162 = tpu.memref_squeeze %dma_wait3A : memref<1x256xi32, #tpu.memory_space<hbm>> -> memref<256xi32, #tpu.memory_space<hbm>>
      %dma_wait3A_163 = tpu.memref_slice %arg3[%arg0, %multiple_of3A_97] : memref<2x4096xi32, #tpu.memory_space<hbm>> -> memref<1x256xi32, #tpu.memory_space<hbm>>
      %dma_wait3A_164 = tpu.memref_squeeze %dma_wait3A_163 : memref<1x256xi32, #tpu.memory_space<hbm>> -> memref<256xi32, #tpu.memory_space<hbm>>
      tpu.wait_dma2 semaphore(%run_scoped3A : memref<!tpu.dma_semaphore, #tpu.memory_space<semaphore_mem>>) src(%dma_wait3A_164 : memref<256xi32, #tpu.memory_space<hbm>>) dst(%arg7 : memref<256xi32, #tpu.memory_space<vmem>>)
      tpu.yield
    }) : () -> ()
    "tpu.region"() ({
      %run_scoped3A = tpu.sem_alloc : memref<!tpu.dma_semaphore, #tpu.memory_space<semaphore_mem>>
      %dma_start3A = tpu.memref_slice %arg2[%arg0, %multiple_of3A_97, %multiple_of3A] : memref<2x4096x256xf32, #tpu.memory_space<hbm>> -> memref<1x256x128xf32, #tpu.memory_space<hbm>>
      %dma_start3A_159 = tpu.memref_squeeze %dma_start3A : memref<1x256x128xf32, #tpu.memory_space<hbm>> -> memref<256x128xf32, #tpu.memory_space<hbm>>
      %dma_start3A_160 = tpu.memref_slice %arg2[%arg0, %multiple_of3A_97, %multiple_of3A] : memref<2x4096x256xf32, #tpu.memory_space<hbm>> -> memref<1x256x128xf32, #tpu.memory_space<hbm>>
      %dma_start3A_161 = tpu.memref_squeeze %dma_start3A_160 : memref<1x256x128xf32, #tpu.memory_space<hbm>> -> memref<256x128xf32, #tpu.memory_space<hbm>>
      tpu.enqueue_dma source(%dma_start3A_161 : memref<256x128xf32, #tpu.memory_space<hbm>>) target(%arg6 : memref<256x128xf32, #tpu.memory_space<vmem>>) target_semaphore(%run_scoped3A : memref<!tpu.dma_semaphore, #tpu.memory_space<semaphore_mem>>)
      %dma_wait3A = tpu.memref_slice %arg2[%arg0, %multiple_of3A_97, %multiple_of3A] : memref<2x4096x256xf32, #tpu.memory_space<hbm>> -> memref<1x256x128xf32, #tpu.memory_space<hbm>>
      %dma_wait3A_162 = tpu.memref_squeeze %dma_wait3A : memref<1x256x128xf32, #tpu.memory_space<hbm>> -> memref<256x128xf32, #tpu.memory_space<hbm>>
      %dma_wait3A_163 = tpu.memref_slice %arg2[%arg0, %multiple_of3A_97, %multiple_of3A] : memref<2x4096x256xf32, #tpu.memory_space<hbm>> -> memref<1x256x128xf32, #tpu.memory_space<hbm>>
      %dma_wait3A_164 = tpu.memref_squeeze %dma_wait3A_163 : memref<1x256x128xf32, #tpu.memory_space<hbm>> -> memref<256x128xf32, #tpu.memory_space<hbm>>
      tpu.wait_dma2 semaphore(%run_scoped3A : memref<!tpu.dma_semaphore, #tpu.memory_space<semaphore_mem>>) src(%dma_wait3A_164 : memref<256x128xf32, #tpu.memory_space<hbm>>) dst(%arg6 : memref<256x128xf32, #tpu.memory_space<vmem>>)
      tpu.yield
    }) : () -> ()
    %scan3A_98 = arith.constant 0 : i32
    %scan3A_99 = arith.constant 0 : i32
    %scan3A_100 = arith.constant 32 : i32
    %scan3A_101 = arith.addi %scan3A_99, %scan3A_100 : i32
    %scan3A_102 = arith.constant 1 : i32
    scf.for %scan3A_159 = %scan3A_99 to %scan3A_101 step %scan3A_102  : i32 {
      %mul3A_160 = arith.constant 8 : i32
      %mul3A_161 = arith.muli %scan3A_159, %mul3A_160 : i32
      %add3A_162 = arith.constant 0 : i32
      %add3A_163 = arith.addi %mul3A_161, %add3A_162 : i32
      %broadcast_in_dim3A = vector.broadcast %add3A_163 : i32 to vector<16xi32>
      %gather3A = tpu.vector_load_idx %arg7[%broadcast_in_dim3A] : memref<256xi32, #tpu.memory_space<vmem>>[vector<16xi32>], vector<16xi32>,
      %mul3A_164 = arith.constant 32 : i32
      %mul3A_165 = vector.broadcast %mul3A_164 : i32 to vector<16xi32>
      %mul3A_166 = arith.muli %gather3A, %mul3A_165 : vector<16xi32>
      %add3A_167 = arith.constant 0 : i32
      %add3A_168 = vector.broadcast %add3A_167 : i32 to vector<16xi32>
      %add3A_169 = arith.addi %mul3A_166, %add3A_168 : vector<16xi32>
      %add3A_170 = arith.addi %add3A_169, %iota3A : vector<16xi32>
      %add3A_171 = arith.constant 0 : i32
      %add3A_172 = arith.addi %add3A_171, %mul3A_45 : i32
      %add3A_173 = vector.broadcast %add3A_172 : i32 to vector<16xi32>
      %add3A_174 = arith.addi %iota3A, %add3A_173 : vector<16xi32>
      %gather3A_175 = tpu.vector_load_idx %arg6[%broadcast_in_dim3A, %add3A_174] : memref<256x128xf32, #tpu.memory_space<vmem>>[vector<16xi32>, vector<16xi32>], vector<16xf32>,
      %shift_right_logical3A = arith.constant 7 : i32
      %shift_right_logical3A_176 = vector.broadcast %shift_right_logical3A : i32 to vector<16xi32>
      %shift_right_logical3A_177 = arith.shrui %add3A_170, %shift_right_logical3A_176 : vector<16xi32>
      %and3A_178 = arith.constant 127 : i32
      %and3A_179 = vector.broadcast %and3A_178 : i32 to vector<16xi32>
      %and3A_180 = arith.andi %add3A_170, %and3A_179 : vector<16xi32>
      tpu.vector_store_idx %arg8[%shift_right_logical3A_177, %and3A_180], %gather3A_175 {add = true} : memref<256x128xf32, #tpu.memory_space<vmem>>[vector<16xi32>, vector<16xi32>], vector<16xf32>,
      %add3A_181 = arith.constant 16 : i32
      %add3A_182 = vector.broadcast %add3A_181 : i32 to vector<16xi32>
      %add3A_183 = arith.addi %mul3A_166, %add3A_182 : vector<16xi32>
      %add3A_184 = arith.addi %add3A_183, %iota3A : vector<16xi32>
      %add3A_185 = arith.constant 16 : i32
      %add3A_186 = arith.addi %add3A_185, %mul3A_45 : i32
      %add3A_187 = vector.broadcast %add3A_186 : i32 to vector<16xi32>
      %add3A_188 = arith.addi %iota3A, %add3A_187 : vector<16xi32>
      %gather3A_189 = tpu.vector_load_idx %arg6[%broadcast_in_dim3A, %add3A_188] : memref<256x128xf32, #tpu.memory_space<vmem>>[vector<16xi32>, vector<16xi32>], vector<16xf32>,
      %shift_right_logical3A_190 = arith.constant 7 : i32
      %shift_right_logical3A_191 = vector.broadcast %shift_right_logical3A_190 : i32 to vector<16xi32>
      %shift_right_logical3A_192 = arith.shrui %add3A_184, %shift_right_logical3A_191 : vector<16xi32>
      %and3A_193 = arith.constant 127 : i32
      %and3A_194 = vector.broadcast %and3A_193 : i32 to vector<16xi32>
      %and3A_195 = arith.andi %add3A_184, %and3A_194 : vector<16xi32>
      tpu.vector_store_idx %arg8[%shift_right_logical3A_192, %and3A_195], %gather3A_189 {add = true} : memref<256x128xf32, #tpu.memory_space<vmem>>[vector<16xi32>, vector<16xi32>], vector<16xf32>,
      %mul3A_196 = arith.constant 8 : i32
      %mul3A_197 = arith.muli %scan3A_159, %mul3A_196 : i32
      %add3A_198 = arith.constant 1 : i32
      %add3A_199 = arith.addi %mul3A_197, %add3A_198 : i32
      %broadcast_in_dim3A_200 = vector.broadcast %add3A_199 : i32 to vector<16xi32>
      %gather3A_201 = tpu.vector_load_idx %arg7[%broadcast_in_dim3A_200] : memref<256xi32, #tpu.memory_space<vmem>>[vector<16xi32>], vector<16xi32>,
      %mul3A_202 = arith.constant 32 : i32
      %mul3A_203 = vector.broadcast %mul3A_202 : i32 to vector<16xi32>
      %mul3A_204 = arith.muli %gather3A_201, %mul3A_203 : vector<16xi32>
      %add3A_205 = arith.constant 0 : i32
      %add3A_206 = vector.broadcast %add3A_205 : i32 to vector<16xi32>
      %add3A_207 = arith.addi %mul3A_204, %add3A_206 : vector<16xi32>
      %add3A_208 = arith.addi %add3A_207, %iota3A : vector<16xi32>
      %add3A_209 = arith.constant 0 : i32
      %add3A_210 = arith.addi %add3A_209, %mul3A_45 : i32
      %add3A_211 = vector.broadcast %add3A_210 : i32 to vector<16xi32>
      %add3A_212 = arith.addi %iota3A, %add3A_211 : vector<16xi32>
      %gather3A_213 = tpu.vector_load_idx %arg6[%broadcast_in_dim3A_200, %add3A_212] : memref<256x128xf32, #tpu.memory_space<vmem>>[vector<16xi32>, vector<16xi32>], vector<16xf32>,
      %shift_right_logical3A_214 = arith.constant 7 : i32
      %shift_right_logical3A_215 = vector.broadcast %shift_right_logical3A_214 : i32 to vector<16xi32>
      %shift_right_logical3A_216 = arith.shrui %add3A_208, %shift_right_logical3A_215 : vector<16xi32>
      %and3A_217 = arith.constant 127 : i32
      %and3A_218 = vector.broadcast %and3A_217 : i32 to vector<16xi32>
      %and3A_219 = arith.andi %add3A_208, %and3A_218 : vector<16xi32>
      tpu.vector_store_idx %arg8[%shift_right_logical3A_216, %and3A_219], %gather3A_213 {add = true} : memref<256x128xf32, #tpu.memory_space<vmem>>[vector<16xi32>, vector<16xi32>], vector<16xf32>,
      %add3A_220 = arith.constant 16 : i32
      %add3A_221 = vector.broadcast %add3A_220 : i32 to vector<16xi32>
      %add3A_222 = arith.addi %mul3A_204, %add3A_221 : vector<16xi32>
      %add3A_223 = arith.addi %add3A_222, %iota3A : vector<16xi32>
      %add3A_224 = arith.constant 16 : i32
      %add3A_225 = arith.addi %add3A_224, %mul3A_45 : i32
      %add3A_226 = vector.broadcast %add3A_225 : i32 to vector<16xi32>
      %add3A_227 = arith.addi %iota3A, %add3A_226 : vector<16xi32>
      %gather3A_228 = tpu.vector_load_idx %arg6[%broadcast_in_dim3A_200, %add3A_227] : memref<256x128xf32, #tpu.memory_space<vmem>>[vector<16xi32>, vector<16xi32>], vector<16xf32>,
      %shift_right_logical3A_229 = arith.constant 7 : i32
      %shift_right_logical3A_230 = vector.broadcast %shift_right_logical3A_229 : i32 to vector<16xi32>
      %shift_right_logical3A_231 = arith.shrui %add3A_223, %shift_right_logical3A_230 : vector<16xi32>
      %and3A_232 = arith.constant 127 : i32
      %and3A_233 = vector.broadcast %and3A_232 : i32 to vector<16xi32>
      %and3A_234 = arith.andi %add3A_223, %and3A_233 : vector<16xi32>
      tpu.vector_store_idx %arg8[%shift_right_logical3A_231, %and3A_234], %gather3A_228 {add = true} : memref<256x128xf32, #tpu.memory_space<vmem>>[vector<16xi32>, vector<16xi32>], vector<16xf32>,
      %mul3A_235 = arith.constant 8 : i32
      %mul3A_236 = arith.muli %scan3A_159, %mul3A_235 : i32
      %add3A_237 = arith.constant 2 : i32
      %add3A_238 = arith.addi %mul3A_236, %add3A_237 : i32
      %broadcast_in_dim3A_239 = vector.broadcast %add3A_238 : i32 to vector<16xi32>
      %gather3A_240 = tpu.vector_load_idx %arg7[%broadcast_in_dim3A_239] : memref<256xi32, #tpu.memory_space<vmem>>[vector<16xi32>], vector<16xi32>,
      %mul3A_241 = arith.constant 32 : i32
      %mul3A_242 = vector.broadcast %mul3A_241 : i32 to vector<16xi32>
      %mul3A_243 = arith.muli %gather3A_240, %mul3A_242 : vector<16xi32>
      %add3A_244 = arith.constant 0 : i32
      %add3A_245 = vector.broadcast %add3A_244 : i32 to vector<16xi32>
      %add3A_246 = arith.addi %mul3A_243, %add3A_245 : vector<16xi32>
      %add3A_247 = arith.addi %add3A_246, %iota3A : vector<16xi32>
      %add3A_248 = arith.constant 0 : i32
      %add3A_249 = arith.addi %add3A_248, %mul3A_45 : i32
      %add3A_250 = vector.broadcast %add3A_249 : i32 to vector<16xi32>
      %add3A_251 = arith.addi %iota3A, %add3A_250 : vector<16xi32>
      %gather3A_252 = tpu.vector_load_idx %arg6[%broadcast_in_dim3A_239, %add3A_251] : memref<256x128xf32, #tpu.memory_space<vmem>>[vector<16xi32>, vector<16xi32>], vector<16xf32>,
      %shift_right_logical3A_253 = arith.constant 7 : i32
      %shift_right_logical3A_254 = vector.broadcast %shift_right_logical3A_253 : i32 to vector<16xi32>
      %shift_right_logical3A_255 = arith.shrui %add3A_247, %shift_right_logical3A_254 : vector<16xi32>
      %and3A_256 = arith.constant 127 : i32
      %and3A_257 = vector.broadcast %and3A_256 : i32 to vector<16xi32>
      %and3A_258 = arith.andi %add3A_247, %and3A_257 : vector<16xi32>
      tpu.vector_store_idx %arg8[%shift_right_logical3A_255, %and3A_258], %gather3A_252 {add = true} : memref<256x128xf32, #tpu.memory_space<vmem>>[vector<16xi32>, vector<16xi32>], vector<16xf32>,
      %add3A_259 = arith.constant 16 : i32
      %add3A_260 = vector.broadcast %add3A_259 : i32 to vector<16xi32>
      %add3A_261 = arith.addi %mul3A_243, %add3A_260 : vector<16xi32>
      %add3A_262 = arith.addi %add3A_261, %iota3A : vector<16xi32>
      %add3A_263 = arith.constant 16 : i32
      %add3A_264 = arith.addi %add3A_263, %mul3A_45 : i32
      %add3A_265 = vector.broadcast %add3A_264 : i32 to vector<16xi32>
      %add3A_266 = arith.addi %iota3A, %add3A_265 : vector<16xi32>
      %gather3A_267 = tpu.vector_load_idx %arg6[%broadcast_in_dim3A_239, %add3A_266] : memref<256x128xf32, #tpu.memory_space<vmem>>[vector<16xi32>, vector<16xi32>], vector<16xf32>,
      %shift_right_logical3A_268 = arith.constant 7 : i32
      %shift_right_logical3A_269 = vector.broadcast %shift_right_logical3A_268 : i32 to vector<16xi32>
      %shift_right_logical3A_270 = arith.shrui %add3A_262, %shift_right_logical3A_269 : vector<16xi32>
      %and3A_271 = arith.constant 127 : i32
      %and3A_272 = vector.broadcast %and3A_271 : i32 to vector<16xi32>
      %and3A_273 = arith.andi %add3A_262, %and3A_272 : vector<16xi32>
      tpu.vector_store_idx %arg8[%shift_right_logical3A_270, %and3A_273], %gather3A_267 {add = true} : memref<256x128xf32, #tpu.memory_space<vmem>>[vector<16xi32>, vector<16xi32>], vector<16xf32>,
      %mul3A_274 = arith.constant 8 : i32
      %mul3A_275 = arith.muli %scan3A_159, %mul3A_274 : i32
      %add3A_276 = arith.constant 3 : i32
      %add3A_277 = arith.addi %mul3A_275, %add3A_276 : i32
      %broadcast_in_dim3A_278 = vector.broadcast %add3A_277 : i32 to vector<16xi32>
      %gather3A_279 = tpu.vector_load_idx %arg7[%broadcast_in_dim3A_278] : memref<256xi32, #tpu.memory_space<vmem>>[vector<16xi32>], vector<16xi32>,
      %mul3A_280 = arith.constant 32 : i32
      %mul3A_281 = vector.broadcast %mul3A_280 : i32 to vector<16xi32>
      %mul3A_282 = arith.muli %gather3A_279, %mul3A_281 : vector<16xi32>
      %add3A_283 = arith.constant 0 : i32
      %add3A_284 = vector.broadcast %add3A_283 : i32 to vector<16xi32>
      %add3A_285 = arith.addi %mul3A_282, %add3A_284 : vector<16xi32>
      %add3A_286 = arith.addi %add3A_285, %iota3A : vector<16xi32>
      %add3A_287 = arith.constant 0 : i32
      %add3A_288 = arith.addi %add3A_287, %mul3A_45 : i32
      %add3A_289 = vector.broadcast %add3A_288 : i32 to vector<16xi32>
      %add3A_290 = arith.addi %iota3A, %add3A_289 : vector<16xi32>
      %gather3A_291 = tpu.vector_load_idx %arg6[%broadcast_in_dim3A_278, %add3A_290] : memref<256x128xf32, #tpu.memory_space<vmem>>[vector<16xi32>, vector<16xi32>], vector<16xf32>,
      %shift_right_logical3A_292 = arith.constant 7 : i32
      %shift_right_logical3A_293 = vector.broadcast %shift_right_logical3A_292 : i32 to vector<16xi32>
      %shift_right_logical3A_294 = arith.shrui %add3A_286, %shift_right_logical3A_293 : vector<16xi32>
      %and3A_295 = arith.constant 127 : i32
      %and3A_296 = vector.broadcast %and3A_295 : i32 to vector<16xi32>
      %and3A_297 = arith.andi %add3A_286, %and3A_296 : vector<16xi32>
      tpu.vector_store_idx %arg8[%shift_right_logical3A_294, %and3A_297], %gather3A_291 {add = true} : memref<256x128xf32, #tpu.memory_space<vmem>>[vector<16xi32>, vector<16xi32>], vector<16xf32>,
      %add3A_298 = arith.constant 16 : i32
      %add3A_299 = vector.broadcast %add3A_298 : i32 to vector<16xi32>
      %add3A_300 = arith.addi %mul3A_282, %add3A_299 : vector<16xi32>
      %add3A_301 = arith.addi %add3A_300, %iota3A : vector<16xi32>
      %add3A_302 = arith.constant 16 : i32
      %add3A_303 = arith.addi %add3A_302, %mul3A_45 : i32
      %add3A_304 = vector.broadcast %add3A_303 : i32 to vector<16xi32>
      %add3A_305 = arith.addi %iota3A, %add3A_304 : vector<16xi32>
      %gather3A_306 = tpu.vector_load_idx %arg6[%broadcast_in_dim3A_278, %add3A_305] : memref<256x128xf32, #tpu.memory_space<vmem>>[vector<16xi32>, vector<16xi32>], vector<16xf32>,
      %shift_right_logical3A_307 = arith.constant 7 : i32
      %shift_right_logical3A_308 = vector.broadcast %shift_right_logical3A_307 : i32 to vector<16xi32>
      %shift_right_logical3A_309 = arith.shrui %add3A_301, %shift_right_logical3A_308 : vector<16xi32>
      %and3A_310 = arith.constant 127 : i32
      %and3A_311 = vector.broadcast %and3A_310 : i32 to vector<16xi32>
      %and3A_312 = arith.andi %add3A_301, %and3A_311 : vector<16xi32>
      tpu.vector_store_idx %arg8[%shift_right_logical3A_309, %and3A_312], %gather3A_306 {add = true} : memref<256x128xf32, #tpu.memory_space<vmem>>[vector<16xi32>, vector<16xi32>], vector<16xf32>,
      %mul3A_313 = arith.constant 8 : i32
      %mul3A_314 = arith.muli %scan3A_159, %mul3A_313 : i32
      %add3A_315 = arith.constant 4 : i32
      %add3A_316 = arith.addi %mul3A_314, %add3A_315 : i32
      %broadcast_in_dim3A_317 = vector.broadcast %add3A_316 : i32 to vector<16xi32>
      %gather3A_318 = tpu.vector_load_idx %arg7[%broadcast_in_dim3A_317] : memref<256xi32, #tpu.memory_space<vmem>>[vector<16xi32>], vector<16xi32>,
      %mul3A_319 = arith.constant 32 : i32
      %mul3A_320 = vector.broadcast %mul3A_319 : i32 to vector<16xi32>
      %mul3A_321 = arith.muli %gather3A_318, %mul3A_320 : vector<16xi32>
      %add3A_322 = arith.constant 0 : i32
      %add3A_323 = vector.broadcast %add3A_322 : i32 to vector<16xi32>
      %add3A_324 = arith.addi %mul3A_321, %add3A_323 : vector<16xi32>
      %add3A_325 = arith.addi %add3A_324, %iota3A : vector<16xi32>
      %add3A_326 = arith.constant 0 : i32
      %add3A_327 = arith.addi %add3A_326, %mul3A_45 : i32
      %add3A_328 = vector.broadcast %add3A_327 : i32 to vector<16xi32>
      %add3A_329 = arith.addi %iota3A, %add3A_328 : vector<16xi32>
      %gather3A_330 = tpu.vector_load_idx %arg6[%broadcast_in_dim3A_317, %add3A_329] : memref<256x128xf32, #tpu.memory_space<vmem>>[vector<16xi32>, vector<16xi32>], vector<16xf32>,
      %shift_right_logical3A_331 = arith.constant 7 : i32
      %shift_right_logical3A_332 = vector.broadcast %shift_right_logical3A_331 : i32 to vector<16xi32>
      %shift_right_logical3A_333 = arith.shrui %add3A_325, %shift_right_logical3A_332 : vector<16xi32>
      %and3A_334 = arith.constant 127 : i32
      %and3A_335 = vector.broadcast %and3A_334 : i32 to vector<16xi32>
      %and3A_336 = arith.andi %add3A_325, %and3A_335 : vector<16xi32>
      tpu.vector_store_idx %arg8[%shift_right_logical3A_333, %and3A_336], %gather3A_330 {add = true} : memref<256x128xf32, #tpu.memory_space<vmem>>[vector<16xi32>, vector<16xi32>], vector<16xf32>,
      %add3A_337 = arith.constant 16 : i32
      %add3A_338 = vector.broadcast %add3A_337 : i32 to vector<16xi32>
      %add3A_339 = arith.addi %mul3A_321, %add3A_338 : vector<16xi32>
      %add3A_340 = arith.addi %add3A_339, %iota3A : vector<16xi32>
      %add3A_341 = arith.constant 16 : i32
      %add3A_342 = arith.addi %add3A_341, %mul3A_45 : i32
      %add3A_343 = vector.broadcast %add3A_342 : i32 to vector<16xi32>
      %add3A_344 = arith.addi %iota3A, %add3A_343 : vector<16xi32>
      %gather3A_345 = tpu.vector_load_idx %arg6[%broadcast_in_dim3A_317, %add3A_344] : memref<256x128xf32, #tpu.memory_space<vmem>>[vector<16xi32>, vector<16xi32>], vector<16xf32>,
      %shift_right_logical3A_346 = arith.constant 7 : i32
      %shift_right_logical3A_347 = vector.broadcast %shift_right_logical3A_346 : i32 to vector<16xi32>
      %shift_right_logical3A_348 = arith.shrui %add3A_340, %shift_right_logical3A_347 : vector<16xi32>
      %and3A_349 = arith.constant 127 : i32
      %and3A_350 = vector.broadcast %and3A_349 : i32 to vector<16xi32>
      %and3A_351 = arith.andi %add3A_340, %and3A_350 : vector<16xi32>
      tpu.vector_store_idx %arg8[%shift_right_logical3A_348, %and3A_351], %gather3A_345 {add = true} : memref<256x128xf32, #tpu.memory_space<vmem>>[vector<16xi32>, vector<16xi32>], vector<16xf32>,
      %mul3A_352 = arith.constant 8 : i32
      %mul3A_353 = arith.muli %scan3A_159, %mul3A_352 : i32
      %add3A_354 = arith.constant 5 : i32
      %add3A_355 = arith.addi %mul3A_353, %add3A_354 : i32
      %broadcast_in_dim3A_356 = vector.broadcast %add3A_355 : i32 to vector<16xi32>
      %gather3A_357 = tpu.vector_load_idx %arg7[%broadcast_in_dim3A_356] : memref<256xi32, #tpu.memory_space<vmem>>[vector<16xi32>], vector<16xi32>,
      %mul3A_358 = arith.constant 32 : i32
      %mul3A_359 = vector.broadcast %mul3A_358 : i32 to vector<16xi32>
      %mul3A_360 = arith.muli %gather3A_357, %mul3A_359 : vector<16xi32>
      %add3A_361 = arith.constant 0 : i32
      %add3A_362 = vector.broadcast %add3A_361 : i32 to vector<16xi32>
      %add3A_363 = arith.addi %mul3A_360, %add3A_362 : vector<16xi32>
      %add3A_364 = arith.addi %add3A_363, %iota3A : vector<16xi32>
      %add3A_365 = arith.constant 0 : i32
      %add3A_366 = arith.addi %add3A_365, %mul3A_45 : i32
      %add3A_367 = vector.broadcast %add3A_366 : i32 to vector<16xi32>
      %add3A_368 = arith.addi %iota3A, %add3A_367 : vector<16xi32>
      %gather3A_369 = tpu.vector_load_idx %arg6[%broadcast_in_dim3A_356, %add3A_368] : memref<256x128xf32, #tpu.memory_space<vmem>>[vector<16xi32>, vector<16xi32>], vector<16xf32>,
      %shift_right_logical3A_370 = arith.constant 7 : i32
      %shift_right_logical3A_371 = vector.broadcast %shift_right_logical3A_370 : i32 to vector<16xi32>
      %shift_right_logical3A_372 = arith.shrui %add3A_364, %shift_right_logical3A_371 : vector<16xi32>
      %and3A_373 = arith.constant 127 : i32
      %and3A_374 = vector.broadcast %and3A_373 : i32 to vector<16xi32>
      %and3A_375 = arith.andi %add3A_364, %and3A_374 : vector<16xi32>
      tpu.vector_store_idx %arg8[%shift_right_logical3A_372, %and3A_375], %gather3A_369 {add = true} : memref<256x128xf32, #tpu.memory_space<vmem>>[vector<16xi32>, vector<16xi32>], vector<16xf32>,
      %add3A_376 = arith.constant 16 : i32
      %add3A_377 = vector.broadcast %add3A_376 : i32 to vector<16xi32>
      %add3A_378 = arith.addi %mul3A_360, %add3A_377 : vector<16xi32>
      %add3A_379 = arith.addi %add3A_378, %iota3A : vector<16xi32>
      %add3A_380 = arith.constant 16 : i32
      %add3A_381 = arith.addi %add3A_380, %mul3A_45 : i32
      %add3A_382 = vector.broadcast %add3A_381 : i32 to vector<16xi32>
      %add3A_383 = arith.addi %iota3A, %add3A_382 : vector<16xi32>
      %gather3A_384 = tpu.vector_load_idx %arg6[%broadcast_in_dim3A_356, %add3A_383] : memref<256x128xf32, #tpu.memory_space<vmem>>[vector<16xi32>, vector<16xi32>], vector<16xf32>,
      %shift_right_logical3A_385 = arith.constant 7 : i32
      %shift_right_logical3A_386 = vector.broadcast %shift_right_logical3A_385 : i32 to vector<16xi32>
      %shift_right_logical3A_387 = arith.shrui %add3A_379, %shift_right_logical3A_386 : vector<16xi32>
      %and3A_388 = arith.constant 127 : i32
      %and3A_389 = vector.broadcast %and3A_388 : i32 to vector<16xi32>
      %and3A_390 = arith.andi %add3A_379, %and3A_389 : vector<16xi32>
      tpu.vector_store_idx %arg8[%shift_right_logical3A_387, %and3A_390], %gather3A_384 {add = true} : memref<256x128xf32, #tpu.memory_space<vmem>>[vector<16xi32>, vector<16xi32>], vector<16xf32>,
      %mul3A_391 = arith.constant 8 : i32
      %mul3A_392 = arith.muli %scan3A_159, %mul3A_391 : i32
      %add3A_393 = arith.constant 6 : i32
      %add3A_394 = arith.addi %mul3A_392, %add3A_393 : i32
      %broadcast_in_dim3A_395 = vector.broadcast %add3A_394 : i32 to vector<16xi32>
      %gather3A_396 = tpu.vector_load_idx %arg7[%broadcast_in_dim3A_395] : memref<256xi32, #tpu.memory_space<vmem>>[vector<16xi32>], vector<16xi32>,
      %mul3A_397 = arith.constant 32 : i32
      %mul3A_398 = vector.broadcast %mul3A_397 : i32 to vector<16xi32>
      %mul3A_399 = arith.muli %gather3A_396, %mul3A_398 : vector<16xi32>
      %add3A_400 = arith.constant 0 : i32
      %add3A_401 = vector.broadcast %add3A_400 : i32 to vector<16xi32>
      %add3A_402 = arith.addi %mul3A_399, %add3A_401 : vector<16xi32>
      %add3A_403 = arith.addi %add3A_402, %iota3A : vector<16xi32>
      %add3A_404 = arith.constant 0 : i32
      %add3A_405 = arith.addi %add3A_404, %mul3A_45 : i32
      %add3A_406 = vector.broadcast %add3A_405 : i32 to vector<16xi32>
      %add3A_407 = arith.addi %iota3A, %add3A_406 : vector<16xi32>
      %gather3A_408 = tpu.vector_load_idx %arg6[%broadcast_in_dim3A_395, %add3A_407] : memref<256x128xf32, #tpu.memory_space<vmem>>[vector<16xi32>, vector<16xi32>], vector<16xf32>,
      %shift_right_logical3A_409 = arith.constant 7 : i32
      %shift_right_logical3A_410 = vector.broadcast %shift_right_logical3A_409 : i32 to vector<16xi32>
      %shift_right_logical3A_411 = arith.shrui %add3A_403, %shift_right_logical3A_410 : vector<16xi32>
      %and3A_412 = arith.constant 127 : i32
      %and3A_413 = vector.broadcast %and3A_412 : i32 to vector<16xi32>
      %and3A_414 = arith.andi %add3A_403, %and3A_413 : vector<16xi32>
      tpu.vector_store_idx %arg8[%shift_right_logical3A_411, %and3A_414], %gather3A_408 {add = true} : memref<256x128xf32, #tpu.memory_space<vmem>>[vector<16xi32>, vector<16xi32>], vector<16xf32>,
      %add3A_415 = arith.constant 16 : i32
      %add3A_416 = vector.broadcast %add3A_415 : i32 to vector<16xi32>
      %add3A_417 = arith.addi %mul3A_399, %add3A_416 : vector<16xi32>
      %add3A_418 = arith.addi %add3A_417, %iota3A : vector<16xi32>
      %add3A_419 = arith.constant 16 : i32
      %add3A_420 = arith.addi %add3A_419, %mul3A_45 : i32
      %add3A_421 = vector.broadcast %add3A_420 : i32 to vector<16xi32>
      %add3A_422 = arith.addi %iota3A, %add3A_421 : vector<16xi32>
      %gather3A_423 = tpu.vector_load_idx %arg6[%broadcast_in_dim3A_395, %add3A_422] : memref<256x128xf32, #tpu.memory_space<vmem>>[vector<16xi32>, vector<16xi32>], vector<16xf32>,
      %shift_right_logical3A_424 = arith.constant 7 : i32
      %shift_right_logical3A_425 = vector.broadcast %shift_right_logical3A_424 : i32 to vector<16xi32>
      %shift_right_logical3A_426 = arith.shrui %add3A_418, %shift_right_logical3A_425 : vector<16xi32>
      %and3A_427 = arith.constant 127 : i32
      %and3A_428 = vector.broadcast %and3A_427 : i32 to vector<16xi32>
      %and3A_429 = arith.andi %add3A_418, %and3A_428 : vector<16xi32>
      tpu.vector_store_idx %arg8[%shift_right_logical3A_426, %and3A_429], %gather3A_423 {add = true} : memref<256x128xf32, #tpu.memory_space<vmem>>[vector<16xi32>, vector<16xi32>], vector<16xf32>,
      %mul3A_430 = arith.constant 8 : i32
      %mul3A_431 = arith.muli %scan3A_159, %mul3A_430 : i32
      %add3A_432 = arith.constant 7 : i32
      %add3A_433 = arith.addi %mul3A_431, %add3A_432 : i32
      %broadcast_in_dim3A_434 = vector.broadcast %add3A_433 : i32 to vector<16xi32>
      %gather3A_435 = tpu.vector_load_idx %arg7[%broadcast_in_dim3A_434] : memref<256xi32, #tpu.memory_space<vmem>>[vector<16xi32>], vector<16xi32>,
      %mul3A_436 = arith.constant 32 : i32
      %mul3A_437 = vector.broadcast %mul3A_436 : i32 to vector<16xi32>
      %mul3A_438 = arith.muli %gather3A_435, %mul3A_437 : vector<16xi32>
      %add3A_439 = arith.constant 0 : i32
      %add3A_440 = vector.broadcast %add3A_439 : i32 to vector<16xi32>
      %add3A_441 = arith.addi %mul3A_438, %add3A_440 : vector<16xi32>
      %add3A_442 = arith.addi %add3A_441, %iota3A : vector<16xi32>
      %add3A_443 = arith.constant 0 : i32
      %add3A_444 = arith.addi %add3A_443, %mul3A_45 : i32
      %add3A_445 = vector.broadcast %add3A_444 : i32 to vector<16xi32>
      %add3A_446 = arith.addi %iota3A, %add3A_445 : vector<16xi32>
      %gather3A_447 = tpu.vector_load_idx %arg6[%broadcast_in_dim3A_434, %add3A_446] : memref<256x128xf32, #tpu.memory_space<vmem>>[vector<16xi32>, vector<16xi32>], vector<16xf32>,
      %shift_right_logical3A_448 = arith.constant 7 : i32
      %shift_right_logical3A_449 = vector.broadcast %shift_right_logical3A_448 : i32 to vector<16xi32>
      %shift_right_logical3A_450 = arith.shrui %add3A_442, %shift_right_logical3A_449 : vector<16xi32>
      %and3A_451 = arith.constant 127 : i32
      %and3A_452 = vector.broadcast %and3A_451 : i32 to vector<16xi32>
      %and3A_453 = arith.andi %add3A_442, %and3A_452 : vector<16xi32>
      tpu.vector_store_idx %arg8[%shift_right_logical3A_450, %and3A_453], %gather3A_447 {add = true} : memref<256x128xf32, #tpu.memory_space<vmem>>[vector<16xi32>, vector<16xi32>], vector<16xf32>,
      %add3A_454 = arith.constant 16 : i32
      %add3A_455 = vector.broadcast %add3A_454 : i32 to vector<16xi32>
      %add3A_456 = arith.addi %mul3A_438, %add3A_455 : vector<16xi32>
      %add3A_457 = arith.addi %add3A_456, %iota3A : vector<16xi32>
      %add3A_458 = arith.constant 16 : i32
      %add3A_459 = arith.addi %add3A_458, %mul3A_45 : i32
      %add3A_460 = vector.broadcast %add3A_459 : i32 to vector<16xi32>
      %add3A_461 = arith.addi %iota3A, %add3A_460 : vector<16xi32>
      %gather3A_462 = tpu.vector_load_idx %arg6[%broadcast_in_dim3A_434, %add3A_461] : memref<256x128xf32, #tpu.memory_space<vmem>>[vector<16xi32>, vector<16xi32>], vector<16xf32>,
      %shift_right_logical3A_463 = arith.constant 7 : i32
      %shift_right_logical3A_464 = vector.broadcast %shift_right_logical3A_463 : i32 to vector<16xi32>
      %shift_right_logical3A_465 = arith.shrui %add3A_457, %shift_right_logical3A_464 : vector<16xi32>
      %and3A_466 = arith.constant 127 : i32
      %and3A_467 = vector.broadcast %and3A_466 : i32 to vector<16xi32>
      %and3A_468 = arith.andi %add3A_457, %and3A_467 : vector<16xi32>
      tpu.vector_store_idx %arg8[%shift_right_logical3A_465, %and3A_468], %gather3A_462 {add = true} : memref<256x128xf32, #tpu.memory_space<vmem>>[vector<16xi32>, vector<16xi32>], vector<16xf32>,
    }
    %scan3A_103 = arith.constant 32 : i32
    %mul3A_104 = arith.constant 2048 : i32
    %mul3A_105 = arith.muli %select_n3A_69, %mul3A_104 : i32
    %add3A_106 = arith.constant 768 : i32
    %add3A_107 = arith.addi %mul3A_105, %add3A_106 : i32
    %multiple_of3A_108 = tpu.assume_multiple %add3A_107, 256 : i32
    "tpu.region"() ({
      %run_scoped3A = tpu.sem_alloc : memref<!tpu.dma_semaphore, #tpu.memory_space<semaphore_mem>>
      %dma_start3A = tpu.memref_slice %arg3[%arg0, %multiple_of3A_108] : memref<2x4096xi32, #tpu.memory_space<hbm>> -> memref<1x256xi32, #tpu.memory_space<hbm>>
      %dma_start3A_159 = tpu.memref_squeeze %dma_start3A : memref<1x256xi32, #tpu.memory_space<hbm>> -> memref<256xi32, #tpu.memory_space<hbm>>
      %dma_start3A_160 = tpu.memref_slice %arg3[%arg0, %multiple_of3A_108] : memref<2x4096xi32, #tpu.memory_space<hbm>> -> memref<1x256xi32, #tpu.memory_space<hbm>>
      %dma_start3A_161 = tpu.memref_squeeze %dma_start3A_160 : memref<1x256xi32, #tpu.memory_space<hbm>> -> memref<256xi32, #tpu.memory_space<hbm>>
      tpu.enqueue_dma source(%dma_start3A_161 : memref<256xi32, #tpu.memory_space<hbm>>) target(%arg7 : memref<256xi32, #tpu.memory_space<vmem>>) target_semaphore(%run_scoped3A : memref<!tpu.dma_semaphore, #tpu.memory_space<semaphore_mem>>)
      %dma_wait3A = tpu.memref_slice %arg3[%arg0, %multiple_of3A_108] : memref<2x4096xi32, #tpu.memory_space<hbm>> -> memref<1x256xi32, #tpu.memory_space<hbm>>
      %dma_wait3A_162 = tpu.memref_squeeze %dma_wait3A : memref<1x256xi32, #tpu.memory_space<hbm>> -> memref<256xi32, #tpu.memory_space<hbm>>
      %dma_wait3A_163 = tpu.memref_slice %arg3[%arg0, %multiple_of3A_108] : memref<2x4096xi32, #tpu.memory_space<hbm>> -> memref<1x256xi32, #tpu.memory_space<hbm>>
      %dma_wait3A_164 = tpu.memref_squeeze %dma_wait3A_163 : memref<1x256xi32, #tpu.memory_space<hbm>> -> memref<256xi32, #tpu.memory_space<hbm>>
      tpu.wait_dma2 semaphore(%run_scoped3A : memref<!tpu.dma_semaphore, #tpu.memory_space<semaphore_mem>>) src(%dma_wait3A_164 : memref<256xi32, #tpu.memory_space<hbm>>) dst(%arg7 : memref<256xi32, #tpu.memory_space<vmem>>)
      tpu.yield
    }) : () -> ()
    "tpu.region"() ({
      %run_scoped3A = tpu.sem_alloc : memref<!tpu.dma_semaphore, #tpu.memory_space<semaphore_mem>>
      %dma_start3A = tpu.memref_slice %arg2[%arg0, %multiple_of3A_108, %multiple_of3A] : memref<2x4096x256xf32, #tpu.memory_space<hbm>> -> memref<1x256x128xf32, #tpu.memory_space<hbm>>
      %dma_start3A_159 = tpu.memref_squeeze %dma_start3A : memref<1x256x128xf32, #tpu.memory_space<hbm>> -> memref<256x128xf32, #tpu.memory_space<hbm>>
      %dma_start3A_160 = tpu.memref_slice %arg2[%arg0, %multiple_of3A_108, %multiple_of3A] : memref<2x4096x256xf32, #tpu.memory_space<hbm>> -> memref<1x256x128xf32, #tpu.memory_space<hbm>>
      %dma_start3A_161 = tpu.memref_squeeze %dma_start3A_160 : memref<1x256x128xf32, #tpu.memory_space<hbm>> -> memref<256x128xf32, #tpu.memory_space<hbm>>
      tpu.enqueue_dma source(%dma_start3A_161 : memref<256x128xf32, #tpu.memory_space<hbm>>) target(%arg6 : memref<256x128xf32, #tpu.memory_space<vmem>>) target_semaphore(%run_scoped3A : memref<!tpu.dma_semaphore, #tpu.memory_space<semaphore_mem>>)
      %dma_wait3A = tpu.memref_slice %arg2[%arg0, %multiple_of3A_108, %multiple_of3A] : memref<2x4096x256xf32, #tpu.memory_space<hbm>> -> memref<1x256x128xf32, #tpu.memory_space<hbm>>
      %dma_wait3A_162 = tpu.memref_squeeze %dma_wait3A : memref<1x256x128xf32, #tpu.memory_space<hbm>> -> memref<256x128xf32, #tpu.memory_space<hbm>>
      %dma_wait3A_163 = tpu.memref_slice %arg2[%arg0, %multiple_of3A_108, %multiple_of3A] : memref<2x4096x256xf32, #tpu.memory_space<hbm>> -> memref<1x256x128xf32, #tpu.memory_space<hbm>>
      %dma_wait3A_164 = tpu.memref_squeeze %dma_wait3A_163 : memref<1x256x128xf32, #tpu.memory_space<hbm>> -> memref<256x128xf32, #tpu.memory_space<hbm>>
      tpu.wait_dma2 semaphore(%run_scoped3A : memref<!tpu.dma_semaphore, #tpu.memory_space<semaphore_mem>>) src(%dma_wait3A_164 : memref<256x128xf32, #tpu.memory_space<hbm>>) dst(%arg6 : memref<256x128xf32, #tpu.memory_space<vmem>>)
      tpu.yield
    }) : () -> ()
    %scan3A_109 = arith.constant 0 : i32
    %scan3A_110 = arith.constant 0 : i32
    %scan3A_111 = arith.constant 32 : i32
    %scan3A_112 = arith.addi %scan3A_110, %scan3A_111 : i32
    %scan3A_113 = arith.constant 1 : i32
    scf.for %scan3A_159 = %scan3A_110 to %scan3A_112 step %scan3A_113  : i32 {
      %mul3A_160 = arith.constant 8 : i32
      %mul3A_161 = arith.muli %scan3A_159, %mul3A_160 : i32
      %add3A_162 = arith.constant 0 : i32
      %add3A_163 = arith.addi %mul3A_161, %add3A_162 : i32
      %broadcast_in_dim3A = vector.broadcast %add3A_163 : i32 to vector<16xi32>
      %gather3A = tpu.vector_load_idx %arg7[%broadcast_in_dim3A] : memref<256xi32, #tpu.memory_space<vmem>>[vector<16xi32>], vector<16xi32>,
      %mul3A_164 = arith.constant 32 : i32
      %mul3A_165 = vector.broadcast %mul3A_164 : i32 to vector<16xi32>
      %mul3A_166 = arith.muli %gather3A, %mul3A_165 : vector<16xi32>
      %add3A_167 = arith.constant 0 : i32
      %add3A_168 = vector.broadcast %add3A_167 : i32 to vector<16xi32>
      %add3A_169 = arith.addi %mul3A_166, %add3A_168 : vector<16xi32>
      %add3A_170 = arith.addi %add3A_169, %iota3A : vector<16xi32>
      %add3A_171 = arith.constant 0 : i32
      %add3A_172 = arith.addi %add3A_171, %mul3A_45 : i32
      %add3A_173 = vector.broadcast %add3A_172 : i32 to vector<16xi32>
      %add3A_174 = arith.addi %iota3A, %add3A_173 : vector<16xi32>
      %gather3A_175 = tpu.vector_load_idx %arg6[%broadcast_in_dim3A, %add3A_174] : memref<256x128xf32, #tpu.memory_space<vmem>>[vector<16xi32>, vector<16xi32>], vector<16xf32>,
      %shift_right_logical3A = arith.constant 7 : i32
      %shift_right_logical3A_176 = vector.broadcast %shift_right_logical3A : i32 to vector<16xi32>
      %shift_right_logical3A_177 = arith.shrui %add3A_170, %shift_right_logical3A_176 : vector<16xi32>
      %and3A_178 = arith.constant 127 : i32
      %and3A_179 = vector.broadcast %and3A_178 : i32 to vector<16xi32>
      %and3A_180 = arith.andi %add3A_170, %and3A_179 : vector<16xi32>
      tpu.vector_store_idx %arg8[%shift_right_logical3A_177, %and3A_180], %gather3A_175 {add = true} : memref<256x128xf32, #tpu.memory_space<vmem>>[vector<16xi32>, vector<16xi32>], vector<16xf32>,
      %add3A_181 = arith.constant 16 : i32
      %add3A_182 = vector.broadcast %add3A_181 : i32 to vector<16xi32>
      %add3A_183 = arith.addi %mul3A_166, %add3A_182 : vector<16xi32>
      %add3A_184 = arith.addi %add3A_183, %iota3A : vector<16xi32>
      %add3A_185 = arith.constant 16 : i32
      %add3A_186 = arith.addi %add3A_185, %mul3A_45 : i32
      %add3A_187 = vector.broadcast %add3A_186 : i32 to vector<16xi32>
      %add3A_188 = arith.addi %iota3A, %add3A_187 : vector<16xi32>
      %gather3A_189 = tpu.vector_load_idx %arg6[%broadcast_in_dim3A, %add3A_188] : memref<256x128xf32, #tpu.memory_space<vmem>>[vector<16xi32>, vector<16xi32>], vector<16xf32>,
      %shift_right_logical3A_190 = arith.constant 7 : i32
      %shift_right_logical3A_191 = vector.broadcast %shift_right_logical3A_190 : i32 to vector<16xi32>
      %shift_right_logical3A_192 = arith.shrui %add3A_184, %shift_right_logical3A_191 : vector<16xi32>
      %and3A_193 = arith.constant 127 : i32
      %and3A_194 = vector.broadcast %and3A_193 : i32 to vector<16xi32>
      %and3A_195 = arith.andi %add3A_184, %and3A_194 : vector<16xi32>
      tpu.vector_store_idx %arg8[%shift_right_logical3A_192, %and3A_195], %gather3A_189 {add = true} : memref<256x128xf32, #tpu.memory_space<vmem>>[vector<16xi32>, vector<16xi32>], vector<16xf32>,
      %mul3A_196 = arith.constant 8 : i32
      %mul3A_197 = arith.muli %scan3A_159, %mul3A_196 : i32
      %add3A_198 = arith.constant 1 : i32
      %add3A_199 = arith.addi %mul3A_197, %add3A_198 : i32
      %broadcast_in_dim3A_200 = vector.broadcast %add3A_199 : i32 to vector<16xi32>
      %gather3A_201 = tpu.vector_load_idx %arg7[%broadcast_in_dim3A_200] : memref<256xi32, #tpu.memory_space<vmem>>[vector<16xi32>], vector<16xi32>,
      %mul3A_202 = arith.constant 32 : i32
      %mul3A_203 = vector.broadcast %mul3A_202 : i32 to vector<16xi32>
      %mul3A_204 = arith.muli %gather3A_201, %mul3A_203 : vector<16xi32>
      %add3A_205 = arith.constant 0 : i32
      %add3A_206 = vector.broadcast %add3A_205 : i32 to vector<16xi32>
      %add3A_207 = arith.addi %mul3A_204, %add3A_206 : vector<16xi32>
      %add3A_208 = arith.addi %add3A_207, %iota3A : vector<16xi32>
      %add3A_209 = arith.constant 0 : i32
      %add3A_210 = arith.addi %add3A_209, %mul3A_45 : i32
      %add3A_211 = vector.broadcast %add3A_210 : i32 to vector<16xi32>
      %add3A_212 = arith.addi %iota3A, %add3A_211 : vector<16xi32>
      %gather3A_213 = tpu.vector_load_idx %arg6[%broadcast_in_dim3A_200, %add3A_212] : memref<256x128xf32, #tpu.memory_space<vmem>>[vector<16xi32>, vector<16xi32>], vector<16xf32>,
      %shift_right_logical3A_214 = arith.constant 7 : i32
      %shift_right_logical3A_215 = vector.broadcast %shift_right_logical3A_214 : i32 to vector<16xi32>
      %shift_right_logical3A_216 = arith.shrui %add3A_208, %shift_right_logical3A_215 : vector<16xi32>
      %and3A_217 = arith.constant 127 : i32
      %and3A_218 = vector.broadcast %and3A_217 : i32 to vector<16xi32>
      %and3A_219 = arith.andi %add3A_208, %and3A_218 : vector<16xi32>
      tpu.vector_store_idx %arg8[%shift_right_logical3A_216, %and3A_219], %gather3A_213 {add = true} : memref<256x128xf32, #tpu.memory_space<vmem>>[vector<16xi32>, vector<16xi32>], vector<16xf32>,
      %add3A_220 = arith.constant 16 : i32
      %add3A_221 = vector.broadcast %add3A_220 : i32 to vector<16xi32>
      %add3A_222 = arith.addi %mul3A_204, %add3A_221 : vector<16xi32>
      %add3A_223 = arith.addi %add3A_222, %iota3A : vector<16xi32>
      %add3A_224 = arith.constant 16 : i32
      %add3A_225 = arith.addi %add3A_224, %mul3A_45 : i32
      %add3A_226 = vector.broadcast %add3A_225 : i32 to vector<16xi32>
      %add3A_227 = arith.addi %iota3A, %add3A_226 : vector<16xi32>
      %gather3A_228 = tpu.vector_load_idx %arg6[%broadcast_in_dim3A_200, %add3A_227] : memref<256x128xf32, #tpu.memory_space<vmem>>[vector<16xi32>, vector<16xi32>], vector<16xf32>,
      %shift_right_logical3A_229 = arith.constant 7 : i32
      %shift_right_logical3A_230 = vector.broadcast %shift_right_logical3A_229 : i32 to vector<16xi32>
      %shift_right_logical3A_231 = arith.shrui %add3A_223, %shift_right_logical3A_230 : vector<16xi32>
      %and3A_232 = arith.constant 127 : i32
      %and3A_233 = vector.broadcast %and3A_232 : i32 to vector<16xi32>
      %and3A_234 = arith.andi %add3A_223, %and3A_233 : vector<16xi32>
      tpu.vector_store_idx %arg8[%shift_right_logical3A_231, %and3A_234], %gather3A_228 {add = true} : memref<256x128xf32, #tpu.memory_space<vmem>>[vector<16xi32>, vector<16xi32>], vector<16xf32>,
      %mul3A_235 = arith.constant 8 : i32
      %mul3A_236 = arith.muli %scan3A_159, %mul3A_235 : i32
      %add3A_237 = arith.constant 2 : i32
      %add3A_238 = arith.addi %mul3A_236, %add3A_237 : i32
      %broadcast_in_dim3A_239 = vector.broadcast %add3A_238 : i32 to vector<16xi32>
      %gather3A_240 = tpu.vector_load_idx %arg7[%broadcast_in_dim3A_239] : memref<256xi32, #tpu.memory_space<vmem>>[vector<16xi32>], vector<16xi32>,
      %mul3A_241 = arith.constant 32 : i32
      %mul3A_242 = vector.broadcast %mul3A_241 : i32 to vector<16xi32>
      %mul3A_243 = arith.muli %gather3A_240, %mul3A_242 : vector<16xi32>
      %add3A_244 = arith.constant 0 : i32
      %add3A_245 = vector.broadcast %add3A_244 : i32 to vector<16xi32>
      %add3A_246 = arith.addi %mul3A_243, %add3A_245 : vector<16xi32>
      %add3A_247 = arith.addi %add3A_246, %iota3A : vector<16xi32>
      %add3A_248 = arith.constant 0 : i32
      %add3A_249 = arith.addi %add3A_248, %mul3A_45 : i32
      %add3A_250 = vector.broadcast %add3A_249 : i32 to vector<16xi32>
      %add3A_251 = arith.addi %iota3A, %add3A_250 : vector<16xi32>
      %gather3A_252 = tpu.vector_load_idx %arg6[%broadcast_in_dim3A_239, %add3A_251] : memref<256x128xf32, #tpu.memory_space<vmem>>[vector<16xi32>, vector<16xi32>], vector<16xf32>,
      %shift_right_logical3A_253 = arith.constant 7 : i32
      %shift_right_logical3A_254 = vector.broadcast %shift_right_logical3A_253 : i32 to vector<16xi32>
      %shift_right_logical3A_255 = arith.shrui %add3A_247, %shift_right_logical3A_254 : vector<16xi32>
      %and3A_256 = arith.constant 127 : i32
      %and3A_257 = vector.broadcast %and3A_256 : i32 to vector<16xi32>
      %and3A_258 = arith.andi %add3A_247, %and3A_257 : vector<16xi32>
      tpu.vector_store_idx %arg8[%shift_right_logical3A_255, %and3A_258], %gather3A_252 {add = true} : memref<256x128xf32, #tpu.memory_space<vmem>>[vector<16xi32>, vector<16xi32>], vector<16xf32>,
      %add3A_259 = arith.constant 16 : i32
      %add3A_260 = vector.broadcast %add3A_259 : i32 to vector<16xi32>
      %add3A_261 = arith.addi %mul3A_243, %add3A_260 : vector<16xi32>
      %add3A_262 = arith.addi %add3A_261, %iota3A : vector<16xi32>
      %add3A_263 = arith.constant 16 : i32
      %add3A_264 = arith.addi %add3A_263, %mul3A_45 : i32
      %add3A_265 = vector.broadcast %add3A_264 : i32 to vector<16xi32>
      %add3A_266 = arith.addi %iota3A, %add3A_265 : vector<16xi32>
      %gather3A_267 = tpu.vector_load_idx %arg6[%broadcast_in_dim3A_239, %add3A_266] : memref<256x128xf32, #tpu.memory_space<vmem>>[vector<16xi32>, vector<16xi32>], vector<16xf32>,
      %shift_right_logical3A_268 = arith.constant 7 : i32
      %shift_right_logical3A_269 = vector.broadcast %shift_right_logical3A_268 : i32 to vector<16xi32>
      %shift_right_logical3A_270 = arith.shrui %add3A_262, %shift_right_logical3A_269 : vector<16xi32>
      %and3A_271 = arith.constant 127 : i32
      %and3A_272 = vector.broadcast %and3A_271 : i32 to vector<16xi32>
      %and3A_273 = arith.andi %add3A_262, %and3A_272 : vector<16xi32>
      tpu.vector_store_idx %arg8[%shift_right_logical3A_270, %and3A_273], %gather3A_267 {add = true} : memref<256x128xf32, #tpu.memory_space<vmem>>[vector<16xi32>, vector<16xi32>], vector<16xf32>,
      %mul3A_274 = arith.constant 8 : i32
      %mul3A_275 = arith.muli %scan3A_159, %mul3A_274 : i32
      %add3A_276 = arith.constant 3 : i32
      %add3A_277 = arith.addi %mul3A_275, %add3A_276 : i32
      %broadcast_in_dim3A_278 = vector.broadcast %add3A_277 : i32 to vector<16xi32>
      %gather3A_279 = tpu.vector_load_idx %arg7[%broadcast_in_dim3A_278] : memref<256xi32, #tpu.memory_space<vmem>>[vector<16xi32>], vector<16xi32>,
      %mul3A_280 = arith.constant 32 : i32
      %mul3A_281 = vector.broadcast %mul3A_280 : i32 to vector<16xi32>
      %mul3A_282 = arith.muli %gather3A_279, %mul3A_281 : vector<16xi32>
      %add3A_283 = arith.constant 0 : i32
      %add3A_284 = vector.broadcast %add3A_283 : i32 to vector<16xi32>
      %add3A_285 = arith.addi %mul3A_282, %add3A_284 : vector<16xi32>
      %add3A_286 = arith.addi %add3A_285, %iota3A : vector<16xi32>
      %add3A_287 = arith.constant 0 : i32
      %add3A_288 = arith.addi %add3A_287, %mul3A_45 : i32
      %add3A_289 = vector.broadcast %add3A_288 : i32 to vector<16xi32>
      %add3A_290 = arith.addi %iota3A, %add3A_289 : vector<16xi32>
      %gather3A_291 = tpu.vector_load_idx %arg6[%broadcast_in_dim3A_278, %add3A_290] : memref<256x128xf32, #tpu.memory_space<vmem>>[vector<16xi32>, vector<16xi32>], vector<16xf32>,
      %shift_right_logical3A_292 = arith.constant 7 : i32
      %shift_right_logical3A_293 = vector.broadcast %shift_right_logical3A_292 : i32 to vector<16xi32>
      %shift_right_logical3A_294 = arith.shrui %add3A_286, %shift_right_logical3A_293 : vector<16xi32>
      %and3A_295 = arith.constant 127 : i32
      %and3A_296 = vector.broadcast %and3A_295 : i32 to vector<16xi32>
      %and3A_297 = arith.andi %add3A_286, %and3A_296 : vector<16xi32>
      tpu.vector_store_idx %arg8[%shift_right_logical3A_294, %and3A_297], %gather3A_291 {add = true} : memref<256x128xf32, #tpu.memory_space<vmem>>[vector<16xi32>, vector<16xi32>], vector<16xf32>,
      %add3A_298 = arith.constant 16 : i32
      %add3A_299 = vector.broadcast %add3A_298 : i32 to vector<16xi32>
      %add3A_300 = arith.addi %mul3A_282, %add3A_299 : vector<16xi32>
      %add3A_301 = arith.addi %add3A_300, %iota3A : vector<16xi32>
      %add3A_302 = arith.constant 16 : i32
      %add3A_303 = arith.addi %add3A_302, %mul3A_45 : i32
      %add3A_304 = vector.broadcast %add3A_303 : i32 to vector<16xi32>
      %add3A_305 = arith.addi %iota3A, %add3A_304 : vector<16xi32>
      %gather3A_306 = tpu.vector_load_idx %arg6[%broadcast_in_dim3A_278, %add3A_305] : memref<256x128xf32, #tpu.memory_space<vmem>>[vector<16xi32>, vector<16xi32>], vector<16xf32>,
      %shift_right_logical3A_307 = arith.constant 7 : i32
      %shift_right_logical3A_308 = vector.broadcast %shift_right_logical3A_307 : i32 to vector<16xi32>
      %shift_right_logical3A_309 = arith.shrui %add3A_301, %shift_right_logical3A_308 : vector<16xi32>
      %and3A_310 = arith.constant 127 : i32
      %and3A_311 = vector.broadcast %and3A_310 : i32 to vector<16xi32>
      %and3A_312 = arith.andi %add3A_301, %and3A_311 : vector<16xi32>
      tpu.vector_store_idx %arg8[%shift_right_logical3A_309, %and3A_312], %gather3A_306 {add = true} : memref<256x128xf32, #tpu.memory_space<vmem>>[vector<16xi32>, vector<16xi32>], vector<16xf32>,
      %mul3A_313 = arith.constant 8 : i32
      %mul3A_314 = arith.muli %scan3A_159, %mul3A_313 : i32
      %add3A_315 = arith.constant 4 : i32
      %add3A_316 = arith.addi %mul3A_314, %add3A_315 : i32
      %broadcast_in_dim3A_317 = vector.broadcast %add3A_316 : i32 to vector<16xi32>
      %gather3A_318 = tpu.vector_load_idx %arg7[%broadcast_in_dim3A_317] : memref<256xi32, #tpu.memory_space<vmem>>[vector<16xi32>], vector<16xi32>,
      %mul3A_319 = arith.constant 32 : i32
      %mul3A_320 = vector.broadcast %mul3A_319 : i32 to vector<16xi32>
      %mul3A_321 = arith.muli %gather3A_318, %mul3A_320 : vector<16xi32>
      %add3A_322 = arith.constant 0 : i32
      %add3A_323 = vector.broadcast %add3A_322 : i32 to vector<16xi32>
      %add3A_324 = arith.addi %mul3A_321, %add3A_323 : vector<16xi32>
      %add3A_325 = arith.addi %add3A_324, %iota3A : vector<16xi32>
      %add3A_326 = arith.constant 0 : i32
      %add3A_327 = arith.addi %add3A_326, %mul3A_45 : i32
      %add3A_328 = vector.broadcast %add3A_327 : i32 to vector<16xi32>
      %add3A_329 = arith.addi %iota3A, %add3A_328 : vector<16xi32>
      %gather3A_330 = tpu.vector_load_idx %arg6[%broadcast_in_dim3A_317, %add3A_329] : memref<256x128xf32, #tpu.memory_space<vmem>>[vector<16xi32>, vector<16xi32>], vector<16xf32>,
      %shift_right_logical3A_331 = arith.constant 7 : i32
      %shift_right_logical3A_332 = vector.broadcast %shift_right_logical3A_331 : i32 to vector<16xi32>
      %shift_right_logical3A_333 = arith.shrui %add3A_325, %shift_right_logical3A_332 : vector<16xi32>
      %and3A_334 = arith.constant 127 : i32
      %and3A_335 = vector.broadcast %and3A_334 : i32 to vector<16xi32>
      %and3A_336 = arith.andi %add3A_325, %and3A_335 : vector<16xi32>
      tpu.vector_store_idx %arg8[%shift_right_logical3A_333, %and3A_336], %gather3A_330 {add = true} : memref<256x128xf32, #tpu.memory_space<vmem>>[vector<16xi32>, vector<16xi32>], vector<16xf32>,
      %add3A_337 = arith.constant 16 : i32
      %add3A_338 = vector.broadcast %add3A_337 : i32 to vector<16xi32>
      %add3A_339 = arith.addi %mul3A_321, %add3A_338 : vector<16xi32>
      %add3A_340 = arith.addi %add3A_339, %iota3A : vector<16xi32>
      %add3A_341 = arith.constant 16 : i32
      %add3A_342 = arith.addi %add3A_341, %mul3A_45 : i32
      %add3A_343 = vector.broadcast %add3A_342 : i32 to vector<16xi32>
      %add3A_344 = arith.addi %iota3A, %add3A_343 : vector<16xi32>
      %gather3A_345 = tpu.vector_load_idx %arg6[%broadcast_in_dim3A_317, %add3A_344] : memref<256x128xf32, #tpu.memory_space<vmem>>[vector<16xi32>, vector<16xi32>], vector<16xf32>,
      %shift_right_logical3A_346 = arith.constant 7 : i32
      %shift_right_logical3A_347 = vector.broadcast %shift_right_logical3A_346 : i32 to vector<16xi32>
      %shift_right_logical3A_348 = arith.shrui %add3A_340, %shift_right_logical3A_347 : vector<16xi32>
      %and3A_349 = arith.constant 127 : i32
      %and3A_350 = vector.broadcast %and3A_349 : i32 to vector<16xi32>
      %and3A_351 = arith.andi %add3A_340, %and3A_350 : vector<16xi32>
      tpu.vector_store_idx %arg8[%shift_right_logical3A_348, %and3A_351], %gather3A_345 {add = true} : memref<256x128xf32, #tpu.memory_space<vmem>>[vector<16xi32>, vector<16xi32>], vector<16xf32>,
      %mul3A_352 = arith.constant 8 : i32
      %mul3A_353 = arith.muli %scan3A_159, %mul3A_352 : i32
      %add3A_354 = arith.constant 5 : i32
      %add3A_355 = arith.addi %mul3A_353, %add3A_354 : i32
      %broadcast_in_dim3A_356 = vector.broadcast %add3A_355 : i32 to vector<16xi32>
      %gather3A_357 = tpu.vector_load_idx %arg7[%broadcast_in_dim3A_356] : memref<256xi32, #tpu.memory_space<vmem>>[vector<16xi32>], vector<16xi32>,
      %mul3A_358 = arith.constant 32 : i32
      %mul3A_359 = vector.broadcast %mul3A_358 : i32 to vector<16xi32>
      %mul3A_360 = arith.muli %gather3A_357, %mul3A_359 : vector<16xi32>
      %add3A_361 = arith.constant 0 : i32
      %add3A_362 = vector.broadcast %add3A_361 : i32 to vector<16xi32>
      %add3A_363 = arith.addi %mul3A_360, %add3A_362 : vector<16xi32>
      %add3A_364 = arith.addi %add3A_363, %iota3A : vector<16xi32>
      %add3A_365 = arith.constant 0 : i32
      %add3A_366 = arith.addi %add3A_365, %mul3A_45 : i32
      %add3A_367 = vector.broadcast %add3A_366 : i32 to vector<16xi32>
      %add3A_368 = arith.addi %iota3A, %add3A_367 : vector<16xi32>
      %gather3A_369 = tpu.vector_load_idx %arg6[%broadcast_in_dim3A_356, %add3A_368] : memref<256x128xf32, #tpu.memory_space<vmem>>[vector<16xi32>, vector<16xi32>], vector<16xf32>,
      %shift_right_logical3A_370 = arith.constant 7 : i32
      %shift_right_logical3A_371 = vector.broadcast %shift_right_logical3A_370 : i32 to vector<16xi32>
      %shift_right_logical3A_372 = arith.shrui %add3A_364, %shift_right_logical3A_371 : vector<16xi32>
      %and3A_373 = arith.constant 127 : i32
      %and3A_374 = vector.broadcast %and3A_373 : i32 to vector<16xi32>
      %and3A_375 = arith.andi %add3A_364, %and3A_374 : vector<16xi32>
      tpu.vector_store_idx %arg8[%shift_right_logical3A_372, %and3A_375], %gather3A_369 {add = true} : memref<256x128xf32, #tpu.memory_space<vmem>>[vector<16xi32>, vector<16xi32>], vector<16xf32>,
      %add3A_376 = arith.constant 16 : i32
      %add3A_377 = vector.broadcast %add3A_376 : i32 to vector<16xi32>
      %add3A_378 = arith.addi %mul3A_360, %add3A_377 : vector<16xi32>
      %add3A_379 = arith.addi %add3A_378, %iota3A : vector<16xi32>
      %add3A_380 = arith.constant 16 : i32
      %add3A_381 = arith.addi %add3A_380, %mul3A_45 : i32
      %add3A_382 = vector.broadcast %add3A_381 : i32 to vector<16xi32>
      %add3A_383 = arith.addi %iota3A, %add3A_382 : vector<16xi32>
      %gather3A_384 = tpu.vector_load_idx %arg6[%broadcast_in_dim3A_356, %add3A_383] : memref<256x128xf32, #tpu.memory_space<vmem>>[vector<16xi32>, vector<16xi32>], vector<16xf32>,
      %shift_right_logical3A_385 = arith.constant 7 : i32
      %shift_right_logical3A_386 = vector.broadcast %shift_right_logical3A_385 : i32 to vector<16xi32>
      %shift_right_logical3A_387 = arith.shrui %add3A_379, %shift_right_logical3A_386 : vector<16xi32>
      %and3A_388 = arith.constant 127 : i32
      %and3A_389 = vector.broadcast %and3A_388 : i32 to vector<16xi32>
      %and3A_390 = arith.andi %add3A_379, %and3A_389 : vector<16xi32>
      tpu.vector_store_idx %arg8[%shift_right_logical3A_387, %and3A_390], %gather3A_384 {add = true} : memref<256x128xf32, #tpu.memory_space<vmem>>[vector<16xi32>, vector<16xi32>], vector<16xf32>,
      %mul3A_391 = arith.constant 8 : i32
      %mul3A_392 = arith.muli %scan3A_159, %mul3A_391 : i32
      %add3A_393 = arith.constant 6 : i32
      %add3A_394 = arith.addi %mul3A_392, %add3A_393 : i32
      %broadcast_in_dim3A_395 = vector.broadcast %add3A_394 : i32 to vector<16xi32>
      %gather3A_396 = tpu.vector_load_idx %arg7[%broadcast_in_dim3A_395] : memref<256xi32, #tpu.memory_space<vmem>>[vector<16xi32>], vector<16xi32>,
      %mul3A_397 = arith.constant 32 : i32
      %mul3A_398 = vector.broadcast %mul3A_397 : i32 to vector<16xi32>
      %mul3A_399 = arith.muli %gather3A_396, %mul3A_398 : vector<16xi32>
      %add3A_400 = arith.constant 0 : i32
      %add3A_401 = vector.broadcast %add3A_400 : i32 to vector<16xi32>
      %add3A_402 = arith.addi %mul3A_399, %add3A_401 : vector<16xi32>
      %add3A_403 = arith.addi %add3A_402, %iota3A : vector<16xi32>
      %add3A_404 = arith.constant 0 : i32
      %add3A_405 = arith.addi %add3A_404, %mul3A_45 : i32
      %add3A_406 = vector.broadcast %add3A_405 : i32 to vector<16xi32>
      %add3A_407 = arith.addi %iota3A, %add3A_406 : vector<16xi32>
      %gather3A_408 = tpu.vector_load_idx %arg6[%broadcast_in_dim3A_395, %add3A_407] : memref<256x128xf32, #tpu.memory_space<vmem>>[vector<16xi32>, vector<16xi32>], vector<16xf32>,
      %shift_right_logical3A_409 = arith.constant 7 : i32
      %shift_right_logical3A_410 = vector.broadcast %shift_right_logical3A_409 : i32 to vector<16xi32>
      %shift_right_logical3A_411 = arith.shrui %add3A_403, %shift_right_logical3A_410 : vector<16xi32>
      %and3A_412 = arith.constant 127 : i32
      %and3A_413 = vector.broadcast %and3A_412 : i32 to vector<16xi32>
      %and3A_414 = arith.andi %add3A_403, %and3A_413 : vector<16xi32>
      tpu.vector_store_idx %arg8[%shift_right_logical3A_411, %and3A_414], %gather3A_408 {add = true} : memref<256x128xf32, #tpu.memory_space<vmem>>[vector<16xi32>, vector<16xi32>], vector<16xf32>,
      %add3A_415 = arith.constant 16 : i32
      %add3A_416 = vector.broadcast %add3A_415 : i32 to vector<16xi32>
      %add3A_417 = arith.addi %mul3A_399, %add3A_416 : vector<16xi32>
      %add3A_418 = arith.addi %add3A_417, %iota3A : vector<16xi32>
      %add3A_419 = arith.constant 16 : i32
      %add3A_420 = arith.addi %add3A_419, %mul3A_45 : i32
      %add3A_421 = vector.broadcast %add3A_420 : i32 to vector<16xi32>
      %add3A_422 = arith.addi %iota3A, %add3A_421 : vector<16xi32>
      %gather3A_423 = tpu.vector_load_idx %arg6[%broadcast_in_dim3A_395, %add3A_422] : memref<256x128xf32, #tpu.memory_space<vmem>>[vector<16xi32>, vector<16xi32>], vector<16xf32>,
      %shift_right_logical3A_424 = arith.constant 7 : i32
      %shift_right_logical3A_425 = vector.broadcast %shift_right_logical3A_424 : i32 to vector<16xi32>
      %shift_right_logical3A_426 = arith.shrui %add3A_418, %shift_right_logical3A_425 : vector<16xi32>
      %and3A_427 = arith.constant 127 : i32
      %and3A_428 = vector.broadcast %and3A_427 : i32 to vector<16xi32>
      %and3A_429 = arith.andi %add3A_418, %and3A_428 : vector<16xi32>
      tpu.vector_store_idx %arg8[%shift_right_logical3A_426, %and3A_429], %gather3A_423 {add = true} : memref<256x128xf32, #tpu.memory_space<vmem>>[vector<16xi32>, vector<16xi32>], vector<16xf32>,
      %mul3A_430 = arith.constant 8 : i32
      %mul3A_431 = arith.muli %scan3A_159, %mul3A_430 : i32
      %add3A_432 = arith.constant 7 : i32
      %add3A_433 = arith.addi %mul3A_431, %add3A_432 : i32
      %broadcast_in_dim3A_434 = vector.broadcast %add3A_433 : i32 to vector<16xi32>
      %gather3A_435 = tpu.vector_load_idx %arg7[%broadcast_in_dim3A_434] : memref<256xi32, #tpu.memory_space<vmem>>[vector<16xi32>], vector<16xi32>,
      %mul3A_436 = arith.constant 32 : i32
      %mul3A_437 = vector.broadcast %mul3A_436 : i32 to vector<16xi32>
      %mul3A_438 = arith.muli %gather3A_435, %mul3A_437 : vector<16xi32>
      %add3A_439 = arith.constant 0 : i32
      %add3A_440 = vector.broadcast %add3A_439 : i32 to vector<16xi32>
      %add3A_441 = arith.addi %mul3A_438, %add3A_440 : vector<16xi32>
      %add3A_442 = arith.addi %add3A_441, %iota3A : vector<16xi32>
      %add3A_443 = arith.constant 0 : i32
      %add3A_444 = arith.addi %add3A_443, %mul3A_45 : i32
      %add3A_445 = vector.broadcast %add3A_444 : i32 to vector<16xi32>
      %add3A_446 = arith.addi %iota3A, %add3A_445 : vector<16xi32>
      %gather3A_447 = tpu.vector_load_idx %arg6[%broadcast_in_dim3A_434, %add3A_446] : memref<256x128xf32, #tpu.memory_space<vmem>>[vector<16xi32>, vector<16xi32>], vector<16xf32>,
      %shift_right_logical3A_448 = arith.constant 7 : i32
      %shift_right_logical3A_449 = vector.broadcast %shift_right_logical3A_448 : i32 to vector<16xi32>
      %shift_right_logical3A_450 = arith.shrui %add3A_442, %shift_right_logical3A_449 : vector<16xi32>
      %and3A_451 = arith.constant 127 : i32
      %and3A_452 = vector.broadcast %and3A_451 : i32 to vector<16xi32>
      %and3A_453 = arith.andi %add3A_442, %and3A_452 : vector<16xi32>
      tpu.vector_store_idx %arg8[%shift_right_logical3A_450, %and3A_453], %gather3A_447 {add = true} : memref<256x128xf32, #tpu.memory_space<vmem>>[vector<16xi32>, vector<16xi32>], vector<16xf32>,
      %add3A_454 = arith.constant 16 : i32
      %add3A_455 = vector.broadcast %add3A_454 : i32 to vector<16xi32>
      %add3A_456 = arith.addi %mul3A_438, %add3A_455 : vector<16xi32>
      %add3A_457 = arith.addi %add3A_456, %iota3A : vector<16xi32>
      %add3A_458 = arith.constant 16 : i32
      %add3A_459 = arith.addi %add3A_458, %mul3A_45 : i32
      %add3A_460 = vector.broadcast %add3A_459 : i32 to vector<16xi32>
      %add3A_461 = arith.addi %iota3A, %add3A_460 : vector<16xi32>
      %gather3A_462 = tpu.vector_load_idx %arg6[%broadcast_in_dim3A_434, %add3A_461] : memref<256x128xf32, #tpu.memory_space<vmem>>[vector<16xi32>, vector<16xi32>], vector<16xf32>,
      %shift_right_logical3A_463 = arith.constant 7 : i32
      %shift_right_logical3A_464 = vector.broadcast %shift_right_logical3A_463 : i32 to vector<16xi32>
      %shift_right_logical3A_465 = arith.shrui %add3A_457, %shift_right_logical3A_464 : vector<16xi32>
      %and3A_466 = arith.constant 127 : i32
      %and3A_467 = vector.broadcast %and3A_466 : i32 to vector<16xi32>
      %and3A_468 = arith.andi %add3A_457, %and3A_467 : vector<16xi32>
      tpu.vector_store_idx %arg8[%shift_right_logical3A_465, %and3A_468], %gather3A_462 {add = true} : memref<256x128xf32, #tpu.memory_space<vmem>>[vector<16xi32>, vector<16xi32>], vector<16xf32>,
    }
    %scan3A_114 = arith.constant 32 : i32
    %mul3A_115 = arith.constant 2048 : i32
    %mul3A_116 = arith.muli %select_n3A_69, %mul3A_115 : i32
    %add3A_117 = arith.constant 1024 : i32
    %add3A_118 = arith.addi %mul3A_116, %add3A_117 : i32
    %multiple_of3A_119 = tpu.assume_multiple %add3A_118, 256 : i32
    "tpu.region"() ({
      %run_scoped3A = tpu.sem_alloc : memref<!tpu.dma_semaphore, #tpu.memory_space<semaphore_mem>>
      %dma_start3A = tpu.memref_slice %arg3[%arg0, %multiple_of3A_119] : memref<2x4096xi32, #tpu.memory_space<hbm>> -> memref<1x256xi32, #tpu.memory_space<hbm>>
      %dma_start3A_159 = tpu.memref_squeeze %dma_start3A : memref<1x256xi32, #tpu.memory_space<hbm>> -> memref<256xi32, #tpu.memory_space<hbm>>
      %dma_start3A_160 = tpu.memref_slice %arg3[%arg0, %multiple_of3A_119] : memref<2x4096xi32, #tpu.memory_space<hbm>> -> memref<1x256xi32, #tpu.memory_space<hbm>>
      %dma_start3A_161 = tpu.memref_squeeze %dma_start3A_160 : memref<1x256xi32, #tpu.memory_space<hbm>> -> memref<256xi32, #tpu.memory_space<hbm>>
      tpu.enqueue_dma source(%dma_start3A_161 : memref<256xi32, #tpu.memory_space<hbm>>) target(%arg7 : memref<256xi32, #tpu.memory_space<vmem>>) target_semaphore(%run_scoped3A : memref<!tpu.dma_semaphore, #tpu.memory_space<semaphore_mem>>)
      %dma_wait3A = tpu.memref_slice %arg3[%arg0, %multiple_of3A_119] : memref<2x4096xi32, #tpu.memory_space<hbm>> -> memref<1x256xi32, #tpu.memory_space<hbm>>
      %dma_wait3A_162 = tpu.memref_squeeze %dma_wait3A : memref<1x256xi32, #tpu.memory_space<hbm>> -> memref<256xi32, #tpu.memory_space<hbm>>
      %dma_wait3A_163 = tpu.memref_slice %arg3[%arg0, %multiple_of3A_119] : memref<2x4096xi32, #tpu.memory_space<hbm>> -> memref<1x256xi32, #tpu.memory_space<hbm>>
      %dma_wait3A_164 = tpu.memref_squeeze %dma_wait3A_163 : memref<1x256xi32, #tpu.memory_space<hbm>> -> memref<256xi32, #tpu.memory_space<hbm>>
      tpu.wait_dma2 semaphore(%run_scoped3A : memref<!tpu.dma_semaphore, #tpu.memory_space<semaphore_mem>>) src(%dma_wait3A_164 : memref<256xi32, #tpu.memory_space<hbm>>) dst(%arg7 : memref<256xi32, #tpu.memory_space<vmem>>)
      tpu.yield
    }) : () -> ()
    "tpu.region"() ({
      %run_scoped3A = tpu.sem_alloc : memref<!tpu.dma_semaphore, #tpu.memory_space<semaphore_mem>>
      %dma_start3A = tpu.memref_slice %arg2[%arg0, %multiple_of3A_119, %multiple_of3A] : memref<2x4096x256xf32, #tpu.memory_space<hbm>> -> memref<1x256x128xf32, #tpu.memory_space<hbm>>
      %dma_start3A_159 = tpu.memref_squeeze %dma_start3A : memref<1x256x128xf32, #tpu.memory_space<hbm>> -> memref<256x128xf32, #tpu.memory_space<hbm>>
      %dma_start3A_160 = tpu.memref_slice %arg2[%arg0, %multiple_of3A_119, %multiple_of3A] : memref<2x4096x256xf32, #tpu.memory_space<hbm>> -> memref<1x256x128xf32, #tpu.memory_space<hbm>>
      %dma_start3A_161 = tpu.memref_squeeze %dma_start3A_160 : memref<1x256x128xf32, #tpu.memory_space<hbm>> -> memref<256x128xf32, #tpu.memory_space<hbm>>
      tpu.enqueue_dma source(%dma_start3A_161 : memref<256x128xf32, #tpu.memory_space<hbm>>) target(%arg6 : memref<256x128xf32, #tpu.memory_space<vmem>>) target_semaphore(%run_scoped3A : memref<!tpu.dma_semaphore, #tpu.memory_space<semaphore_mem>>)
      %dma_wait3A = tpu.memref_slice %arg2[%arg0, %multiple_of3A_119, %multiple_of3A] : memref<2x4096x256xf32, #tpu.memory_space<hbm>> -> memref<1x256x128xf32, #tpu.memory_space<hbm>>
      %dma_wait3A_162 = tpu.memref_squeeze %dma_wait3A : memref<1x256x128xf32, #tpu.memory_space<hbm>> -> memref<256x128xf32, #tpu.memory_space<hbm>>
      %dma_wait3A_163 = tpu.memref_slice %arg2[%arg0, %multiple_of3A_119, %multiple_of3A] : memref<2x4096x256xf32, #tpu.memory_space<hbm>> -> memref<1x256x128xf32, #tpu.memory_space<hbm>>
      %dma_wait3A_164 = tpu.memref_squeeze %dma_wait3A_163 : memref<1x256x128xf32, #tpu.memory_space<hbm>> -> memref<256x128xf32, #tpu.memory_space<hbm>>
      tpu.wait_dma2 semaphore(%run_scoped3A : memref<!tpu.dma_semaphore, #tpu.memory_space<semaphore_mem>>) src(%dma_wait3A_164 : memref<256x128xf32, #tpu.memory_space<hbm>>) dst(%arg6 : memref<256x128xf32, #tpu.memory_space<vmem>>)
      tpu.yield
    }) : () -> ()
    %scan3A_120 = arith.constant 0 : i32
    %scan3A_121 = arith.constant 0 : i32
    %scan3A_122 = arith.constant 32 : i32
    %scan3A_123 = arith.addi %scan3A_121, %scan3A_122 : i32
    %scan3A_124 = arith.constant 1 : i32
    scf.for %scan3A_159 = %scan3A_121 to %scan3A_123 step %scan3A_124  : i32 {
      %mul3A_160 = arith.constant 8 : i32
      %mul3A_161 = arith.muli %scan3A_159, %mul3A_160 : i32
      %add3A_162 = arith.constant 0 : i32
      %add3A_163 = arith.addi %mul3A_161, %add3A_162 : i32
      %broadcast_in_dim3A = vector.broadcast %add3A_163 : i32 to vector<16xi32>
      %gather3A = tpu.vector_load_idx %arg7[%broadcast_in_dim3A] : memref<256xi32, #tpu.memory_space<vmem>>[vector<16xi32>], vector<16xi32>,
      %mul3A_164 = arith.constant 32 : i32
      %mul3A_165 = vector.broadcast %mul3A_164 : i32 to vector<16xi32>
      %mul3A_166 = arith.muli %gather3A, %mul3A_165 : vector<16xi32>
      %add3A_167 = arith.constant 0 : i32
      %add3A_168 = vector.broadcast %add3A_167 : i32 to vector<16xi32>
      %add3A_169 = arith.addi %mul3A_166, %add3A_168 : vector<16xi32>
      %add3A_170 = arith.addi %add3A_169, %iota3A : vector<16xi32>
      %add3A_171 = arith.constant 0 : i32
      %add3A_172 = arith.addi %add3A_171, %mul3A_45 : i32
      %add3A_173 = vector.broadcast %add3A_172 : i32 to vector<16xi32>
      %add3A_174 = arith.addi %iota3A, %add3A_173 : vector<16xi32>
      %gather3A_175 = tpu.vector_load_idx %arg6[%broadcast_in_dim3A, %add3A_174] : memref<256x128xf32, #tpu.memory_space<vmem>>[vector<16xi32>, vector<16xi32>], vector<16xf32>,
      %shift_right_logical3A = arith.constant 7 : i32
      %shift_right_logical3A_176 = vector.broadcast %shift_right_logical3A : i32 to vector<16xi32>
      %shift_right_logical3A_177 = arith.shrui %add3A_170, %shift_right_logical3A_176 : vector<16xi32>
      %and3A_178 = arith.constant 127 : i32
      %and3A_179 = vector.broadcast %and3A_178 : i32 to vector<16xi32>
      %and3A_180 = arith.andi %add3A_170, %and3A_179 : vector<16xi32>
      tpu.vector_store_idx %arg8[%shift_right_logical3A_177, %and3A_180], %gather3A_175 {add = true} : memref<256x128xf32, #tpu.memory_space<vmem>>[vector<16xi32>, vector<16xi32>], vector<16xf32>,
      %add3A_181 = arith.constant 16 : i32
      %add3A_182 = vector.broadcast %add3A_181 : i32 to vector<16xi32>
      %add3A_183 = arith.addi %mul3A_166, %add3A_182 : vector<16xi32>
      %add3A_184 = arith.addi %add3A_183, %iota3A : vector<16xi32>
      %add3A_185 = arith.constant 16 : i32
      %add3A_186 = arith.addi %add3A_185, %mul3A_45 : i32
      %add3A_187 = vector.broadcast %add3A_186 : i32 to vector<16xi32>
      %add3A_188 = arith.addi %iota3A, %add3A_187 : vector<16xi32>
      %gather3A_189 = tpu.vector_load_idx %arg6[%broadcast_in_dim3A, %add3A_188] : memref<256x128xf32, #tpu.memory_space<vmem>>[vector<16xi32>, vector<16xi32>], vector<16xf32>,
      %shift_right_logical3A_190 = arith.constant 7 : i32
      %shift_right_logical3A_191 = vector.broadcast %shift_right_logical3A_190 : i32 to vector<16xi32>
      %shift_right_logical3A_192 = arith.shrui %add3A_184, %shift_right_logical3A_191 : vector<16xi32>
      %and3A_193 = arith.constant 127 : i32
      %and3A_194 = vector.broadcast %and3A_193 : i32 to vector<16xi32>
      %and3A_195 = arith.andi %add3A_184, %and3A_194 : vector<16xi32>
      tpu.vector_store_idx %arg8[%shift_right_logical3A_192, %and3A_195], %gather3A_189 {add = true} : memref<256x128xf32, #tpu.memory_space<vmem>>[vector<16xi32>, vector<16xi32>], vector<16xf32>,
      %mul3A_196 = arith.constant 8 : i32
      %mul3A_197 = arith.muli %scan3A_159, %mul3A_196 : i32
      %add3A_198 = arith.constant 1 : i32
      %add3A_199 = arith.addi %mul3A_197, %add3A_198 : i32
      %broadcast_in_dim3A_200 = vector.broadcast %add3A_199 : i32 to vector<16xi32>
      %gather3A_201 = tpu.vector_load_idx %arg7[%broadcast_in_dim3A_200] : memref<256xi32, #tpu.memory_space<vmem>>[vector<16xi32>], vector<16xi32>,
      %mul3A_202 = arith.constant 32 : i32
      %mul3A_203 = vector.broadcast %mul3A_202 : i32 to vector<16xi32>
      %mul3A_204 = arith.muli %gather3A_201, %mul3A_203 : vector<16xi32>
      %add3A_205 = arith.constant 0 : i32
      %add3A_206 = vector.broadcast %add3A_205 : i32 to vector<16xi32>
      %add3A_207 = arith.addi %mul3A_204, %add3A_206 : vector<16xi32>
      %add3A_208 = arith.addi %add3A_207, %iota3A : vector<16xi32>
      %add3A_209 = arith.constant 0 : i32
      %add3A_210 = arith.addi %add3A_209, %mul3A_45 : i32
      %add3A_211 = vector.broadcast %add3A_210 : i32 to vector<16xi32>
      %add3A_212 = arith.addi %iota3A, %add3A_211 : vector<16xi32>
      %gather3A_213 = tpu.vector_load_idx %arg6[%broadcast_in_dim3A_200, %add3A_212] : memref<256x128xf32, #tpu.memory_space<vmem>>[vector<16xi32>, vector<16xi32>], vector<16xf32>,
      %shift_right_logical3A_214 = arith.constant 7 : i32
      %shift_right_logical3A_215 = vector.broadcast %shift_right_logical3A_214 : i32 to vector<16xi32>
      %shift_right_logical3A_216 = arith.shrui %add3A_208, %shift_right_logical3A_215 : vector<16xi32>
      %and3A_217 = arith.constant 127 : i32
      %and3A_218 = vector.broadcast %and3A_217 : i32 to vector<16xi32>
      %and3A_219 = arith.andi %add3A_208, %and3A_218 : vector<16xi32>
      tpu.vector_store_idx %arg8[%shift_right_logical3A_216, %and3A_219], %gather3A_213 {add = true} : memref<256x128xf32, #tpu.memory_space<vmem>>[vector<16xi32>, vector<16xi32>], vector<16xf32>,
      %add3A_220 = arith.constant 16 : i32
      %add3A_221 = vector.broadcast %add3A_220 : i32 to vector<16xi32>
      %add3A_222 = arith.addi %mul3A_204, %add3A_221 : vector<16xi32>
      %add3A_223 = arith.addi %add3A_222, %iota3A : vector<16xi32>
      %add3A_224 = arith.constant 16 : i32
      %add3A_225 = arith.addi %add3A_224, %mul3A_45 : i32
      %add3A_226 = vector.broadcast %add3A_225 : i32 to vector<16xi32>
      %add3A_227 = arith.addi %iota3A, %add3A_226 : vector<16xi32>
      %gather3A_228 = tpu.vector_load_idx %arg6[%broadcast_in_dim3A_200, %add3A_227] : memref<256x128xf32, #tpu.memory_space<vmem>>[vector<16xi32>, vector<16xi32>], vector<16xf32>,
      %shift_right_logical3A_229 = arith.constant 7 : i32
      %shift_right_logical3A_230 = vector.broadcast %shift_right_logical3A_229 : i32 to vector<16xi32>
      %shift_right_logical3A_231 = arith.shrui %add3A_223, %shift_right_logical3A_230 : vector<16xi32>
      %and3A_232 = arith.constant 127 : i32
      %and3A_233 = vector.broadcast %and3A_232 : i32 to vector<16xi32>
      %and3A_234 = arith.andi %add3A_223, %and3A_233 : vector<16xi32>
      tpu.vector_store_idx %arg8[%shift_right_logical3A_231, %and3A_234], %gather3A_228 {add = true} : memref<256x128xf32, #tpu.memory_space<vmem>>[vector<16xi32>, vector<16xi32>], vector<16xf32>,
      %mul3A_235 = arith.constant 8 : i32
      %mul3A_236 = arith.muli %scan3A_159, %mul3A_235 : i32
      %add3A_237 = arith.constant 2 : i32
      %add3A_238 = arith.addi %mul3A_236, %add3A_237 : i32
      %broadcast_in_dim3A_239 = vector.broadcast %add3A_238 : i32 to vector<16xi32>
      %gather3A_240 = tpu.vector_load_idx %arg7[%broadcast_in_dim3A_239] : memref<256xi32, #tpu.memory_space<vmem>>[vector<16xi32>], vector<16xi32>,
      %mul3A_241 = arith.constant 32 : i32
      %mul3A_242 = vector.broadcast %mul3A_241 : i32 to vector<16xi32>
      %mul3A_243 = arith.muli %gather3A_240, %mul3A_242 : vector<16xi32>
      %add3A_244 = arith.constant 0 : i32
      %add3A_245 = vector.broadcast %add3A_244 : i32 to vector<16xi32>
      %add3A_246 = arith.addi %mul3A_243, %add3A_245 : vector<16xi32>
      %add3A_247 = arith.addi %add3A_246, %iota3A : vector<16xi32>
      %add3A_248 = arith.constant 0 : i32
      %add3A_249 = arith.addi %add3A_248, %mul3A_45 : i32
      %add3A_250 = vector.broadcast %add3A_249 : i32 to vector<16xi32>
      %add3A_251 = arith.addi %iota3A, %add3A_250 : vector<16xi32>
      %gather3A_252 = tpu.vector_load_idx %arg6[%broadcast_in_dim3A_239, %add3A_251] : memref<256x128xf32, #tpu.memory_space<vmem>>[vector<16xi32>, vector<16xi32>], vector<16xf32>,
      %shift_right_logical3A_253 = arith.constant 7 : i32
      %shift_right_logical3A_254 = vector.broadcast %shift_right_logical3A_253 : i32 to vector<16xi32>
      %shift_right_logical3A_255 = arith.shrui %add3A_247, %shift_right_logical3A_254 : vector<16xi32>
      %and3A_256 = arith.constant 127 : i32
      %and3A_257 = vector.broadcast %and3A_256 : i32 to vector<16xi32>
      %and3A_258 = arith.andi %add3A_247, %and3A_257 : vector<16xi32>
      tpu.vector_store_idx %arg8[%shift_right_logical3A_255, %and3A_258], %gather3A_252 {add = true} : memref<256x128xf32, #tpu.memory_space<vmem>>[vector<16xi32>, vector<16xi32>], vector<16xf32>,
      %add3A_259 = arith.constant 16 : i32
      %add3A_260 = vector.broadcast %add3A_259 : i32 to vector<16xi32>
      %add3A_261 = arith.addi %mul3A_243, %add3A_260 : vector<16xi32>
      %add3A_262 = arith.addi %add3A_261, %iota3A : vector<16xi32>
      %add3A_263 = arith.constant 16 : i32
      %add3A_264 = arith.addi %add3A_263, %mul3A_45 : i32
      %add3A_265 = vector.broadcast %add3A_264 : i32 to vector<16xi32>
      %add3A_266 = arith.addi %iota3A, %add3A_265 : vector<16xi32>
      %gather3A_267 = tpu.vector_load_idx %arg6[%broadcast_in_dim3A_239, %add3A_266] : memref<256x128xf32, #tpu.memory_space<vmem>>[vector<16xi32>, vector<16xi32>], vector<16xf32>,
      %shift_right_logical3A_268 = arith.constant 7 : i32
      %shift_right_logical3A_269 = vector.broadcast %shift_right_logical3A_268 : i32 to vector<16xi32>
      %shift_right_logical3A_270 = arith.shrui %add3A_262, %shift_right_logical3A_269 : vector<16xi32>
      %and3A_271 = arith.constant 127 : i32
      %and3A_272 = vector.broadcast %and3A_271 : i32 to vector<16xi32>
      %and3A_273 = arith.andi %add3A_262, %and3A_272 : vector<16xi32>
      tpu.vector_store_idx %arg8[%shift_right_logical3A_270, %and3A_273], %gather3A_267 {add = true} : memref<256x128xf32, #tpu.memory_space<vmem>>[vector<16xi32>, vector<16xi32>], vector<16xf32>,
      %mul3A_274 = arith.constant 8 : i32
      %mul3A_275 = arith.muli %scan3A_159, %mul3A_274 : i32
      %add3A_276 = arith.constant 3 : i32
      %add3A_277 = arith.addi %mul3A_275, %add3A_276 : i32
      %broadcast_in_dim3A_278 = vector.broadcast %add3A_277 : i32 to vector<16xi32>
      %gather3A_279 = tpu.vector_load_idx %arg7[%broadcast_in_dim3A_278] : memref<256xi32, #tpu.memory_space<vmem>>[vector<16xi32>], vector<16xi32>,
      %mul3A_280 = arith.constant 32 : i32
      %mul3A_281 = vector.broadcast %mul3A_280 : i32 to vector<16xi32>
      %mul3A_282 = arith.muli %gather3A_279, %mul3A_281 : vector<16xi32>
      %add3A_283 = arith.constant 0 : i32
      %add3A_284 = vector.broadcast %add3A_283 : i32 to vector<16xi32>
      %add3A_285 = arith.addi %mul3A_282, %add3A_284 : vector<16xi32>
      %add3A_286 = arith.addi %add3A_285, %iota3A : vector<16xi32>
      %add3A_287 = arith.constant 0 : i32
      %add3A_288 = arith.addi %add3A_287, %mul3A_45 : i32
      %add3A_289 = vector.broadcast %add3A_288 : i32 to vector<16xi32>
      %add3A_290 = arith.addi %iota3A, %add3A_289 : vector<16xi32>
      %gather3A_291 = tpu.vector_load_idx %arg6[%broadcast_in_dim3A_278, %add3A_290] : memref<256x128xf32, #tpu.memory_space<vmem>>[vector<16xi32>, vector<16xi32>], vector<16xf32>,
      %shift_right_logical3A_292 = arith.constant 7 : i32
      %shift_right_logical3A_293 = vector.broadcast %shift_right_logical3A_292 : i32 to vector<16xi32>
      %shift_right_logical3A_294 = arith.shrui %add3A_286, %shift_right_logical3A_293 : vector<16xi32>
      %and3A_295 = arith.constant 127 : i32
      %and3A_296 = vector.broadcast %and3A_295 : i32 to vector<16xi32>
      %and3A_297 = arith.andi %add3A_286, %and3A_296 : vector<16xi32>
      tpu.vector_store_idx %arg8[%shift_right_logical3A_294, %and3A_297], %gather3A_291 {add = true} : memref<256x128xf32, #tpu.memory_space<vmem>>[vector<16xi32>, vector<16xi32>], vector<16xf32>,
      %add3A_298 = arith.constant 16 : i32
      %add3A_299 = vector.broadcast %add3A_298 : i32 to vector<16xi32>
      %add3A_300 = arith.addi %mul3A_282, %add3A_299 : vector<16xi32>
      %add3A_301 = arith.addi %add3A_300, %iota3A : vector<16xi32>
      %add3A_302 = arith.constant 16 : i32
      %add3A_303 = arith.addi %add3A_302, %mul3A_45 : i32
      %add3A_304 = vector.broadcast %add3A_303 : i32 to vector<16xi32>
      %add3A_305 = arith.addi %iota3A, %add3A_304 : vector<16xi32>
      %gather3A_306 = tpu.vector_load_idx %arg6[%broadcast_in_dim3A_278, %add3A_305] : memref<256x128xf32, #tpu.memory_space<vmem>>[vector<16xi32>, vector<16xi32>], vector<16xf32>,
      %shift_right_logical3A_307 = arith.constant 7 : i32
      %shift_right_logical3A_308 = vector.broadcast %shift_right_logical3A_307 : i32 to vector<16xi32>
      %shift_right_logical3A_309 = arith.shrui %add3A_301, %shift_right_logical3A_308 : vector<16xi32>
      %and3A_310 = arith.constant 127 : i32
      %and3A_311 = vector.broadcast %and3A_310 : i32 to vector<16xi32>
      %and3A_312 = arith.andi %add3A_301, %and3A_311 : vector<16xi32>
      tpu.vector_store_idx %arg8[%shift_right_logical3A_309, %and3A_312], %gather3A_306 {add = true} : memref<256x128xf32, #tpu.memory_space<vmem>>[vector<16xi32>, vector<16xi32>], vector<16xf32>,
      %mul3A_313 = arith.constant 8 : i32
      %mul3A_314 = arith.muli %scan3A_159, %mul3A_313 : i32
      %add3A_315 = arith.constant 4 : i32
      %add3A_316 = arith.addi %mul3A_314, %add3A_315 : i32
      %broadcast_in_dim3A_317 = vector.broadcast %add3A_316 : i32 to vector<16xi32>
      %gather3A_318 = tpu.vector_load_idx %arg7[%broadcast_in_dim3A_317] : memref<256xi32, #tpu.memory_space<vmem>>[vector<16xi32>], vector<16xi32>,
      %mul3A_319 = arith.constant 32 : i32
      %mul3A_320 = vector.broadcast %mul3A_319 : i32 to vector<16xi32>
      %mul3A_321 = arith.muli %gather3A_318, %mul3A_320 : vector<16xi32>
      %add3A_322 = arith.constant 0 : i32
      %add3A_323 = vector.broadcast %add3A_322 : i32 to vector<16xi32>
      %add3A_324 = arith.addi %mul3A_321, %add3A_323 : vector<16xi32>
      %add3A_325 = arith.addi %add3A_324, %iota3A : vector<16xi32>
      %add3A_326 = arith.constant 0 : i32
      %add3A_327 = arith.addi %add3A_326, %mul3A_45 : i32
      %add3A_328 = vector.broadcast %add3A_327 : i32 to vector<16xi32>
      %add3A_329 = arith.addi %iota3A, %add3A_328 : vector<16xi32>
      %gather3A_330 = tpu.vector_load_idx %arg6[%broadcast_in_dim3A_317, %add3A_329] : memref<256x128xf32, #tpu.memory_space<vmem>>[vector<16xi32>, vector<16xi32>], vector<16xf32>,
      %shift_right_logical3A_331 = arith.constant 7 : i32
      %shift_right_logical3A_332 = vector.broadcast %shift_right_logical3A_331 : i32 to vector<16xi32>
      %shift_right_logical3A_333 = arith.shrui %add3A_325, %shift_right_logical3A_332 : vector<16xi32>
      %and3A_334 = arith.constant 127 : i32
      %and3A_335 = vector.broadcast %and3A_334 : i32 to vector<16xi32>
      %and3A_336 = arith.andi %add3A_325, %and3A_335 : vector<16xi32>
      tpu.vector_store_idx %arg8[%shift_right_logical3A_333, %and3A_336], %gather3A_330 {add = true} : memref<256x128xf32, #tpu.memory_space<vmem>>[vector<16xi32>, vector<16xi32>], vector<16xf32>,
      %add3A_337 = arith.constant 16 : i32
      %add3A_338 = vector.broadcast %add3A_337 : i32 to vector<16xi32>
      %add3A_339 = arith.addi %mul3A_321, %add3A_338 : vector<16xi32>
      %add3A_340 = arith.addi %add3A_339, %iota3A : vector<16xi32>
      %add3A_341 = arith.constant 16 : i32
      %add3A_342 = arith.addi %add3A_341, %mul3A_45 : i32
      %add3A_343 = vector.broadcast %add3A_342 : i32 to vector<16xi32>
      %add3A_344 = arith.addi %iota3A, %add3A_343 : vector<16xi32>
      %gather3A_345 = tpu.vector_load_idx %arg6[%broadcast_in_dim3A_317, %add3A_344] : memref<256x128xf32, #tpu.memory_space<vmem>>[vector<16xi32>, vector<16xi32>], vector<16xf32>,
      %shift_right_logical3A_346 = arith.constant 7 : i32
      %shift_right_logical3A_347 = vector.broadcast %shift_right_logical3A_346 : i32 to vector<16xi32>
      %shift_right_logical3A_348 = arith.shrui %add3A_340, %shift_right_logical3A_347 : vector<16xi32>
      %and3A_349 = arith.constant 127 : i32
      %and3A_350 = vector.broadcast %and3A_349 : i32 to vector<16xi32>
      %and3A_351 = arith.andi %add3A_340, %and3A_350 : vector<16xi32>
      tpu.vector_store_idx %arg8[%shift_right_logical3A_348, %and3A_351], %gather3A_345 {add = true} : memref<256x128xf32, #tpu.memory_space<vmem>>[vector<16xi32>, vector<16xi32>], vector<16xf32>,
      %mul3A_352 = arith.constant 8 : i32
      %mul3A_353 = arith.muli %scan3A_159, %mul3A_352 : i32
      %add3A_354 = arith.constant 5 : i32
      %add3A_355 = arith.addi %mul3A_353, %add3A_354 : i32
      %broadcast_in_dim3A_356 = vector.broadcast %add3A_355 : i32 to vector<16xi32>
      %gather3A_357 = tpu.vector_load_idx %arg7[%broadcast_in_dim3A_356] : memref<256xi32, #tpu.memory_space<vmem>>[vector<16xi32>], vector<16xi32>,
      %mul3A_358 = arith.constant 32 : i32
      %mul3A_359 = vector.broadcast %mul3A_358 : i32 to vector<16xi32>
      %mul3A_360 = arith.muli %gather3A_357, %mul3A_359 : vector<16xi32>
      %add3A_361 = arith.constant 0 : i32
      %add3A_362 = vector.broadcast %add3A_361 : i32 to vector<16xi32>
      %add3A_363 = arith.addi %mul3A_360, %add3A_362 : vector<16xi32>
      %add3A_364 = arith.addi %add3A_363, %iota3A : vector<16xi32>
      %add3A_365 = arith.constant 0 : i32
      %add3A_366 = arith.addi %add3A_365, %mul3A_45 : i32
      %add3A_367 = vector.broadcast %add3A_366 : i32 to vector<16xi32>
      %add3A_368 = arith.addi %iota3A, %add3A_367 : vector<16xi32>
      %gather3A_369 = tpu.vector_load_idx %arg6[%broadcast_in_dim3A_356, %add3A_368] : memref<256x128xf32, #tpu.memory_space<vmem>>[vector<16xi32>, vector<16xi32>], vector<16xf32>,
      %shift_right_logical3A_370 = arith.constant 7 : i32
      %shift_right_logical3A_371 = vector.broadcast %shift_right_logical3A_370 : i32 to vector<16xi32>
      %shift_right_logical3A_372 = arith.shrui %add3A_364, %shift_right_logical3A_371 : vector<16xi32>
      %and3A_373 = arith.constant 127 : i32
      %and3A_374 = vector.broadcast %and3A_373 : i32 to vector<16xi32>
      %and3A_375 = arith.andi %add3A_364, %and3A_374 : vector<16xi32>
      tpu.vector_store_idx %arg8[%shift_right_logical3A_372, %and3A_375], %gather3A_369 {add = true} : memref<256x128xf32, #tpu.memory_space<vmem>>[vector<16xi32>, vector<16xi32>], vector<16xf32>,
      %add3A_376 = arith.constant 16 : i32
      %add3A_377 = vector.broadcast %add3A_376 : i32 to vector<16xi32>
      %add3A_378 = arith.addi %mul3A_360, %add3A_377 : vector<16xi32>
      %add3A_379 = arith.addi %add3A_378, %iota3A : vector<16xi32>
      %add3A_380 = arith.constant 16 : i32
      %add3A_381 = arith.addi %add3A_380, %mul3A_45 : i32
      %add3A_382 = vector.broadcast %add3A_381 : i32 to vector<16xi32>
      %add3A_383 = arith.addi %iota3A, %add3A_382 : vector<16xi32>
      %gather3A_384 = tpu.vector_load_idx %arg6[%broadcast_in_dim3A_356, %add3A_383] : memref<256x128xf32, #tpu.memory_space<vmem>>[vector<16xi32>, vector<16xi32>], vector<16xf32>,
      %shift_right_logical3A_385 = arith.constant 7 : i32
      %shift_right_logical3A_386 = vector.broadcast %shift_right_logical3A_385 : i32 to vector<16xi32>
      %shift_right_logical3A_387 = arith.shrui %add3A_379, %shift_right_logical3A_386 : vector<16xi32>
      %and3A_388 = arith.constant 127 : i32
      %and3A_389 = vector.broadcast %and3A_388 : i32 to vector<16xi32>
      %and3A_390 = arith.andi %add3A_379, %and3A_389 : vector<16xi32>
      tpu.vector_store_idx %arg8[%shift_right_logical3A_387, %and3A_390], %gather3A_384 {add = true} : memref<256x128xf32, #tpu.memory_space<vmem>>[vector<16xi32>, vector<16xi32>], vector<16xf32>,
      %mul3A_391 = arith.constant 8 : i32
      %mul3A_392 = arith.muli %scan3A_159, %mul3A_391 : i32
      %add3A_393 = arith.constant 6 : i32
      %add3A_394 = arith.addi %mul3A_392, %add3A_393 : i32
      %broadcast_in_dim3A_395 = vector.broadcast %add3A_394 : i32 to vector<16xi32>
      %gather3A_396 = tpu.vector_load_idx %arg7[%broadcast_in_dim3A_395] : memref<256xi32, #tpu.memory_space<vmem>>[vector<16xi32>], vector<16xi32>,
      %mul3A_397 = arith.constant 32 : i32
      %mul3A_398 = vector.broadcast %mul3A_397 : i32 to vector<16xi32>
      %mul3A_399 = arith.muli %gather3A_396, %mul3A_398 : vector<16xi32>
      %add3A_400 = arith.constant 0 : i32
      %add3A_401 = vector.broadcast %add3A_400 : i32 to vector<16xi32>
      %add3A_402 = arith.addi %mul3A_399, %add3A_401 : vector<16xi32>
      %add3A_403 = arith.addi %add3A_402, %iota3A : vector<16xi32>
      %add3A_404 = arith.constant 0 : i32
      %add3A_405 = arith.addi %add3A_404, %mul3A_45 : i32
      %add3A_406 = vector.broadcast %add3A_405 : i32 to vector<16xi32>
      %add3A_407 = arith.addi %iota3A, %add3A_406 : vector<16xi32>
      %gather3A_408 = tpu.vector_load_idx %arg6[%broadcast_in_dim3A_395, %add3A_407] : memref<256x128xf32, #tpu.memory_space<vmem>>[vector<16xi32>, vector<16xi32>], vector<16xf32>,
      %shift_right_logical3A_409 = arith.constant 7 : i32
      %shift_right_logical3A_410 = vector.broadcast %shift_right_logical3A_409 : i32 to vector<16xi32>
      %shift_right_logical3A_411 = arith.shrui %add3A_403, %shift_right_logical3A_410 : vector<16xi32>
      %and3A_412 = arith.constant 127 : i32
      %and3A_413 = vector.broadcast %and3A_412 : i32 to vector<16xi32>
      %and3A_414 = arith.andi %add3A_403, %and3A_413 : vector<16xi32>
      tpu.vector_store_idx %arg8[%shift_right_logical3A_411, %and3A_414], %gather3A_408 {add = true} : memref<256x128xf32, #tpu.memory_space<vmem>>[vector<16xi32>, vector<16xi32>], vector<16xf32>,
      %add3A_415 = arith.constant 16 : i32
      %add3A_416 = vector.broadcast %add3A_415 : i32 to vector<16xi32>
      %add3A_417 = arith.addi %mul3A_399, %add3A_416 : vector<16xi32>
      %add3A_418 = arith.addi %add3A_417, %iota3A : vector<16xi32>
      %add3A_419 = arith.constant 16 : i32
      %add3A_420 = arith.addi %add3A_419, %mul3A_45 : i32
      %add3A_421 = vector.broadcast %add3A_420 : i32 to vector<16xi32>
      %add3A_422 = arith.addi %iota3A, %add3A_421 : vector<16xi32>
      %gather3A_423 = tpu.vector_load_idx %arg6[%broadcast_in_dim3A_395, %add3A_422] : memref<256x128xf32, #tpu.memory_space<vmem>>[vector<16xi32>, vector<16xi32>], vector<16xf32>,
      %shift_right_logical3A_424 = arith.constant 7 : i32
      %shift_right_logical3A_425 = vector.broadcast %shift_right_logical3A_424 : i32 to vector<16xi32>
      %shift_right_logical3A_426 = arith.shrui %add3A_418, %shift_right_logical3A_425 : vector<16xi32>
      %and3A_427 = arith.constant 127 : i32
      %and3A_428 = vector.broadcast %and3A_427 : i32 to vector<16xi32>
      %and3A_429 = arith.andi %add3A_418, %and3A_428 : vector<16xi32>
      tpu.vector_store_idx %arg8[%shift_right_logical3A_426, %and3A_429], %gather3A_423 {add = true} : memref<256x128xf32, #tpu.memory_space<vmem>>[vector<16xi32>, vector<16xi32>], vector<16xf32>,
      %mul3A_430 = arith.constant 8 : i32
      %mul3A_431 = arith.muli %scan3A_159, %mul3A_430 : i32
      %add3A_432 = arith.constant 7 : i32
      %add3A_433 = arith.addi %mul3A_431, %add3A_432 : i32
      %broadcast_in_dim3A_434 = vector.broadcast %add3A_433 : i32 to vector<16xi32>
      %gather3A_435 = tpu.vector_load_idx %arg7[%broadcast_in_dim3A_434] : memref<256xi32, #tpu.memory_space<vmem>>[vector<16xi32>], vector<16xi32>,
      %mul3A_436 = arith.constant 32 : i32
      %mul3A_437 = vector.broadcast %mul3A_436 : i32 to vector<16xi32>
      %mul3A_438 = arith.muli %gather3A_435, %mul3A_437 : vector<16xi32>
      %add3A_439 = arith.constant 0 : i32
      %add3A_440 = vector.broadcast %add3A_439 : i32 to vector<16xi32>
      %add3A_441 = arith.addi %mul3A_438, %add3A_440 : vector<16xi32>
      %add3A_442 = arith.addi %add3A_441, %iota3A : vector<16xi32>
      %add3A_443 = arith.constant 0 : i32
      %add3A_444 = arith.addi %add3A_443, %mul3A_45 : i32
      %add3A_445 = vector.broadcast %add3A_444 : i32 to vector<16xi32>
      %add3A_446 = arith.addi %iota3A, %add3A_445 : vector<16xi32>
      %gather3A_447 = tpu.vector_load_idx %arg6[%broadcast_in_dim3A_434, %add3A_446] : memref<256x128xf32, #tpu.memory_space<vmem>>[vector<16xi32>, vector<16xi32>], vector<16xf32>,
      %shift_right_logical3A_448 = arith.constant 7 : i32
      %shift_right_logical3A_449 = vector.broadcast %shift_right_logical3A_448 : i32 to vector<16xi32>
      %shift_right_logical3A_450 = arith.shrui %add3A_442, %shift_right_logical3A_449 : vector<16xi32>
      %and3A_451 = arith.constant 127 : i32
      %and3A_452 = vector.broadcast %and3A_451 : i32 to vector<16xi32>
      %and3A_453 = arith.andi %add3A_442, %and3A_452 : vector<16xi32>
      tpu.vector_store_idx %arg8[%shift_right_logical3A_450, %and3A_453], %gather3A_447 {add = true} : memref<256x128xf32, #tpu.memory_space<vmem>>[vector<16xi32>, vector<16xi32>], vector<16xf32>,
      %add3A_454 = arith.constant 16 : i32
      %add3A_455 = vector.broadcast %add3A_454 : i32 to vector<16xi32>
      %add3A_456 = arith.addi %mul3A_438, %add3A_455 : vector<16xi32>
      %add3A_457 = arith.addi %add3A_456, %iota3A : vector<16xi32>
      %add3A_458 = arith.constant 16 : i32
      %add3A_459 = arith.addi %add3A_458, %mul3A_45 : i32
      %add3A_460 = vector.broadcast %add3A_459 : i32 to vector<16xi32>
      %add3A_461 = arith.addi %iota3A, %add3A_460 : vector<16xi32>
      %gather3A_462 = tpu.vector_load_idx %arg6[%broadcast_in_dim3A_434, %add3A_461] : memref<256x128xf32, #tpu.memory_space<vmem>>[vector<16xi32>, vector<16xi32>], vector<16xf32>,
      %shift_right_logical3A_463 = arith.constant 7 : i32
      %shift_right_logical3A_464 = vector.broadcast %shift_right_logical3A_463 : i32 to vector<16xi32>
      %shift_right_logical3A_465 = arith.shrui %add3A_457, %shift_right_logical3A_464 : vector<16xi32>
      %and3A_466 = arith.constant 127 : i32
      %and3A_467 = vector.broadcast %and3A_466 : i32 to vector<16xi32>
      %and3A_468 = arith.andi %add3A_457, %and3A_467 : vector<16xi32>
      tpu.vector_store_idx %arg8[%shift_right_logical3A_465, %and3A_468], %gather3A_462 {add = true} : memref<256x128xf32, #tpu.memory_space<vmem>>[vector<16xi32>, vector<16xi32>], vector<16xf32>,
    }
    %scan3A_125 = arith.constant 32 : i32
    %mul3A_126 = arith.constant 2048 : i32
    %mul3A_127 = arith.muli %select_n3A_69, %mul3A_126 : i32
    %add3A_128 = arith.constant 1280 : i32
    %add3A_129 = arith.addi %mul3A_127, %add3A_128 : i32
    %multiple_of3A_130 = tpu.assume_multiple %add3A_129, 256 : i32
    "tpu.region"() ({
      %run_scoped3A = tpu.sem_alloc : memref<!tpu.dma_semaphore, #tpu.memory_space<semaphore_mem>>
      %dma_start3A = tpu.memref_slice %arg3[%arg0, %multiple_of3A_130] : memref<2x4096xi32, #tpu.memory_space<hbm>> -> memref<1x256xi32, #tpu.memory_space<hbm>>
      %dma_start3A_159 = tpu.memref_squeeze %dma_start3A : memref<1x256xi32, #tpu.memory_space<hbm>> -> memref<256xi32, #tpu.memory_space<hbm>>
      %dma_start3A_160 = tpu.memref_slice %arg3[%arg0, %multiple_of3A_130] : memref<2x4096xi32, #tpu.memory_space<hbm>> -> memref<1x256xi32, #tpu.memory_space<hbm>>
      %dma_start3A_161 = tpu.memref_squeeze %dma_start3A_160 : memref<1x256xi32, #tpu.memory_space<hbm>> -> memref<256xi32, #tpu.memory_space<hbm>>
      tpu.enqueue_dma source(%dma_start3A_161 : memref<256xi32, #tpu.memory_space<hbm>>) target(%arg7 : memref<256xi32, #tpu.memory_space<vmem>>) target_semaphore(%run_scoped3A : memref<!tpu.dma_semaphore, #tpu.memory_space<semaphore_mem>>)
      %dma_wait3A = tpu.memref_slice %arg3[%arg0, %multiple_of3A_130] : memref<2x4096xi32, #tpu.memory_space<hbm>> -> memref<1x256xi32, #tpu.memory_space<hbm>>
      %dma_wait3A_162 = tpu.memref_squeeze %dma_wait3A : memref<1x256xi32, #tpu.memory_space<hbm>> -> memref<256xi32, #tpu.memory_space<hbm>>
      %dma_wait3A_163 = tpu.memref_slice %arg3[%arg0, %multiple_of3A_130] : memref<2x4096xi32, #tpu.memory_space<hbm>> -> memref<1x256xi32, #tpu.memory_space<hbm>>
      %dma_wait3A_164 = tpu.memref_squeeze %dma_wait3A_163 : memref<1x256xi32, #tpu.memory_space<hbm>> -> memref<256xi32, #tpu.memory_space<hbm>>
      tpu.wait_dma2 semaphore(%run_scoped3A : memref<!tpu.dma_semaphore, #tpu.memory_space<semaphore_mem>>) src(%dma_wait3A_164 : memref<256xi32, #tpu.memory_space<hbm>>) dst(%arg7 : memref<256xi32, #tpu.memory_space<vmem>>)
      tpu.yield
    }) : () -> ()
    "tpu.region"() ({
      %run_scoped3A = tpu.sem_alloc : memref<!tpu.dma_semaphore, #tpu.memory_space<semaphore_mem>>
      %dma_start3A = tpu.memref_slice %arg2[%arg0, %multiple_of3A_130, %multiple_of3A] : memref<2x4096x256xf32, #tpu.memory_space<hbm>> -> memref<1x256x128xf32, #tpu.memory_space<hbm>>
      %dma_start3A_159 = tpu.memref_squeeze %dma_start3A : memref<1x256x128xf32, #tpu.memory_space<hbm>> -> memref<256x128xf32, #tpu.memory_space<hbm>>
      %dma_start3A_160 = tpu.memref_slice %arg2[%arg0, %multiple_of3A_130, %multiple_of3A] : memref<2x4096x256xf32, #tpu.memory_space<hbm>> -> memref<1x256x128xf32, #tpu.memory_space<hbm>>
      %dma_start3A_161 = tpu.memref_squeeze %dma_start3A_160 : memref<1x256x128xf32, #tpu.memory_space<hbm>> -> memref<256x128xf32, #tpu.memory_space<hbm>>
      tpu.enqueue_dma source(%dma_start3A_161 : memref<256x128xf32, #tpu.memory_space<hbm>>) target(%arg6 : memref<256x128xf32, #tpu.memory_space<vmem>>) target_semaphore(%run_scoped3A : memref<!tpu.dma_semaphore, #tpu.memory_space<semaphore_mem>>)
      %dma_wait3A = tpu.memref_slice %arg2[%arg0, %multiple_of3A_130, %multiple_of3A] : memref<2x4096x256xf32, #tpu.memory_space<hbm>> -> memref<1x256x128xf32, #tpu.memory_space<hbm>>
      %dma_wait3A_162 = tpu.memref_squeeze %dma_wait3A : memref<1x256x128xf32, #tpu.memory_space<hbm>> -> memref<256x128xf32, #tpu.memory_space<hbm>>
      %dma_wait3A_163 = tpu.memref_slice %arg2[%arg0, %multiple_of3A_130, %multiple_of3A] : memref<2x4096x256xf32, #tpu.memory_space<hbm>> -> memref<1x256x128xf32, #tpu.memory_space<hbm>>
      %dma_wait3A_164 = tpu.memref_squeeze %dma_wait3A_163 : memref<1x256x128xf32, #tpu.memory_space<hbm>> -> memref<256x128xf32, #tpu.memory_space<hbm>>
      tpu.wait_dma2 semaphore(%run_scoped3A : memref<!tpu.dma_semaphore, #tpu.memory_space<semaphore_mem>>) src(%dma_wait3A_164 : memref<256x128xf32, #tpu.memory_space<hbm>>) dst(%arg6 : memref<256x128xf32, #tpu.memory_space<vmem>>)
      tpu.yield
    }) : () -> ()
    %scan3A_131 = arith.constant 0 : i32
    %scan3A_132 = arith.constant 0 : i32
    %scan3A_133 = arith.constant 32 : i32
    %scan3A_134 = arith.addi %scan3A_132, %scan3A_133 : i32
    %scan3A_135 = arith.constant 1 : i32
    scf.for %scan3A_159 = %scan3A_132 to %scan3A_134 step %scan3A_135  : i32 {
      %mul3A_160 = arith.constant 8 : i32
      %mul3A_161 = arith.muli %scan3A_159, %mul3A_160 : i32
      %add3A_162 = arith.constant 0 : i32
      %add3A_163 = arith.addi %mul3A_161, %add3A_162 : i32
      %broadcast_in_dim3A = vector.broadcast %add3A_163 : i32 to vector<16xi32>
      %gather3A = tpu.vector_load_idx %arg7[%broadcast_in_dim3A] : memref<256xi32, #tpu.memory_space<vmem>>[vector<16xi32>], vector<16xi32>,
      %mul3A_164 = arith.constant 32 : i32
      %mul3A_165 = vector.broadcast %mul3A_164 : i32 to vector<16xi32>
      %mul3A_166 = arith.muli %gather3A, %mul3A_165 : vector<16xi32>
      %add3A_167 = arith.constant 0 : i32
      %add3A_168 = vector.broadcast %add3A_167 : i32 to vector<16xi32>
      %add3A_169 = arith.addi %mul3A_166, %add3A_168 : vector<16xi32>
      %add3A_170 = arith.addi %add3A_169, %iota3A : vector<16xi32>
      %add3A_171 = arith.constant 0 : i32
      %add3A_172 = arith.addi %add3A_171, %mul3A_45 : i32
      %add3A_173 = vector.broadcast %add3A_172 : i32 to vector<16xi32>
      %add3A_174 = arith.addi %iota3A, %add3A_173 : vector<16xi32>
      %gather3A_175 = tpu.vector_load_idx %arg6[%broadcast_in_dim3A, %add3A_174] : memref<256x128xf32, #tpu.memory_space<vmem>>[vector<16xi32>, vector<16xi32>], vector<16xf32>,
      %shift_right_logical3A = arith.constant 7 : i32
      %shift_right_logical3A_176 = vector.broadcast %shift_right_logical3A : i32 to vector<16xi32>
      %shift_right_logical3A_177 = arith.shrui %add3A_170, %shift_right_logical3A_176 : vector<16xi32>
      %and3A_178 = arith.constant 127 : i32
      %and3A_179 = vector.broadcast %and3A_178 : i32 to vector<16xi32>
      %and3A_180 = arith.andi %add3A_170, %and3A_179 : vector<16xi32>
      tpu.vector_store_idx %arg8[%shift_right_logical3A_177, %and3A_180], %gather3A_175 {add = true} : memref<256x128xf32, #tpu.memory_space<vmem>>[vector<16xi32>, vector<16xi32>], vector<16xf32>,
      %add3A_181 = arith.constant 16 : i32
      %add3A_182 = vector.broadcast %add3A_181 : i32 to vector<16xi32>
      %add3A_183 = arith.addi %mul3A_166, %add3A_182 : vector<16xi32>
      %add3A_184 = arith.addi %add3A_183, %iota3A : vector<16xi32>
      %add3A_185 = arith.constant 16 : i32
      %add3A_186 = arith.addi %add3A_185, %mul3A_45 : i32
      %add3A_187 = vector.broadcast %add3A_186 : i32 to vector<16xi32>
      %add3A_188 = arith.addi %iota3A, %add3A_187 : vector<16xi32>
      %gather3A_189 = tpu.vector_load_idx %arg6[%broadcast_in_dim3A, %add3A_188] : memref<256x128xf32, #tpu.memory_space<vmem>>[vector<16xi32>, vector<16xi32>], vector<16xf32>,
      %shift_right_logical3A_190 = arith.constant 7 : i32
      %shift_right_logical3A_191 = vector.broadcast %shift_right_logical3A_190 : i32 to vector<16xi32>
      %shift_right_logical3A_192 = arith.shrui %add3A_184, %shift_right_logical3A_191 : vector<16xi32>
      %and3A_193 = arith.constant 127 : i32
      %and3A_194 = vector.broadcast %and3A_193 : i32 to vector<16xi32>
      %and3A_195 = arith.andi %add3A_184, %and3A_194 : vector<16xi32>
      tpu.vector_store_idx %arg8[%shift_right_logical3A_192, %and3A_195], %gather3A_189 {add = true} : memref<256x128xf32, #tpu.memory_space<vmem>>[vector<16xi32>, vector<16xi32>], vector<16xf32>,
      %mul3A_196 = arith.constant 8 : i32
      %mul3A_197 = arith.muli %scan3A_159, %mul3A_196 : i32
      %add3A_198 = arith.constant 1 : i32
      %add3A_199 = arith.addi %mul3A_197, %add3A_198 : i32
      %broadcast_in_dim3A_200 = vector.broadcast %add3A_199 : i32 to vector<16xi32>
      %gather3A_201 = tpu.vector_load_idx %arg7[%broadcast_in_dim3A_200] : memref<256xi32, #tpu.memory_space<vmem>>[vector<16xi32>], vector<16xi32>,
      %mul3A_202 = arith.constant 32 : i32
      %mul3A_203 = vector.broadcast %mul3A_202 : i32 to vector<16xi32>
      %mul3A_204 = arith.muli %gather3A_201, %mul3A_203 : vector<16xi32>
      %add3A_205 = arith.constant 0 : i32
      %add3A_206 = vector.broadcast %add3A_205 : i32 to vector<16xi32>
      %add3A_207 = arith.addi %mul3A_204, %add3A_206 : vector<16xi32>
      %add3A_208 = arith.addi %add3A_207, %iota3A : vector<16xi32>
      %add3A_209 = arith.constant 0 : i32
      %add3A_210 = arith.addi %add3A_209, %mul3A_45 : i32
      %add3A_211 = vector.broadcast %add3A_210 : i32 to vector<16xi32>
      %add3A_212 = arith.addi %iota3A, %add3A_211 : vector<16xi32>
      %gather3A_213 = tpu.vector_load_idx %arg6[%broadcast_in_dim3A_200, %add3A_212] : memref<256x128xf32, #tpu.memory_space<vmem>>[vector<16xi32>, vector<16xi32>], vector<16xf32>,
      %shift_right_logical3A_214 = arith.constant 7 : i32
      %shift_right_logical3A_215 = vector.broadcast %shift_right_logical3A_214 : i32 to vector<16xi32>
      %shift_right_logical3A_216 = arith.shrui %add3A_208, %shift_right_logical3A_215 : vector<16xi32>
      %and3A_217 = arith.constant 127 : i32
      %and3A_218 = vector.broadcast %and3A_217 : i32 to vector<16xi32>
      %and3A_219 = arith.andi %add3A_208, %and3A_218 : vector<16xi32>
      tpu.vector_store_idx %arg8[%shift_right_logical3A_216, %and3A_219], %gather3A_213 {add = true} : memref<256x128xf32, #tpu.memory_space<vmem>>[vector<16xi32>, vector<16xi32>], vector<16xf32>,
      %add3A_220 = arith.constant 16 : i32
      %add3A_221 = vector.broadcast %add3A_220 : i32 to vector<16xi32>
      %add3A_222 = arith.addi %mul3A_204, %add3A_221 : vector<16xi32>
      %add3A_223 = arith.addi %add3A_222, %iota3A : vector<16xi32>
      %add3A_224 = arith.constant 16 : i32
      %add3A_225 = arith.addi %add3A_224, %mul3A_45 : i32
      %add3A_226 = vector.broadcast %add3A_225 : i32 to vector<16xi32>
      %add3A_227 = arith.addi %iota3A, %add3A_226 : vector<16xi32>
      %gather3A_228 = tpu.vector_load_idx %arg6[%broadcast_in_dim3A_200, %add3A_227] : memref<256x128xf32, #tpu.memory_space<vmem>>[vector<16xi32>, vector<16xi32>], vector<16xf32>,
      %shift_right_logical3A_229 = arith.constant 7 : i32
      %shift_right_logical3A_230 = vector.broadcast %shift_right_logical3A_229 : i32 to vector<16xi32>
      %shift_right_logical3A_231 = arith.shrui %add3A_223, %shift_right_logical3A_230 : vector<16xi32>
      %and3A_232 = arith.constant 127 : i32
      %and3A_233 = vector.broadcast %and3A_232 : i32 to vector<16xi32>
      %and3A_234 = arith.andi %add3A_223, %and3A_233 : vector<16xi32>
      tpu.vector_store_idx %arg8[%shift_right_logical3A_231, %and3A_234], %gather3A_228 {add = true} : memref<256x128xf32, #tpu.memory_space<vmem>>[vector<16xi32>, vector<16xi32>], vector<16xf32>,
      %mul3A_235 = arith.constant 8 : i32
      %mul3A_236 = arith.muli %scan3A_159, %mul3A_235 : i32
      %add3A_237 = arith.constant 2 : i32
      %add3A_238 = arith.addi %mul3A_236, %add3A_237 : i32
      %broadcast_in_dim3A_239 = vector.broadcast %add3A_238 : i32 to vector<16xi32>
      %gather3A_240 = tpu.vector_load_idx %arg7[%broadcast_in_dim3A_239] : memref<256xi32, #tpu.memory_space<vmem>>[vector<16xi32>], vector<16xi32>,
      %mul3A_241 = arith.constant 32 : i32
      %mul3A_242 = vector.broadcast %mul3A_241 : i32 to vector<16xi32>
      %mul3A_243 = arith.muli %gather3A_240, %mul3A_242 : vector<16xi32>
      %add3A_244 = arith.constant 0 : i32
      %add3A_245 = vector.broadcast %add3A_244 : i32 to vector<16xi32>
      %add3A_246 = arith.addi %mul3A_243, %add3A_245 : vector<16xi32>
      %add3A_247 = arith.addi %add3A_246, %iota3A : vector<16xi32>
      %add3A_248 = arith.constant 0 : i32
      %add3A_249 = arith.addi %add3A_248, %mul3A_45 : i32
      %add3A_250 = vector.broadcast %add3A_249 : i32 to vector<16xi32>
      %add3A_251 = arith.addi %iota3A, %add3A_250 : vector<16xi32>
      %gather3A_252 = tpu.vector_load_idx %arg6[%broadcast_in_dim3A_239, %add3A_251] : memref<256x128xf32, #tpu.memory_space<vmem>>[vector<16xi32>, vector<16xi32>], vector<16xf32>,
      %shift_right_logical3A_253 = arith.constant 7 : i32
      %shift_right_logical3A_254 = vector.broadcast %shift_right_logical3A_253 : i32 to vector<16xi32>
      %shift_right_logical3A_255 = arith.shrui %add3A_247, %shift_right_logical3A_254 : vector<16xi32>
      %and3A_256 = arith.constant 127 : i32
      %and3A_257 = vector.broadcast %and3A_256 : i32 to vector<16xi32>
      %and3A_258 = arith.andi %add3A_247, %and3A_257 : vector<16xi32>
      tpu.vector_store_idx %arg8[%shift_right_logical3A_255, %and3A_258], %gather3A_252 {add = true} : memref<256x128xf32, #tpu.memory_space<vmem>>[vector<16xi32>, vector<16xi32>], vector<16xf32>,
      %add3A_259 = arith.constant 16 : i32
      %add3A_260 = vector.broadcast %add3A_259 : i32 to vector<16xi32>
      %add3A_261 = arith.addi %mul3A_243, %add3A_260 : vector<16xi32>
      %add3A_262 = arith.addi %add3A_261, %iota3A : vector<16xi32>
      %add3A_263 = arith.constant 16 : i32
      %add3A_264 = arith.addi %add3A_263, %mul3A_45 : i32
      %add3A_265 = vector.broadcast %add3A_264 : i32 to vector<16xi32>
      %add3A_266 = arith.addi %iota3A, %add3A_265 : vector<16xi32>
      %gather3A_267 = tpu.vector_load_idx %arg6[%broadcast_in_dim3A_239, %add3A_266] : memref<256x128xf32, #tpu.memory_space<vmem>>[vector<16xi32>, vector<16xi32>], vector<16xf32>,
      %shift_right_logical3A_268 = arith.constant 7 : i32
      %shift_right_logical3A_269 = vector.broadcast %shift_right_logical3A_268 : i32 to vector<16xi32>
      %shift_right_logical3A_270 = arith.shrui %add3A_262, %shift_right_logical3A_269 : vector<16xi32>
      %and3A_271 = arith.constant 127 : i32
      %and3A_272 = vector.broadcast %and3A_271 : i32 to vector<16xi32>
      %and3A_273 = arith.andi %add3A_262, %and3A_272 : vector<16xi32>
      tpu.vector_store_idx %arg8[%shift_right_logical3A_270, %and3A_273], %gather3A_267 {add = true} : memref<256x128xf32, #tpu.memory_space<vmem>>[vector<16xi32>, vector<16xi32>], vector<16xf32>,
      %mul3A_274 = arith.constant 8 : i32
      %mul3A_275 = arith.muli %scan3A_159, %mul3A_274 : i32
      %add3A_276 = arith.constant 3 : i32
      %add3A_277 = arith.addi %mul3A_275, %add3A_276 : i32
      %broadcast_in_dim3A_278 = vector.broadcast %add3A_277 : i32 to vector<16xi32>
      %gather3A_279 = tpu.vector_load_idx %arg7[%broadcast_in_dim3A_278] : memref<256xi32, #tpu.memory_space<vmem>>[vector<16xi32>], vector<16xi32>,
      %mul3A_280 = arith.constant 32 : i32
      %mul3A_281 = vector.broadcast %mul3A_280 : i32 to vector<16xi32>
      %mul3A_282 = arith.muli %gather3A_279, %mul3A_281 : vector<16xi32>
      %add3A_283 = arith.constant 0 : i32
      %add3A_284 = vector.broadcast %add3A_283 : i32 to vector<16xi32>
      %add3A_285 = arith.addi %mul3A_282, %add3A_284 : vector<16xi32>
      %add3A_286 = arith.addi %add3A_285, %iota3A : vector<16xi32>
      %add3A_287 = arith.constant 0 : i32
      %add3A_288 = arith.addi %add3A_287, %mul3A_45 : i32
      %add3A_289 = vector.broadcast %add3A_288 : i32 to vector<16xi32>
      %add3A_290 = arith.addi %iota3A, %add3A_289 : vector<16xi32>
      %gather3A_291 = tpu.vector_load_idx %arg6[%broadcast_in_dim3A_278, %add3A_290] : memref<256x128xf32, #tpu.memory_space<vmem>>[vector<16xi32>, vector<16xi32>], vector<16xf32>,
      %shift_right_logical3A_292 = arith.constant 7 : i32
      %shift_right_logical3A_293 = vector.broadcast %shift_right_logical3A_292 : i32 to vector<16xi32>
      %shift_right_logical3A_294 = arith.shrui %add3A_286, %shift_right_logical3A_293 : vector<16xi32>
      %and3A_295 = arith.constant 127 : i32
      %and3A_296 = vector.broadcast %and3A_295 : i32 to vector<16xi32>
      %and3A_297 = arith.andi %add3A_286, %and3A_296 : vector<16xi32>
      tpu.vector_store_idx %arg8[%shift_right_logical3A_294, %and3A_297], %gather3A_291 {add = true} : memref<256x128xf32, #tpu.memory_space<vmem>>[vector<16xi32>, vector<16xi32>], vector<16xf32>,
      %add3A_298 = arith.constant 16 : i32
      %add3A_299 = vector.broadcast %add3A_298 : i32 to vector<16xi32>
      %add3A_300 = arith.addi %mul3A_282, %add3A_299 : vector<16xi32>
      %add3A_301 = arith.addi %add3A_300, %iota3A : vector<16xi32>
      %add3A_302 = arith.constant 16 : i32
      %add3A_303 = arith.addi %add3A_302, %mul3A_45 : i32
      %add3A_304 = vector.broadcast %add3A_303 : i32 to vector<16xi32>
      %add3A_305 = arith.addi %iota3A, %add3A_304 : vector<16xi32>
      %gather3A_306 = tpu.vector_load_idx %arg6[%broadcast_in_dim3A_278, %add3A_305] : memref<256x128xf32, #tpu.memory_space<vmem>>[vector<16xi32>, vector<16xi32>], vector<16xf32>,
      %shift_right_logical3A_307 = arith.constant 7 : i32
      %shift_right_logical3A_308 = vector.broadcast %shift_right_logical3A_307 : i32 to vector<16xi32>
      %shift_right_logical3A_309 = arith.shrui %add3A_301, %shift_right_logical3A_308 : vector<16xi32>
      %and3A_310 = arith.constant 127 : i32
      %and3A_311 = vector.broadcast %and3A_310 : i32 to vector<16xi32>
      %and3A_312 = arith.andi %add3A_301, %and3A_311 : vector<16xi32>
      tpu.vector_store_idx %arg8[%shift_right_logical3A_309, %and3A_312], %gather3A_306 {add = true} : memref<256x128xf32, #tpu.memory_space<vmem>>[vector<16xi32>, vector<16xi32>], vector<16xf32>,
      %mul3A_313 = arith.constant 8 : i32
      %mul3A_314 = arith.muli %scan3A_159, %mul3A_313 : i32
      %add3A_315 = arith.constant 4 : i32
      %add3A_316 = arith.addi %mul3A_314, %add3A_315 : i32
      %broadcast_in_dim3A_317 = vector.broadcast %add3A_316 : i32 to vector<16xi32>
      %gather3A_318 = tpu.vector_load_idx %arg7[%broadcast_in_dim3A_317] : memref<256xi32, #tpu.memory_space<vmem>>[vector<16xi32>], vector<16xi32>,
      %mul3A_319 = arith.constant 32 : i32
      %mul3A_320 = vector.broadcast %mul3A_319 : i32 to vector<16xi32>
      %mul3A_321 = arith.muli %gather3A_318, %mul3A_320 : vector<16xi32>
      %add3A_322 = arith.constant 0 : i32
      %add3A_323 = vector.broadcast %add3A_322 : i32 to vector<16xi32>
      %add3A_324 = arith.addi %mul3A_321, %add3A_323 : vector<16xi32>
      %add3A_325 = arith.addi %add3A_324, %iota3A : vector<16xi32>
      %add3A_326 = arith.constant 0 : i32
      %add3A_327 = arith.addi %add3A_326, %mul3A_45 : i32
      %add3A_328 = vector.broadcast %add3A_327 : i32 to vector<16xi32>
      %add3A_329 = arith.addi %iota3A, %add3A_328 : vector<16xi32>
      %gather3A_330 = tpu.vector_load_idx %arg6[%broadcast_in_dim3A_317, %add3A_329] : memref<256x128xf32, #tpu.memory_space<vmem>>[vector<16xi32>, vector<16xi32>], vector<16xf32>,
      %shift_right_logical3A_331 = arith.constant 7 : i32
      %shift_right_logical3A_332 = vector.broadcast %shift_right_logical3A_331 : i32 to vector<16xi32>
      %shift_right_logical3A_333 = arith.shrui %add3A_325, %shift_right_logical3A_332 : vector<16xi32>
      %and3A_334 = arith.constant 127 : i32
      %and3A_335 = vector.broadcast %and3A_334 : i32 to vector<16xi32>
      %and3A_336 = arith.andi %add3A_325, %and3A_335 : vector<16xi32>
      tpu.vector_store_idx %arg8[%shift_right_logical3A_333, %and3A_336], %gather3A_330 {add = true} : memref<256x128xf32, #tpu.memory_space<vmem>>[vector<16xi32>, vector<16xi32>], vector<16xf32>,
      %add3A_337 = arith.constant 16 : i32
      %add3A_338 = vector.broadcast %add3A_337 : i32 to vector<16xi32>
      %add3A_339 = arith.addi %mul3A_321, %add3A_338 : vector<16xi32>
      %add3A_340 = arith.addi %add3A_339, %iota3A : vector<16xi32>
      %add3A_341 = arith.constant 16 : i32
      %add3A_342 = arith.addi %add3A_341, %mul3A_45 : i32
      %add3A_343 = vector.broadcast %add3A_342 : i32 to vector<16xi32>
      %add3A_344 = arith.addi %iota3A, %add3A_343 : vector<16xi32>
      %gather3A_345 = tpu.vector_load_idx %arg6[%broadcast_in_dim3A_317, %add3A_344] : memref<256x128xf32, #tpu.memory_space<vmem>>[vector<16xi32>, vector<16xi32>], vector<16xf32>,
      %shift_right_logical3A_346 = arith.constant 7 : i32
      %shift_right_logical3A_347 = vector.broadcast %shift_right_logical3A_346 : i32 to vector<16xi32>
      %shift_right_logical3A_348 = arith.shrui %add3A_340, %shift_right_logical3A_347 : vector<16xi32>
      %and3A_349 = arith.constant 127 : i32
      %and3A_350 = vector.broadcast %and3A_349 : i32 to vector<16xi32>
      %and3A_351 = arith.andi %add3A_340, %and3A_350 : vector<16xi32>
      tpu.vector_store_idx %arg8[%shift_right_logical3A_348, %and3A_351], %gather3A_345 {add = true} : memref<256x128xf32, #tpu.memory_space<vmem>>[vector<16xi32>, vector<16xi32>], vector<16xf32>,
      %mul3A_352 = arith.constant 8 : i32
      %mul3A_353 = arith.muli %scan3A_159, %mul3A_352 : i32
      %add3A_354 = arith.constant 5 : i32
      %add3A_355 = arith.addi %mul3A_353, %add3A_354 : i32
      %broadcast_in_dim3A_356 = vector.broadcast %add3A_355 : i32 to vector<16xi32>
      %gather3A_357 = tpu.vector_load_idx %arg7[%broadcast_in_dim3A_356] : memref<256xi32, #tpu.memory_space<vmem>>[vector<16xi32>], vector<16xi32>,
      %mul3A_358 = arith.constant 32 : i32
      %mul3A_359 = vector.broadcast %mul3A_358 : i32 to vector<16xi32>
      %mul3A_360 = arith.muli %gather3A_357, %mul3A_359 : vector<16xi32>
      %add3A_361 = arith.constant 0 : i32
      %add3A_362 = vector.broadcast %add3A_361 : i32 to vector<16xi32>
      %add3A_363 = arith.addi %mul3A_360, %add3A_362 : vector<16xi32>
      %add3A_364 = arith.addi %add3A_363, %iota3A : vector<16xi32>
      %add3A_365 = arith.constant 0 : i32
      %add3A_366 = arith.addi %add3A_365, %mul3A_45 : i32
      %add3A_367 = vector.broadcast %add3A_366 : i32 to vector<16xi32>
      %add3A_368 = arith.addi %iota3A, %add3A_367 : vector<16xi32>
      %gather3A_369 = tpu.vector_load_idx %arg6[%broadcast_in_dim3A_356, %add3A_368] : memref<256x128xf32, #tpu.memory_space<vmem>>[vector<16xi32>, vector<16xi32>], vector<16xf32>,
      %shift_right_logical3A_370 = arith.constant 7 : i32
      %shift_right_logical3A_371 = vector.broadcast %shift_right_logical3A_370 : i32 to vector<16xi32>
      %shift_right_logical3A_372 = arith.shrui %add3A_364, %shift_right_logical3A_371 : vector<16xi32>
      %and3A_373 = arith.constant 127 : i32
      %and3A_374 = vector.broadcast %and3A_373 : i32 to vector<16xi32>
      %and3A_375 = arith.andi %add3A_364, %and3A_374 : vector<16xi32>
      tpu.vector_store_idx %arg8[%shift_right_logical3A_372, %and3A_375], %gather3A_369 {add = true} : memref<256x128xf32, #tpu.memory_space<vmem>>[vector<16xi32>, vector<16xi32>], vector<16xf32>,
      %add3A_376 = arith.constant 16 : i32
      %add3A_377 = vector.broadcast %add3A_376 : i32 to vector<16xi32>
      %add3A_378 = arith.addi %mul3A_360, %add3A_377 : vector<16xi32>
      %add3A_379 = arith.addi %add3A_378, %iota3A : vector<16xi32>
      %add3A_380 = arith.constant 16 : i32
      %add3A_381 = arith.addi %add3A_380, %mul3A_45 : i32
      %add3A_382 = vector.broadcast %add3A_381 : i32 to vector<16xi32>
      %add3A_383 = arith.addi %iota3A, %add3A_382 : vector<16xi32>
      %gather3A_384 = tpu.vector_load_idx %arg6[%broadcast_in_dim3A_356, %add3A_383] : memref<256x128xf32, #tpu.memory_space<vmem>>[vector<16xi32>, vector<16xi32>], vector<16xf32>,
      %shift_right_logical3A_385 = arith.constant 7 : i32
      %shift_right_logical3A_386 = vector.broadcast %shift_right_logical3A_385 : i32 to vector<16xi32>
      %shift_right_logical3A_387 = arith.shrui %add3A_379, %shift_right_logical3A_386 : vector<16xi32>
      %and3A_388 = arith.constant 127 : i32
      %and3A_389 = vector.broadcast %and3A_388 : i32 to vector<16xi32>
      %and3A_390 = arith.andi %add3A_379, %and3A_389 : vector<16xi32>
      tpu.vector_store_idx %arg8[%shift_right_logical3A_387, %and3A_390], %gather3A_384 {add = true} : memref<256x128xf32, #tpu.memory_space<vmem>>[vector<16xi32>, vector<16xi32>], vector<16xf32>,
      %mul3A_391 = arith.constant 8 : i32
      %mul3A_392 = arith.muli %scan3A_159, %mul3A_391 : i32
      %add3A_393 = arith.constant 6 : i32
      %add3A_394 = arith.addi %mul3A_392, %add3A_393 : i32
      %broadcast_in_dim3A_395 = vector.broadcast %add3A_394 : i32 to vector<16xi32>
      %gather3A_396 = tpu.vector_load_idx %arg7[%broadcast_in_dim3A_395] : memref<256xi32, #tpu.memory_space<vmem>>[vector<16xi32>], vector<16xi32>,
      %mul3A_397 = arith.constant 32 : i32
      %mul3A_398 = vector.broadcast %mul3A_397 : i32 to vector<16xi32>
      %mul3A_399 = arith.muli %gather3A_396, %mul3A_398 : vector<16xi32>
      %add3A_400 = arith.constant 0 : i32
      %add3A_401 = vector.broadcast %add3A_400 : i32 to vector<16xi32>
      %add3A_402 = arith.addi %mul3A_399, %add3A_401 : vector<16xi32>
      %add3A_403 = arith.addi %add3A_402, %iota3A : vector<16xi32>
      %add3A_404 = arith.constant 0 : i32
      %add3A_405 = arith.addi %add3A_404, %mul3A_45 : i32
      %add3A_406 = vector.broadcast %add3A_405 : i32 to vector<16xi32>
      %add3A_407 = arith.addi %iota3A, %add3A_406 : vector<16xi32>
      %gather3A_408 = tpu.vector_load_idx %arg6[%broadcast_in_dim3A_395, %add3A_407] : memref<256x128xf32, #tpu.memory_space<vmem>>[vector<16xi32>, vector<16xi32>], vector<16xf32>,
      %shift_right_logical3A_409 = arith.constant 7 : i32
      %shift_right_logical3A_410 = vector.broadcast %shift_right_logical3A_409 : i32 to vector<16xi32>
      %shift_right_logical3A_411 = arith.shrui %add3A_403, %shift_right_logical3A_410 : vector<16xi32>
      %and3A_412 = arith.constant 127 : i32
      %and3A_413 = vector.broadcast %and3A_412 : i32 to vector<16xi32>
      %and3A_414 = arith.andi %add3A_403, %and3A_413 : vector<16xi32>
      tpu.vector_store_idx %arg8[%shift_right_logical3A_411, %and3A_414], %gather3A_408 {add = true} : memref<256x128xf32, #tpu.memory_space<vmem>>[vector<16xi32>, vector<16xi32>], vector<16xf32>,
      %add3A_415 = arith.constant 16 : i32
      %add3A_416 = vector.broadcast %add3A_415 : i32 to vector<16xi32>
      %add3A_417 = arith.addi %mul3A_399, %add3A_416 : vector<16xi32>
      %add3A_418 = arith.addi %add3A_417, %iota3A : vector<16xi32>
      %add3A_419 = arith.constant 16 : i32
      %add3A_420 = arith.addi %add3A_419, %mul3A_45 : i32
      %add3A_421 = vector.broadcast %add3A_420 : i32 to vector<16xi32>
      %add3A_422 = arith.addi %iota3A, %add3A_421 : vector<16xi32>
      %gather3A_423 = tpu.vector_load_idx %arg6[%broadcast_in_dim3A_395, %add3A_422] : memref<256x128xf32, #tpu.memory_space<vmem>>[vector<16xi32>, vector<16xi32>], vector<16xf32>,
      %shift_right_logical3A_424 = arith.constant 7 : i32
      %shift_right_logical3A_425 = vector.broadcast %shift_right_logical3A_424 : i32 to vector<16xi32>
      %shift_right_logical3A_426 = arith.shrui %add3A_418, %shift_right_logical3A_425 : vector<16xi32>
      %and3A_427 = arith.constant 127 : i32
      %and3A_428 = vector.broadcast %and3A_427 : i32 to vector<16xi32>
      %and3A_429 = arith.andi %add3A_418, %and3A_428 : vector<16xi32>
      tpu.vector_store_idx %arg8[%shift_right_logical3A_426, %and3A_429], %gather3A_423 {add = true} : memref<256x128xf32, #tpu.memory_space<vmem>>[vector<16xi32>, vector<16xi32>], vector<16xf32>,
      %mul3A_430 = arith.constant 8 : i32
      %mul3A_431 = arith.muli %scan3A_159, %mul3A_430 : i32
      %add3A_432 = arith.constant 7 : i32
      %add3A_433 = arith.addi %mul3A_431, %add3A_432 : i32
      %broadcast_in_dim3A_434 = vector.broadcast %add3A_433 : i32 to vector<16xi32>
      %gather3A_435 = tpu.vector_load_idx %arg7[%broadcast_in_dim3A_434] : memref<256xi32, #tpu.memory_space<vmem>>[vector<16xi32>], vector<16xi32>,
      %mul3A_436 = arith.constant 32 : i32
      %mul3A_437 = vector.broadcast %mul3A_436 : i32 to vector<16xi32>
      %mul3A_438 = arith.muli %gather3A_435, %mul3A_437 : vector<16xi32>
      %add3A_439 = arith.constant 0 : i32
      %add3A_440 = vector.broadcast %add3A_439 : i32 to vector<16xi32>
      %add3A_441 = arith.addi %mul3A_438, %add3A_440 : vector<16xi32>
      %add3A_442 = arith.addi %add3A_441, %iota3A : vector<16xi32>
      %add3A_443 = arith.constant 0 : i32
      %add3A_444 = arith.addi %add3A_443, %mul3A_45 : i32
      %add3A_445 = vector.broadcast %add3A_444 : i32 to vector<16xi32>
      %add3A_446 = arith.addi %iota3A, %add3A_445 : vector<16xi32>
      %gather3A_447 = tpu.vector_load_idx %arg6[%broadcast_in_dim3A_434, %add3A_446] : memref<256x128xf32, #tpu.memory_space<vmem>>[vector<16xi32>, vector<16xi32>], vector<16xf32>,
      %shift_right_logical3A_448 = arith.constant 7 : i32
      %shift_right_logical3A_449 = vector.broadcast %shift_right_logical3A_448 : i32 to vector<16xi32>
      %shift_right_logical3A_450 = arith.shrui %add3A_442, %shift_right_logical3A_449 : vector<16xi32>
      %and3A_451 = arith.constant 127 : i32
      %and3A_452 = vector.broadcast %and3A_451 : i32 to vector<16xi32>
      %and3A_453 = arith.andi %add3A_442, %and3A_452 : vector<16xi32>
      tpu.vector_store_idx %arg8[%shift_right_logical3A_450, %and3A_453], %gather3A_447 {add = true} : memref<256x128xf32, #tpu.memory_space<vmem>>[vector<16xi32>, vector<16xi32>], vector<16xf32>,
      %add3A_454 = arith.constant 16 : i32
      %add3A_455 = vector.broadcast %add3A_454 : i32 to vector<16xi32>
      %add3A_456 = arith.addi %mul3A_438, %add3A_455 : vector<16xi32>
      %add3A_457 = arith.addi %add3A_456, %iota3A : vector<16xi32>
      %add3A_458 = arith.constant 16 : i32
      %add3A_459 = arith.addi %add3A_458, %mul3A_45 : i32
      %add3A_460 = vector.broadcast %add3A_459 : i32 to vector<16xi32>
      %add3A_461 = arith.addi %iota3A, %add3A_460 : vector<16xi32>
      %gather3A_462 = tpu.vector_load_idx %arg6[%broadcast_in_dim3A_434, %add3A_461] : memref<256x128xf32, #tpu.memory_space<vmem>>[vector<16xi32>, vector<16xi32>], vector<16xf32>,
      %shift_right_logical3A_463 = arith.constant 7 : i32
      %shift_right_logical3A_464 = vector.broadcast %shift_right_logical3A_463 : i32 to vector<16xi32>
      %shift_right_logical3A_465 = arith.shrui %add3A_457, %shift_right_logical3A_464 : vector<16xi32>
      %and3A_466 = arith.constant 127 : i32
      %and3A_467 = vector.broadcast %and3A_466 : i32 to vector<16xi32>
      %and3A_468 = arith.andi %add3A_457, %and3A_467 : vector<16xi32>
      tpu.vector_store_idx %arg8[%shift_right_logical3A_465, %and3A_468], %gather3A_462 {add = true} : memref<256x128xf32, #tpu.memory_space<vmem>>[vector<16xi32>, vector<16xi32>], vector<16xf32>,
    }
    %scan3A_136 = arith.constant 32 : i32
    %mul3A_137 = arith.constant 2048 : i32
    %mul3A_138 = arith.muli %select_n3A_69, %mul3A_137 : i32
    %add3A_139 = arith.constant 1536 : i32
    %add3A_140 = arith.addi %mul3A_138, %add3A_139 : i32
    %multiple_of3A_141 = tpu.assume_multiple %add3A_140, 256 : i32
    "tpu.region"() ({
      %run_scoped3A = tpu.sem_alloc : memref<!tpu.dma_semaphore, #tpu.memory_space<semaphore_mem>>
      %dma_start3A = tpu.memref_slice %arg3[%arg0, %multiple_of3A_141] : memref<2x4096xi32, #tpu.memory_space<hbm>> -> memref<1x256xi32, #tpu.memory_space<hbm>>
      %dma_start3A_159 = tpu.memref_squeeze %dma_start3A : memref<1x256xi32, #tpu.memory_space<hbm>> -> memref<256xi32, #tpu.memory_space<hbm>>
      %dma_start3A_160 = tpu.memref_slice %arg3[%arg0, %multiple_of3A_141] : memref<2x4096xi32, #tpu.memory_space<hbm>> -> memref<1x256xi32, #tpu.memory_space<hbm>>
      %dma_start3A_161 = tpu.memref_squeeze %dma_start3A_160 : memref<1x256xi32, #tpu.memory_space<hbm>> -> memref<256xi32, #tpu.memory_space<hbm>>
      tpu.enqueue_dma source(%dma_start3A_161 : memref<256xi32, #tpu.memory_space<hbm>>) target(%arg7 : memref<256xi32, #tpu.memory_space<vmem>>) target_semaphore(%run_scoped3A : memref<!tpu.dma_semaphore, #tpu.memory_space<semaphore_mem>>)
      %dma_wait3A = tpu.memref_slice %arg3[%arg0, %multiple_of3A_141] : memref<2x4096xi32, #tpu.memory_space<hbm>> -> memref<1x256xi32, #tpu.memory_space<hbm>>
      %dma_wait3A_162 = tpu.memref_squeeze %dma_wait3A : memref<1x256xi32, #tpu.memory_space<hbm>> -> memref<256xi32, #tpu.memory_space<hbm>>
      %dma_wait3A_163 = tpu.memref_slice %arg3[%arg0, %multiple_of3A_141] : memref<2x4096xi32, #tpu.memory_space<hbm>> -> memref<1x256xi32, #tpu.memory_space<hbm>>
      %dma_wait3A_164 = tpu.memref_squeeze %dma_wait3A_163 : memref<1x256xi32, #tpu.memory_space<hbm>> -> memref<256xi32, #tpu.memory_space<hbm>>
      tpu.wait_dma2 semaphore(%run_scoped3A : memref<!tpu.dma_semaphore, #tpu.memory_space<semaphore_mem>>) src(%dma_wait3A_164 : memref<256xi32, #tpu.memory_space<hbm>>) dst(%arg7 : memref<256xi32, #tpu.memory_space<vmem>>)
      tpu.yield
    }) : () -> ()
    "tpu.region"() ({
      %run_scoped3A = tpu.sem_alloc : memref<!tpu.dma_semaphore, #tpu.memory_space<semaphore_mem>>
      %dma_start3A = tpu.memref_slice %arg2[%arg0, %multiple_of3A_141, %multiple_of3A] : memref<2x4096x256xf32, #tpu.memory_space<hbm>> -> memref<1x256x128xf32, #tpu.memory_space<hbm>>
      %dma_start3A_159 = tpu.memref_squeeze %dma_start3A : memref<1x256x128xf32, #tpu.memory_space<hbm>> -> memref<256x128xf32, #tpu.memory_space<hbm>>
      %dma_start3A_160 = tpu.memref_slice %arg2[%arg0, %multiple_of3A_141, %multiple_of3A] : memref<2x4096x256xf32, #tpu.memory_space<hbm>> -> memref<1x256x128xf32, #tpu.memory_space<hbm>>
      %dma_start3A_161 = tpu.memref_squeeze %dma_start3A_160 : memref<1x256x128xf32, #tpu.memory_space<hbm>> -> memref<256x128xf32, #tpu.memory_space<hbm>>
      tpu.enqueue_dma source(%dma_start3A_161 : memref<256x128xf32, #tpu.memory_space<hbm>>) target(%arg6 : memref<256x128xf32, #tpu.memory_space<vmem>>) target_semaphore(%run_scoped3A : memref<!tpu.dma_semaphore, #tpu.memory_space<semaphore_mem>>)
      %dma_wait3A = tpu.memref_slice %arg2[%arg0, %multiple_of3A_141, %multiple_of3A] : memref<2x4096x256xf32, #tpu.memory_space<hbm>> -> memref<1x256x128xf32, #tpu.memory_space<hbm>>
      %dma_wait3A_162 = tpu.memref_squeeze %dma_wait3A : memref<1x256x128xf32, #tpu.memory_space<hbm>> -> memref<256x128xf32, #tpu.memory_space<hbm>>
      %dma_wait3A_163 = tpu.memref_slice %arg2[%arg0, %multiple_of3A_141, %multiple_of3A] : memref<2x4096x256xf32, #tpu.memory_space<hbm>> -> memref<1x256x128xf32, #tpu.memory_space<hbm>>
      %dma_wait3A_164 = tpu.memref_squeeze %dma_wait3A_163 : memref<1x256x128xf32, #tpu.memory_space<hbm>> -> memref<256x128xf32, #tpu.memory_space<hbm>>
      tpu.wait_dma2 semaphore(%run_scoped3A : memref<!tpu.dma_semaphore, #tpu.memory_space<semaphore_mem>>) src(%dma_wait3A_164 : memref<256x128xf32, #tpu.memory_space<hbm>>) dst(%arg6 : memref<256x128xf32, #tpu.memory_space<vmem>>)
      tpu.yield
    }) : () -> ()
    %scan3A_142 = arith.constant 0 : i32
    %scan3A_143 = arith.constant 0 : i32
    %scan3A_144 = arith.constant 32 : i32
    %scan3A_145 = arith.addi %scan3A_143, %scan3A_144 : i32
    %scan3A_146 = arith.constant 1 : i32
    scf.for %scan3A_159 = %scan3A_143 to %scan3A_145 step %scan3A_146  : i32 {
      %mul3A_160 = arith.constant 8 : i32
      %mul3A_161 = arith.muli %scan3A_159, %mul3A_160 : i32
      %add3A_162 = arith.constant 0 : i32
      %add3A_163 = arith.addi %mul3A_161, %add3A_162 : i32
      %broadcast_in_dim3A = vector.broadcast %add3A_163 : i32 to vector<16xi32>
      %gather3A = tpu.vector_load_idx %arg7[%broadcast_in_dim3A] : memref<256xi32, #tpu.memory_space<vmem>>[vector<16xi32>], vector<16xi32>,
      %mul3A_164 = arith.constant 32 : i32
      %mul3A_165 = vector.broadcast %mul3A_164 : i32 to vector<16xi32>
      %mul3A_166 = arith.muli %gather3A, %mul3A_165 : vector<16xi32>
      %add3A_167 = arith.constant 0 : i32
      %add3A_168 = vector.broadcast %add3A_167 : i32 to vector<16xi32>
      %add3A_169 = arith.addi %mul3A_166, %add3A_168 : vector<16xi32>
      %add3A_170 = arith.addi %add3A_169, %iota3A : vector<16xi32>
      %add3A_171 = arith.constant 0 : i32
      %add3A_172 = arith.addi %add3A_171, %mul3A_45 : i32
      %add3A_173 = vector.broadcast %add3A_172 : i32 to vector<16xi32>
      %add3A_174 = arith.addi %iota3A, %add3A_173 : vector<16xi32>
      %gather3A_175 = tpu.vector_load_idx %arg6[%broadcast_in_dim3A, %add3A_174] : memref<256x128xf32, #tpu.memory_space<vmem>>[vector<16xi32>, vector<16xi32>], vector<16xf32>,
      %shift_right_logical3A = arith.constant 7 : i32
      %shift_right_logical3A_176 = vector.broadcast %shift_right_logical3A : i32 to vector<16xi32>
      %shift_right_logical3A_177 = arith.shrui %add3A_170, %shift_right_logical3A_176 : vector<16xi32>
      %and3A_178 = arith.constant 127 : i32
      %and3A_179 = vector.broadcast %and3A_178 : i32 to vector<16xi32>
      %and3A_180 = arith.andi %add3A_170, %and3A_179 : vector<16xi32>
      tpu.vector_store_idx %arg8[%shift_right_logical3A_177, %and3A_180], %gather3A_175 {add = true} : memref<256x128xf32, #tpu.memory_space<vmem>>[vector<16xi32>, vector<16xi32>], vector<16xf32>,
      %add3A_181 = arith.constant 16 : i32
      %add3A_182 = vector.broadcast %add3A_181 : i32 to vector<16xi32>
      %add3A_183 = arith.addi %mul3A_166, %add3A_182 : vector<16xi32>
      %add3A_184 = arith.addi %add3A_183, %iota3A : vector<16xi32>
      %add3A_185 = arith.constant 16 : i32
      %add3A_186 = arith.addi %add3A_185, %mul3A_45 : i32
      %add3A_187 = vector.broadcast %add3A_186 : i32 to vector<16xi32>
      %add3A_188 = arith.addi %iota3A, %add3A_187 : vector<16xi32>
      %gather3A_189 = tpu.vector_load_idx %arg6[%broadcast_in_dim3A, %add3A_188] : memref<256x128xf32, #tpu.memory_space<vmem>>[vector<16xi32>, vector<16xi32>], vector<16xf32>,
      %shift_right_logical3A_190 = arith.constant 7 : i32
      %shift_right_logical3A_191 = vector.broadcast %shift_right_logical3A_190 : i32 to vector<16xi32>
      %shift_right_logical3A_192 = arith.shrui %add3A_184, %shift_right_logical3A_191 : vector<16xi32>
      %and3A_193 = arith.constant 127 : i32
      %and3A_194 = vector.broadcast %and3A_193 : i32 to vector<16xi32>
      %and3A_195 = arith.andi %add3A_184, %and3A_194 : vector<16xi32>
      tpu.vector_store_idx %arg8[%shift_right_logical3A_192, %and3A_195], %gather3A_189 {add = true} : memref<256x128xf32, #tpu.memory_space<vmem>>[vector<16xi32>, vector<16xi32>], vector<16xf32>,
      %mul3A_196 = arith.constant 8 : i32
      %mul3A_197 = arith.muli %scan3A_159, %mul3A_196 : i32
      %add3A_198 = arith.constant 1 : i32
      %add3A_199 = arith.addi %mul3A_197, %add3A_198 : i32
      %broadcast_in_dim3A_200 = vector.broadcast %add3A_199 : i32 to vector<16xi32>
      %gather3A_201 = tpu.vector_load_idx %arg7[%broadcast_in_dim3A_200] : memref<256xi32, #tpu.memory_space<vmem>>[vector<16xi32>], vector<16xi32>,
      %mul3A_202 = arith.constant 32 : i32
      %mul3A_203 = vector.broadcast %mul3A_202 : i32 to vector<16xi32>
      %mul3A_204 = arith.muli %gather3A_201, %mul3A_203 : vector<16xi32>
      %add3A_205 = arith.constant 0 : i32
      %add3A_206 = vector.broadcast %add3A_205 : i32 to vector<16xi32>
      %add3A_207 = arith.addi %mul3A_204, %add3A_206 : vector<16xi32>
      %add3A_208 = arith.addi %add3A_207, %iota3A : vector<16xi32>
      %add3A_209 = arith.constant 0 : i32
      %add3A_210 = arith.addi %add3A_209, %mul3A_45 : i32
      %add3A_211 = vector.broadcast %add3A_210 : i32 to vector<16xi32>
      %add3A_212 = arith.addi %iota3A, %add3A_211 : vector<16xi32>
      %gather3A_213 = tpu.vector_load_idx %arg6[%broadcast_in_dim3A_200, %add3A_212] : memref<256x128xf32, #tpu.memory_space<vmem>>[vector<16xi32>, vector<16xi32>], vector<16xf32>,
      %shift_right_logical3A_214 = arith.constant 7 : i32
      %shift_right_logical3A_215 = vector.broadcast %shift_right_logical3A_214 : i32 to vector<16xi32>
      %shift_right_logical3A_216 = arith.shrui %add3A_208, %shift_right_logical3A_215 : vector<16xi32>
      %and3A_217 = arith.constant 127 : i32
      %and3A_218 = vector.broadcast %and3A_217 : i32 to vector<16xi32>
      %and3A_219 = arith.andi %add3A_208, %and3A_218 : vector<16xi32>
      tpu.vector_store_idx %arg8[%shift_right_logical3A_216, %and3A_219], %gather3A_213 {add = true} : memref<256x128xf32, #tpu.memory_space<vmem>>[vector<16xi32>, vector<16xi32>], vector<16xf32>,
      %add3A_220 = arith.constant 16 : i32
      %add3A_221 = vector.broadcast %add3A_220 : i32 to vector<16xi32>
      %add3A_222 = arith.addi %mul3A_204, %add3A_221 : vector<16xi32>
      %add3A_223 = arith.addi %add3A_222, %iota3A : vector<16xi32>
      %add3A_224 = arith.constant 16 : i32
      %add3A_225 = arith.addi %add3A_224, %mul3A_45 : i32
      %add3A_226 = vector.broadcast %add3A_225 : i32 to vector<16xi32>
      %add3A_227 = arith.addi %iota3A, %add3A_226 : vector<16xi32>
      %gather3A_228 = tpu.vector_load_idx %arg6[%broadcast_in_dim3A_200, %add3A_227] : memref<256x128xf32, #tpu.memory_space<vmem>>[vector<16xi32>, vector<16xi32>], vector<16xf32>,
      %shift_right_logical3A_229 = arith.constant 7 : i32
      %shift_right_logical3A_230 = vector.broadcast %shift_right_logical3A_229 : i32 to vector<16xi32>
      %shift_right_logical3A_231 = arith.shrui %add3A_223, %shift_right_logical3A_230 : vector<16xi32>
      %and3A_232 = arith.constant 127 : i32
      %and3A_233 = vector.broadcast %and3A_232 : i32 to vector<16xi32>
      %and3A_234 = arith.andi %add3A_223, %and3A_233 : vector<16xi32>
      tpu.vector_store_idx %arg8[%shift_right_logical3A_231, %and3A_234], %gather3A_228 {add = true} : memref<256x128xf32, #tpu.memory_space<vmem>>[vector<16xi32>, vector<16xi32>], vector<16xf32>,
      %mul3A_235 = arith.constant 8 : i32
      %mul3A_236 = arith.muli %scan3A_159, %mul3A_235 : i32
      %add3A_237 = arith.constant 2 : i32
      %add3A_238 = arith.addi %mul3A_236, %add3A_237 : i32
      %broadcast_in_dim3A_239 = vector.broadcast %add3A_238 : i32 to vector<16xi32>
      %gather3A_240 = tpu.vector_load_idx %arg7[%broadcast_in_dim3A_239] : memref<256xi32, #tpu.memory_space<vmem>>[vector<16xi32>], vector<16xi32>,
      %mul3A_241 = arith.constant 32 : i32
      %mul3A_242 = vector.broadcast %mul3A_241 : i32 to vector<16xi32>
      %mul3A_243 = arith.muli %gather3A_240, %mul3A_242 : vector<16xi32>
      %add3A_244 = arith.constant 0 : i32
      %add3A_245 = vector.broadcast %add3A_244 : i32 to vector<16xi32>
      %add3A_246 = arith.addi %mul3A_243, %add3A_245 : vector<16xi32>
      %add3A_247 = arith.addi %add3A_246, %iota3A : vector<16xi32>
      %add3A_248 = arith.constant 0 : i32
      %add3A_249 = arith.addi %add3A_248, %mul3A_45 : i32
      %add3A_250 = vector.broadcast %add3A_249 : i32 to vector<16xi32>
      %add3A_251 = arith.addi %iota3A, %add3A_250 : vector<16xi32>
      %gather3A_252 = tpu.vector_load_idx %arg6[%broadcast_in_dim3A_239, %add3A_251] : memref<256x128xf32, #tpu.memory_space<vmem>>[vector<16xi32>, vector<16xi32>], vector<16xf32>,
      %shift_right_logical3A_253 = arith.constant 7 : i32
      %shift_right_logical3A_254 = vector.broadcast %shift_right_logical3A_253 : i32 to vector<16xi32>
      %shift_right_logical3A_255 = arith.shrui %add3A_247, %shift_right_logical3A_254 : vector<16xi32>
      %and3A_256 = arith.constant 127 : i32
      %and3A_257 = vector.broadcast %and3A_256 : i32 to vector<16xi32>
      %and3A_258 = arith.andi %add3A_247, %and3A_257 : vector<16xi32>
      tpu.vector_store_idx %arg8[%shift_right_logical3A_255, %and3A_258], %gather3A_252 {add = true} : memref<256x128xf32, #tpu.memory_space<vmem>>[vector<16xi32>, vector<16xi32>], vector<16xf32>,
      %add3A_259 = arith.constant 16 : i32
      %add3A_260 = vector.broadcast %add3A_259 : i32 to vector<16xi32>
      %add3A_261 = arith.addi %mul3A_243, %add3A_260 : vector<16xi32>
      %add3A_262 = arith.addi %add3A_261, %iota3A : vector<16xi32>
      %add3A_263 = arith.constant 16 : i32
      %add3A_264 = arith.addi %add3A_263, %mul3A_45 : i32
      %add3A_265 = vector.broadcast %add3A_264 : i32 to vector<16xi32>
      %add3A_266 = arith.addi %iota3A, %add3A_265 : vector<16xi32>
      %gather3A_267 = tpu.vector_load_idx %arg6[%broadcast_in_dim3A_239, %add3A_266] : memref<256x128xf32, #tpu.memory_space<vmem>>[vector<16xi32>, vector<16xi32>], vector<16xf32>,
      %shift_right_logical3A_268 = arith.constant 7 : i32
      %shift_right_logical3A_269 = vector.broadcast %shift_right_logical3A_268 : i32 to vector<16xi32>
      %shift_right_logical3A_270 = arith.shrui %add3A_262, %shift_right_logical3A_269 : vector<16xi32>
      %and3A_271 = arith.constant 127 : i32
      %and3A_272 = vector.broadcast %and3A_271 : i32 to vector<16xi32>
      %and3A_273 = arith.andi %add3A_262, %and3A_272 : vector<16xi32>
      tpu.vector_store_idx %arg8[%shift_right_logical3A_270, %and3A_273], %gather3A_267 {add = true} : memref<256x128xf32, #tpu.memory_space<vmem>>[vector<16xi32>, vector<16xi32>], vector<16xf32>,
      %mul3A_274 = arith.constant 8 : i32
      %mul3A_275 = arith.muli %scan3A_159, %mul3A_274 : i32
      %add3A_276 = arith.constant 3 : i32
      %add3A_277 = arith.addi %mul3A_275, %add3A_276 : i32
      %broadcast_in_dim3A_278 = vector.broadcast %add3A_277 : i32 to vector<16xi32>
      %gather3A_279 = tpu.vector_load_idx %arg7[%broadcast_in_dim3A_278] : memref<256xi32, #tpu.memory_space<vmem>>[vector<16xi32>], vector<16xi32>,
      %mul3A_280 = arith.constant 32 : i32
      %mul3A_281 = vector.broadcast %mul3A_280 : i32 to vector<16xi32>
      %mul3A_282 = arith.muli %gather3A_279, %mul3A_281 : vector<16xi32>
      %add3A_283 = arith.constant 0 : i32
      %add3A_284 = vector.broadcast %add3A_283 : i32 to vector<16xi32>
      %add3A_285 = arith.addi %mul3A_282, %add3A_284 : vector<16xi32>
      %add3A_286 = arith.addi %add3A_285, %iota3A : vector<16xi32>
      %add3A_287 = arith.constant 0 : i32
      %add3A_288 = arith.addi %add3A_287, %mul3A_45 : i32
      %add3A_289 = vector.broadcast %add3A_288 : i32 to vector<16xi32>
      %add3A_290 = arith.addi %iota3A, %add3A_289 : vector<16xi32>
      %gather3A_291 = tpu.vector_load_idx %arg6[%broadcast_in_dim3A_278, %add3A_290] : memref<256x128xf32, #tpu.memory_space<vmem>>[vector<16xi32>, vector<16xi32>], vector<16xf32>,
      %shift_right_logical3A_292 = arith.constant 7 : i32
      %shift_right_logical3A_293 = vector.broadcast %shift_right_logical3A_292 : i32 to vector<16xi32>
      %shift_right_logical3A_294 = arith.shrui %add3A_286, %shift_right_logical3A_293 : vector<16xi32>
      %and3A_295 = arith.constant 127 : i32
      %and3A_296 = vector.broadcast %and3A_295 : i32 to vector<16xi32>
      %and3A_297 = arith.andi %add3A_286, %and3A_296 : vector<16xi32>
      tpu.vector_store_idx %arg8[%shift_right_logical3A_294, %and3A_297], %gather3A_291 {add = true} : memref<256x128xf32, #tpu.memory_space<vmem>>[vector<16xi32>, vector<16xi32>], vector<16xf32>,
      %add3A_298 = arith.constant 16 : i32
      %add3A_299 = vector.broadcast %add3A_298 : i32 to vector<16xi32>
      %add3A_300 = arith.addi %mul3A_282, %add3A_299 : vector<16xi32>
      %add3A_301 = arith.addi %add3A_300, %iota3A : vector<16xi32>
      %add3A_302 = arith.constant 16 : i32
      %add3A_303 = arith.addi %add3A_302, %mul3A_45 : i32
      %add3A_304 = vector.broadcast %add3A_303 : i32 to vector<16xi32>
      %add3A_305 = arith.addi %iota3A, %add3A_304 : vector<16xi32>
      %gather3A_306 = tpu.vector_load_idx %arg6[%broadcast_in_dim3A_278, %add3A_305] : memref<256x128xf32, #tpu.memory_space<vmem>>[vector<16xi32>, vector<16xi32>], vector<16xf32>,
      %shift_right_logical3A_307 = arith.constant 7 : i32
      %shift_right_logical3A_308 = vector.broadcast %shift_right_logical3A_307 : i32 to vector<16xi32>
      %shift_right_logical3A_309 = arith.shrui %add3A_301, %shift_right_logical3A_308 : vector<16xi32>
      %and3A_310 = arith.constant 127 : i32
      %and3A_311 = vector.broadcast %and3A_310 : i32 to vector<16xi32>
      %and3A_312 = arith.andi %add3A_301, %and3A_311 : vector<16xi32>
      tpu.vector_store_idx %arg8[%shift_right_logical3A_309, %and3A_312], %gather3A_306 {add = true} : memref<256x128xf32, #tpu.memory_space<vmem>>[vector<16xi32>, vector<16xi32>], vector<16xf32>,
      %mul3A_313 = arith.constant 8 : i32
      %mul3A_314 = arith.muli %scan3A_159, %mul3A_313 : i32
      %add3A_315 = arith.constant 4 : i32
      %add3A_316 = arith.addi %mul3A_314, %add3A_315 : i32
      %broadcast_in_dim3A_317 = vector.broadcast %add3A_316 : i32 to vector<16xi32>
      %gather3A_318 = tpu.vector_load_idx %arg7[%broadcast_in_dim3A_317] : memref<256xi32, #tpu.memory_space<vmem>>[vector<16xi32>], vector<16xi32>,
      %mul3A_319 = arith.constant 32 : i32
      %mul3A_320 = vector.broadcast %mul3A_319 : i32 to vector<16xi32>
      %mul3A_321 = arith.muli %gather3A_318, %mul3A_320 : vector<16xi32>
      %add3A_322 = arith.constant 0 : i32
      %add3A_323 = vector.broadcast %add3A_322 : i32 to vector<16xi32>
      %add3A_324 = arith.addi %mul3A_321, %add3A_323 : vector<16xi32>
      %add3A_325 = arith.addi %add3A_324, %iota3A : vector<16xi32>
      %add3A_326 = arith.constant 0 : i32
      %add3A_327 = arith.addi %add3A_326, %mul3A_45 : i32
      %add3A_328 = vector.broadcast %add3A_327 : i32 to vector<16xi32>
      %add3A_329 = arith.addi %iota3A, %add3A_328 : vector<16xi32>
      %gather3A_330 = tpu.vector_load_idx %arg6[%broadcast_in_dim3A_317, %add3A_329] : memref<256x128xf32, #tpu.memory_space<vmem>>[vector<16xi32>, vector<16xi32>], vector<16xf32>,
      %shift_right_logical3A_331 = arith.constant 7 : i32
      %shift_right_logical3A_332 = vector.broadcast %shift_right_logical3A_331 : i32 to vector<16xi32>
      %shift_right_logical3A_333 = arith.shrui %add3A_325, %shift_right_logical3A_332 : vector<16xi32>
      %and3A_334 = arith.constant 127 : i32
      %and3A_335 = vector.broadcast %and3A_334 : i32 to vector<16xi32>
      %and3A_336 = arith.andi %add3A_325, %and3A_335 : vector<16xi32>
      tpu.vector_store_idx %arg8[%shift_right_logical3A_333, %and3A_336], %gather3A_330 {add = true} : memref<256x128xf32, #tpu.memory_space<vmem>>[vector<16xi32>, vector<16xi32>], vector<16xf32>,
      %add3A_337 = arith.constant 16 : i32
      %add3A_338 = vector.broadcast %add3A_337 : i32 to vector<16xi32>
      %add3A_339 = arith.addi %mul3A_321, %add3A_338 : vector<16xi32>
      %add3A_340 = arith.addi %add3A_339, %iota3A : vector<16xi32>
      %add3A_341 = arith.constant 16 : i32
      %add3A_342 = arith.addi %add3A_341, %mul3A_45 : i32
      %add3A_343 = vector.broadcast %add3A_342 : i32 to vector<16xi32>
      %add3A_344 = arith.addi %iota3A, %add3A_343 : vector<16xi32>
      %gather3A_345 = tpu.vector_load_idx %arg6[%broadcast_in_dim3A_317, %add3A_344] : memref<256x128xf32, #tpu.memory_space<vmem>>[vector<16xi32>, vector<16xi32>], vector<16xf32>,
      %shift_right_logical3A_346 = arith.constant 7 : i32
      %shift_right_logical3A_347 = vector.broadcast %shift_right_logical3A_346 : i32 to vector<16xi32>
      %shift_right_logical3A_348 = arith.shrui %add3A_340, %shift_right_logical3A_347 : vector<16xi32>
      %and3A_349 = arith.constant 127 : i32
      %and3A_350 = vector.broadcast %and3A_349 : i32 to vector<16xi32>
      %and3A_351 = arith.andi %add3A_340, %and3A_350 : vector<16xi32>
      tpu.vector_store_idx %arg8[%shift_right_logical3A_348, %and3A_351], %gather3A_345 {add = true} : memref<256x128xf32, #tpu.memory_space<vmem>>[vector<16xi32>, vector<16xi32>], vector<16xf32>,
      %mul3A_352 = arith.constant 8 : i32
      %mul3A_353 = arith.muli %scan3A_159, %mul3A_352 : i32
      %add3A_354 = arith.constant 5 : i32
      %add3A_355 = arith.addi %mul3A_353, %add3A_354 : i32
      %broadcast_in_dim3A_356 = vector.broadcast %add3A_355 : i32 to vector<16xi32>
      %gather3A_357 = tpu.vector_load_idx %arg7[%broadcast_in_dim3A_356] : memref<256xi32, #tpu.memory_space<vmem>>[vector<16xi32>], vector<16xi32>,
      %mul3A_358 = arith.constant 32 : i32
      %mul3A_359 = vector.broadcast %mul3A_358 : i32 to vector<16xi32>
      %mul3A_360 = arith.muli %gather3A_357, %mul3A_359 : vector<16xi32>
      %add3A_361 = arith.constant 0 : i32
      %add3A_362 = vector.broadcast %add3A_361 : i32 to vector<16xi32>
      %add3A_363 = arith.addi %mul3A_360, %add3A_362 : vector<16xi32>
      %add3A_364 = arith.addi %add3A_363, %iota3A : vector<16xi32>
      %add3A_365 = arith.constant 0 : i32
      %add3A_366 = arith.addi %add3A_365, %mul3A_45 : i32
      %add3A_367 = vector.broadcast %add3A_366 : i32 to vector<16xi32>
      %add3A_368 = arith.addi %iota3A, %add3A_367 : vector<16xi32>
      %gather3A_369 = tpu.vector_load_idx %arg6[%broadcast_in_dim3A_356, %add3A_368] : memref<256x128xf32, #tpu.memory_space<vmem>>[vector<16xi32>, vector<16xi32>], vector<16xf32>,
      %shift_right_logical3A_370 = arith.constant 7 : i32
      %shift_right_logical3A_371 = vector.broadcast %shift_right_logical3A_370 : i32 to vector<16xi32>
      %shift_right_logical3A_372 = arith.shrui %add3A_364, %shift_right_logical3A_371 : vector<16xi32>
      %and3A_373 = arith.constant 127 : i32
      %and3A_374 = vector.broadcast %and3A_373 : i32 to vector<16xi32>
      %and3A_375 = arith.andi %add3A_364, %and3A_374 : vector<16xi32>
      tpu.vector_store_idx %arg8[%shift_right_logical3A_372, %and3A_375], %gather3A_369 {add = true} : memref<256x128xf32, #tpu.memory_space<vmem>>[vector<16xi32>, vector<16xi32>], vector<16xf32>,
      %add3A_376 = arith.constant 16 : i32
      %add3A_377 = vector.broadcast %add3A_376 : i32 to vector<16xi32>
      %add3A_378 = arith.addi %mul3A_360, %add3A_377 : vector<16xi32>
      %add3A_379 = arith.addi %add3A_378, %iota3A : vector<16xi32>
      %add3A_380 = arith.constant 16 : i32
      %add3A_381 = arith.addi %add3A_380, %mul3A_45 : i32
      %add3A_382 = vector.broadcast %add3A_381 : i32 to vector<16xi32>
      %add3A_383 = arith.addi %iota3A, %add3A_382 : vector<16xi32>
      %gather3A_384 = tpu.vector_load_idx %arg6[%broadcast_in_dim3A_356, %add3A_383] : memref<256x128xf32, #tpu.memory_space<vmem>>[vector<16xi32>, vector<16xi32>], vector<16xf32>,
      %shift_right_logical3A_385 = arith.constant 7 : i32
      %shift_right_logical3A_386 = vector.broadcast %shift_right_logical3A_385 : i32 to vector<16xi32>
      %shift_right_logical3A_387 = arith.shrui %add3A_379, %shift_right_logical3A_386 : vector<16xi32>
      %and3A_388 = arith.constant 127 : i32
      %and3A_389 = vector.broadcast %and3A_388 : i32 to vector<16xi32>
      %and3A_390 = arith.andi %add3A_379, %and3A_389 : vector<16xi32>
      tpu.vector_store_idx %arg8[%shift_right_logical3A_387, %and3A_390], %gather3A_384 {add = true} : memref<256x128xf32, #tpu.memory_space<vmem>>[vector<16xi32>, vector<16xi32>], vector<16xf32>,
      %mul3A_391 = arith.constant 8 : i32
      %mul3A_392 = arith.muli %scan3A_159, %mul3A_391 : i32
      %add3A_393 = arith.constant 6 : i32
      %add3A_394 = arith.addi %mul3A_392, %add3A_393 : i32
      %broadcast_in_dim3A_395 = vector.broadcast %add3A_394 : i32 to vector<16xi32>
      %gather3A_396 = tpu.vector_load_idx %arg7[%broadcast_in_dim3A_395] : memref<256xi32, #tpu.memory_space<vmem>>[vector<16xi32>], vector<16xi32>,
      %mul3A_397 = arith.constant 32 : i32
      %mul3A_398 = vector.broadcast %mul3A_397 : i32 to vector<16xi32>
      %mul3A_399 = arith.muli %gather3A_396, %mul3A_398 : vector<16xi32>
      %add3A_400 = arith.constant 0 : i32
      %add3A_401 = vector.broadcast %add3A_400 : i32 to vector<16xi32>
      %add3A_402 = arith.addi %mul3A_399, %add3A_401 : vector<16xi32>
      %add3A_403 = arith.addi %add3A_402, %iota3A : vector<16xi32>
      %add3A_404 = arith.constant 0 : i32
      %add3A_405 = arith.addi %add3A_404, %mul3A_45 : i32
      %add3A_406 = vector.broadcast %add3A_405 : i32 to vector<16xi32>
      %add3A_407 = arith.addi %iota3A, %add3A_406 : vector<16xi32>
      %gather3A_408 = tpu.vector_load_idx %arg6[%broadcast_in_dim3A_395, %add3A_407] : memref<256x128xf32, #tpu.memory_space<vmem>>[vector<16xi32>, vector<16xi32>], vector<16xf32>,
      %shift_right_logical3A_409 = arith.constant 7 : i32
      %shift_right_logical3A_410 = vector.broadcast %shift_right_logical3A_409 : i32 to vector<16xi32>
      %shift_right_logical3A_411 = arith.shrui %add3A_403, %shift_right_logical3A_410 : vector<16xi32>
      %and3A_412 = arith.constant 127 : i32
      %and3A_413 = vector.broadcast %and3A_412 : i32 to vector<16xi32>
      %and3A_414 = arith.andi %add3A_403, %and3A_413 : vector<16xi32>
      tpu.vector_store_idx %arg8[%shift_right_logical3A_411, %and3A_414], %gather3A_408 {add = true} : memref<256x128xf32, #tpu.memory_space<vmem>>[vector<16xi32>, vector<16xi32>], vector<16xf32>,
      %add3A_415 = arith.constant 16 : i32
      %add3A_416 = vector.broadcast %add3A_415 : i32 to vector<16xi32>
      %add3A_417 = arith.addi %mul3A_399, %add3A_416 : vector<16xi32>
      %add3A_418 = arith.addi %add3A_417, %iota3A : vector<16xi32>
      %add3A_419 = arith.constant 16 : i32
      %add3A_420 = arith.addi %add3A_419, %mul3A_45 : i32
      %add3A_421 = vector.broadcast %add3A_420 : i32 to vector<16xi32>
      %add3A_422 = arith.addi %iota3A, %add3A_421 : vector<16xi32>
      %gather3A_423 = tpu.vector_load_idx %arg6[%broadcast_in_dim3A_395, %add3A_422] : memref<256x128xf32, #tpu.memory_space<vmem>>[vector<16xi32>, vector<16xi32>], vector<16xf32>,
      %shift_right_logical3A_424 = arith.constant 7 : i32
      %shift_right_logical3A_425 = vector.broadcast %shift_right_logical3A_424 : i32 to vector<16xi32>
      %shift_right_logical3A_426 = arith.shrui %add3A_418, %shift_right_logical3A_425 : vector<16xi32>
      %and3A_427 = arith.constant 127 : i32
      %and3A_428 = vector.broadcast %and3A_427 : i32 to vector<16xi32>
      %and3A_429 = arith.andi %add3A_418, %and3A_428 : vector<16xi32>
      tpu.vector_store_idx %arg8[%shift_right_logical3A_426, %and3A_429], %gather3A_423 {add = true} : memref<256x128xf32, #tpu.memory_space<vmem>>[vector<16xi32>, vector<16xi32>], vector<16xf32>,
      %mul3A_430 = arith.constant 8 : i32
      %mul3A_431 = arith.muli %scan3A_159, %mul3A_430 : i32
      %add3A_432 = arith.constant 7 : i32
      %add3A_433 = arith.addi %mul3A_431, %add3A_432 : i32
      %broadcast_in_dim3A_434 = vector.broadcast %add3A_433 : i32 to vector<16xi32>
      %gather3A_435 = tpu.vector_load_idx %arg7[%broadcast_in_dim3A_434] : memref<256xi32, #tpu.memory_space<vmem>>[vector<16xi32>], vector<16xi32>,
      %mul3A_436 = arith.constant 32 : i32
      %mul3A_437 = vector.broadcast %mul3A_436 : i32 to vector<16xi32>
      %mul3A_438 = arith.muli %gather3A_435, %mul3A_437 : vector<16xi32>
      %add3A_439 = arith.constant 0 : i32
      %add3A_440 = vector.broadcast %add3A_439 : i32 to vector<16xi32>
      %add3A_441 = arith.addi %mul3A_438, %add3A_440 : vector<16xi32>
      %add3A_442 = arith.addi %add3A_441, %iota3A : vector<16xi32>
      %add3A_443 = arith.constant 0 : i32
      %add3A_444 = arith.addi %add3A_443, %mul3A_45 : i32
      %add3A_445 = vector.broadcast %add3A_444 : i32 to vector<16xi32>
      %add3A_446 = arith.addi %iota3A, %add3A_445 : vector<16xi32>
      %gather3A_447 = tpu.vector_load_idx %arg6[%broadcast_in_dim3A_434, %add3A_446] : memref<256x128xf32, #tpu.memory_space<vmem>>[vector<16xi32>, vector<16xi32>], vector<16xf32>,
      %shift_right_logical3A_448 = arith.constant 7 : i32
      %shift_right_logical3A_449 = vector.broadcast %shift_right_logical3A_448 : i32 to vector<16xi32>
      %shift_right_logical3A_450 = arith.shrui %add3A_442, %shift_right_logical3A_449 : vector<16xi32>
      %and3A_451 = arith.constant 127 : i32
      %and3A_452 = vector.broadcast %and3A_451 : i32 to vector<16xi32>
      %and3A_453 = arith.andi %add3A_442, %and3A_452 : vector<16xi32>
      tpu.vector_store_idx %arg8[%shift_right_logical3A_450, %and3A_453], %gather3A_447 {add = true} : memref<256x128xf32, #tpu.memory_space<vmem>>[vector<16xi32>, vector<16xi32>], vector<16xf32>,
      %add3A_454 = arith.constant 16 : i32
      %add3A_455 = vector.broadcast %add3A_454 : i32 to vector<16xi32>
      %add3A_456 = arith.addi %mul3A_438, %add3A_455 : vector<16xi32>
      %add3A_457 = arith.addi %add3A_456, %iota3A : vector<16xi32>
      %add3A_458 = arith.constant 16 : i32
      %add3A_459 = arith.addi %add3A_458, %mul3A_45 : i32
      %add3A_460 = vector.broadcast %add3A_459 : i32 to vector<16xi32>
      %add3A_461 = arith.addi %iota3A, %add3A_460 : vector<16xi32>
      %gather3A_462 = tpu.vector_load_idx %arg6[%broadcast_in_dim3A_434, %add3A_461] : memref<256x128xf32, #tpu.memory_space<vmem>>[vector<16xi32>, vector<16xi32>], vector<16xf32>,
      %shift_right_logical3A_463 = arith.constant 7 : i32
      %shift_right_logical3A_464 = vector.broadcast %shift_right_logical3A_463 : i32 to vector<16xi32>
      %shift_right_logical3A_465 = arith.shrui %add3A_457, %shift_right_logical3A_464 : vector<16xi32>
      %and3A_466 = arith.constant 127 : i32
      %and3A_467 = vector.broadcast %and3A_466 : i32 to vector<16xi32>
      %and3A_468 = arith.andi %add3A_457, %and3A_467 : vector<16xi32>
      tpu.vector_store_idx %arg8[%shift_right_logical3A_465, %and3A_468], %gather3A_462 {add = true} : memref<256x128xf32, #tpu.memory_space<vmem>>[vector<16xi32>, vector<16xi32>], vector<16xf32>,
    }
    %scan3A_147 = arith.constant 32 : i32
    %mul3A_148 = arith.constant 2048 : i32
    %mul3A_149 = arith.muli %select_n3A_69, %mul3A_148 : i32
    %add3A_150 = arith.constant 1792 : i32
    %add3A_151 = arith.addi %mul3A_149, %add3A_150 : i32
    %multiple_of3A_152 = tpu.assume_multiple %add3A_151, 256 : i32
    "tpu.region"() ({
      %run_scoped3A = tpu.sem_alloc : memref<!tpu.dma_semaphore, #tpu.memory_space<semaphore_mem>>
      %dma_start3A = tpu.memref_slice %arg3[%arg0, %multiple_of3A_152] : memref<2x4096xi32, #tpu.memory_space<hbm>> -> memref<1x256xi32, #tpu.memory_space<hbm>>
      %dma_start3A_159 = tpu.memref_squeeze %dma_start3A : memref<1x256xi32, #tpu.memory_space<hbm>> -> memref<256xi32, #tpu.memory_space<hbm>>
      %dma_start3A_160 = tpu.memref_slice %arg3[%arg0, %multiple_of3A_152] : memref<2x4096xi32, #tpu.memory_space<hbm>> -> memref<1x256xi32, #tpu.memory_space<hbm>>
      %dma_start3A_161 = tpu.memref_squeeze %dma_start3A_160 : memref<1x256xi32, #tpu.memory_space<hbm>> -> memref<256xi32, #tpu.memory_space<hbm>>
      tpu.enqueue_dma source(%dma_start3A_161 : memref<256xi32, #tpu.memory_space<hbm>>) target(%arg7 : memref<256xi32, #tpu.memory_space<vmem>>) target_semaphore(%run_scoped3A : memref<!tpu.dma_semaphore, #tpu.memory_space<semaphore_mem>>)
      %dma_wait3A = tpu.memref_slice %arg3[%arg0, %multiple_of3A_152] : memref<2x4096xi32, #tpu.memory_space<hbm>> -> memref<1x256xi32, #tpu.memory_space<hbm>>
      %dma_wait3A_162 = tpu.memref_squeeze %dma_wait3A : memref<1x256xi32, #tpu.memory_space<hbm>> -> memref<256xi32, #tpu.memory_space<hbm>>
      %dma_wait3A_163 = tpu.memref_slice %arg3[%arg0, %multiple_of3A_152] : memref<2x4096xi32, #tpu.memory_space<hbm>> -> memref<1x256xi32, #tpu.memory_space<hbm>>
      %dma_wait3A_164 = tpu.memref_squeeze %dma_wait3A_163 : memref<1x256xi32, #tpu.memory_space<hbm>> -> memref<256xi32, #tpu.memory_space<hbm>>
      tpu.wait_dma2 semaphore(%run_scoped3A : memref<!tpu.dma_semaphore, #tpu.memory_space<semaphore_mem>>) src(%dma_wait3A_164 : memref<256xi32, #tpu.memory_space<hbm>>) dst(%arg7 : memref<256xi32, #tpu.memory_space<vmem>>)
      tpu.yield
    }) : () -> ()
    "tpu.region"() ({
      %run_scoped3A = tpu.sem_alloc : memref<!tpu.dma_semaphore, #tpu.memory_space<semaphore_mem>>
      %dma_start3A = tpu.memref_slice %arg2[%arg0, %multiple_of3A_152, %multiple_of3A] : memref<2x4096x256xf32, #tpu.memory_space<hbm>> -> memref<1x256x128xf32, #tpu.memory_space<hbm>>
      %dma_start3A_159 = tpu.memref_squeeze %dma_start3A : memref<1x256x128xf32, #tpu.memory_space<hbm>> -> memref<256x128xf32, #tpu.memory_space<hbm>>
      %dma_start3A_160 = tpu.memref_slice %arg2[%arg0, %multiple_of3A_152, %multiple_of3A] : memref<2x4096x256xf32, #tpu.memory_space<hbm>> -> memref<1x256x128xf32, #tpu.memory_space<hbm>>
      %dma_start3A_161 = tpu.memref_squeeze %dma_start3A_160 : memref<1x256x128xf32, #tpu.memory_space<hbm>> -> memref<256x128xf32, #tpu.memory_space<hbm>>
      tpu.enqueue_dma source(%dma_start3A_161 : memref<256x128xf32, #tpu.memory_space<hbm>>) target(%arg6 : memref<256x128xf32, #tpu.memory_space<vmem>>) target_semaphore(%run_scoped3A : memref<!tpu.dma_semaphore, #tpu.memory_space<semaphore_mem>>)
      %dma_wait3A = tpu.memref_slice %arg2[%arg0, %multiple_of3A_152, %multiple_of3A] : memref<2x4096x256xf32, #tpu.memory_space<hbm>> -> memref<1x256x128xf32, #tpu.memory_space<hbm>>
      %dma_wait3A_162 = tpu.memref_squeeze %dma_wait3A : memref<1x256x128xf32, #tpu.memory_space<hbm>> -> memref<256x128xf32, #tpu.memory_space<hbm>>
      %dma_wait3A_163 = tpu.memref_slice %arg2[%arg0, %multiple_of3A_152, %multiple_of3A] : memref<2x4096x256xf32, #tpu.memory_space<hbm>> -> memref<1x256x128xf32, #tpu.memory_space<hbm>>
      %dma_wait3A_164 = tpu.memref_squeeze %dma_wait3A_163 : memref<1x256x128xf32, #tpu.memory_space<hbm>> -> memref<256x128xf32, #tpu.memory_space<hbm>>
      tpu.wait_dma2 semaphore(%run_scoped3A : memref<!tpu.dma_semaphore, #tpu.memory_space<semaphore_mem>>) src(%dma_wait3A_164 : memref<256x128xf32, #tpu.memory_space<hbm>>) dst(%arg6 : memref<256x128xf32, #tpu.memory_space<vmem>>)
      tpu.yield
    }) : () -> ()
    %scan3A_153 = arith.constant 0 : i32
    %scan3A_154 = arith.constant 0 : i32
    %scan3A_155 = arith.constant 32 : i32
    %scan3A_156 = arith.addi %scan3A_154, %scan3A_155 : i32
    %scan3A_157 = arith.constant 1 : i32
    scf.for %scan3A_159 = %scan3A_154 to %scan3A_156 step %scan3A_157  : i32 {
      %mul3A_160 = arith.constant 8 : i32
      %mul3A_161 = arith.muli %scan3A_159, %mul3A_160 : i32
      %add3A_162 = arith.constant 0 : i32
      %add3A_163 = arith.addi %mul3A_161, %add3A_162 : i32
      %broadcast_in_dim3A = vector.broadcast %add3A_163 : i32 to vector<16xi32>
      %gather3A = tpu.vector_load_idx %arg7[%broadcast_in_dim3A] : memref<256xi32, #tpu.memory_space<vmem>>[vector<16xi32>], vector<16xi32>,
      %mul3A_164 = arith.constant 32 : i32
      %mul3A_165 = vector.broadcast %mul3A_164 : i32 to vector<16xi32>
      %mul3A_166 = arith.muli %gather3A, %mul3A_165 : vector<16xi32>
      %add3A_167 = arith.constant 0 : i32
      %add3A_168 = vector.broadcast %add3A_167 : i32 to vector<16xi32>
      %add3A_169 = arith.addi %mul3A_166, %add3A_168 : vector<16xi32>
      %add3A_170 = arith.addi %add3A_169, %iota3A : vector<16xi32>
      %add3A_171 = arith.constant 0 : i32
      %add3A_172 = arith.addi %add3A_171, %mul3A_45 : i32
      %add3A_173 = vector.broadcast %add3A_172 : i32 to vector<16xi32>
      %add3A_174 = arith.addi %iota3A, %add3A_173 : vector<16xi32>
      %gather3A_175 = tpu.vector_load_idx %arg6[%broadcast_in_dim3A, %add3A_174] : memref<256x128xf32, #tpu.memory_space<vmem>>[vector<16xi32>, vector<16xi32>], vector<16xf32>,
      %shift_right_logical3A = arith.constant 7 : i32
      %shift_right_logical3A_176 = vector.broadcast %shift_right_logical3A : i32 to vector<16xi32>
      %shift_right_logical3A_177 = arith.shrui %add3A_170, %shift_right_logical3A_176 : vector<16xi32>
      %and3A_178 = arith.constant 127 : i32
      %and3A_179 = vector.broadcast %and3A_178 : i32 to vector<16xi32>
      %and3A_180 = arith.andi %add3A_170, %and3A_179 : vector<16xi32>
      tpu.vector_store_idx %arg8[%shift_right_logical3A_177, %and3A_180], %gather3A_175 {add = true} : memref<256x128xf32, #tpu.memory_space<vmem>>[vector<16xi32>, vector<16xi32>], vector<16xf32>,
      %add3A_181 = arith.constant 16 : i32
      %add3A_182 = vector.broadcast %add3A_181 : i32 to vector<16xi32>
      %add3A_183 = arith.addi %mul3A_166, %add3A_182 : vector<16xi32>
      %add3A_184 = arith.addi %add3A_183, %iota3A : vector<16xi32>
      %add3A_185 = arith.constant 16 : i32
      %add3A_186 = arith.addi %add3A_185, %mul3A_45 : i32
      %add3A_187 = vector.broadcast %add3A_186 : i32 to vector<16xi32>
      %add3A_188 = arith.addi %iota3A, %add3A_187 : vector<16xi32>
      %gather3A_189 = tpu.vector_load_idx %arg6[%broadcast_in_dim3A, %add3A_188] : memref<256x128xf32, #tpu.memory_space<vmem>>[vector<16xi32>, vector<16xi32>], vector<16xf32>,
      %shift_right_logical3A_190 = arith.constant 7 : i32
      %shift_right_logical3A_191 = vector.broadcast %shift_right_logical3A_190 : i32 to vector<16xi32>
      %shift_right_logical3A_192 = arith.shrui %add3A_184, %shift_right_logical3A_191 : vector<16xi32>
      %and3A_193 = arith.constant 127 : i32
      %and3A_194 = vector.broadcast %and3A_193 : i32 to vector<16xi32>
      %and3A_195 = arith.andi %add3A_184, %and3A_194 : vector<16xi32>
      tpu.vector_store_idx %arg8[%shift_right_logical3A_192, %and3A_195], %gather3A_189 {add = true} : memref<256x128xf32, #tpu.memory_space<vmem>>[vector<16xi32>, vector<16xi32>], vector<16xf32>,
      %mul3A_196 = arith.constant 8 : i32
      %mul3A_197 = arith.muli %scan3A_159, %mul3A_196 : i32
      %add3A_198 = arith.constant 1 : i32
      %add3A_199 = arith.addi %mul3A_197, %add3A_198 : i32
      %broadcast_in_dim3A_200 = vector.broadcast %add3A_199 : i32 to vector<16xi32>
      %gather3A_201 = tpu.vector_load_idx %arg7[%broadcast_in_dim3A_200] : memref<256xi32, #tpu.memory_space<vmem>>[vector<16xi32>], vector<16xi32>,
      %mul3A_202 = arith.constant 32 : i32
      %mul3A_203 = vector.broadcast %mul3A_202 : i32 to vector<16xi32>
      %mul3A_204 = arith.muli %gather3A_201, %mul3A_203 : vector<16xi32>
      %add3A_205 = arith.constant 0 : i32
      %add3A_206 = vector.broadcast %add3A_205 : i32 to vector<16xi32>
      %add3A_207 = arith.addi %mul3A_204, %add3A_206 : vector<16xi32>
      %add3A_208 = arith.addi %add3A_207, %iota3A : vector<16xi32>
      %add3A_209 = arith.constant 0 : i32
      %add3A_210 = arith.addi %add3A_209, %mul3A_45 : i32
      %add3A_211 = vector.broadcast %add3A_210 : i32 to vector<16xi32>
      %add3A_212 = arith.addi %iota3A, %add3A_211 : vector<16xi32>
      %gather3A_213 = tpu.vector_load_idx %arg6[%broadcast_in_dim3A_200, %add3A_212] : memref<256x128xf32, #tpu.memory_space<vmem>>[vector<16xi32>, vector<16xi32>], vector<16xf32>,
      %shift_right_logical3A_214 = arith.constant 7 : i32
      %shift_right_logical3A_215 = vector.broadcast %shift_right_logical3A_214 : i32 to vector<16xi32>
      %shift_right_logical3A_216 = arith.shrui %add3A_208, %shift_right_logical3A_215 : vector<16xi32>
      %and3A_217 = arith.constant 127 : i32
      %and3A_218 = vector.broadcast %and3A_217 : i32 to vector<16xi32>
      %and3A_219 = arith.andi %add3A_208, %and3A_218 : vector<16xi32>
      tpu.vector_store_idx %arg8[%shift_right_logical3A_216, %and3A_219], %gather3A_213 {add = true} : memref<256x128xf32, #tpu.memory_space<vmem>>[vector<16xi32>, vector<16xi32>], vector<16xf32>,
      %add3A_220 = arith.constant 16 : i32
      %add3A_221 = vector.broadcast %add3A_220 : i32 to vector<16xi32>
      %add3A_222 = arith.addi %mul3A_204, %add3A_221 : vector<16xi32>
      %add3A_223 = arith.addi %add3A_222, %iota3A : vector<16xi32>
      %add3A_224 = arith.constant 16 : i32
      %add3A_225 = arith.addi %add3A_224, %mul3A_45 : i32
      %add3A_226 = vector.broadcast %add3A_225 : i32 to vector<16xi32>
      %add3A_227 = arith.addi %iota3A, %add3A_226 : vector<16xi32>
      %gather3A_228 = tpu.vector_load_idx %arg6[%broadcast_in_dim3A_200, %add3A_227] : memref<256x128xf32, #tpu.memory_space<vmem>>[vector<16xi32>, vector<16xi32>], vector<16xf32>,
      %shift_right_logical3A_229 = arith.constant 7 : i32
      %shift_right_logical3A_230 = vector.broadcast %shift_right_logical3A_229 : i32 to vector<16xi32>
      %shift_right_logical3A_231 = arith.shrui %add3A_223, %shift_right_logical3A_230 : vector<16xi32>
      %and3A_232 = arith.constant 127 : i32
      %and3A_233 = vector.broadcast %and3A_232 : i32 to vector<16xi32>
      %and3A_234 = arith.andi %add3A_223, %and3A_233 : vector<16xi32>
      tpu.vector_store_idx %arg8[%shift_right_logical3A_231, %and3A_234], %gather3A_228 {add = true} : memref<256x128xf32, #tpu.memory_space<vmem>>[vector<16xi32>, vector<16xi32>], vector<16xf32>,
      %mul3A_235 = arith.constant 8 : i32
      %mul3A_236 = arith.muli %scan3A_159, %mul3A_235 : i32
      %add3A_237 = arith.constant 2 : i32
      %add3A_238 = arith.addi %mul3A_236, %add3A_237 : i32
      %broadcast_in_dim3A_239 = vector.broadcast %add3A_238 : i32 to vector<16xi32>
      %gather3A_240 = tpu.vector_load_idx %arg7[%broadcast_in_dim3A_239] : memref<256xi32, #tpu.memory_space<vmem>>[vector<16xi32>], vector<16xi32>,
      %mul3A_241 = arith.constant 32 : i32
      %mul3A_242 = vector.broadcast %mul3A_241 : i32 to vector<16xi32>
      %mul3A_243 = arith.muli %gather3A_240, %mul3A_242 : vector<16xi32>
      %add3A_244 = arith.constant 0 : i32
      %add3A_245 = vector.broadcast %add3A_244 : i32 to vector<16xi32>
      %add3A_246 = arith.addi %mul3A_243, %add3A_245 : vector<16xi32>
      %add3A_247 = arith.addi %add3A_246, %iota3A : vector<16xi32>
      %add3A_248 = arith.constant 0 : i32
      %add3A_249 = arith.addi %add3A_248, %mul3A_45 : i32
      %add3A_250 = vector.broadcast %add3A_249 : i32 to vector<16xi32>
      %add3A_251 = arith.addi %iota3A, %add3A_250 : vector<16xi32>
      %gather3A_252 = tpu.vector_load_idx %arg6[%broadcast_in_dim3A_239, %add3A_251] : memref<256x128xf32, #tpu.memory_space<vmem>>[vector<16xi32>, vector<16xi32>], vector<16xf32>,
      %shift_right_logical3A_253 = arith.constant 7 : i32
      %shift_right_logical3A_254 = vector.broadcast %shift_right_logical3A_253 : i32 to vector<16xi32>
      %shift_right_logical3A_255 = arith.shrui %add3A_247, %shift_right_logical3A_254 : vector<16xi32>
      %and3A_256 = arith.constant 127 : i32
      %and3A_257 = vector.broadcast %and3A_256 : i32 to vector<16xi32>
      %and3A_258 = arith.andi %add3A_247, %and3A_257 : vector<16xi32>
      tpu.vector_store_idx %arg8[%shift_right_logical3A_255, %and3A_258], %gather3A_252 {add = true} : memref<256x128xf32, #tpu.memory_space<vmem>>[vector<16xi32>, vector<16xi32>], vector<16xf32>,
      %add3A_259 = arith.constant 16 : i32
      %add3A_260 = vector.broadcast %add3A_259 : i32 to vector<16xi32>
      %add3A_261 = arith.addi %mul3A_243, %add3A_260 : vector<16xi32>
      %add3A_262 = arith.addi %add3A_261, %iota3A : vector<16xi32>
      %add3A_263 = arith.constant 16 : i32
      %add3A_264 = arith.addi %add3A_263, %mul3A_45 : i32
      %add3A_265 = vector.broadcast %add3A_264 : i32 to vector<16xi32>
      %add3A_266 = arith.addi %iota3A, %add3A_265 : vector<16xi32>
      %gather3A_267 = tpu.vector_load_idx %arg6[%broadcast_in_dim3A_239, %add3A_266] : memref<256x128xf32, #tpu.memory_space<vmem>>[vector<16xi32>, vector<16xi32>], vector<16xf32>,
      %shift_right_logical3A_268 = arith.constant 7 : i32
      %shift_right_logical3A_269 = vector.broadcast %shift_right_logical3A_268 : i32 to vector<16xi32>
      %shift_right_logical3A_270 = arith.shrui %add3A_262, %shift_right_logical3A_269 : vector<16xi32>
      %and3A_271 = arith.constant 127 : i32
      %and3A_272 = vector.broadcast %and3A_271 : i32 to vector<16xi32>
      %and3A_273 = arith.andi %add3A_262, %and3A_272 : vector<16xi32>
      tpu.vector_store_idx %arg8[%shift_right_logical3A_270, %and3A_273], %gather3A_267 {add = true} : memref<256x128xf32, #tpu.memory_space<vmem>>[vector<16xi32>, vector<16xi32>], vector<16xf32>,
      %mul3A_274 = arith.constant 8 : i32
      %mul3A_275 = arith.muli %scan3A_159, %mul3A_274 : i32
      %add3A_276 = arith.constant 3 : i32
      %add3A_277 = arith.addi %mul3A_275, %add3A_276 : i32
      %broadcast_in_dim3A_278 = vector.broadcast %add3A_277 : i32 to vector<16xi32>
      %gather3A_279 = tpu.vector_load_idx %arg7[%broadcast_in_dim3A_278] : memref<256xi32, #tpu.memory_space<vmem>>[vector<16xi32>], vector<16xi32>,
      %mul3A_280 = arith.constant 32 : i32
      %mul3A_281 = vector.broadcast %mul3A_280 : i32 to vector<16xi32>
      %mul3A_282 = arith.muli %gather3A_279, %mul3A_281 : vector<16xi32>
      %add3A_283 = arith.constant 0 : i32
      %add3A_284 = vector.broadcast %add3A_283 : i32 to vector<16xi32>
      %add3A_285 = arith.addi %mul3A_282, %add3A_284 : vector<16xi32>
      %add3A_286 = arith.addi %add3A_285, %iota3A : vector<16xi32>
      %add3A_287 = arith.constant 0 : i32
      %add3A_288 = arith.addi %add3A_287, %mul3A_45 : i32
      %add3A_289 = vector.broadcast %add3A_288 : i32 to vector<16xi32>
      %add3A_290 = arith.addi %iota3A, %add3A_289 : vector<16xi32>
      %gather3A_291 = tpu.vector_load_idx %arg6[%broadcast_in_dim3A_278, %add3A_290] : memref<256x128xf32, #tpu.memory_space<vmem>>[vector<16xi32>, vector<16xi32>], vector<16xf32>,
      %shift_right_logical3A_292 = arith.constant 7 : i32
      %shift_right_logical3A_293 = vector.broadcast %shift_right_logical3A_292 : i32 to vector<16xi32>
      %shift_right_logical3A_294 = arith.shrui %add3A_286, %shift_right_logical3A_293 : vector<16xi32>
      %and3A_295 = arith.constant 127 : i32
      %and3A_296 = vector.broadcast %and3A_295 : i32 to vector<16xi32>
      %and3A_297 = arith.andi %add3A_286, %and3A_296 : vector<16xi32>
      tpu.vector_store_idx %arg8[%shift_right_logical3A_294, %and3A_297], %gather3A_291 {add = true} : memref<256x128xf32, #tpu.memory_space<vmem>>[vector<16xi32>, vector<16xi32>], vector<16xf32>,
      %add3A_298 = arith.constant 16 : i32
      %add3A_299 = vector.broadcast %add3A_298 : i32 to vector<16xi32>
      %add3A_300 = arith.addi %mul3A_282, %add3A_299 : vector<16xi32>
      %add3A_301 = arith.addi %add3A_300, %iota3A : vector<16xi32>
      %add3A_302 = arith.constant 16 : i32
      %add3A_303 = arith.addi %add3A_302, %mul3A_45 : i32
      %add3A_304 = vector.broadcast %add3A_303 : i32 to vector<16xi32>
      %add3A_305 = arith.addi %iota3A, %add3A_304 : vector<16xi32>
      %gather3A_306 = tpu.vector_load_idx %arg6[%broadcast_in_dim3A_278, %add3A_305] : memref<256x128xf32, #tpu.memory_space<vmem>>[vector<16xi32>, vector<16xi32>], vector<16xf32>,
      %shift_right_logical3A_307 = arith.constant 7 : i32
      %shift_right_logical3A_308 = vector.broadcast %shift_right_logical3A_307 : i32 to vector<16xi32>
      %shift_right_logical3A_309 = arith.shrui %add3A_301, %shift_right_logical3A_308 : vector<16xi32>
      %and3A_310 = arith.constant 127 : i32
      %and3A_311 = vector.broadcast %and3A_310 : i32 to vector<16xi32>
      %and3A_312 = arith.andi %add3A_301, %and3A_311 : vector<16xi32>
      tpu.vector_store_idx %arg8[%shift_right_logical3A_309, %and3A_312], %gather3A_306 {add = true} : memref<256x128xf32, #tpu.memory_space<vmem>>[vector<16xi32>, vector<16xi32>], vector<16xf32>,
      %mul3A_313 = arith.constant 8 : i32
      %mul3A_314 = arith.muli %scan3A_159, %mul3A_313 : i32
      %add3A_315 = arith.constant 4 : i32
      %add3A_316 = arith.addi %mul3A_314, %add3A_315 : i32
      %broadcast_in_dim3A_317 = vector.broadcast %add3A_316 : i32 to vector<16xi32>
      %gather3A_318 = tpu.vector_load_idx %arg7[%broadcast_in_dim3A_317] : memref<256xi32, #tpu.memory_space<vmem>>[vector<16xi32>], vector<16xi32>,
      %mul3A_319 = arith.constant 32 : i32
      %mul3A_320 = vector.broadcast %mul3A_319 : i32 to vector<16xi32>
      %mul3A_321 = arith.muli %gather3A_318, %mul3A_320 : vector<16xi32>
      %add3A_322 = arith.constant 0 : i32
      %add3A_323 = vector.broadcast %add3A_322 : i32 to vector<16xi32>
      %add3A_324 = arith.addi %mul3A_321, %add3A_323 : vector<16xi32>
      %add3A_325 = arith.addi %add3A_324, %iota3A : vector<16xi32>
      %add3A_326 = arith.constant 0 : i32
      %add3A_327 = arith.addi %add3A_326, %mul3A_45 : i32
      %add3A_328 = vector.broadcast %add3A_327 : i32 to vector<16xi32>
      %add3A_329 = arith.addi %iota3A, %add3A_328 : vector<16xi32>
      %gather3A_330 = tpu.vector_load_idx %arg6[%broadcast_in_dim3A_317, %add3A_329] : memref<256x128xf32, #tpu.memory_space<vmem>>[vector<16xi32>, vector<16xi32>], vector<16xf32>,
      %shift_right_logical3A_331 = arith.constant 7 : i32
      %shift_right_logical3A_332 = vector.broadcast %shift_right_logical3A_331 : i32 to vector<16xi32>
      %shift_right_logical3A_333 = arith.shrui %add3A_325, %shift_right_logical3A_332 : vector<16xi32>
      %and3A_334 = arith.constant 127 : i32
      %and3A_335 = vector.broadcast %and3A_334 : i32 to vector<16xi32>
      %and3A_336 = arith.andi %add3A_325, %and3A_335 : vector<16xi32>
      tpu.vector_store_idx %arg8[%shift_right_logical3A_333, %and3A_336], %gather3A_330 {add = true} : memref<256x128xf32, #tpu.memory_space<vmem>>[vector<16xi32>, vector<16xi32>], vector<16xf32>,
      %add3A_337 = arith.constant 16 : i32
      %add3A_338 = vector.broadcast %add3A_337 : i32 to vector<16xi32>
      %add3A_339 = arith.addi %mul3A_321, %add3A_338 : vector<16xi32>
      %add3A_340 = arith.addi %add3A_339, %iota3A : vector<16xi32>
      %add3A_341 = arith.constant 16 : i32
      %add3A_342 = arith.addi %add3A_341, %mul3A_45 : i32
      %add3A_343 = vector.broadcast %add3A_342 : i32 to vector<16xi32>
      %add3A_344 = arith.addi %iota3A, %add3A_343 : vector<16xi32>
      %gather3A_345 = tpu.vector_load_idx %arg6[%broadcast_in_dim3A_317, %add3A_344] : memref<256x128xf32, #tpu.memory_space<vmem>>[vector<16xi32>, vector<16xi32>], vector<16xf32>,
      %shift_right_logical3A_346 = arith.constant 7 : i32
      %shift_right_logical3A_347 = vector.broadcast %shift_right_logical3A_346 : i32 to vector<16xi32>
      %shift_right_logical3A_348 = arith.shrui %add3A_340, %shift_right_logical3A_347 : vector<16xi32>
      %and3A_349 = arith.constant 127 : i32
      %and3A_350 = vector.broadcast %and3A_349 : i32 to vector<16xi32>
      %and3A_351 = arith.andi %add3A_340, %and3A_350 : vector<16xi32>
      tpu.vector_store_idx %arg8[%shift_right_logical3A_348, %and3A_351], %gather3A_345 {add = true} : memref<256x128xf32, #tpu.memory_space<vmem>>[vector<16xi32>, vector<16xi32>], vector<16xf32>,
      %mul3A_352 = arith.constant 8 : i32
      %mul3A_353 = arith.muli %scan3A_159, %mul3A_352 : i32
      %add3A_354 = arith.constant 5 : i32
      %add3A_355 = arith.addi %mul3A_353, %add3A_354 : i32
      %broadcast_in_dim3A_356 = vector.broadcast %add3A_355 : i32 to vector<16xi32>
      %gather3A_357 = tpu.vector_load_idx %arg7[%broadcast_in_dim3A_356] : memref<256xi32, #tpu.memory_space<vmem>>[vector<16xi32>], vector<16xi32>,
      %mul3A_358 = arith.constant 32 : i32
      %mul3A_359 = vector.broadcast %mul3A_358 : i32 to vector<16xi32>
      %mul3A_360 = arith.muli %gather3A_357, %mul3A_359 : vector<16xi32>
      %add3A_361 = arith.constant 0 : i32
      %add3A_362 = vector.broadcast %add3A_361 : i32 to vector<16xi32>
      %add3A_363 = arith.addi %mul3A_360, %add3A_362 : vector<16xi32>
      %add3A_364 = arith.addi %add3A_363, %iota3A : vector<16xi32>
      %add3A_365 = arith.constant 0 : i32
      %add3A_366 = arith.addi %add3A_365, %mul3A_45 : i32
      %add3A_367 = vector.broadcast %add3A_366 : i32 to vector<16xi32>
      %add3A_368 = arith.addi %iota3A, %add3A_367 : vector<16xi32>
      %gather3A_369 = tpu.vector_load_idx %arg6[%broadcast_in_dim3A_356, %add3A_368] : memref<256x128xf32, #tpu.memory_space<vmem>>[vector<16xi32>, vector<16xi32>], vector<16xf32>,
      %shift_right_logical3A_370 = arith.constant 7 : i32
      %shift_right_logical3A_371 = vector.broadcast %shift_right_logical3A_370 : i32 to vector<16xi32>
      %shift_right_logical3A_372 = arith.shrui %add3A_364, %shift_right_logical3A_371 : vector<16xi32>
      %and3A_373 = arith.constant 127 : i32
      %and3A_374 = vector.broadcast %and3A_373 : i32 to vector<16xi32>
      %and3A_375 = arith.andi %add3A_364, %and3A_374 : vector<16xi32>
      tpu.vector_store_idx %arg8[%shift_right_logical3A_372, %and3A_375], %gather3A_369 {add = true} : memref<256x128xf32, #tpu.memory_space<vmem>>[vector<16xi32>, vector<16xi32>], vector<16xf32>,
      %add3A_376 = arith.constant 16 : i32
      %add3A_377 = vector.broadcast %add3A_376 : i32 to vector<16xi32>
      %add3A_378 = arith.addi %mul3A_360, %add3A_377 : vector<16xi32>
      %add3A_379 = arith.addi %add3A_378, %iota3A : vector<16xi32>
      %add3A_380 = arith.constant 16 : i32
      %add3A_381 = arith.addi %add3A_380, %mul3A_45 : i32
      %add3A_382 = vector.broadcast %add3A_381 : i32 to vector<16xi32>
      %add3A_383 = arith.addi %iota3A, %add3A_382 : vector<16xi32>
      %gather3A_384 = tpu.vector_load_idx %arg6[%broadcast_in_dim3A_356, %add3A_383] : memref<256x128xf32, #tpu.memory_space<vmem>>[vector<16xi32>, vector<16xi32>], vector<16xf32>,
      %shift_right_logical3A_385 = arith.constant 7 : i32
      %shift_right_logical3A_386 = vector.broadcast %shift_right_logical3A_385 : i32 to vector<16xi32>
      %shift_right_logical3A_387 = arith.shrui %add3A_379, %shift_right_logical3A_386 : vector<16xi32>
      %and3A_388 = arith.constant 127 : i32
      %and3A_389 = vector.broadcast %and3A_388 : i32 to vector<16xi32>
      %and3A_390 = arith.andi %add3A_379, %and3A_389 : vector<16xi32>
      tpu.vector_store_idx %arg8[%shift_right_logical3A_387, %and3A_390], %gather3A_384 {add = true} : memref<256x128xf32, #tpu.memory_space<vmem>>[vector<16xi32>, vector<16xi32>], vector<16xf32>,
      %mul3A_391 = arith.constant 8 : i32
      %mul3A_392 = arith.muli %scan3A_159, %mul3A_391 : i32
      %add3A_393 = arith.constant 6 : i32
      %add3A_394 = arith.addi %mul3A_392, %add3A_393 : i32
      %broadcast_in_dim3A_395 = vector.broadcast %add3A_394 : i32 to vector<16xi32>
      %gather3A_396 = tpu.vector_load_idx %arg7[%broadcast_in_dim3A_395] : memref<256xi32, #tpu.memory_space<vmem>>[vector<16xi32>], vector<16xi32>,
      %mul3A_397 = arith.constant 32 : i32
      %mul3A_398 = vector.broadcast %mul3A_397 : i32 to vector<16xi32>
      %mul3A_399 = arith.muli %gather3A_396, %mul3A_398 : vector<16xi32>
      %add3A_400 = arith.constant 0 : i32
      %add3A_401 = vector.broadcast %add3A_400 : i32 to vector<16xi32>
      %add3A_402 = arith.addi %mul3A_399, %add3A_401 : vector<16xi32>
      %add3A_403 = arith.addi %add3A_402, %iota3A : vector<16xi32>
      %add3A_404 = arith.constant 0 : i32
      %add3A_405 = arith.addi %add3A_404, %mul3A_45 : i32
      %add3A_406 = vector.broadcast %add3A_405 : i32 to vector<16xi32>
      %add3A_407 = arith.addi %iota3A, %add3A_406 : vector<16xi32>
      %gather3A_408 = tpu.vector_load_idx %arg6[%broadcast_in_dim3A_395, %add3A_407] : memref<256x128xf32, #tpu.memory_space<vmem>>[vector<16xi32>, vector<16xi32>], vector<16xf32>,
      %shift_right_logical3A_409 = arith.constant 7 : i32
      %shift_right_logical3A_410 = vector.broadcast %shift_right_logical3A_409 : i32 to vector<16xi32>
      %shift_right_logical3A_411 = arith.shrui %add3A_403, %shift_right_logical3A_410 : vector<16xi32>
      %and3A_412 = arith.constant 127 : i32
      %and3A_413 = vector.broadcast %and3A_412 : i32 to vector<16xi32>
      %and3A_414 = arith.andi %add3A_403, %and3A_413 : vector<16xi32>
      tpu.vector_store_idx %arg8[%shift_right_logical3A_411, %and3A_414], %gather3A_408 {add = true} : memref<256x128xf32, #tpu.memory_space<vmem>>[vector<16xi32>, vector<16xi32>], vector<16xf32>,
      %add3A_415 = arith.constant 16 : i32
      %add3A_416 = vector.broadcast %add3A_415 : i32 to vector<16xi32>
      %add3A_417 = arith.addi %mul3A_399, %add3A_416 : vector<16xi32>
      %add3A_418 = arith.addi %add3A_417, %iota3A : vector<16xi32>
      %add3A_419 = arith.constant 16 : i32
      %add3A_420 = arith.addi %add3A_419, %mul3A_45 : i32
      %add3A_421 = vector.broadcast %add3A_420 : i32 to vector<16xi32>
      %add3A_422 = arith.addi %iota3A, %add3A_421 : vector<16xi32>
      %gather3A_423 = tpu.vector_load_idx %arg6[%broadcast_in_dim3A_395, %add3A_422] : memref<256x128xf32, #tpu.memory_space<vmem>>[vector<16xi32>, vector<16xi32>], vector<16xf32>,
      %shift_right_logical3A_424 = arith.constant 7 : i32
      %shift_right_logical3A_425 = vector.broadcast %shift_right_logical3A_424 : i32 to vector<16xi32>
      %shift_right_logical3A_426 = arith.shrui %add3A_418, %shift_right_logical3A_425 : vector<16xi32>
      %and3A_427 = arith.constant 127 : i32
      %and3A_428 = vector.broadcast %and3A_427 : i32 to vector<16xi32>
      %and3A_429 = arith.andi %add3A_418, %and3A_428 : vector<16xi32>
      tpu.vector_store_idx %arg8[%shift_right_logical3A_426, %and3A_429], %gather3A_423 {add = true} : memref<256x128xf32, #tpu.memory_space<vmem>>[vector<16xi32>, vector<16xi32>], vector<16xf32>,
      %mul3A_430 = arith.constant 8 : i32
      %mul3A_431 = arith.muli %scan3A_159, %mul3A_430 : i32
      %add3A_432 = arith.constant 7 : i32
      %add3A_433 = arith.addi %mul3A_431, %add3A_432 : i32
      %broadcast_in_dim3A_434 = vector.broadcast %add3A_433 : i32 to vector<16xi32>
      %gather3A_435 = tpu.vector_load_idx %arg7[%broadcast_in_dim3A_434] : memref<256xi32, #tpu.memory_space<vmem>>[vector<16xi32>], vector<16xi32>,
      %mul3A_436 = arith.constant 32 : i32
      %mul3A_437 = vector.broadcast %mul3A_436 : i32 to vector<16xi32>
      %mul3A_438 = arith.muli %gather3A_435, %mul3A_437 : vector<16xi32>
      %add3A_439 = arith.constant 0 : i32
      %add3A_440 = vector.broadcast %add3A_439 : i32 to vector<16xi32>
      %add3A_441 = arith.addi %mul3A_438, %add3A_440 : vector<16xi32>
      %add3A_442 = arith.addi %add3A_441, %iota3A : vector<16xi32>
      %add3A_443 = arith.constant 0 : i32
      %add3A_444 = arith.addi %add3A_443, %mul3A_45 : i32
      %add3A_445 = vector.broadcast %add3A_444 : i32 to vector<16xi32>
      %add3A_446 = arith.addi %iota3A, %add3A_445 : vector<16xi32>
      %gather3A_447 = tpu.vector_load_idx %arg6[%broadcast_in_dim3A_434, %add3A_446] : memref<256x128xf32, #tpu.memory_space<vmem>>[vector<16xi32>, vector<16xi32>], vector<16xf32>,
      %shift_right_logical3A_448 = arith.constant 7 : i32
      %shift_right_logical3A_449 = vector.broadcast %shift_right_logical3A_448 : i32 to vector<16xi32>
      %shift_right_logical3A_450 = arith.shrui %add3A_442, %shift_right_logical3A_449 : vector<16xi32>
      %and3A_451 = arith.constant 127 : i32
      %and3A_452 = vector.broadcast %and3A_451 : i32 to vector<16xi32>
      %and3A_453 = arith.andi %add3A_442, %and3A_452 : vector<16xi32>
      tpu.vector_store_idx %arg8[%shift_right_logical3A_450, %and3A_453], %gather3A_447 {add = true} : memref<256x128xf32, #tpu.memory_space<vmem>>[vector<16xi32>, vector<16xi32>], vector<16xf32>,
      %add3A_454 = arith.constant 16 : i32
      %add3A_455 = vector.broadcast %add3A_454 : i32 to vector<16xi32>
      %add3A_456 = arith.addi %mul3A_438, %add3A_455 : vector<16xi32>
      %add3A_457 = arith.addi %add3A_456, %iota3A : vector<16xi32>
      %add3A_458 = arith.constant 16 : i32
      %add3A_459 = arith.addi %add3A_458, %mul3A_45 : i32
      %add3A_460 = vector.broadcast %add3A_459 : i32 to vector<16xi32>
      %add3A_461 = arith.addi %iota3A, %add3A_460 : vector<16xi32>
      %gather3A_462 = tpu.vector_load_idx %arg6[%broadcast_in_dim3A_434, %add3A_461] : memref<256x128xf32, #tpu.memory_space<vmem>>[vector<16xi32>, vector<16xi32>], vector<16xf32>,
      %shift_right_logical3A_463 = arith.constant 7 : i32
      %shift_right_logical3A_464 = vector.broadcast %shift_right_logical3A_463 : i32 to vector<16xi32>
      %shift_right_logical3A_465 = arith.shrui %add3A_457, %shift_right_logical3A_464 : vector<16xi32>
      %and3A_466 = arith.constant 127 : i32
      %and3A_467 = vector.broadcast %and3A_466 : i32 to vector<16xi32>
      %and3A_468 = arith.andi %add3A_457, %and3A_467 : vector<16xi32>
      tpu.vector_store_idx %arg8[%shift_right_logical3A_465, %and3A_468], %gather3A_462 {add = true} : memref<256x128xf32, #tpu.memory_space<vmem>>[vector<16xi32>, vector<16xi32>], vector<16xf32>,
    }
    %scan3A_158 = arith.constant 32 : i32
    "tpu.region"() ({
      %run_scoped3A = tpu.sem_alloc : memref<!tpu.dma_semaphore, #tpu.memory_space<semaphore_mem>>
      %dma_start3A = arith.constant 0 : i32
      %dma_start3A_159 = arith.constant 0 : i32
      %dma_start3A_160 = tpu.memref_slice %arg5[%arg0, %select_n3A_69, %select_n3A_7, %dma_start3A, %dma_start3A_159] : memref<2x2x8x256x128xf32, #tpu.memory_space<hbm>> -> memref<1x1x1x256x128xf32, #tpu.memory_space<hbm>>
      %dma_start3A_161 = tpu.memref_squeeze %dma_start3A_160 : memref<1x1x1x256x128xf32, #tpu.memory_space<hbm>> -> memref<256x128xf32, #tpu.memory_space<hbm>>
      %dma_start3A_162 = arith.constant 0 : i32
      %dma_start3A_163 = arith.constant 0 : i32
      %dma_start3A_164 = tpu.memref_slice %arg5[%arg0, %select_n3A_69, %select_n3A_7, %dma_start3A_162, %dma_start3A_163] : memref<2x2x8x256x128xf32, #tpu.memory_space<hbm>> -> memref<1x1x1x256x128xf32, #tpu.memory_space<hbm>>
      %dma_start3A_165 = tpu.memref_squeeze %dma_start3A_164 : memref<1x1x1x256x128xf32, #tpu.memory_space<hbm>> -> memref<256x128xf32, #tpu.memory_space<hbm>>
      tpu.enqueue_dma source(%arg8 : memref<256x128xf32, #tpu.memory_space<vmem>>) target(%dma_start3A_165 : memref<256x128xf32, #tpu.memory_space<hbm>>) target_semaphore(%run_scoped3A : memref<!tpu.dma_semaphore, #tpu.memory_space<semaphore_mem>>)
      %dma_wait3A = arith.constant 0 : i32
      %dma_wait3A_166 = arith.constant 0 : i32
      %dma_wait3A_167 = tpu.memref_slice %arg5[%arg0, %select_n3A_69, %select_n3A_7, %dma_wait3A, %dma_wait3A_166] : memref<2x2x8x256x128xf32, #tpu.memory_space<hbm>> -> memref<1x1x1x256x128xf32, #tpu.memory_space<hbm>>
      %dma_wait3A_168 = tpu.memref_squeeze %dma_wait3A_167 : memref<1x1x1x256x128xf32, #tpu.memory_space<hbm>> -> memref<256x128xf32, #tpu.memory_space<hbm>>
      %dma_wait3A_169 = arith.constant 0 : i32
      %dma_wait3A_170 = arith.constant 0 : i32
      %dma_wait3A_171 = tpu.memref_slice %arg5[%arg0, %select_n3A_69, %select_n3A_7, %dma_wait3A_169, %dma_wait3A_170] : memref<2x2x8x256x128xf32, #tpu.memory_space<hbm>> -> memref<1x1x1x256x128xf32, #tpu.memory_space<hbm>>
      %dma_wait3A_172 = tpu.memref_squeeze %dma_wait3A_171 : memref<1x1x1x256x128xf32, #tpu.memory_space<hbm>> -> memref<256x128xf32, #tpu.memory_space<hbm>>
      tpu.wait_dma2 semaphore(%run_scoped3A : memref<!tpu.dma_semaphore, #tpu.memory_space<semaphore_mem>>) src(%arg8 : memref<256x128xf32, #tpu.memory_space<vmem>>) dst(%dma_wait3A_172 : memref<256x128xf32, #tpu.memory_space<hbm>>)
      tpu.yield
    }) : () -> ()
    return
  }
}

module attributes {stable_mosaic.version = 14 : i64} {
  func.func @_main_kernel(%arg0: i32, %arg1: memref<1x256x256xf32, #tpu.memory_space<vmem>>, %arg2: memref<1x256x256xf32, #tpu.memory_space<vmem>>, %arg3: memref<1024x256xf32, #tpu.memory_space<vmem>>, %arg4: memref<256x1x1x1024xf32, #tpu.memory_space<vmem>>, %arg5: memref<256x1x1x1024xf32, #tpu.memory_space<vmem>>, %arg6: memref<256x1x1x1024xf32, #tpu.memory_space<vmem>>, %arg7: memref<256x1x1x1024xf32, #tpu.memory_space<vmem>>, %arg8: memref<1x1x1024xf32, #tpu.memory_space<vmem>>, %arg9: memref<1x1x1024xf32, #tpu.memory_space<vmem>>, %arg10: memref<1x1x1024xf32, #tpu.memory_space<vmem>>, %arg11: memref<1x1x1024xf32, #tpu.memory_space<vmem>>, %arg12: memref<2x1x256x256xf32, #tpu.memory_space<vmem>>, %arg13: memref<2x1x1x256xi32, #tpu.memory_space<vmem>>) attributes {dimension_semantics = [#tpu.dimension_semantics<parallel>], iteration_bounds = array<i64: 16>, scalar_prefetch = 0 : i64, scratch_operands = 0 : i64, tpu.core_type = #tpu.core_type<tc>, window_params = [{transform_indices = @transform_0, window_bounds = array<i64: 1, 256, 256>}, {transform_indices = @transform_1, window_bounds = array<i64: 1, 256, 256>}, {pipeline_mode = #tpu.pipeline_mode<synchronous>, transform_indices = @transform_2, window_bounds = array<i64: 1024, 256>}, {transform_indices = @transform_3, window_bounds = array<i64: 256, 1, 1, 1024>}, {transform_indices = @transform_4, window_bounds = array<i64: 256, 1, 1, 1024>}, {transform_indices = @transform_5, window_bounds = array<i64: 256, 1, 1, 1024>}, {transform_indices = @transform_6, window_bounds = array<i64: 256, 1, 1, 1024>}, {transform_indices = @transform_7, window_bounds = array<i64: 1, 1, 1024>}, {transform_indices = @transform_8, window_bounds = array<i64: 1, 1, 1024>}, {transform_indices = @transform_9, window_bounds = array<i64: 1, 1, 1024>}, {transform_indices = @transform_10, window_bounds = array<i64: 1, 1, 1024>}, {transform_indices = @transform_11, window_bounds = array<i64: 2, 1, 256, 256>}, {transform_indices = @transform_12, window_bounds = array<i64: 2, 1, 1, 256>}]} {
    %get3A = arith.constant 0 : index
    %get3A_0 = arith.constant 0 : index
    %get3A_1 = vector.load %arg3[%get3A, %get3A_0] : memref<1024x256xf32, #tpu.memory_space<vmem>>, vector<1024x256xf32>
    %mul3A = arith.mulf %get3A_1, %get3A_1 : vector<1024x256xf32>
    %reduce_sum3A = arith.constant dense<0.000000e+00> : vector<1024xf32>
    %reduce_sum3A_2 = vector.multi_reduction <add>, %mul3A, %reduce_sum3A [1] : vector<1024x256xf32> to vector<1024xf32>
    %broadcast_in_dim3A = vector.shape_cast %reduce_sum3A_2 : vector<1024xf32> to vector<1x1024xf32>
    %iota3A = tpu.iota {dimensions = array<i32: 1>} : vector<256x1024xi32>
    %get3A_3 = arith.constant 0 : index
    %get3A_4 = arith.constant 0 : index
    %get3A_5 = arith.constant 0 : index
    %get3A_6 = vector.load %arg1[%get3A_3, %get3A_4, %get3A_5] : memref<1x256x256xf32, #tpu.memory_space<vmem>>, vector<1x256x256xf32>
    %get3A_7 = vector.shape_cast %get3A_6 : vector<1x256x256xf32> to vector<256x256xf32>
    %get3A_8 = arith.constant 0 : index
    %get3A_9 = arith.constant 0 : index
    %get3A_10 = arith.constant 0 : index
    %get3A_11 = vector.load %arg2[%get3A_8, %get3A_9, %get3A_10] : memref<1x256x256xf32, #tpu.memory_space<vmem>>, vector<1x256x256xf32>
    %get3A_12 = vector.shape_cast %get3A_11 : vector<1x256x256xf32> to vector<256x256xf32>
    %dot_general3A = arith.constant dense<0.000000e+00> : vector<256x1024xf32>
    %dot_general3A_13 = tpu.matmul %get3A_7, %get3A_1, %dot_general3A {dimension_numbers = #tpu.dot_dimension_numbers<[1], [1], [0], [0], [0, 0, 1, 0], [], []>, transpose_lhs_hint = false} : vector<256x256xf32>, vector<1024x256xf32>, vector<256x1024xf32> -> vector<256x1024xf32>
    %mul3A_14 = arith.mulf %get3A_7, %get3A_7 : vector<256x256xf32>
    %reduce_sum3A_15 = arith.constant dense<0.000000e+00> : vector<256xf32>
    %reduce_sum3A_16 = vector.multi_reduction <add>, %mul3A_14, %reduce_sum3A_15 [1] : vector<256x256xf32> to vector<256xf32>
    %broadcast_in_dim3A_17 = vector.shape_cast %reduce_sum3A_16 : vector<256xf32> to vector<256x1xf32>
    %add3A = vector.broadcast %broadcast_in_dim3A_17 : vector<256x1xf32> to vector<256x1024xf32>
    %add3A_18 = vector.broadcast %broadcast_in_dim3A : vector<1x1024xf32> to vector<256x1024xf32>
    %add3A_19 = arith.addf %add3A, %add3A_18 : vector<256x1024xf32>
    %mul3A_20 = arith.constant 2.000000e+00 : f32
    %mul3A_21 = vector.broadcast %mul3A_20 : f32 to vector<256x1024xf32>
    %mul3A_22 = arith.mulf %mul3A_21, %dot_general3A_13 : vector<256x1024xf32>
    %sub3A = arith.subf %add3A_19, %mul3A_22 : vector<256x1024xf32>
    %max3A = arith.constant 0.000000e+00 : f32
    %max3A_23 = vector.broadcast %max3A : f32 to vector<256x1024xf32>
    %max3A_24 = arith.maximumf %sub3A, %max3A_23 : vector<256x1024xf32>
    %sqrt3A = math.sqrt %max3A_24 : vector<256x1024xf32>
    %neg3A = arith.constant 0.000000e+00 : f32
    %neg3A_25 = vector.broadcast %neg3A : f32 to vector<256x1024xf32>
    %neg3A_26 = arith.subf %neg3A_25, %sqrt3A : vector<256x1024xf32>
    %reduce_max3A = arith.constant dense<0xFF800000> : vector<256xf32>
    %reduce_max3A_27 = vector.multi_reduction <maximumf>, %neg3A_26, %reduce_max3A [1] : vector<256x1024xf32> to vector<256xf32>
    %broadcast_in_dim3A_28 = vector.shape_cast %reduce_max3A_27 : vector<256xf32> to vector<256x1xf32>
    %sub3A_29 = vector.broadcast %broadcast_in_dim3A_28 : vector<256x1xf32> to vector<256x1024xf32>
    %sub3A_30 = arith.subf %neg3A_26, %sub3A_29 : vector<256x1024xf32>
    %exp3A = math.exp %sub3A_30 : vector<256x1024xf32>
    %reduce_sum3A_31 = arith.constant dense<0.000000e+00> : vector<256xf32>
    %reduce_sum3A_32 = vector.multi_reduction <add>, %exp3A, %reduce_sum3A_31 [1] : vector<256x1024xf32> to vector<256xf32>
    %broadcast_in_dim3A_33 = vector.shape_cast %reduce_sum3A_32 : vector<256xf32> to vector<256x1xf32>
    %log3A = math.log %broadcast_in_dim3A_33 : vector<256x1xf32>
    %mul3A_34 = arith.constant 9.99999974E-6 : f32
    %mul3A_35 = vector.broadcast %mul3A_34 : f32 to vector<256x1xf32>
    %mul3A_36 = arith.mulf %mul3A_35, %broadcast_in_dim3A_33 : vector<256x1xf32>
    %add3A_37 = vector.broadcast %mul3A_36 : vector<256x1xf32> to vector<256x1024xf32>
    %add3A_38 = arith.addf %exp3A, %add3A_37 : vector<256x1024xf32>
    %log3A_39 = math.log %add3A_38 : vector<256x1024xf32>
    %mul3A_40 = arith.mulf %exp3A, %log3A_39 : vector<256x1024xf32>
    %reduce_sum3A_41 = arith.constant dense<0.000000e+00> : vector<256xf32>
    %reduce_sum3A_42 = vector.multi_reduction <add>, %mul3A_40, %reduce_sum3A_41 [1] : vector<256x1024xf32> to vector<256xf32>
    %broadcast_in_dim3A_43 = vector.shape_cast %reduce_sum3A_42 : vector<256xf32> to vector<256x1xf32>
    %div3A = arith.divf %broadcast_in_dim3A_43, %broadcast_in_dim3A_33 : vector<256x1xf32>
    %sub3A_44 = arith.subf %log3A, %div3A : vector<256x1xf32>
    %squeeze3A = vector.shape_cast %sub3A_44 : vector<256x1xf32> to vector<256xf32>
    %div3A_45 = arith.constant 6.93147182 : f32
    %div3A_46 = vector.broadcast %div3A_45 : f32 to vector<256xf32>
    %div3A_47 = arith.divf %squeeze3A, %div3A_46 : vector<256xf32>
    %sub3A_48 = arith.constant 1.000000e+00 : f32
    %sub3A_49 = vector.broadcast %sub3A_48 : f32 to vector<256xf32>
    %sub3A_50 = arith.subf %sub3A_49, %div3A_47 : vector<256xf32>
    %sub3A_51 = vector.broadcast %log3A : vector<256x1xf32> to vector<256x1024xf32>
    %sub3A_52 = arith.subf %sub3A_30, %sub3A_51 : vector<256x1024xf32>
    %reshape3A = vector.shape_cast %sub3A_52 : vector<256x1024xf32> to vector<256x1x1x1024xf32>
    %swap3A = arith.constant 0 : index
    %swap3A_53 = arith.constant 0 : index
    %swap3A_54 = arith.constant 0 : index
    %swap3A_55 = arith.constant 0 : index
    %swap3A_56 = vector.load %arg4[%swap3A, %swap3A_53, %swap3A_54, %swap3A_55] : memref<256x1x1x1024xf32, #tpu.memory_space<vmem>>, vector<256x1x1x1024xf32>
    tpu.vector_store %arg4[%swap3A, %swap3A_53, %swap3A_54, %swap3A_55], %reshape3A {strides = array<i32>} : memref<256x1x1x1024xf32, #tpu.memory_space<vmem>>, vector<256x1x1x1024xf32>,
    %mul3A_57 = arith.mulf %exp3A, %exp3A : vector<256x1024xf32>
    %reduce_sum3A_58 = arith.constant dense<0.000000e+00> : vector<256xf32>
    %reduce_sum3A_59 = vector.multi_reduction <add>, %mul3A_57, %reduce_sum3A_58 [1] : vector<256x1024xf32> to vector<256xf32>
    %broadcast_in_dim3A_60 = vector.shape_cast %reduce_sum3A_59 : vector<256xf32> to vector<256x1xf32>
    %div3A_61 = vector.broadcast %broadcast_in_dim3A_60 : vector<256x1xf32> to vector<256x1024xf32>
    %div3A_62 = arith.divf %mul3A_57, %div3A_61 : vector<256x1024xf32>
    %reshape3A_63 = vector.shape_cast %div3A_62 : vector<256x1024xf32> to vector<256x1x1x1024xf32>
    %swap3A_64 = arith.constant 0 : index
    %swap3A_65 = arith.constant 0 : index
    %swap3A_66 = arith.constant 0 : index
    %swap3A_67 = arith.constant 0 : index
    %swap3A_68 = vector.load %arg6[%swap3A_64, %swap3A_65, %swap3A_66, %swap3A_67] : memref<256x1x1x1024xf32, #tpu.memory_space<vmem>>, vector<256x1x1x1024xf32>
    tpu.vector_store %arg6[%swap3A_64, %swap3A_65, %swap3A_66, %swap3A_67], %reshape3A_63 {strides = array<i32>} : memref<256x1x1x1024xf32, #tpu.memory_space<vmem>>, vector<256x1x1x1024xf32>,
    %reduce_min3A = arith.constant dense<0x7F800000> : vector<256xf32>
    %reduce_min3A_69 = vector.multi_reduction <minimumf>, %sub3A, %reduce_min3A [1] : vector<256x1024xf32> to vector<256xf32>
    %broadcast_in_dim3A_70 = vector.shape_cast %reduce_min3A_69 : vector<256xf32> to vector<256x1xf32>
    %eq3A = vector.broadcast %broadcast_in_dim3A_70 : vector<256x1xf32> to vector<256x1024xf32>
    %eq3A_71 = arith.cmpf oeq, %sub3A, %eq3A : vector<256x1024xf32>
    %jit3A = arith.constant 1024 : i32
    %broadcast_in_dim3A_72 = vector.broadcast %jit3A : i32 to vector<256x1024xi32>
    %select_n3A = arith.select %eq3A_71, %iota3A, %broadcast_in_dim3A_72 : vector<256x1024xi1>, vector<256x1024xi32>
    %reduce_min3A_73 = arith.constant dense<2147483647> : vector<256xi32>
    %reduce_min3A_74 = vector.multi_reduction <minsi>, %select_n3A, %reduce_min3A_73 [1] : vector<256x1024xi32> to vector<256xi32>
    %reshape3A_75 = vector.shape_cast %reduce_min3A_74 : vector<256xi32> to vector<1x256xi32>
    %swap3A_76 = arith.constant 1 : index
    %swap3A_77 = arith.constant 0 : index
    %swap3A_78 = arith.constant 0 : index
    %swap3A_79 = arith.constant 0 : index
    %swap3A_80 = vector.load %arg13[%swap3A_76, %swap3A_77, %swap3A_78, %swap3A_79] : memref<2x1x1x256xi32, #tpu.memory_space<vmem>>, vector<1x1x1x256xi32>
    %swap3A_81 = vector.shape_cast %swap3A_80 : vector<1x1x1x256xi32> to vector<1x256xi32>
    %swap3A_82 = vector.shape_cast %reshape3A_75 : vector<1x256xi32> to vector<1x1x1x256xi32>
    tpu.vector_store %arg13[%swap3A_76, %swap3A_77, %swap3A_78, %swap3A_79], %swap3A_82 {strides = array<i32>} : memref<2x1x1x256xi32, #tpu.memory_space<vmem>>, vector<1x1x1x256xi32>,
    %broadcast_in_dim3A_83 = vector.shape_cast %reduce_min3A_74 : vector<256xi32> to vector<256x1xi32>
    %eq3A_84 = vector.broadcast %broadcast_in_dim3A_83 : vector<256x1xi32> to vector<256x1024xi32>
    %eq3A_85 = arith.cmpi eq, %iota3A, %eq3A_84 : vector<256x1024xi32>
    %convert_element_type3A = arith.extui %eq3A_85 : vector<256x1024xi1> to vector<256x1024xi32>
    %convert_element_type3A_86 = arith.sitofp %convert_element_type3A : vector<256x1024xi32> to vector<256x1024xf32>
    %reduce_sum3A_87 = arith.constant dense<0.000000e+00> : vector<1024xf32>
    %reduce_sum3A_88 = vector.multi_reduction <add>, %convert_element_type3A_86, %reduce_sum3A_87 [0] : vector<256x1024xf32> to vector<1024xf32>
    %reshape3A_89 = vector.shape_cast %reduce_sum3A_88 : vector<1024xf32> to vector<1x1x1024xf32>
    %swap3A_90 = arith.constant 0 : index
    %swap3A_91 = arith.constant 0 : index
    %swap3A_92 = arith.constant 0 : index
    %swap3A_93 = vector.load %arg8[%swap3A_90, %swap3A_91, %swap3A_92] : memref<1x1x1024xf32, #tpu.memory_space<vmem>>, vector<1x1x1024xf32>
    tpu.vector_store %arg8[%swap3A_90, %swap3A_91, %swap3A_92], %reshape3A_89 {strides = array<i32>} : memref<1x1x1024xf32, #tpu.memory_space<vmem>>, vector<1x1x1024xf32>,
    %broadcast_in_dim3A_94 = vector.shape_cast %sub3A_50 : vector<256xf32> to vector<256x1xf32>
    %mul3A_95 = vector.broadcast %broadcast_in_dim3A_94 : vector<256x1xf32> to vector<256x1024xf32>
    %mul3A_96 = arith.mulf %convert_element_type3A_86, %mul3A_95 : vector<256x1024xf32>
    %reduce_sum3A_97 = arith.constant dense<0.000000e+00> : vector<1024xf32>
    %reduce_sum3A_98 = vector.multi_reduction <add>, %mul3A_96, %reduce_sum3A_97 [0] : vector<256x1024xf32> to vector<1024xf32>
    %reshape3A_99 = vector.shape_cast %reduce_sum3A_98 : vector<1024xf32> to vector<1x1x1024xf32>
    %swap3A_100 = arith.constant 0 : index
    %swap3A_101 = arith.constant 0 : index
    %swap3A_102 = arith.constant 0 : index
    %swap3A_103 = vector.load %arg10[%swap3A_100, %swap3A_101, %swap3A_102] : memref<1x1x1024xf32, #tpu.memory_space<vmem>>, vector<1x1x1024xf32>
    tpu.vector_store %arg10[%swap3A_100, %swap3A_101, %swap3A_102], %reshape3A_99 {strides = array<i32>} : memref<1x1x1024xf32, #tpu.memory_space<vmem>>, vector<1x1x1024xf32>,
    %dot_general3A_104 = arith.constant dense<0.000000e+00> : vector<256x1024xf32>
    %dot_general3A_105 = tpu.matmul %get3A_12, %get3A_1, %dot_general3A_104 {dimension_numbers = #tpu.dot_dimension_numbers<[1], [1], [0], [0], [0, 0, 1, 0], [], []>, transpose_lhs_hint = false} : vector<256x256xf32>, vector<1024x256xf32>, vector<256x1024xf32> -> vector<256x1024xf32>
    %mul3A_106 = arith.mulf %get3A_12, %get3A_12 : vector<256x256xf32>
    %reduce_sum3A_107 = arith.constant dense<0.000000e+00> : vector<256xf32>
    %reduce_sum3A_108 = vector.multi_reduction <add>, %mul3A_106, %reduce_sum3A_107 [1] : vector<256x256xf32> to vector<256xf32>
    %broadcast_in_dim3A_109 = vector.shape_cast %reduce_sum3A_108 : vector<256xf32> to vector<256x1xf32>
    %add3A_110 = vector.broadcast %broadcast_in_dim3A_109 : vector<256x1xf32> to vector<256x1024xf32>
    %add3A_111 = vector.broadcast %broadcast_in_dim3A : vector<1x1024xf32> to vector<256x1024xf32>
    %add3A_112 = arith.addf %add3A_110, %add3A_111 : vector<256x1024xf32>
    %mul3A_113 = arith.constant 2.000000e+00 : f32
    %mul3A_114 = vector.broadcast %mul3A_113 : f32 to vector<256x1024xf32>
    %mul3A_115 = arith.mulf %mul3A_114, %dot_general3A_105 : vector<256x1024xf32>
    %sub3A_116 = arith.subf %add3A_112, %mul3A_115 : vector<256x1024xf32>
    %max3A_117 = arith.constant 0.000000e+00 : f32
    %max3A_118 = vector.broadcast %max3A_117 : f32 to vector<256x1024xf32>
    %max3A_119 = arith.maximumf %sub3A_116, %max3A_118 : vector<256x1024xf32>
    %sqrt3A_120 = math.sqrt %max3A_119 : vector<256x1024xf32>
    %neg3A_121 = arith.constant 0.000000e+00 : f32
    %neg3A_122 = vector.broadcast %neg3A_121 : f32 to vector<256x1024xf32>
    %neg3A_123 = arith.subf %neg3A_122, %sqrt3A_120 : vector<256x1024xf32>
    %reduce_max3A_124 = arith.constant dense<0xFF800000> : vector<256xf32>
    %reduce_max3A_125 = vector.multi_reduction <maximumf>, %neg3A_123, %reduce_max3A_124 [1] : vector<256x1024xf32> to vector<256xf32>
    %broadcast_in_dim3A_126 = vector.shape_cast %reduce_max3A_125 : vector<256xf32> to vector<256x1xf32>
    %sub3A_127 = vector.broadcast %broadcast_in_dim3A_126 : vector<256x1xf32> to vector<256x1024xf32>
    %sub3A_128 = arith.subf %neg3A_123, %sub3A_127 : vector<256x1024xf32>
    %exp3A_129 = math.exp %sub3A_128 : vector<256x1024xf32>
    %reduce_sum3A_130 = arith.constant dense<0.000000e+00> : vector<256xf32>
    %reduce_sum3A_131 = vector.multi_reduction <add>, %exp3A_129, %reduce_sum3A_130 [1] : vector<256x1024xf32> to vector<256xf32>
    %broadcast_in_dim3A_132 = vector.shape_cast %reduce_sum3A_131 : vector<256xf32> to vector<256x1xf32>
    %log3A_133 = math.log %broadcast_in_dim3A_132 : vector<256x1xf32>
    %mul3A_134 = arith.constant 9.99999974E-6 : f32
    %mul3A_135 = vector.broadcast %mul3A_134 : f32 to vector<256x1xf32>
    %mul3A_136 = arith.mulf %mul3A_135, %broadcast_in_dim3A_132 : vector<256x1xf32>
    %add3A_137 = vector.broadcast %mul3A_136 : vector<256x1xf32> to vector<256x1024xf32>
    %add3A_138 = arith.addf %exp3A_129, %add3A_137 : vector<256x1024xf32>
    %log3A_139 = math.log %add3A_138 : vector<256x1024xf32>
    %mul3A_140 = arith.mulf %exp3A_129, %log3A_139 : vector<256x1024xf32>
    %reduce_sum3A_141 = arith.constant dense<0.000000e+00> : vector<256xf32>
    %reduce_sum3A_142 = vector.multi_reduction <add>, %mul3A_140, %reduce_sum3A_141 [1] : vector<256x1024xf32> to vector<256xf32>
    %broadcast_in_dim3A_143 = vector.shape_cast %reduce_sum3A_142 : vector<256xf32> to vector<256x1xf32>
    %div3A_144 = arith.divf %broadcast_in_dim3A_143, %broadcast_in_dim3A_132 : vector<256x1xf32>
    %sub3A_145 = arith.subf %log3A_133, %div3A_144 : vector<256x1xf32>
    %squeeze3A_146 = vector.shape_cast %sub3A_145 : vector<256x1xf32> to vector<256xf32>
    %div3A_147 = arith.constant 6.93147182 : f32
    %div3A_148 = vector.broadcast %div3A_147 : f32 to vector<256xf32>
    %div3A_149 = arith.divf %squeeze3A_146, %div3A_148 : vector<256xf32>
    %sub3A_150 = arith.constant 1.000000e+00 : f32
    %sub3A_151 = vector.broadcast %sub3A_150 : f32 to vector<256xf32>
    %sub3A_152 = arith.subf %sub3A_151, %div3A_149 : vector<256xf32>
    %sub3A_153 = vector.broadcast %log3A_133 : vector<256x1xf32> to vector<256x1024xf32>
    %sub3A_154 = arith.subf %sub3A_128, %sub3A_153 : vector<256x1024xf32>
    %reshape3A_155 = vector.shape_cast %sub3A_154 : vector<256x1024xf32> to vector<256x1x1x1024xf32>
    %swap3A_156 = arith.constant 0 : index
    %swap3A_157 = arith.constant 0 : index
    %swap3A_158 = arith.constant 0 : index
    %swap3A_159 = arith.constant 0 : index
    %swap3A_160 = vector.load %arg5[%swap3A_156, %swap3A_157, %swap3A_158, %swap3A_159] : memref<256x1x1x1024xf32, #tpu.memory_space<vmem>>, vector<256x1x1x1024xf32>
    tpu.vector_store %arg5[%swap3A_156, %swap3A_157, %swap3A_158, %swap3A_159], %reshape3A_155 {strides = array<i32>} : memref<256x1x1x1024xf32, #tpu.memory_space<vmem>>, vector<256x1x1x1024xf32>,
    %mul3A_161 = arith.mulf %exp3A_129, %exp3A_129 : vector<256x1024xf32>
    %reduce_sum3A_162 = arith.constant dense<0.000000e+00> : vector<256xf32>
    %reduce_sum3A_163 = vector.multi_reduction <add>, %mul3A_161, %reduce_sum3A_162 [1] : vector<256x1024xf32> to vector<256xf32>
    %broadcast_in_dim3A_164 = vector.shape_cast %reduce_sum3A_163 : vector<256xf32> to vector<256x1xf32>
    %div3A_165 = vector.broadcast %broadcast_in_dim3A_164 : vector<256x1xf32> to vector<256x1024xf32>
    %div3A_166 = arith.divf %mul3A_161, %div3A_165 : vector<256x1024xf32>
    %reshape3A_167 = vector.shape_cast %div3A_166 : vector<256x1024xf32> to vector<256x1x1x1024xf32>
    %swap3A_168 = arith.constant 0 : index
    %swap3A_169 = arith.constant 0 : index
    %swap3A_170 = arith.constant 0 : index
    %swap3A_171 = arith.constant 0 : index
    %swap3A_172 = vector.load %arg7[%swap3A_168, %swap3A_169, %swap3A_170, %swap3A_171] : memref<256x1x1x1024xf32, #tpu.memory_space<vmem>>, vector<256x1x1x1024xf32>
    tpu.vector_store %arg7[%swap3A_168, %swap3A_169, %swap3A_170, %swap3A_171], %reshape3A_167 {strides = array<i32>} : memref<256x1x1x1024xf32, #tpu.memory_space<vmem>>, vector<256x1x1x1024xf32>,
    %reduce_min3A_173 = arith.constant dense<0x7F800000> : vector<256xf32>
    %reduce_min3A_174 = vector.multi_reduction <minimumf>, %sub3A_116, %reduce_min3A_173 [1] : vector<256x1024xf32> to vector<256xf32>
    %broadcast_in_dim3A_175 = vector.shape_cast %reduce_min3A_174 : vector<256xf32> to vector<256x1xf32>
    %eq3A_176 = vector.broadcast %broadcast_in_dim3A_175 : vector<256x1xf32> to vector<256x1024xf32>
    %eq3A_177 = arith.cmpf oeq, %sub3A_116, %eq3A_176 : vector<256x1024xf32>
    %jit3A_178 = arith.constant 1024 : i32
    %broadcast_in_dim3A_179 = vector.broadcast %jit3A_178 : i32 to vector<256x1024xi32>
    %select_n3A_180 = arith.select %eq3A_177, %iota3A, %broadcast_in_dim3A_179 : vector<256x1024xi1>, vector<256x1024xi32>
    %reduce_min3A_181 = arith.constant dense<2147483647> : vector<256xi32>
    %reduce_min3A_182 = vector.multi_reduction <minsi>, %select_n3A_180, %reduce_min3A_181 [1] : vector<256x1024xi32> to vector<256xi32>
    %reshape3A_183 = vector.shape_cast %reduce_min3A_182 : vector<256xi32> to vector<1x256xi32>
    %swap3A_184 = arith.constant 0 : index
    %swap3A_185 = arith.constant 0 : index
    %swap3A_186 = arith.constant 0 : index
    %swap3A_187 = arith.constant 0 : index
    %swap3A_188 = vector.load %arg13[%swap3A_184, %swap3A_185, %swap3A_186, %swap3A_187] : memref<2x1x1x256xi32, #tpu.memory_space<vmem>>, vector<1x1x1x256xi32>
    %swap3A_189 = vector.shape_cast %swap3A_188 : vector<1x1x1x256xi32> to vector<1x256xi32>
    %swap3A_190 = vector.shape_cast %reshape3A_183 : vector<1x256xi32> to vector<1x1x1x256xi32>
    tpu.vector_store %arg13[%swap3A_184, %swap3A_185, %swap3A_186, %swap3A_187], %swap3A_190 {strides = array<i32>} : memref<2x1x1x256xi32, #tpu.memory_space<vmem>>, vector<1x1x1x256xi32>,
    %broadcast_in_dim3A_191 = vector.shape_cast %reduce_min3A_182 : vector<256xi32> to vector<256x1xi32>
    %eq3A_192 = vector.broadcast %broadcast_in_dim3A_191 : vector<256x1xi32> to vector<256x1024xi32>
    %eq3A_193 = arith.cmpi eq, %iota3A, %eq3A_192 : vector<256x1024xi32>
    %convert_element_type3A_194 = arith.extui %eq3A_193 : vector<256x1024xi1> to vector<256x1024xi32>
    %convert_element_type3A_195 = arith.sitofp %convert_element_type3A_194 : vector<256x1024xi32> to vector<256x1024xf32>
    %reduce_sum3A_196 = arith.constant dense<0.000000e+00> : vector<1024xf32>
    %reduce_sum3A_197 = vector.multi_reduction <add>, %convert_element_type3A_195, %reduce_sum3A_196 [0] : vector<256x1024xf32> to vector<1024xf32>
    %reshape3A_198 = vector.shape_cast %reduce_sum3A_197 : vector<1024xf32> to vector<1x1x1024xf32>
    %swap3A_199 = arith.constant 0 : index
    %swap3A_200 = arith.constant 0 : index
    %swap3A_201 = arith.constant 0 : index
    %swap3A_202 = vector.load %arg9[%swap3A_199, %swap3A_200, %swap3A_201] : memref<1x1x1024xf32, #tpu.memory_space<vmem>>, vector<1x1x1024xf32>
    tpu.vector_store %arg9[%swap3A_199, %swap3A_200, %swap3A_201], %reshape3A_198 {strides = array<i32>} : memref<1x1x1024xf32, #tpu.memory_space<vmem>>, vector<1x1x1024xf32>,
    %broadcast_in_dim3A_203 = vector.shape_cast %sub3A_152 : vector<256xf32> to vector<256x1xf32>
    %mul3A_204 = vector.broadcast %broadcast_in_dim3A_203 : vector<256x1xf32> to vector<256x1024xf32>
    %mul3A_205 = arith.mulf %convert_element_type3A_195, %mul3A_204 : vector<256x1024xf32>
    %reduce_sum3A_206 = arith.constant dense<0.000000e+00> : vector<1024xf32>
    %reduce_sum3A_207 = vector.multi_reduction <add>, %mul3A_205, %reduce_sum3A_206 [0] : vector<256x1024xf32> to vector<1024xf32>
    %reshape3A_208 = vector.shape_cast %reduce_sum3A_207 : vector<1024xf32> to vector<1x1x1024xf32>
    %swap3A_209 = arith.constant 0 : index
    %swap3A_210 = arith.constant 0 : index
    %swap3A_211 = arith.constant 0 : index
    %swap3A_212 = vector.load %arg11[%swap3A_209, %swap3A_210, %swap3A_211] : memref<1x1x1024xf32, #tpu.memory_space<vmem>>, vector<1x1x1024xf32>
    tpu.vector_store %arg11[%swap3A_209, %swap3A_210, %swap3A_211], %reshape3A_208 {strides = array<i32>} : memref<1x1x1024xf32, #tpu.memory_space<vmem>>, vector<1x1x1024xf32>,
    %add3A_213 = arith.addf %get3A_12, %get3A_7 : vector<256x256xf32>
    %broadcast_in_dim3A_214 = vector.shape_cast %sub3A_152 : vector<256xf32> to vector<256x1xf32>
    %mul3A_215 = vector.broadcast %broadcast_in_dim3A_214 : vector<256x1xf32> to vector<256x256xf32>
    %mul3A_216 = arith.mulf %add3A_213, %mul3A_215 : vector<256x256xf32>
    %swap3A_217 = arith.constant 0 : index
    %swap3A_218 = arith.constant 0 : index
    %swap3A_219 = arith.constant 0 : index
    %swap3A_220 = arith.constant 0 : index
    %swap3A_221 = vector.load %arg12[%swap3A_217, %swap3A_218, %swap3A_219, %swap3A_220] : memref<2x1x256x256xf32, #tpu.memory_space<vmem>>, vector<1x1x256x256xf32>
    %swap3A_222 = vector.shape_cast %swap3A_221 : vector<1x1x256x256xf32> to vector<256x256xf32>
    %swap3A_223 = vector.shape_cast %mul3A_216 : vector<256x256xf32> to vector<1x1x256x256xf32>
    tpu.vector_store %arg12[%swap3A_217, %swap3A_218, %swap3A_219, %swap3A_220], %swap3A_223 {strides = array<i32>} : memref<2x1x256x256xf32, #tpu.memory_space<vmem>>, vector<1x1x256x256xf32>,
    %broadcast_in_dim3A_224 = vector.shape_cast %sub3A_50 : vector<256xf32> to vector<256x1xf32>
    %mul3A_225 = vector.broadcast %broadcast_in_dim3A_224 : vector<256x1xf32> to vector<256x256xf32>
    %mul3A_226 = arith.mulf %add3A_213, %mul3A_225 : vector<256x256xf32>
    %swap3A_227 = arith.constant 1 : index
    %swap3A_228 = arith.constant 0 : index
    %swap3A_229 = arith.constant 0 : index
    %swap3A_230 = arith.constant 0 : index
    %swap3A_231 = vector.load %arg12[%swap3A_227, %swap3A_228, %swap3A_229, %swap3A_230] : memref<2x1x256x256xf32, #tpu.memory_space<vmem>>, vector<1x1x256x256xf32>
    %swap3A_232 = vector.shape_cast %swap3A_231 : vector<1x1x256x256xf32> to vector<256x256xf32>
    %swap3A_233 = vector.shape_cast %mul3A_226 : vector<256x256xf32> to vector<1x1x256x256xf32>
    tpu.vector_store %arg12[%swap3A_227, %swap3A_228, %swap3A_229, %swap3A_230], %swap3A_233 {strides = array<i32>} : memref<2x1x256x256xf32, #tpu.memory_space<vmem>>, vector<1x1x256x256xf32>,
    return
  }
  func.func @transform_0(%arg0: i32) -> (i32, i32, i32) {
    %c0_i32 = arith.constant 0 : i32
    %c0_i32_0 = arith.constant 0 : i32
    %c0_i32_1 = arith.constant 0 : i32
    return %arg0, %c0_i32, %c0_i32_0 : i32, i32, i32
  }
  func.func @transform_1(%arg0: i32) -> (i32, i32, i32) {
    %c0_i32 = arith.constant 0 : i32
    %c0_i32_0 = arith.constant 0 : i32
    %c0_i32_1 = arith.constant 0 : i32
    return %arg0, %c0_i32, %c0_i32_0 : i32, i32, i32
  }
  func.func @transform_2(%arg0: i32) -> (i32, i32) {
    %c0_i32 = arith.constant 0 : i32
    %c0_i32_0 = arith.constant 0 : i32
    %c0_i32_1 = arith.constant 0 : i32
    return %c0_i32, %c0_i32_0 : i32, i32
  }
  func.func @transform_3(%arg0: i32) -> (i32, i32, i32, i32) {
    %c0_i32 = arith.constant 0 : i32
    %c0_i32_0 = arith.constant 0 : i32
    %c0_i32_1 = arith.constant 0 : i32
    %c0_i32_2 = arith.constant 0 : i32
    return %c0_i32, %arg0, %c0_i32_0, %c0_i32_1 : i32, i32, i32, i32
  }
  func.func @transform_4(%arg0: i32) -> (i32, i32, i32, i32) {
    %c0_i32 = arith.constant 0 : i32
    %c0_i32_0 = arith.constant 0 : i32
    %c0_i32_1 = arith.constant 0 : i32
    %c0_i32_2 = arith.constant 0 : i32
    return %c0_i32, %arg0, %c0_i32_0, %c0_i32_1 : i32, i32, i32, i32
  }
  func.func @transform_5(%arg0: i32) -> (i32, i32, i32, i32) {
    %c0_i32 = arith.constant 0 : i32
    %c0_i32_0 = arith.constant 0 : i32
    %c0_i32_1 = arith.constant 0 : i32
    %c0_i32_2 = arith.constant 0 : i32
    return %c0_i32, %arg0, %c0_i32_0, %c0_i32_1 : i32, i32, i32, i32
  }
  func.func @transform_6(%arg0: i32) -> (i32, i32, i32, i32) {
    %c0_i32 = arith.constant 0 : i32
    %c0_i32_0 = arith.constant 0 : i32
    %c0_i32_1 = arith.constant 0 : i32
    %c0_i32_2 = arith.constant 0 : i32
    return %c0_i32, %arg0, %c0_i32_0, %c0_i32_1 : i32, i32, i32, i32
  }
  func.func @transform_7(%arg0: i32) -> (i32, i32, i32) {
    %c0_i32 = arith.constant 0 : i32
    %c0_i32_0 = arith.constant 0 : i32
    %c0_i32_1 = arith.constant 0 : i32
    return %arg0, %c0_i32, %c0_i32_0 : i32, i32, i32
  }
  func.func @transform_8(%arg0: i32) -> (i32, i32, i32) {
    %c0_i32 = arith.constant 0 : i32
    %c0_i32_0 = arith.constant 0 : i32
    %c0_i32_1 = arith.constant 0 : i32
    return %arg0, %c0_i32, %c0_i32_0 : i32, i32, i32
  }
  func.func @transform_9(%arg0: i32) -> (i32, i32, i32) {
    %c0_i32 = arith.constant 0 : i32
    %c0_i32_0 = arith.constant 0 : i32
    %c0_i32_1 = arith.constant 0 : i32
    return %arg0, %c0_i32, %c0_i32_0 : i32, i32, i32
  }
  func.func @transform_10(%arg0: i32) -> (i32, i32, i32) {
    %c0_i32 = arith.constant 0 : i32
    %c0_i32_0 = arith.constant 0 : i32
    %c0_i32_1 = arith.constant 0 : i32
    return %arg0, %c0_i32, %c0_i32_0 : i32, i32, i32
  }
  func.func @transform_11(%arg0: i32) -> (i32, i32, i32, i32) {
    %c0_i32 = arith.constant 0 : i32
    %c0_i32_0 = arith.constant 0 : i32
    %c0_i32_1 = arith.constant 0 : i32
    %c0_i32_2 = arith.constant 0 : i32
    return %c0_i32, %arg0, %c0_i32_0, %c0_i32_1 : i32, i32, i32, i32
  }
  func.func @transform_12(%arg0: i32) -> (i32, i32, i32, i32) {
    %c0_i32 = arith.constant 0 : i32
    %c0_i32_0 = arith.constant 0 : i32
    %c0_i32_1 = arith.constant 0 : i32
    %c0_i32_2 = arith.constant 0 : i32
    return %c0_i32, %arg0, %c0_i32_0, %c0_i32_1 : i32, i32, i32, i32
  }
}

module attributes {stable_mosaic.version = 14 : i64} {
  func.func @_loss_kernel(%arg0: memref<256x16x16xf32, #tpu.memory_space<vmem>>, %arg1: memref<256x16x16xf32, #tpu.memory_space<vmem>>, %arg2: memref<1x1xf32, #tpu.memory_space<vmem>>) attributes {dimension_semantics = [], scalar_prefetch = 0 : i64, scratch_operands = 0 : i64, tpu.core_type = #tpu.core_type<tc>} {
    %iota3A = tpu.iota {dimensions = array<i32: 0>} : vector<16x16xi32>
    %iota3A_0 = tpu.iota {dimensions = array<i32: 1>} : vector<16x16xi32>
    %eq3A = arith.cmpi eq, %iota3A, %iota3A_0 : vector<16x16xi32>
    %convert_element_type3A = arith.extui %eq3A : vector<16x16xi1> to vector<16x16xi32>
    %convert_element_type3A_1 = arith.sitofp %convert_element_type3A : vector<16x16xi32> to vector<16x16xf32>
    %get3A = arith.constant 0 : index
    %get3A_2 = arith.constant 0 : index
    %get3A_3 = arith.constant 0 : index
    %get3A_4 = vector.load %arg0[%get3A, %get3A_2, %get3A_3] : memref<256x16x16xf32, #tpu.memory_space<vmem>>, vector<256x16x16xf32>
    %neg3A = arith.constant 0.000000e+00 : f32
    %neg3A_5 = vector.broadcast %neg3A : f32 to vector<256x16x16xf32>
    %neg3A_6 = arith.subf %neg3A_5, %get3A_4 : vector<256x16x16xf32>
    %reduce_max3A = vector.shape_cast %neg3A_6 : vector<256x16x16xf32> to vector<1x256x16x16xf32>
    %reduce_max3A_7 = arith.constant dense<0xFF800000> : vector<1xf32>
    %reduce_max3A_8 = vector.multi_reduction <maximumf>, %reduce_max3A, %reduce_max3A_7 [1, 2, 3] : vector<1x256x16x16xf32> to vector<1xf32>
    %reduce_max3A_9 = vector.shape_cast %reduce_max3A_8 : vector<1xf32> to vector<1x1x1x1xf32>
    %reduce_max3A_10 = vector.extract %reduce_max3A_9[0, 0, 0, 0] : f32 from vector<1x1x1x1xf32>
    %add3A = vector.broadcast %reduce_max3A_10 : f32 to vector<256x16x16xf32>
    %add3A_11 = arith.addf %get3A_4, %add3A : vector<256x16x16xf32>
    %exp3A = math.exp %add3A_11 : vector<256x16x16xf32>
    %reduce_sum3A = arith.constant dense<0.000000e+00> : vector<256x16xf32>
    %reduce_sum3A_12 = vector.multi_reduction <add>, %exp3A, %reduce_sum3A [2] : vector<256x16x16xf32> to vector<256x16xf32>
    %broadcast_in_dim3A = vector.shape_cast %convert_element_type3A_1 : vector<16x16xf32> to vector<1x16x16xf32>
    %mul3A = vector.broadcast %broadcast_in_dim3A : vector<1x16x16xf32> to vector<256x16x16xf32>
    %mul3A_13 = arith.mulf %exp3A, %mul3A : vector<256x16x16xf32>
    %reduce_sum3A_14 = arith.constant dense<0.000000e+00> : vector<256x16xf32>
    %reduce_sum3A_15 = vector.multi_reduction <add>, %mul3A_13, %reduce_sum3A_14 [2] : vector<256x16x16xf32> to vector<256x16xf32>
    %add3A_16 = arith.constant 9.99999974E-6 : f32
    %add3A_17 = vector.broadcast %add3A_16 : f32 to vector<256x16xf32>
    %add3A_18 = arith.addf %reduce_sum3A_12, %add3A_17 : vector<256x16xf32>
    %div3A = arith.divf %reduce_sum3A_15, %add3A_18 : vector<256x16xf32>
    %log3A = math.log %div3A : vector<256x16xf32>
    %reduce_sum3A_19 = vector.shape_cast %log3A : vector<256x16xf32> to vector<1x256x16xf32>
    %reduce_sum3A_20 = arith.constant dense<0.000000e+00> : vector<1xf32>
    %reduce_sum3A_21 = vector.multi_reduction <add>, %reduce_sum3A_19, %reduce_sum3A_20 [1, 2] : vector<1x256x16xf32> to vector<1xf32>
    %reduce_sum3A_22 = vector.shape_cast %reduce_sum3A_21 : vector<1xf32> to vector<1x1x1xf32>
    %reduce_sum3A_23 = vector.extract %reduce_sum3A_22[0, 0, 0] : f32 from vector<1x1x1xf32>
    %div3A_24 = arith.constant 4.096000e+03 : f32
    %div3A_25 = arith.divf %reduce_sum3A_23, %div3A_24 : f32
    %neg3A_26 = arith.constant 0.000000e+00 : f32
    %neg3A_27 = arith.subf %neg3A_26, %div3A_25 : f32
    %get3A_28 = arith.constant 0 : index
    %get3A_29 = arith.constant 0 : index
    %get3A_30 = arith.constant 0 : index
    %get3A_31 = vector.load %arg1[%get3A_28, %get3A_29, %get3A_30] : memref<256x16x16xf32, #tpu.memory_space<vmem>>, vector<256x16x16xf32>
    %neg3A_32 = arith.constant 0.000000e+00 : f32
    %neg3A_33 = vector.broadcast %neg3A_32 : f32 to vector<256x16x16xf32>
    %neg3A_34 = arith.subf %neg3A_33, %get3A_31 : vector<256x16x16xf32>
    %reduce_max3A_35 = vector.shape_cast %neg3A_34 : vector<256x16x16xf32> to vector<1x256x16x16xf32>
    %reduce_max3A_36 = arith.constant dense<0xFF800000> : vector<1xf32>
    %reduce_max3A_37 = vector.multi_reduction <maximumf>, %reduce_max3A_35, %reduce_max3A_36 [1, 2, 3] : vector<1x256x16x16xf32> to vector<1xf32>
    %reduce_max3A_38 = vector.shape_cast %reduce_max3A_37 : vector<1xf32> to vector<1x1x1x1xf32>
    %reduce_max3A_39 = vector.extract %reduce_max3A_38[0, 0, 0, 0] : f32 from vector<1x1x1x1xf32>
    %add3A_40 = vector.broadcast %reduce_max3A_39 : f32 to vector<256x16x16xf32>
    %add3A_41 = arith.addf %get3A_31, %add3A_40 : vector<256x16x16xf32>
    %exp3A_42 = math.exp %add3A_41 : vector<256x16x16xf32>
    %reduce_sum3A_43 = arith.constant dense<0.000000e+00> : vector<256x16xf32>
    %reduce_sum3A_44 = vector.multi_reduction <add>, %exp3A_42, %reduce_sum3A_43 [2] : vector<256x16x16xf32> to vector<256x16xf32>
    %broadcast_in_dim3A_45 = vector.shape_cast %convert_element_type3A_1 : vector<16x16xf32> to vector<1x16x16xf32>
    %mul3A_46 = vector.broadcast %broadcast_in_dim3A_45 : vector<1x16x16xf32> to vector<256x16x16xf32>
    %mul3A_47 = arith.mulf %exp3A_42, %mul3A_46 : vector<256x16x16xf32>
    %reduce_sum3A_48 = arith.constant dense<0.000000e+00> : vector<256x16xf32>
    %reduce_sum3A_49 = vector.multi_reduction <add>, %mul3A_47, %reduce_sum3A_48 [2] : vector<256x16x16xf32> to vector<256x16xf32>
    %add3A_50 = arith.constant 9.99999974E-6 : f32
    %add3A_51 = vector.broadcast %add3A_50 : f32 to vector<256x16xf32>
    %add3A_52 = arith.addf %reduce_sum3A_44, %add3A_51 : vector<256x16xf32>
    %div3A_53 = arith.divf %reduce_sum3A_49, %add3A_52 : vector<256x16xf32>
    %log3A_54 = math.log %div3A_53 : vector<256x16xf32>
    %reduce_sum3A_55 = vector.shape_cast %log3A_54 : vector<256x16xf32> to vector<1x256x16xf32>
    %reduce_sum3A_56 = arith.constant dense<0.000000e+00> : vector<1xf32>
    %reduce_sum3A_57 = vector.multi_reduction <add>, %reduce_sum3A_55, %reduce_sum3A_56 [1, 2] : vector<1x256x16xf32> to vector<1xf32>
    %reduce_sum3A_58 = vector.shape_cast %reduce_sum3A_57 : vector<1xf32> to vector<1x1x1xf32>
    %reduce_sum3A_59 = vector.extract %reduce_sum3A_58[0, 0, 0] : f32 from vector<1x1x1xf32>
    %div3A_60 = arith.constant 4.096000e+03 : f32
    %div3A_61 = arith.divf %reduce_sum3A_59, %div3A_60 : f32
    %neg3A_62 = arith.constant 0.000000e+00 : f32
    %neg3A_63 = arith.subf %neg3A_62, %div3A_61 : f32
    %add3A_64 = arith.addf %neg3A_27, %neg3A_63 : f32
    %mul3A_65 = arith.constant 5.000000e-01 : f32
    %mul3A_66 = arith.mulf %mul3A_65, %add3A_64 : f32
    %reshape3A = vector.broadcast %mul3A_66 : f32 to vector<1x1xf32>
    %swap3A = arith.constant 0 : index
    %swap3A_67 = arith.constant 0 : index
    %swap3A_68 = vector.load %arg2[%swap3A, %swap3A_67] : memref<1x1xf32, #tpu.memory_space<vmem>>, vector<1x1xf32>
    tpu.vector_store %arg2[%swap3A, %swap3A_67], %reshape3A {strides = array<i32>} : memref<1x1xf32, #tpu.memory_space<vmem>>, vector<1x1xf32>,
    return
  }
}

module attributes {stable_mosaic.version = 14 : i64} {
  func.func @_scode_kernel(%arg0: i32, %arg1: memref<8x16x1x1024xf32, #tpu.memory_space<vmem>>, %arg2: memref<8x16x1x1024xf32, #tpu.memory_space<vmem>>, %arg3: memref<8x16x1x1024xf32, #tpu.memory_space<vmem>>, %arg4: memref<8x16x1x1024xf32, #tpu.memory_space<vmem>>, %arg5: memref<8x16x16xf32, #tpu.memory_space<vmem>>, %arg6: memref<8x16x16xf32, #tpu.memory_space<vmem>>) attributes {dimension_semantics = [#tpu.dimension_semantics<parallel>], iteration_bounds = array<i64: 32>, scalar_prefetch = 0 : i64, scratch_operands = 0 : i64, tpu.core_type = #tpu.core_type<tc>, window_params = [{transform_indices = @transform_0, window_bounds = array<i64: 8, 16, 1, 1024>}, {transform_indices = @transform_1, window_bounds = array<i64: 8, 16, 1, 1024>}, {transform_indices = @transform_2, window_bounds = array<i64: 8, 16, 1, 1024>}, {transform_indices = @transform_3, window_bounds = array<i64: 8, 16, 1, 1024>}, {transform_indices = @transform_4, window_bounds = array<i64: 8, 16, 16>}, {transform_indices = @transform_5, window_bounds = array<i64: 8, 16, 16>}]} {
    %get3A = arith.constant 0 : index
    %get3A_0 = arith.constant 0 : index
    %get3A_1 = arith.constant 0 : index
    %get3A_2 = arith.constant 0 : index
    %get3A_3 = vector.load %arg1[%get3A, %get3A_0, %get3A_1, %get3A_2] : memref<8x16x1x1024xf32, #tpu.memory_space<vmem>>, vector<8x16x1x1024xf32>
    %reshape3A = vector.shape_cast %get3A_3 : vector<8x16x1x1024xf32> to vector<128x1024xf32>
    %get3A_4 = arith.constant 0 : index
    %get3A_5 = arith.constant 0 : index
    %get3A_6 = arith.constant 0 : index
    %get3A_7 = arith.constant 0 : index
    %get3A_8 = vector.load %arg4[%get3A_4, %get3A_5, %get3A_6, %get3A_7] : memref<8x16x1x1024xf32, #tpu.memory_space<vmem>>, vector<8x16x1x1024xf32>
    %reshape3A_9 = vector.shape_cast %get3A_8 : vector<8x16x1x1024xf32> to vector<128x1024xf32>
    %dot_general3A = arith.constant dense<0.000000e+00> : vector<128x128xf32>
    %dot_general3A_10 = tpu.matmul %reshape3A, %reshape3A_9, %dot_general3A {dimension_numbers = #tpu.dot_dimension_numbers<[1], [1], [0], [0], [0, 0, 1, 0], [], []>, transpose_lhs_hint = false} : vector<128x1024xf32>, vector<128x1024xf32>, vector<128x128xf32> -> vector<128x128xf32>
    %slice3A = vector.extract_strided_slice %dot_general3A_10 {offsets = [0, 0], sizes = [16, 16], strides = [1, 1]} : vector<128x128xf32> to vector<16x16xf32>
    %slice3A_11 = vector.extract_strided_slice %dot_general3A_10 {offsets = [16, 16], sizes = [16, 16], strides = [1, 1]} : vector<128x128xf32> to vector<16x16xf32>
    %slice3A_12 = vector.extract_strided_slice %dot_general3A_10 {offsets = [32, 32], sizes = [16, 16], strides = [1, 1]} : vector<128x128xf32> to vector<16x16xf32>
    %slice3A_13 = vector.extract_strided_slice %dot_general3A_10 {offsets = [48, 48], sizes = [16, 16], strides = [1, 1]} : vector<128x128xf32> to vector<16x16xf32>
    %slice3A_14 = vector.extract_strided_slice %dot_general3A_10 {offsets = [64, 64], sizes = [16, 16], strides = [1, 1]} : vector<128x128xf32> to vector<16x16xf32>
    %slice3A_15 = vector.extract_strided_slice %dot_general3A_10 {offsets = [80, 80], sizes = [16, 16], strides = [1, 1]} : vector<128x128xf32> to vector<16x16xf32>
    %slice3A_16 = vector.extract_strided_slice %dot_general3A_10 {offsets = [96, 96], sizes = [16, 16], strides = [1, 1]} : vector<128x128xf32> to vector<16x16xf32>
    %slice3A_17 = vector.extract_strided_slice %dot_general3A_10 {offsets = [112, 112], sizes = [16, 16], strides = [1, 1]} : vector<128x128xf32> to vector<16x16xf32>
    %stack3A = vector.shape_cast %slice3A : vector<16x16xf32> to vector<1x16x16xf32>
    %stack3A_18 = vector.shape_cast %slice3A_11 : vector<16x16xf32> to vector<1x16x16xf32>
    %stack3A_19 = vector.shape_cast %slice3A_12 : vector<16x16xf32> to vector<1x16x16xf32>
    %stack3A_20 = vector.shape_cast %slice3A_13 : vector<16x16xf32> to vector<1x16x16xf32>
    %stack3A_21 = vector.shape_cast %slice3A_14 : vector<16x16xf32> to vector<1x16x16xf32>
    %stack3A_22 = vector.shape_cast %slice3A_15 : vector<16x16xf32> to vector<1x16x16xf32>
    %stack3A_23 = vector.shape_cast %slice3A_16 : vector<16x16xf32> to vector<1x16x16xf32>
    %stack3A_24 = vector.shape_cast %slice3A_17 : vector<16x16xf32> to vector<1x16x16xf32>
    %stack3A_25 = tpu.concatenate %stack3A, %stack3A_18, %stack3A_19, %stack3A_20, %stack3A_21, %stack3A_22, %stack3A_23, %stack3A_24 in 0 : vector<1x16x16xf32>, vector<1x16x16xf32>, vector<1x16x16xf32>, vector<1x16x16xf32>, vector<1x16x16xf32>, vector<1x16x16xf32>, vector<1x16x16xf32>, vector<1x16x16xf32> -> vector<8x16x16xf32>
    %swap3A = arith.constant 0 : index
    %swap3A_26 = arith.constant 0 : index
    %swap3A_27 = arith.constant 0 : index
    %swap3A_28 = vector.load %arg5[%swap3A, %swap3A_26, %swap3A_27] : memref<8x16x16xf32, #tpu.memory_space<vmem>>, vector<8x16x16xf32>
    tpu.vector_store %arg5[%swap3A, %swap3A_26, %swap3A_27], %stack3A_25 {strides = array<i32>} : memref<8x16x16xf32, #tpu.memory_space<vmem>>, vector<8x16x16xf32>,
    %get3A_29 = arith.constant 0 : index
    %get3A_30 = arith.constant 0 : index
    %get3A_31 = arith.constant 0 : index
    %get3A_32 = arith.constant 0 : index
    %get3A_33 = vector.load %arg2[%get3A_29, %get3A_30, %get3A_31, %get3A_32] : memref<8x16x1x1024xf32, #tpu.memory_space<vmem>>, vector<8x16x1x1024xf32>
    %reshape3A_34 = vector.shape_cast %get3A_33 : vector<8x16x1x1024xf32> to vector<128x1024xf32>
    %get3A_35 = arith.constant 0 : index
    %get3A_36 = arith.constant 0 : index
    %get3A_37 = arith.constant 0 : index
    %get3A_38 = arith.constant 0 : index
    %get3A_39 = vector.load %arg3[%get3A_35, %get3A_36, %get3A_37, %get3A_38] : memref<8x16x1x1024xf32, #tpu.memory_space<vmem>>, vector<8x16x1x1024xf32>
    %reshape3A_40 = vector.shape_cast %get3A_39 : vector<8x16x1x1024xf32> to vector<128x1024xf32>
    %dot_general3A_41 = arith.constant dense<0.000000e+00> : vector<128x128xf32>
    %dot_general3A_42 = tpu.matmul %reshape3A_34, %reshape3A_40, %dot_general3A_41 {dimension_numbers = #tpu.dot_dimension_numbers<[1], [1], [0], [0], [0, 0, 1, 0], [], []>, transpose_lhs_hint = false} : vector<128x1024xf32>, vector<128x1024xf32>, vector<128x128xf32> -> vector<128x128xf32>
    %slice3A_43 = vector.extract_strided_slice %dot_general3A_42 {offsets = [0, 0], sizes = [16, 16], strides = [1, 1]} : vector<128x128xf32> to vector<16x16xf32>
    %slice3A_44 = vector.extract_strided_slice %dot_general3A_42 {offsets = [16, 16], sizes = [16, 16], strides = [1, 1]} : vector<128x128xf32> to vector<16x16xf32>
    %slice3A_45 = vector.extract_strided_slice %dot_general3A_42 {offsets = [32, 32], sizes = [16, 16], strides = [1, 1]} : vector<128x128xf32> to vector<16x16xf32>
    %slice3A_46 = vector.extract_strided_slice %dot_general3A_42 {offsets = [48, 48], sizes = [16, 16], strides = [1, 1]} : vector<128x128xf32> to vector<16x16xf32>
    %slice3A_47 = vector.extract_strided_slice %dot_general3A_42 {offsets = [64, 64], sizes = [16, 16], strides = [1, 1]} : vector<128x128xf32> to vector<16x16xf32>
    %slice3A_48 = vector.extract_strided_slice %dot_general3A_42 {offsets = [80, 80], sizes = [16, 16], strides = [1, 1]} : vector<128x128xf32> to vector<16x16xf32>
    %slice3A_49 = vector.extract_strided_slice %dot_general3A_42 {offsets = [96, 96], sizes = [16, 16], strides = [1, 1]} : vector<128x128xf32> to vector<16x16xf32>
    %slice3A_50 = vector.extract_strided_slice %dot_general3A_42 {offsets = [112, 112], sizes = [16, 16], strides = [1, 1]} : vector<128x128xf32> to vector<16x16xf32>
    %stack3A_51 = vector.shape_cast %slice3A_43 : vector<16x16xf32> to vector<1x16x16xf32>
    %stack3A_52 = vector.shape_cast %slice3A_44 : vector<16x16xf32> to vector<1x16x16xf32>
    %stack3A_53 = vector.shape_cast %slice3A_45 : vector<16x16xf32> to vector<1x16x16xf32>
    %stack3A_54 = vector.shape_cast %slice3A_46 : vector<16x16xf32> to vector<1x16x16xf32>
    %stack3A_55 = vector.shape_cast %slice3A_47 : vector<16x16xf32> to vector<1x16x16xf32>
    %stack3A_56 = vector.shape_cast %slice3A_48 : vector<16x16xf32> to vector<1x16x16xf32>
    %stack3A_57 = vector.shape_cast %slice3A_49 : vector<16x16xf32> to vector<1x16x16xf32>
    %stack3A_58 = vector.shape_cast %slice3A_50 : vector<16x16xf32> to vector<1x16x16xf32>
    %stack3A_59 = tpu.concatenate %stack3A_51, %stack3A_52, %stack3A_53, %stack3A_54, %stack3A_55, %stack3A_56, %stack3A_57, %stack3A_58 in 0 : vector<1x16x16xf32>, vector<1x16x16xf32>, vector<1x16x16xf32>, vector<1x16x16xf32>, vector<1x16x16xf32>, vector<1x16x16xf32>, vector<1x16x16xf32>, vector<1x16x16xf32> -> vector<8x16x16xf32>
    %swap3A_60 = arith.constant 0 : index
    %swap3A_61 = arith.constant 0 : index
    %swap3A_62 = arith.constant 0 : index
    %swap3A_63 = vector.load %arg6[%swap3A_60, %swap3A_61, %swap3A_62] : memref<8x16x16xf32, #tpu.memory_space<vmem>>, vector<8x16x16xf32>
    tpu.vector_store %arg6[%swap3A_60, %swap3A_61, %swap3A_62], %stack3A_59 {strides = array<i32>} : memref<8x16x16xf32, #tpu.memory_space<vmem>>, vector<8x16x16xf32>,
    return
  }
  func.func @transform_0(%arg0: i32) -> (i32, i32, i32, i32) {
    %c0_i32 = arith.constant 0 : i32
    %c0_i32_0 = arith.constant 0 : i32
    %c0_i32_1 = arith.constant 0 : i32
    %c0_i32_2 = arith.constant 0 : i32
    return %arg0, %c0_i32, %c0_i32_0, %c0_i32_1 : i32, i32, i32, i32
  }
  func.func @transform_1(%arg0: i32) -> (i32, i32, i32, i32) {
    %c0_i32 = arith.constant 0 : i32
    %c0_i32_0 = arith.constant 0 : i32
    %c0_i32_1 = arith.constant 0 : i32
    %c0_i32_2 = arith.constant 0 : i32
    return %arg0, %c0_i32, %c0_i32_0, %c0_i32_1 : i32, i32, i32, i32
  }
  func.func @transform_2(%arg0: i32) -> (i32, i32, i32, i32) {
    %c0_i32 = arith.constant 0 : i32
    %c0_i32_0 = arith.constant 0 : i32
    %c0_i32_1 = arith.constant 0 : i32
    %c0_i32_2 = arith.constant 0 : i32
    return %arg0, %c0_i32, %c0_i32_0, %c0_i32_1 : i32, i32, i32, i32
  }
  func.func @transform_3(%arg0: i32) -> (i32, i32, i32, i32) {
    %c0_i32 = arith.constant 0 : i32
    %c0_i32_0 = arith.constant 0 : i32
    %c0_i32_1 = arith.constant 0 : i32
    %c0_i32_2 = arith.constant 0 : i32
    return %arg0, %c0_i32, %c0_i32_0, %c0_i32_1 : i32, i32, i32, i32
  }
  func.func @transform_4(%arg0: i32) -> (i32, i32, i32) {
    %c0_i32 = arith.constant 0 : i32
    %c0_i32_0 = arith.constant 0 : i32
    %c0_i32_1 = arith.constant 0 : i32
    return %arg0, %c0_i32, %c0_i32_0 : i32, i32, i32
  }
  func.func @transform_5(%arg0: i32) -> (i32, i32, i32) {
    %c0_i32 = arith.constant 0 : i32
    %c0_i32_0 = arith.constant 0 : i32
    %c0_i32_1 = arith.constant 0 : i32
    return %arg0, %c0_i32, %c0_i32_0 : i32, i32, i32
  }
}

module attributes {stable_mosaic.version = 14 : i64} {
  func.func @_tail_kernel(%arg0: memref<16x1x1024xf32, #tpu.memory_space<vmem>>, %arg1: memref<16x1x1024xf32, #tpu.memory_space<vmem>>, %arg2: memref<2x1024x256xf32, #tpu.memory_space<vmem>>, %arg3: memref<2x1024x256xf32, #tpu.memory_space<vmem>>, %arg4: memref<16x1x1024xf32, #tpu.memory_space<vmem>>, %arg5: memref<16x1x1024xf32, #tpu.memory_space<vmem>>, %arg6: memref<1x1024xf32, #tpu.memory_space<vmem>>, %arg7: memref<1024x256xf32, #tpu.memory_space<vmem>>, %arg8: memref<1x1024xf32, #tpu.memory_space<vmem>>, %arg9: memref<1024x256xf32, #tpu.memory_space<vmem>>, %arg10: memref<1x1024xf32, #tpu.memory_space<vmem>>, %arg11: memref<1024x256xf32, #tpu.memory_space<vmem>>, %arg12: memref<1x1024xf32, #tpu.memory_space<vmem>>, %arg13: memref<1x1xi32, #tpu.memory_space<vmem>>) attributes {dimension_semantics = [], scalar_prefetch = 0 : i64, scratch_operands = 0 : i64, tpu.core_type = #tpu.core_type<tc>} {
    %get3A = arith.constant 0 : index
    %get3A_0 = arith.constant 0 : index
    %get3A_1 = arith.constant 0 : index
    %get3A_2 = vector.load %arg0[%get3A, %get3A_0, %get3A_1] : memref<16x1x1024xf32, #tpu.memory_space<vmem>>, vector<16x1x1024xf32>
    %get3A_3 = vector.shape_cast %get3A_2 : vector<16x1x1024xf32> to vector<16x1024xf32>
    %reduce_sum3A = arith.constant dense<0.000000e+00> : vector<1024xf32>
    %reduce_sum3A_4 = vector.multi_reduction <add>, %get3A_3, %reduce_sum3A [0] : vector<16x1024xf32> to vector<1024xf32>
    %broadcast_in_dim3A = vector.shape_cast %reduce_sum3A_4 : vector<1024xf32> to vector<1x1024xf32>
    %get3A_5 = arith.constant 0 : index
    %get3A_6 = arith.constant 0 : index
    %get3A_7 = arith.constant 0 : index
    %get3A_8 = vector.load %arg1[%get3A_5, %get3A_6, %get3A_7] : memref<16x1x1024xf32, #tpu.memory_space<vmem>>, vector<16x1x1024xf32>
    %get3A_9 = vector.shape_cast %get3A_8 : vector<16x1x1024xf32> to vector<16x1024xf32>
    %reduce_sum3A_10 = arith.constant dense<0.000000e+00> : vector<1024xf32>
    %reduce_sum3A_11 = vector.multi_reduction <add>, %get3A_9, %reduce_sum3A_10 [0] : vector<16x1024xf32> to vector<1024xf32>
    %broadcast_in_dim3A_12 = vector.shape_cast %reduce_sum3A_11 : vector<1024xf32> to vector<1x1024xf32>
    %get3A_13 = arith.constant 0 : index
    %get3A_14 = arith.constant 0 : index
    %get3A_15 = vector.load %arg6[%get3A_13, %get3A_14] : memref<1x1024xf32, #tpu.memory_space<vmem>>, vector<1x1024xf32>
    %mul3A = arith.constant 9.900000e-01 : f32
    %mul3A_16 = vector.broadcast %mul3A : f32 to vector<1x1024xf32>
    %mul3A_17 = arith.mulf %mul3A_16, %get3A_15 : vector<1x1024xf32>
    %mul3A_18 = arith.constant 0.00999999977 : f32
    %mul3A_19 = vector.broadcast %mul3A_18 : f32 to vector<1x1024xf32>
    %mul3A_20 = arith.mulf %mul3A_19, %broadcast_in_dim3A_12 : vector<1x1024xf32>
    %add3A = arith.addf %mul3A_17, %mul3A_20 : vector<1x1024xf32>
    %reduce_sum3A_21 = vector.shape_cast %add3A : vector<1x1024xf32> to vector<1x1x1024xf32>
    %reduce_sum3A_22 = arith.constant dense<0.000000e+00> : vector<1xf32>
    %reduce_sum3A_23 = vector.multi_reduction <add>, %reduce_sum3A_21, %reduce_sum3A_22 [1, 2] : vector<1x1x1024xf32> to vector<1xf32>
    %reduce_sum3A_24 = vector.shape_cast %reduce_sum3A_23 : vector<1xf32> to vector<1x1x1xf32>
    %reduce_sum3A_25 = vector.extract %reduce_sum3A_24[0, 0, 0] : f32 from vector<1x1x1xf32>
    %add3A_26 = arith.constant 9.99999974E-6 : f32
    %add3A_27 = vector.broadcast %add3A_26 : f32 to vector<1x1024xf32>
    %add3A_28 = arith.addf %add3A, %add3A_27 : vector<1x1024xf32>
    %add3A_29 = arith.constant 1.024000e-02 : f32
    %add3A_30 = arith.addf %reduce_sum3A_25, %add3A_29 : f32
    %div3A = vector.broadcast %add3A_30 : f32 to vector<1x1024xf32>
    %div3A_31 = arith.divf %add3A_28, %div3A : vector<1x1024xf32>
    %mul3A_32 = vector.broadcast %reduce_sum3A_25 : f32 to vector<1x1024xf32>
    %mul3A_33 = arith.mulf %div3A_31, %mul3A_32 : vector<1x1024xf32>
    %get3A_34 = arith.constant 0 : index
    %get3A_35 = arith.constant 0 : index
    %get3A_36 = vector.load %arg7[%get3A_34, %get3A_35] : memref<1024x256xf32, #tpu.memory_space<vmem>>, vector<1024x256xf32>
    %mul3A_37 = arith.constant 9.900000e-01 : f32
    %mul3A_38 = vector.broadcast %mul3A_37 : f32 to vector<1024x256xf32>
    %mul3A_39 = arith.mulf %mul3A_38, %get3A_36 : vector<1024x256xf32>
    %get3A_40 = arith.constant 0 : index
    %get3A_41 = arith.constant 0 : index
    %get3A_42 = arith.constant 0 : index
    %get3A_43 = vector.load %arg3[%get3A_40, %get3A_41, %get3A_42] : memref<2x1024x256xf32, #tpu.memory_space<vmem>>, vector<1x1024x256xf32>
    %get3A_44 = vector.shape_cast %get3A_43 : vector<1x1024x256xf32> to vector<1024x256xf32>
    %get3A_45 = arith.constant 1 : index
    %get3A_46 = arith.constant 0 : index
    %get3A_47 = arith.constant 0 : index
    %get3A_48 = vector.load %arg3[%get3A_45, %get3A_46, %get3A_47] : memref<2x1024x256xf32, #tpu.memory_space<vmem>>, vector<1x1024x256xf32>
    %get3A_49 = vector.shape_cast %get3A_48 : vector<1x1024x256xf32> to vector<1024x256xf32>
    %add3A_50 = arith.addf %get3A_44, %get3A_49 : vector<1024x256xf32>
    %mul3A_51 = arith.constant 5.000000e-03 : f32
    %mul3A_52 = vector.broadcast %mul3A_51 : f32 to vector<1024x256xf32>
    %mul3A_53 = arith.mulf %mul3A_52, %add3A_50 : vector<1024x256xf32>
    %add3A_54 = arith.addf %mul3A_39, %mul3A_53 : vector<1024x256xf32>
    %mul3A_55 = arith.constant 9.900000e-01 : f32
    %mul3A_56 = vector.broadcast %mul3A_55 : f32 to vector<1x1024xf32>
    %mul3A_57 = arith.mulf %mul3A_56, %mul3A_33 : vector<1x1024xf32>
    %mul3A_58 = arith.constant 0.00999999977 : f32
    %mul3A_59 = vector.broadcast %mul3A_58 : f32 to vector<1x1024xf32>
    %mul3A_60 = arith.mulf %mul3A_59, %broadcast_in_dim3A : vector<1x1024xf32>
    %add3A_61 = arith.addf %mul3A_57, %mul3A_60 : vector<1x1024xf32>
    %reduce_sum3A_62 = vector.shape_cast %add3A_61 : vector<1x1024xf32> to vector<1x1x1024xf32>
    %reduce_sum3A_63 = arith.constant dense<0.000000e+00> : vector<1xf32>
    %reduce_sum3A_64 = vector.multi_reduction <add>, %reduce_sum3A_62, %reduce_sum3A_63 [1, 2] : vector<1x1x1024xf32> to vector<1xf32>
    %reduce_sum3A_65 = vector.shape_cast %reduce_sum3A_64 : vector<1xf32> to vector<1x1x1xf32>
    %reduce_sum3A_66 = vector.extract %reduce_sum3A_65[0, 0, 0] : f32 from vector<1x1x1xf32>
    %add3A_67 = arith.constant 9.99999974E-6 : f32
    %add3A_68 = vector.broadcast %add3A_67 : f32 to vector<1x1024xf32>
    %add3A_69 = arith.addf %add3A_61, %add3A_68 : vector<1x1024xf32>
    %add3A_70 = arith.constant 1.024000e-02 : f32
    %add3A_71 = arith.addf %reduce_sum3A_66, %add3A_70 : f32
    %div3A_72 = vector.broadcast %add3A_71 : f32 to vector<1x1024xf32>
    %div3A_73 = arith.divf %add3A_69, %div3A_72 : vector<1x1024xf32>
    %mul3A_74 = vector.broadcast %reduce_sum3A_66 : f32 to vector<1x1024xf32>
    %mul3A_75 = arith.mulf %div3A_73, %mul3A_74 : vector<1x1024xf32>
    %mul3A_76 = arith.constant 9.900000e-01 : f32
    %mul3A_77 = vector.broadcast %mul3A_76 : f32 to vector<1024x256xf32>
    %mul3A_78 = arith.mulf %mul3A_77, %add3A_54 : vector<1024x256xf32>
    %get3A_79 = arith.constant 0 : index
    %get3A_80 = arith.constant 0 : index
    %get3A_81 = arith.constant 0 : index
    %get3A_82 = vector.load %arg2[%get3A_79, %get3A_80, %get3A_81] : memref<2x1024x256xf32, #tpu.memory_space<vmem>>, vector<1x1024x256xf32>
    %get3A_83 = vector.shape_cast %get3A_82 : vector<1x1024x256xf32> to vector<1024x256xf32>
    %get3A_84 = arith.constant 1 : index
    %get3A_85 = arith.constant 0 : index
    %get3A_86 = arith.constant 0 : index
    %get3A_87 = vector.load %arg2[%get3A_84, %get3A_85, %get3A_86] : memref<2x1024x256xf32, #tpu.memory_space<vmem>>, vector<1x1024x256xf32>
    %get3A_88 = vector.shape_cast %get3A_87 : vector<1x1024x256xf32> to vector<1024x256xf32>
    %add3A_89 = arith.addf %get3A_83, %get3A_88 : vector<1024x256xf32>
    %mul3A_90 = arith.constant 5.000000e-03 : f32
    %mul3A_91 = vector.broadcast %mul3A_90 : f32 to vector<1024x256xf32>
    %mul3A_92 = arith.mulf %mul3A_91, %add3A_89 : vector<1024x256xf32>
    %add3A_93 = arith.addf %mul3A_78, %mul3A_92 : vector<1024x256xf32>
    %swap3A = arith.constant 0 : index
    %swap3A_94 = arith.constant 0 : index
    %swap3A_95 = vector.load %arg10[%swap3A, %swap3A_94] : memref<1x1024xf32, #tpu.memory_space<vmem>>, vector<1x1024xf32>
    tpu.vector_store %arg10[%swap3A, %swap3A_94], %mul3A_75 {strides = array<i32>} : memref<1x1024xf32, #tpu.memory_space<vmem>>, vector<1x1024xf32>,
    %swap3A_96 = arith.constant 0 : index
    %swap3A_97 = arith.constant 0 : index
    %swap3A_98 = vector.load %arg11[%swap3A_96, %swap3A_97] : memref<1024x256xf32, #tpu.memory_space<vmem>>, vector<1024x256xf32>
    tpu.vector_store %arg11[%swap3A_96, %swap3A_97], %add3A_93 {strides = array<i32>} : memref<1024x256xf32, #tpu.memory_space<vmem>>, vector<1024x256xf32>,
    %reshape3A = vector.shape_cast %mul3A_75 : vector<1x1024xf32> to vector<1024x1xf32>
    %div3A_99 = vector.broadcast %reshape3A : vector<1024x1xf32> to vector<1024x256xf32>
    %div3A_100 = arith.divf %add3A_93, %div3A_99 : vector<1024x256xf32>
    %swap3A_101 = arith.constant 0 : index
    %swap3A_102 = arith.constant 0 : index
    %swap3A_103 = vector.load %arg9[%swap3A_101, %swap3A_102] : memref<1024x256xf32, #tpu.memory_space<vmem>>, vector<1024x256xf32>
    tpu.vector_store %arg9[%swap3A_101, %swap3A_102], %div3A_100 {strides = array<i32>} : memref<1024x256xf32, #tpu.memory_space<vmem>>, vector<1024x256xf32>,
    %get3A_104 = arith.constant 0 : index
    %get3A_105 = arith.constant 0 : index
    %get3A_106 = arith.constant 0 : index
    %get3A_107 = vector.load %arg4[%get3A_104, %get3A_105, %get3A_106] : memref<16x1x1024xf32, #tpu.memory_space<vmem>>, vector<16x1x1024xf32>
    %get3A_108 = vector.shape_cast %get3A_107 : vector<16x1x1024xf32> to vector<16x1024xf32>
    %get3A_109 = arith.constant 0 : index
    %get3A_110 = arith.constant 0 : index
    %get3A_111 = arith.constant 0 : index
    %get3A_112 = vector.load %arg5[%get3A_109, %get3A_110, %get3A_111] : memref<16x1x1024xf32, #tpu.memory_space<vmem>>, vector<16x1x1024xf32>
    %get3A_113 = vector.shape_cast %get3A_112 : vector<16x1x1024xf32> to vector<16x1024xf32>
    %reduce_sum3A_114 = arith.constant dense<0.000000e+00> : vector<1024xf32>
    %reduce_sum3A_115 = vector.multi_reduction <add>, %get3A_108, %reduce_sum3A_114 [0] : vector<16x1024xf32> to vector<1024xf32>
    %reduce_sum3A_116 = arith.constant dense<0.000000e+00> : vector<1024xf32>
    %reduce_sum3A_117 = vector.multi_reduction <add>, %get3A_113, %reduce_sum3A_116 [0] : vector<16x1024xf32> to vector<1024xf32>
    %add3A_118 = arith.addf %reduce_sum3A_115, %reduce_sum3A_117 : vector<1024xf32>
    %broadcast_in_dim3A_119 = vector.shape_cast %add3A_118 : vector<1024xf32> to vector<1x1024xf32>
    %gt3A = arith.constant 0.000000e+00 : f32
    %gt3A_120 = vector.broadcast %gt3A : f32 to vector<1x1024xf32>
    %gt3A_121 = arith.cmpf ogt, %broadcast_in_dim3A_119, %gt3A_120 : vector<1x1024xf32>
    %get3A_122 = arith.constant 0 : index
    %get3A_123 = arith.constant 0 : index
    %get3A_124 = vector.load %arg8[%get3A_122, %get3A_123] : memref<1x1024xf32, #tpu.memory_space<vmem>>, vector<1x1024xf32>
    %add3A_125 = arith.constant 1.000000e+00 : f32
    %add3A_126 = vector.broadcast %add3A_125 : f32 to vector<1x1024xf32>
    %add3A_127 = arith.addf %get3A_124, %add3A_126 : vector<1x1024xf32>
    %jit3A = arith.constant 0.000000e+00 : f32
    %broadcast_in_dim3A_128 = vector.broadcast %jit3A : f32 to vector<1x1024xf32>
    %select_n3A = arith.select %gt3A_121, %broadcast_in_dim3A_128, %add3A_127 : vector<1x1024xi1>, vector<1x1024xf32>
    %swap3A_129 = arith.constant 0 : index
    %swap3A_130 = arith.constant 0 : index
    %swap3A_131 = vector.load %arg12[%swap3A_129, %swap3A_130] : memref<1x1024xf32, #tpu.memory_space<vmem>>, vector<1x1024xf32>
    tpu.vector_store %arg12[%swap3A_129, %swap3A_130], %select_n3A {strides = array<i32>} : memref<1x1024xf32, #tpu.memory_space<vmem>>, vector<1x1024xf32>,
    %iota3A = tpu.iota {dimensions = array<i32: 1>} : vector<16x1024xi32>
    %reduce_max3A = arith.constant dense<0xFF800000> : vector<16xf32>
    %reduce_max3A_132 = vector.multi_reduction <maximumf>, %get3A_108, %reduce_max3A [1] : vector<16x1024xf32> to vector<16xf32>
    %broadcast_in_dim3A_133 = vector.shape_cast %reduce_max3A_132 : vector<16xf32> to vector<16x1xf32>
    %eq3A = vector.broadcast %broadcast_in_dim3A_133 : vector<16x1xf32> to vector<16x1024xf32>
    %eq3A_134 = arith.cmpf oeq, %get3A_108, %eq3A : vector<16x1024xf32>
    %jit3A_135 = arith.constant 1024 : i32
    %broadcast_in_dim3A_136 = vector.broadcast %jit3A_135 : i32 to vector<16x1024xi32>
    %select_n3A_137 = arith.select %eq3A_134, %iota3A, %broadcast_in_dim3A_136 : vector<16x1024xi1>, vector<16x1024xi32>
    %reduce_min3A = arith.constant dense<2147483647> : vector<16xi32>
    %reduce_min3A_138 = vector.multi_reduction <minsi>, %select_n3A_137, %reduce_min3A [1] : vector<16x1024xi32> to vector<16xi32>
    %reduce_max3A_139 = arith.constant dense<0xFF800000> : vector<16xf32>
    %reduce_max3A_140 = vector.multi_reduction <maximumf>, %get3A_113, %reduce_max3A_139 [1] : vector<16x1024xf32> to vector<16xf32>
    %broadcast_in_dim3A_141 = vector.shape_cast %reduce_max3A_140 : vector<16xf32> to vector<16x1xf32>
    %eq3A_142 = vector.broadcast %broadcast_in_dim3A_141 : vector<16x1xf32> to vector<16x1024xf32>
    %eq3A_143 = arith.cmpf oeq, %get3A_113, %eq3A_142 : vector<16x1024xf32>
    %jit3A_144 = arith.constant 1024 : i32
    %broadcast_in_dim3A_145 = vector.broadcast %jit3A_144 : i32 to vector<16x1024xi32>
    %select_n3A_146 = arith.select %eq3A_143, %iota3A, %broadcast_in_dim3A_145 : vector<16x1024xi1>, vector<16x1024xi32>
    %reduce_min3A_147 = arith.constant dense<2147483647> : vector<16xi32>
    %reduce_min3A_148 = vector.multi_reduction <minsi>, %select_n3A_146, %reduce_min3A_147 [1] : vector<16x1024xi32> to vector<16xi32>
    %eq3A_149 = arith.cmpi eq, %reduce_min3A_138, %reduce_min3A_148 : vector<16xi32>
    %convert_element_type3A = arith.extui %eq3A_149 : vector<16xi1> to vector<16xi32>
    %reduce_sum3A_150 = vector.shape_cast %convert_element_type3A : vector<16xi32> to vector<1x16xi32>
    %reduce_sum3A_151 = arith.constant dense<0> : vector<1xi32>
    %reduce_sum3A_152 = vector.multi_reduction <add>, %reduce_sum3A_150, %reduce_sum3A_151 [1] : vector<1x16xi32> to vector<1xi32>
    %reduce_sum3A_153 = vector.shape_cast %reduce_sum3A_152 : vector<1xi32> to vector<1x1xi32>
    %reduce_sum3A_154 = vector.extract %reduce_sum3A_153[0, 0] : i32 from vector<1x1xi32>
    %reshape3A_155 = vector.broadcast %reduce_sum3A_154 : i32 to vector<1x1xi32>
    %swap3A_156 = arith.constant 0 : index
    %swap3A_157 = arith.constant 0 : index
    %swap3A_158 = vector.load %arg13[%swap3A_156, %swap3A_157] : memref<1x1xi32, #tpu.memory_space<vmem>>, vector<1x1xi32>
    tpu.vector_store %arg13[%swap3A_156, %swap3A_157], %reshape3A_155 {strides = array<i32>} : memref<1x1xi32, #tpu.memory_space<vmem>>, vector<1x1xi32>,
    return
  }
}

</mosaic_0001>

<sc_bundles>
// kernel: kernel.7.cloned.1.call-start
scs
__scs_entry_jumppad:
0x0: {  	(pc) =	sbr.rel $0x88, $3  }
0x1: {  	(tag) =	ssettag $0x0;
	lr =	simm.s32 $0x1  }
0x2: {  	[smem:$0x3F9B] =	sst lr;
	_ =	strace $0xD0000000  }
0x3: {  	_ = 	snop  }
0x4: {  	_ = 	snop  }
0x5: {  	_ = 	snop  }
0x6: {  	_ = 	snop  }
0x7: {  	_ = 	snop  }
__scs_overlays_trampoline_lowered:
0x8: {  	[smem:$0x3FAA] =	sst s0  }
0x9: {  	[smem:$0x3FAB] =	sst s1  }
0xa: {  	[smem:$0x3FAC] =	sst s2  }
0xb: {  	[smem:$0x3FAD] =	sst s3  }
0xc: {  	[smem:$0x3FAE] =	sst s4  }
0xd: {  	[smem:$0x3FAF] =	sst s5  }
0xe: {  	[smem:$0x3FB0] =	sst s6  }
0xf: {  	[smem:$0x3FB1] =	sst s7  }
0x10: {  	[smem:$0x3FB2] =	sst s8  }
0x11: {  	[smem:$0x3FB3] =	sst s9;
	s0 =	simm.s32 @!p0 $0x0  }
0x12: {  	s1 =	sld [smem:$0x3F99];
	s0 =	simm.s32 @p0 $0x1  }
0x13: {  	[smem:$0x3FB4] =	sst s0;
	s0 =	simm.s32 @!p1 $0x0  }
0x14: {  	s2 =	sld [smem:$0x3F98];
	s0 =	simm.s32 @p1 $0x1  }
0x15: {  	[smem:$0x3FB5] =	sst s0;
	s0 =	simm.s32 @!p2 $0x0  }
0x16: {  	s3 =	sld [smem:$0x3FDB];
	s0 =	simm.s32 @p2 $0x1  }
0x17: {  	s4 =	simm.s32 $0x1BF5;
	[smem:$0x3FB7] =	sst s0  }
0x18: {  	s0 =	sld [smem:$0x3F9A];
	_ =	swait.ge [sflag:s4], $0x0  }
0x19: {  	s7 =	sld [smem:$0x3F9B]  }
0x1a: {  	s8 =	sadd.s32 $0xFFFFE003, lr  }
0x1b: {  	s9 =	sadd.s32 $0xFFFFFEF7, lr;
	s5 =	simm.s32 $0xFFFFFFFF;
	p2 =	slt.u32 s8, $0xFFFFF086  }
0x1c: {  	p1 =	slt.u32 s9, $0xF7A;
	s5 =	simm.s32 @!p2 $0x0  }
0x1d: {  	s5 =	simm.s32 @p1 $0x1;
	p0 =	seq.s32 s7, s2  }
0x1e: {  	s7 =	smul.u32 @!p0 $0xF7A, s2;
	p2 =	seq.s32 @!p0 s5, $0x0  }
0x1f: {  	s9 =	smul.u32 $0xF7A, s1;
	s8 =	simm.s32 @!p0 $0x1BF5;
	p2 =	por !p2, p0  }
0x20: {  	[sflag:s8] =	ssyncset.s32 @!p0 $0xFFFFF086;
	s6 =	sadd.s32 @!p0 s3, s7;
	s7 =	simm.s32 @!p0 $0x108  }
0x21: {  	s3 =	sadd.s32 s3, s9;
	s6 =	sadd.s32 @!p0 $0x88, s6;
	s7 =	simm.s32 @p2 $0x1082  }
0x22: {  	[simem:s7], [sflag:s8] =	dma.local @!p0 [hbm:s6], $0xF7A  }
0x23: {  	s9 =	sor.u32 $0xD0000000, s2;
	s6 =	simm.s32 $0x108;
	_ =	swait.ge @!p0 [sflag:s8], $0x0  }
0x24: {  	s3 =	sadd.s32 $0x88, s3;
	s6 =	simm.s32 @!p1 $0x1082;
	[sflag:s4] =	ssyncset.s32 $0xFFFFF086  }
0x25: {  	[simem:s6], [sflag:s4] =	dma.local [hbm:s3], $0xF7A  }
0x26: {  	[smem:$0x3F9B] =	sst s1;
	(tag) =	ssettag s2;
	_ =	strace s9  }
0x27: {  	s1 =	sld [smem:$0x3FAB]  }
0x28: {  	s2 =	sld [smem:$0x3FAC]  }
0x29: {  	s4 =	sld [smem:$0x3FAE]  }
0x2a: {  	p0 =	seq.s32 s5, $0x0;
	s5 =	sld [smem:$0x3FAF]  }
0x2b: {  	s6 =	sld [smem:$0x3FB0]  }
0x2c: {  	s7 =	sld [smem:$0x3FB1]  }
0x2d: {  	s3 =	simm.s32 $0x108;
	s8 =	sld [smem:$0x3FB2]  }
0x2e: {  	s3 =	simm.s32 @!p0 $0x1082;
	s9 =	sld [smem:$0x3FB3]  }
0x2f: {  	lr =	sadd.s32 s0, s3;
	s0 =	sld [smem:$0x3FAA]  }
0x30: {  	s3 =	sld [smem:$0x3FAD]  }
0x31: {  	[smem:$0x3FB6] =	sst s10  }
0x32: {  	s10 =	sld [smem:$0x3FB4];
	_ =	sdelay $0x3  }
0x33: {  	p0 =	seq.s32 s10, $0x1;
	s10 =	sld [smem:$0x3FB6];
	_ =	sdelay $0x3  }
0x34: {  	[smem:$0x3FB6] =	sst s10  }
0x35: {  	s10 =	sld [smem:$0x3FB5];
	_ =	sdelay $0x3  }
0x36: {  	p1 =	seq.s32 s10, $0x1;
	s10 =	sld [smem:$0x3FB6];
	_ =	sdelay $0x3  }
0x37: {  	[smem:$0x3FB6] =	sst s10  }
0x38: {  	s10 =	sld [smem:$0x3FB7]  }
0x39: {  	_ = 	snop;
	(pc) =	sbr.ind lr, $3  }
0x3a: {  	_ = 	snop  }
0x3b: {  	_ = 	snop  }
0x3c: {  	p2 =	seq.s32 s10, $0x1;
	s10 =	sld [smem:$0x3FB6]  }
0x3d: {  	_ =	shalt  }
0x3e: {  	_ =	shalt  }
0x3f: {  	_ =	shalt  }
0x40: {  	_ =	shalt  }
0x41: {  	_ =	shalt  }
0x42: {  	_ =	shalt  }
0x43: {  	_ =	shalt  }
0x44: {  	_ =	shalt  }
0x45: {  	_ =	shalt  }
0x46: {  	_ =	shalt  }
0x47: {  	_ =	shalt  }
0x48: {  	_ =	shalt  }
0x49: {  	_ =	shalt  }
0x4a: {  	_ =	shalt  }
0x4b: {  	_ =	shalt  }
0x4c: {  	_ =	shalt  }
0x4d: {  	_ =	shalt  }
0x4e: {  	_ =	shalt  }
0x4f: {  	_ =	shalt  }
0x50: {  	_ =	shalt  }
0x51: {  	_ =	shalt  }
0x52: {  	_ =	shalt  }
0x53: {  	_ =	shalt  }
0x54: {  	_ =	shalt  }
0x55: {  	_ =	shalt  }
0x56: {  	_ =	shalt  }
0x57: {  	_ =	shalt  }
0x58: {  	_ =	shalt  }
0x59: {  	_ =	shalt  }
0x5a: {  	_ =	shalt  }
0x5b: {  	_ =	shalt  }
0x5c: {  	_ =	shalt  }
0x5d: {  	_ =	shalt  }
0x5e: {  	_ =	shalt  }
0x5f: {  	_ =	shalt  }
0x60: {  	_ =	shalt  }
0x61: {  	_ =	shalt  }
0x62: {  	_ =	shalt  }
0x63: {  	_ =	shalt  }
0x64: {  	_ =	shalt  }
0x65: {  	_ =	shalt  }
0x66: {  	_ =	shalt  }
0x67: {  	_ =	shalt  }
0x68: {  	_ =	shalt  }
0x69: {  	_ =	shalt  }
0x6a: {  	_ =	shalt  }
0x6b: {  	_ =	shalt  }
0x6c: {  	_ =	shalt  }
0x6d: {  	_ =	shalt  }
0x6e: {  	_ =	shalt  }
0x6f: {  	_ =	shalt  }
0x70: {  	_ =	shalt  }
0x71: {  	_ =	shalt  }
0x72: {  	_ =	shalt  }
0x73: {  	_ =	shalt  }
0x74: {  	_ =	shalt  }
0x75: {  	_ =	shalt  }
0x76: {  	_ =	shalt  }
0x77: {  	_ =	shalt  }
0x78: {  	_ =	shalt  }
0x79: {  	_ =	shalt  }
0x7a: {  	_ =	shalt  }
0x7b: {  	_ =	shalt  }
0x7c: {  	_ =	shalt  }
0x7d: {  	_ =	shalt  }
0x7e: {  	_ =	shalt  }
0x7f: {  	_ =	shalt  }
0x80: {  	_ =	shalt  }
0x81: {  	_ =	shalt  }
0x82: {  	_ =	shalt  }
0x83: {  	_ =	shalt  }
0x84: {  	_ =	shalt  }
0x85: {  	_ =	shalt  }
0x86: {  	_ =	shalt  }
0x87: {  	_ =	shalt  }
.Lfunc_end0:
.L_simem_size_0:
called_computation_lowered:
.L_overlay_start_0:
0x88: {  	s2 =	sld [smem:$0x3FD9]  }
0x89: {  	s3 =	sld [smem:$0x3FFE];
	_ =	sdelay $0x1  }
0x8a: {  	s1 =	srdreg.scid  }
0x8b: {  	s0 =	sand.u32 $0x1, s1  }
0x8c: {  	s14 =	sshll.u32 s0, $0xA;
	s2 =	sadd.s32 s3, s2  }
0x8d: {  	s2 =	sadd.s32 s2, s14  }
0x8e: {  	[smem:$0x3FC2] =	sst s2  }
0x8f: {  	_ = 	snop  }
0x90: {  	s2 =	sld [smem:$0x3FD0];
	_ =	sdelay $0x2  }
0x91: {  	s15 =	simm.s32 $0xA;
	s4 =	simm.s32 $0x10  }
0x92: {  	[smem:s4], [sflag:s15] =	dma.local [hbm:s2], $0x1  }
0x93: {  	_ =	swait.eq [sflag:s15], $0x1  }
0x94: {  	[sflag:s15] =	ssyncset.done $0x0  }
0x95: {  	s16 =	sld [smem:$0x11];
	[sflag:s15] =	ssyncadd.s32 $0xFFFFFFFF  }
0x96: {  	s17 =	sld [smem:$0x13];
	(tm) =	ssettm $0x1  }
0x97: {  	s18 =	sld [smem:$0x3FFB];
	_ =	sdelay $0x3  }
0x98: {  	_ =	strace s18  }
0x99: {  	s4 =	sld [smem:$0x3FFC];
	_ =	sdelay $0x3  }
0x9a: {  	_ =	strace s4  }
0x9b: {  	s4 =	sld [smem:$0x3FFD];
	_ =	sdelay $0x3  }
0x9c: {  	_ =	strace s4  }
0x9d: {  	_ =	strace $0x8FFFFFFF  }
0x9e: {  	s19 =	sld [smem:$0x3FDB];
	_ =	sdelay $0x1  }
0x9f: {  	s5 =	simm.s32 $_scs_section_size  }
0xa0: {  	s6 =	simm.s32 $_size__tile_overlayer_lowered;
	s7 =	simm.s32 $_tile_overlayer_lowered  }
0xa1: {  	s22 =	simm.s32 $0x1BFF;
	s21 =	sshll.u32 s7, $0x1;
	s4 =	sadd.s32 s5, s19  }
0xa2: {  	s8 =	simm.s32 $0x0;
	s20 =	sshll.u32 s6, $0x1;
	s6 =	sadd.s32 s21, s4  }
0xa3: {  	[timem:s8], [sflag:s22] =	dma.local [hbm:s6], s20  }
0xa4: {  	_ =	swait.ge [sflag:s22], s20  }
0xa5: {  	s5 =	ssub.s32 $0x0, s20;
	[sflag:s22] =	ssyncset.done $0x0  }
0xa6: {  	[sflag:s22] =	ssyncadd.s32 s5;
	_ =	sdelay $0x1  }
0xa7: {  	s23 =	simm.s32 $0x1B8B  }
0xa8: {  	_ =	swait.ge [sflag:s23], $0x1  }
0xa9: {  	[sflag:s23] =	ssyncset.done $0x0  }
0xaa: {  	s25 =	simm.s32 $0x1B8E;
	s24 =	sld [smem:$0x3FFE];
	[sflag:s23] =	ssyncadd.s32 $0xFFFFFFFF  }
0xab: {  	s26 =	simm.s32 $execute0_lowered;
	[smem:$0x3FD2] =	sst s25  }
0xac: {  	s6 =	sshll.u32 s26, $0x1;
	_ =	strace $0x80000046;
	[dreg:$0x1] =	wrdreg $0xFFFFFFFF  }
0xad: {  	s28 =	simm.s32 $_size_execute0_lowered;
	s4 =	sadd.s32 s4, s6;
	[dreg:$0x0] =	wrdreg $0x0  }
0xae: {  	s6 =	sshll.u32 s28, $0x1;
	[dreg:$0x2] =	wrdreg s4  }
0xaf: {  	[dreg:$0x3] =	wrdreg s6  }
0xb0: {  	[dreg:$0x4] =	wrdreg $0xC0  }
0xb1: {  	_ =	task [dreg:s8], $0x5FFFF  }
0xb2: {  	[dreg:$0x1] =	wrdreg $0xFFFFFFFF  }
0xb3: {  	[dreg:$0x0] =	wrdreg $0x60  }
0xb4: {  	[dreg:$0x2] =	wrdreg s24  }
0xb5: {  	[dreg:$0x3] =	wrdreg s16  }
0xb6: {  	[dreg:$0x4] =	wrdreg s17  }
0xb7: {  	[dreg:$0x5] =	wrdreg $0x9  }
0xb8: {  	_ =	task.clear_ibuf [dreg:s8], $0x6FFFF;
	_ =	strace $0x90000046  }
0xb9: {  	s29 =	simm.s32 $0x9;
	_ =	strace $0x80000048  }
0xba: {  	_ =	swait.ge [sflag:s29], $0x1  }
0xbb: {  	[sflag:s29] =	ssyncadd.s32 $0xFFFFFFFF  }
0xbc: {  	_ =	strace $0x90000048  }
0xbd: {  	_ =	sfence  }
0xbe: {  	s30 =	sld [smem:$0x0];
	_ =	sdelay $0x2  }
0xbf: {  	s31 =	sshll.u32 s1, $0xD;
	s1 =	sshrl.u32 s1, $0x2  }
0xc0: {  	s3 =	sand.u32 $0x4000, s31;
	s1 =	sadd.s32 s1, s30  }
0xc1: {  	s0 =	sor.u32 s3, s0;
	s1 =	sshll.u32 s1, $0x11  }
0xc2: {  	s0 =	sor.u32 s1, s0  }
0xc3: {  	s0 =	sadd.s32 $0x8F2B, s0  }
0xc4: {  	[sflag:s0] =	ssyncadd.remote.s32 $0x1  }
0xc5: {  	_ =	sfence.sel $0xFFFF  }
0xc6: {  	[dreg:$0x0] =	wrdreg $0xFFFFFFFF;
	(pc) =	sbr.abs _section_cstart, $3  }
0xc7: {  	[dreg:$0x1] =	wrdreg $0xFFFFFFFF  }
0xc8: {  	_ =	task.clear_ibuf [dreg:s8], $0x2FFFF;
	_ =	strace $0x9FFFFFFF  }
0xc9: {  	(tm) =	ssettm $0x7FFFFFFF  }
tec
execute0_lowered:
.L_overlay_start_1:
0x0: {  	(tag) =	ssettag $0x1  }
0x1: {  	s4 =	rddreg [dreg:$0x0]  }
0x2: {  	s18 =	rddreg [dreg:$0x1]  }
0x3: {  	s0 =	srdreg.scid;
	s2 =	rddreg [dreg:$0x2]  }
0x4: {  	s1 =	stileid.u32;
	s3 =	simm.s32 $0x0;
	s5 =	sand.u32 $0x1, s0  }
0x5: {  	s8 =	sshrl.u32 s1, $0x3;
	[smem:$0x7FF] =	sst s3;
	s6 =	ssub.s32 $0x2, s5  }
0x6: {  	s31 =	sshll.u32 s8, $0xB;
	s0 =	sshll.u32 s5, $0x7;
	s9 =	sshll.u32 s8, $0xC  }
0x7: {  	s11 =	sshll.u32 s5, $0x14;
	_ =	strace $0x80000047;
	s5 =	sshll.u32 s5, $0x10  }
0x8: {  	s7 =	sshrl.u32 s6, $0x1;
	s10 =	sor.u32 $0x100, s31;
	s9 =	sor.u32 s0, s9  }
0x9: {  	s14 =	sor.u32 $0x200, s31;
	s16 =	sor.u32 $0x300, s31;
	s17 =	sor.u32 $0x400, s31  }
0xa: {  	s23 =	sor.u32 $0x500, s31;
	s5 =	sadd.s32 s5, s4;
	s21 =	ssub.s32 s6, s7  }
0xb: {  	s12 =	sshll.u32 s10, $0x1;
	s24 =	sshll.u32 s14, $0x1;
	s15 =	sshll.u32 s16, $0x1  }
0xc: {  	s25 =	sshll.u32 s17, $0x1;
	s26 =	sshll.u32 s23, $0x1;
	s6 =	sor.u32 $0x700, s31  }
0xd: {  	s10 =	sshll.u32 s10, $0x8;
	s14 =	sshll.u32 s14, $0x8;
	s16 =	sshll.u32 s16, $0x8  }
0xe: {  	s17 =	sshll.u32 s17, $0x8;
	s23 =	sshll.u32 s23, $0x8;
	s13 =	sor.u32 s0, s12  }
0xf: {  	s20 =	sor.u32 s0, s24;
	s22 =	sor.u32 s0, s15;
	s12 =	sor.u32 s0, s25  }
0x10: {  	s24 =	sor.u32 $0x600, s31;
	s25 =	sor.u32 s0, s26;
	s31 =	sshll.u32 s6, $0x1  }
0x11: {  	s10 =	sor.u32 s11, s10;
	s14 =	sor.u32 s11, s14;
	s16 =	sor.u32 s11, s16  }
0x12: {  	s17 =	sor.u32 s11, s17;
	s23 =	sor.u32 s11, s23;
	s6 =	sshll.u32 s6, $0x8  }
0x13: {  	s26 =	sshll.u32 s1, $0x8;
	s21 =	smax.u32 s21, $0x1;
	s19 =	sshll.u32 s24, $0x1  }
0x14: {  	s24 =	sshll.u32 s24, $0x8;
	s6 =	sor.u32 s11, s6;
	s12 =	sshrl.u32 s12, $0x3  }
0x15: {  	s15 =	sor.u32 s0, s19;
	s19 =	sor.u32 s0, s31;
	s0 =	sshll.u32 s8, $0x13  }
0x16: {  	s24 =	sor.u32 s11, s24;
	s8 =	sshll.u32 s8, $0xF;
	s12 =	sadd.s32 s18, s12  }
0x17: {  	s7 =	sor.u32 s11, s0;
	s11 =	sand.u32 $0x400, s26;
	s26 =	sadd.s32 $0x202400, s4  }
0x18: {  	s0 =	sshll.u32 s1, $0x5;
	s19 =	sshrl.u32 s19, $0x3;
	s31 =	sor.u32 s11, s7  }
0x19: {  	s7 =	sor.u32 s11, s10;
	s10 =	sor.u32 s11, s14;
	s14 =	sor.u32 s11, s16  }
0x1a: {  	s16 =	sor.u32 s11, s17;
	s17 =	sor.u32 s11, s23;
	s23 =	sor.u32 s11, s24  }
0x1b: {  	s24 =	sor.u32 s11, s6;
	s28 =	sand.u32 $0x60, s0;
	s6 =	sadd.s32 s8, s5  }
0x1c: {  	s8 =	sshll.u32 s1, $0xC;
	s11 =	sshrl.u32 s9, $0x3;
	s9 =	sshrl.u32 s20, $0x3  }
0x1d: {  	s31 =	sshrl.u32 s31, $0x3;
	s0 =	sand.u32 $0x7000, s8;
	s4 =	sadd.s32 s18, s11  }
0x1e: {  	s30 =	sor.u32 $0x10, s28;
	s8 =	sshrl.u32 s13, $0x3;
	s7 =	sshrl.u32 s7, $0x3  }
0x1f: {  	s10 =	sshrl.u32 s10, $0x3;
	s11 =	sshrl.u32 s22, $0x3;
	s13 =	sshrl.u32 s14, $0x3  }
0x20: {  	s14 =	sshrl.u32 s16, $0x3;
	s16 =	sshrl.u32 s25, $0x3;
	s20 =	sshrl.u32 s17, $0x3  }
0x21: {  	v0 =	vlaneseq.u32;
	s22 =	sshrl.u32 s15, $0x3;
	s25 =	sshrl.u32 s23, $0x3;
	s23 =	simm.s32 $0x1  }
0x22: {  	v1 =	vor.u32 s28, v0;
	s28 =	simm.s32 $0x400;
	s5 =	sadd.s32 s26, s31;
	s29 =	sadd.s32 s0, s6  }
0x23: {  	s6 =	sadd.s32 s18, s8;
	s7 =	sadd.s32 s26, s7;
	s8 =	sadd.s32 s18, s9  }
0x24: {  	s9 =	sadd.s32 s26, s10;
	s10 =	sadd.s32 s18, s11;
	s11 =	sadd.s32 s26, s13  }
0x25: {  	s13 =	sadd.s32 s26, s14;
	s14 =	sadd.s32 s18, s16;
	s15 =	sadd.s32 s26, s20  }
0x26: {  	s16 =	sadd.s32 s18, s22;
	s17 =	sadd.s32 s26, s25;
	s31 =	sshrl.u32 s24, $0x3  }
0x27: {  	s18 =	sadd.s32 s18, s19;
	s22 =	simm.s32 $0x8100;
	s24 =	simm.s32 $0x80  }
0x28: {  	s25 =	simm.s32 $0x100;
	v2 =	vor.u32 s30, v0;
	s30 =	simm.s32 $0x0;
	s19 =	sadd.s32 s26, s31  }
0x29: {  	v3 =	vor.u32 $0x10, v0;
	s20 =	sadd.s32 $0x242400, s29;
	s26 =	simm.s32 $0x8000;
	s29 =	simm.s32 $0x800  }
.LBB2_1:
0x2a: {  	[tilespmem:s22], [sflag:$0x1] =	stream.linear.gather [hbm4b:s2+s3], $0x8000, $0x38;
	[tilespmem:$0x10100] =	vst v63  }
0x2b: {  	_ =	swait.ge [sflag:s23], $0x8000  }
0x2c: {  	[sflag:s23] =	ssyncset.done $0x0  }
0x2d: {  	[sflag:s23] =	ssyncadd.s32 $0xFFFF8000  }
0x2e: {  	[tilespmem:s26], [sflag:$0x1] =	stream.strided.gather [hbm4b:s4+s24], $0x100, s25, s24, $0x38;
	[tilespmem:$0x10100] =	vst v63  }
0x2f: {  	_ =	swait.ge [sflag:s23], $0x100  }
0x30: {  	[sflag:s23] =	ssyncset.done $0x0  }
0x31: {  	[sflag:s23] =	ssyncadd.s32 $0xFFFFFF00  }
0x32: {  	[tilespmem:s3], [sflag:$0x1] =	stream.strided.gather [hbm4b:s5+s28], $0x8000, s29, s28, $0x38;
	[tilespmem:$0x10100] =	vst v63  }
0x33: {  	_ =	swait.ge [sflag:s23], $0x8000  }
0x34: {  	[sflag:s23] =	ssyncset.done $0x0  }
0x35: {  	s31 =	simm.s32 $0x7;
	[sflag:s23] =	ssyncadd.s32 $0xFFFF8000  }
.LBB2_2:
0x36: {  	s0 =	sadd.s32 $0xFFFFFFF9, s31  }
0x37: {  	v4 =	vmov s0;
	_ =	sdelay $0x4  }
0x38: {  	v5 =	vld.idx.msk [tilespmem:v4+s26+$0x0], $0xffff;
	v4 =	vshll.u32 v4, $0x7  }
0x39: {  	v6 =	vor.u32 v1, v4;
	_ =	sdelay $0x3  }
0x3a: {  	v5 =	vshll.u32 v5, $0x5  }
0x3b: {  	v7 =	vor.u32 v0, v5;
	v6 =	vld.idx.msk [tilespmem:v6+s3+$0x0], $0xffff  }
0x3c: {  	v4 =	vor.u32 v2, v4;
	_ =	sdelay $0x3  }
0x3d: {  	[tilespmem:v7+s22+$0x0] =	vst.idx.add.f32.msk $0xffff, v6  }
0x3e: {  	s0 =	sadd.s32 $0xFFFFFFFA, s31;
	v5 =	vor.u32 v3, v5;
	v4 =	vld.idx.msk [tilespmem:v4+s3+$0x0], $0xffff  }
0x3f: {  	v50 =	vmov s0;
	_ =	sdelay $0x3  }
0x40: {  	[tilespmem:v5+s22+$0x0] =	vst.idx.add.f32.msk $0xffff, v4  }
0x41: {  	v5 =	vshll.u32 v50, $0x7;
	v4 =	vld.idx.msk [tilespmem:v50+s26+$0x0], $0xffff  }
0x42: {  	v6 =	vor.u32 v1, v5;
	_ =	sdelay $0x3  }
0x43: {  	v4 =	vshll.u32 v4, $0x5  }
0x44: {  	v6 =	vld.idx.msk [tilespmem:v6+s3+$0x0], $0xffff;
	v51 =	vor.u32 v0, v4  }
0x45: {  	v5 =	vor.u32 v2, v5;
	_ =	sdelay $0x3  }
0x46: {  	[tilespmem:v51+s22+$0x0] =	vst.idx.add.f32.msk $0xffff, v6  }
0x47: {  	s0 =	sadd.s32 $0xFFFFFFFB, s31;
	v4 =	vor.u32 v3, v4;
	v5 =	vld.idx.msk [tilespmem:v5+s3+$0x0], $0xffff  }
0x48: {  	v52 =	vmov s0;
	_ =	sdelay $0x3  }
0x49: {  	[tilespmem:v4+s22+$0x0] =	vst.idx.add.f32.msk $0xffff, v5  }
0x4a: {  	v5 =	vshll.u32 v52, $0x7;
	v4 =	vld.idx.msk [tilespmem:v52+s26+$0x0], $0xffff  }
0x4b: {  	v6 =	vor.u32 v1, v5;
	_ =	sdelay $0x3  }
0x4c: {  	v4 =	vshll.u32 v4, $0x5  }
0x4d: {  	v6 =	vld.idx.msk [tilespmem:v6+s3+$0x0], $0xffff;
	v53 =	vor.u32 v0, v4  }
0x4e: {  	v5 =	vor.u32 v2, v5;
	_ =	sdelay $0x3  }
0x4f: {  	[tilespmem:v53+s22+$0x0] =	vst.idx.add.f32.msk $0xffff, v6  }
0x50: {  	s0 =	sadd.s32 $0xFFFFFFFC, s31;
	v4 =	vor.u32 v3, v4;
	v5 =	vld.idx.msk [tilespmem:v5+s3+$0x0], $0xffff  }
0x51: {  	v54 =	vmov s0;
	_ =	sdelay $0x3  }
0x52: {  	[tilespmem:v4+s22+$0x0] =	vst.idx.add.f32.msk $0xffff, v5  }
0x53: {  	v5 =	vshll.u32 v54, $0x7;
	v4 =	vld.idx.msk [tilespmem:v54+s26+$0x0], $0xffff  }
0x54: {  	v6 =	vor.u32 v1, v5;
	_ =	sdelay $0x3  }
0x55: {  	v4 =	vshll.u32 v4, $0x5  }
0x56: {  	v6 =	vld.idx.msk [tilespmem:v6+s3+$0x0], $0xffff;
	v55 =	vor.u32 v0, v4  }
0x57: {  	v5 =	vor.u32 v2, v5;
	_ =	sdelay $0x3  }
0x58: {  	[tilespmem:v55+s22+$0x0] =	vst.idx.add.f32.msk $0xffff, v6  }
0x59: {  	s0 =	sadd.s32 $0xFFFFFFFD, s31;
	v4 =	vor.u32 v3, v4;
	v5 =	vld.idx.msk [tilespmem:v5+s3+$0x0], $0xffff  }
0x5a: {  	v56 =	vmov s0;
	_ =	sdelay $0x3  }
0x5b: {  	[tilespmem:v4+s22+$0x0] =	vst.idx.add.f32.msk $0xffff, v5  }
0x5c: {  	v5 =	vshll.u32 v56, $0x7;
	v4 =	vld.idx.msk [tilespmem:v56+s26+$0x0], $0xffff  }
0x5d: {  	v6 =	vor.u32 v1, v5;
	_ =	sdelay $0x3  }
0x5e: {  	v4 =	vshll.u32 v4, $0x5  }
0x5f: {  	v6 =	vld.idx.msk [tilespmem:v6+s3+$0x0], $0xffff;
	v57 =	vor.u32 v0, v4  }
0x60: {  	v5 =	vor.u32 v2, v5;
	_ =	sdelay $0x3  }
0x61: {  	[tilespmem:v57+s22+$0x0] =	vst.idx.add.f32.msk $0xffff, v6  }
0x62: {  	s0 =	sadd.s32 $0xFFFFFFFE, s31;
	v4 =	vor.u32 v3, v4;
	v5 =	vld.idx.msk [tilespmem:v5+s3+$0x0], $0xffff  }
0x63: {  	v58 =	vmov s0;
	_ =	sdelay $0x3  }
0x64: {  	[tilespmem:v4+s22+$0x0] =	vst.idx.add.f32.msk $0xffff, v5  }
0x65: {  	v5 =	vshll.u32 v58, $0x7;
	v4 =	vld.idx.msk [tilespmem:v58+s26+$0x0], $0xffff  }
0x66: {  	v6 =	vor.u32 v1, v5;
	_ =	sdelay $0x3  }
0x67: {  	v4 =	vshll.u32 v4, $0x5  }
0x68: {  	v6 =	vld.idx.msk [tilespmem:v6+s3+$0x0], $0xffff;
	v59 =	vor.u32 v0, v4  }
0x69: {  	v5 =	vor.u32 v2, v5;
	_ =	sdelay $0x3  }
0x6a: {  	[tilespmem:v59+s22+$0x0] =	vst.idx.add.f32.msk $0xffff, v6  }
0x6b: {  	s0 =	sadd.s32 $0xFFFFFFFF, s31;
	v4 =	vor.u32 v3, v4;
	v5 =	vld.idx.msk [tilespmem:v5+s3+$0x0], $0xffff  }
0x6c: {  	v60 =	vmov s0;
	_ =	sdelay $0x3  }
0x6d: {  	[tilespmem:v4+s22+$0x0] =	vst.idx.add.f32.msk $0xffff, v5  }
0x6e: {  	v5 =	vshll.u32 v60, $0x7;
	v4 =	vld.idx.msk [tilespmem:v60+s26+$0x0], $0xffff  }
0x6f: {  	v6 =	vor.u32 v1, v5;
	_ =	sdelay $0x3  }
0x70: {  	v4 =	vshll.u32 v4, $0x5  }
0x71: {  	v6 =	vld.idx.msk [tilespmem:v6+s3+$0x0], $0xffff;
	v61 =	vor.u32 v0, v4  }
0x72: {  	v5 =	vor.u32 v2, v5;
	_ =	sdelay $0x3  }
0x73: {  	[tilespmem:v61+s22+$0x0] =	vst.idx.add.f32.msk $0xffff, v6  }
0x74: {  	v4 =	vor.u32 v3, v4;
	v5 =	vld.idx.msk [tilespmem:v5+s3+$0x0], $0xffff  }
0x75: {  	v62 =	vmov s31;
	_ =	sdelay $0x3  }
0x76: {  	[tilespmem:v4+s22+$0x0] =	vst.idx.add.f32.msk $0xffff, v5  }
0x77: {  	v5 =	vshll.u32 v62, $0x7;
	v4 =	vld.idx.msk [tilespmem:v62+s26+$0x0], $0xffff  }
0x78: {  	v6 =	vor.u32 v1, v5;
	_ =	sdelay $0x3  }
0x79: {  	v4 =	vshll.u32 v4, $0x5  }
0x7a: {  	v6 =	vld.idx.msk [tilespmem:v6+s3+$0x0], $0xffff;
	v63 =	vor.u32 v0, v4  }
0x7b: {  	v5 =	vor.u32 v2, v5;
	_ =	sdelay $0x3  }
0x7c: {  	[tilespmem:v63+s22+$0x0] =	vst.idx.add.f32.msk $0xffff, v6  }
0x7d: {  	p0 =	sne.s32 s31, $0xFF;
	v4 =	vor.u32 v3, v4;
	v5 =	vld.idx.msk [tilespmem:v5+s3+$0x0], $0xffff  }
.Ltmp0:
0x7e: {  	_ = 	snop;
	(pc) =	sbr.rel @p0 .LBB2_2-.Ltmp0, $2  }
0x7f: {  	_ =	sdelay $0x2  }
0x80: {  	s31 =	sadd.s32 $0x8, s31;
	[tilespmem:v4+s22+$0x0] =	vst.idx.add.f32.msk $0xffff, v5  }
0x81: {  	[tilespmem:s26], [sflag:$0x1] =	stream.strided.gather [hbm4b:s6+s24], $0x100, s25, s24, $0x38;
	[tilespmem:$0x10100] =	vst v63  }
0x82: {  	_ =	swait.ge [sflag:s23], $0x100  }
0x83: {  	[sflag:s23] =	ssyncset.done $0x0  }
0x84: {  	[sflag:s23] =	ssyncadd.s32 $0xFFFFFF00  }
0x85: {  	[tilespmem:s3], [sflag:$0x1] =	stream.strided.gather [hbm4b:s7+s28], $0x8000, s29, s28, $0x38;
	[tilespmem:$0x10100] =	vst v63  }
0x86: {  	_ =	swait.ge [sflag:s23], $0x8000  }
0x87: {  	[sflag:s23] =	ssyncset.done $0x0  }
0x88: {  	s31 =	simm.s32 $0x7;
	[sflag:s23] =	ssyncadd.s32 $0xFFFF8000  }
.LBB2_4:
0x89: {  	s0 =	sadd.s32 $0xFFFFFFF9, s31  }
0x8a: {  	v4 =	vmov s0;
	_ =	sdelay $0x4  }
0x8b: {  	v5 =	vld.idx.msk [tilespmem:v4+s26+$0x0], $0xffff;
	v4 =	vshll.u32 v4, $0x7  }
0x8c: {  	v6 =	vor.u32 v1, v4;
	_ =	sdelay $0x3  }
0x8d: {  	v5 =	vshll.u32 v5, $0x5  }
0x8e: {  	v7 =	vor.u32 v0, v5;
	v6 =	vld.idx.msk [tilespmem:v6+s3+$0x0], $0xffff  }
0x8f: {  	v4 =	vor.u32 v2, v4;
	_ =	sdelay $0x3  }
0x90: {  	[tilespmem:v7+s22+$0x0] =	vst.idx.add.f32.msk $0xffff, v6  }
0x91: {  	s0 =	sadd.s32 $0xFFFFFFFA, s31;
	v5 =	vor.u32 v3, v5;
	v4 =	vld.idx.msk [tilespmem:v4+s3+$0x0], $0xffff  }
0x92: {  	v50 =	vmov s0;
	_ =	sdelay $0x3  }
0x93: {  	[tilespmem:v5+s22+$0x0] =	vst.idx.add.f32.msk $0xffff, v4  }
0x94: {  	v5 =	vshll.u32 v50, $0x7;
	v4 =	vld.idx.msk [tilespmem:v50+s26+$0x0], $0xffff  }
0x95: {  	v6 =	vor.u32 v1, v5;
	_ =	sdelay $0x3  }
0x96: {  	v4 =	vshll.u32 v4, $0x5  }
0x97: {  	v6 =	vld.idx.msk [tilespmem:v6+s3+$0x0], $0xffff;
	v51 =	vor.u32 v0, v4  }
0x98: {  	v5 =	vor.u32 v2, v5;
	_ =	sdelay $0x3  }
0x99: {  	[tilespmem:v51+s22+$0x0] =	vst.idx.add.f32.msk $0xffff, v6  }
0x9a: {  	s0 =	sadd.s32 $0xFFFFFFFB, s31;
	v4 =	vor.u32 v3, v4;
	v5 =	vld.idx.msk [tilespmem:v5+s3+$0x0], $0xffff  }
0x9b: {  	v52 =	vmov s0;
	_ =	sdelay $0x3  }
0x9c: {  	[tilespmem:v4+s22+$0x0] =	vst.idx.add.f32.msk $0xffff, v5  }
0x9d: {  	v5 =	vshll.u32 v52, $0x7;
	v4 =	vld.idx.msk [tilespmem:v52+s26+$0x0], $0xffff  }
0x9e: {  	v6 =	vor.u32 v1, v5;
	_ =	sdelay $0x3  }
0x9f: {  	v4 =	vshll.u32 v4, $0x5  }
0xa0: {  	v6 =	vld.idx.msk [tilespmem:v6+s3+$0x0], $0xffff;
	v53 =	vor.u32 v0, v4  }
0xa1: {  	v5 =	vor.u32 v2, v5;
	_ =	sdelay $0x3  }
0xa2: {  	[tilespmem:v53+s22+$0x0] =	vst.idx.add.f32.msk $0xffff, v6  }
0xa3: {  	s0 =	sadd.s32 $0xFFFFFFFC, s31;
	v4 =	vor.u32 v3, v4;
	v5 =	vld.idx.msk [tilespmem:v5+s3+$0x0], $0xffff  }
0xa4: {  	v54 =	vmov s0;
	_ =	sdelay $0x3  }
0xa5: {  	[tilespmem:v4+s22+$0x0] =	vst.idx.add.f32.msk $0xffff, v5  }
0xa6: {  	v5 =	vshll.u32 v54, $0x7;
	v4 =	vld.idx.msk [tilespmem:v54+s26+$0x0], $0xffff  }
0xa7: {  	v6 =	vor.u32 v1, v5;
	_ =	sdelay $0x3  }
0xa8: {  	v4 =	vshll.u32 v4, $0x5  }
0xa9: {  	v6 =	vld.idx.msk [tilespmem:v6+s3+$0x0], $0xffff;
	v55 =	vor.u32 v0, v4  }
0xaa: {  	v5 =	vor.u32 v2, v5;
	_ =	sdelay $0x3  }
0xab: {  	[tilespmem:v55+s22+$0x0] =	vst.idx.add.f32.msk $0xffff, v6  }
0xac: {  	s0 =	sadd.s32 $0xFFFFFFFD, s31;
	v4 =	vor.u32 v3, v4;
	v5 =	vld.idx.msk [tilespmem:v5+s3+$0x0], $0xffff  }
0xad: {  	v56 =	vmov s0;
	_ =	sdelay $0x3  }
0xae: {  	[tilespmem:v4+s22+$0x0] =	vst.idx.add.f32.msk $0xffff, v5  }
0xaf: {  	v5 =	vshll.u32 v56, $0x7;
	v4 =	vld.idx.msk [tilespmem:v56+s26+$0x0], $0xffff  }
0xb0: {  	v6 =	vor.u32 v1, v5;
	_ =	sdelay $0x3  }
0xb1: {  	v4 =	vshll.u32 v4, $0x5  }
0xb2: {  	v6 =	vld.idx.msk [tilespmem:v6+s3+$0x0], $0xffff;
	v57 =	vor.u32 v0, v4  }
0xb3: {  	v5 =	vor.u32 v2, v5;
	_ =	sdelay $0x3  }
0xb4: {  	[tilespmem:v57+s22+$0x0] =	vst.idx.add.f32.msk $0xffff, v6  }
0xb5: {  	s0 =	sadd.s32 $0xFFFFFFFE, s31;
	v4 =	vor.u32 v3, v4;
	v5 =	vld.idx.msk [tilespmem:v5+s3+$0x0], $0xffff  }
0xb6: {  	v58 =	vmov s0;
	_ =	sdelay $0x3  }
0xb7: {  	[tilespmem:v4+s22+$0x0] =	vst.idx.add.f32.msk $0xffff, v5  }
0xb8: {  	v5 =	vshll.u32 v58, $0x7;
	v4 =	vld.idx.msk [tilespmem:v58+s26+$0x0], $0xffff  }
0xb9: {  	v6 =	vor.u32 v1, v5;
	_ =	sdelay $0x3  }
0xba: {  	v4 =	vshll.u32 v4, $0x5  }
0xbb: {  	v6 =	vld.idx.msk [tilespmem:v6+s3+$0x0], $0xffff;
	v59 =	vor.u32 v0, v4  }
0xbc: {  	v5 =	vor.u32 v2, v5;
	_ =	sdelay $0x3  }
0xbd: {  	[tilespmem:v59+s22+$0x0] =	vst.idx.add.f32.msk $0xffff, v6  }
0xbe: {  	s0 =	sadd.s32 $0xFFFFFFFF, s31;
	v4 =	vor.u32 v3, v4;
	v5 =	vld.idx.msk [tilespmem:v5+s3+$0x0], $0xffff  }
0xbf: {  	v60 =	vmov s0;
	_ =	sdelay $0x3  }
0xc0: {  	[tilespmem:v4+s22+$0x0] =	vst.idx.add.f32.msk $0xffff, v5  }
0xc1: {  	v5 =	vshll.u32 v60, $0x7;
	v4 =	vld.idx.msk [tilespmem:v60+s26+$0x0], $0xffff  }
0xc2: {  	v6 =	vor.u32 v1, v5;
	_ =	sdelay $0x3  }
0xc3: {  	v4 =	vshll.u32 v4, $0x5  }
0xc4: {  	v6 =	vld.idx.msk [tilespmem:v6+s3+$0x0], $0xffff;
	v61 =	vor.u32 v0, v4  }
0xc5: {  	v5 =	vor.u32 v2, v5;
	_ =	sdelay $0x3  }
0xc6: {  	[tilespmem:v61+s22+$0x0] =	vst.idx.add.f32.msk $0xffff, v6  }
0xc7: {  	v4 =	vor.u32 v3, v4;
	v5 =	vld.idx.msk [tilespmem:v5+s3+$0x0], $0xffff  }
0xc8: {  	v62 =	vmov s31;
	_ =	sdelay $0x3  }
0xc9: {  	[tilespmem:v4+s22+$0x0] =	vst.idx.add.f32.msk $0xffff, v5  }
0xca: {  	v5 =	vshll.u32 v62, $0x7;
	v4 =	vld.idx.msk [tilespmem:v62+s26+$0x0], $0xffff  }
0xcb: {  	v6 =	vor.u32 v1, v5;
	_ =	sdelay $0x3  }
0xcc: {  	v4 =	vshll.u32 v4, $0x5  }
0xcd: {  	v6 =	vld.idx.msk [tilespmem:v6+s3+$0x0], $0xffff;
	v63 =	vor.u32 v0, v4  }
0xce: {  	v5 =	vor.u32 v2, v5;
	_ =	sdelay $0x3  }
0xcf: {  	[tilespmem:v63+s22+$0x0] =	vst.idx.add.f32.msk $0xffff, v6  }
0xd0: {  	p0 =	sne.s32 s31, $0xFF;
	v4 =	vor.u32 v3, v4;
	v5 =	vld.idx.msk [tilespmem:v5+s3+$0x0], $0xffff  }
.Ltmp1:
0xd1: {  	_ = 	snop;
	(pc) =	sbr.rel @p0 .LBB2_4-.Ltmp1, $2  }
0xd2: {  	_ =	sdelay $0x2  }
0xd3: {  	s31 =	sadd.s32 $0x8, s31;
	[tilespmem:v4+s22+$0x0] =	vst.idx.add.f32.msk $0xffff, v5  }
0xd4: {  	[tilespmem:s26], [sflag:$0x1] =	stream.strided.gather [hbm4b:s8+s24], $0x100, s25, s24, $0x38;
	[tilespmem:$0x10100] =	vst v63  }
0xd5: {  	_ =	swait.ge [sflag:s23], $0x100  }
0xd6: {  	[sflag:s23] =	ssyncset.done $0x0  }
0xd7: {  	[sflag:s23] =	ssyncadd.s32 $0xFFFFFF00  }
0xd8: {  	[tilespmem:s3], [sflag:$0x1] =	stream.strided.gather [hbm4b:s9+s28], $0x8000, s29, s28, $0x38;
	[tilespmem:$0x10100] =	vst v63  }
0xd9: {  	_ =	swait.ge [sflag:s23], $0x8000  }
0xda: {  	[sflag:s23] =	ssyncset.done $0x0  }
0xdb: {  	s31 =	simm.s32 $0x7;
	[sflag:s23] =	ssyncadd.s32 $0xFFFF8000  }
.LBB2_6:
0xdc: {  	s0 =	sadd.s32 $0xFFFFFFF9, s31  }
0xdd: {  	v4 =	vmov s0;
	_ =	sdelay $0x4  }
0xde: {  	v5 =	vld.idx.msk [tilespmem:v4+s26+$0x0], $0xffff;
	v4 =	vshll.u32 v4, $0x7  }
0xdf: {  	v6 =	vor.u32 v1, v4;
	_ =	sdelay $0x3  }
0xe0: {  	v5 =	vshll.u32 v5, $0x5  }
0xe1: {  	v7 =	vor.u32 v0, v5;
	v6 =	vld.idx.msk [tilespmem:v6+s3+$0x0], $0xffff  }
0xe2: {  	v4 =	vor.u32 v2, v4;
	_ =	sdelay $0x3  }
0xe3: {  	[tilespmem:v7+s22+$0x0] =	vst.idx.add.f32.msk $0xffff, v6  }
0xe4: {  	s0 =	sadd.s32 $0xFFFFFFFA, s31;
	v5 =	vor.u32 v3, v5;
	v4 =	vld.idx.msk [tilespmem:v4+s3+$0x0], $0xffff  }
0xe5: {  	v50 =	vmov s0;
	_ =	sdelay $0x3  }
0xe6: {  	[tilespmem:v5+s22+$0x0] =	vst.idx.add.f32.msk $0xffff, v4  }
0xe7: {  	v5 =	vshll.u32 v50, $0x7;
	v4 =	vld.idx.msk [tilespmem:v50+s26+$0x0], $0xffff  }
0xe8: {  	v6 =	vor.u32 v1, v5;
	_ =	sdelay $0x3  }
0xe9: {  	v4 =	vshll.u32 v4, $0x5  }
0xea: {  	v6 =	vld.idx.msk [tilespmem:v6+s3+$0x0], $0xffff;
	v51 =	vor.u32 v0, v4  }
0xeb: {  	v5 =	vor.u32 v2, v5;
	_ =	sdelay $0x3  }
0xec: {  	[tilespmem:v51+s22+$0x0] =	vst.idx.add.f32.msk $0xffff, v6  }
0xed: {  	s0 =	sadd.s32 $0xFFFFFFFB, s31;
	v4 =	vor.u32 v3, v4;
	v5 =	vld.idx.msk [tilespmem:v5+s3+$0x0], $0xffff  }
0xee: {  	v52 =	vmov s0;
	_ =	sdelay $0x3  }
0xef: {  	[tilespmem:v4+s22+$0x0] =	vst.idx.add.f32.msk $0xffff, v5  }
0xf0: {  	v5 =	vshll.u32 v52, $0x7;
	v4 =	vld.idx.msk [tilespmem:v52+s26+$0x0], $0xffff  }
0xf1: {  	v6 =	vor.u32 v1, v5;
	_ =	sdelay $0x3  }
0xf2: {  	v4 =	vshll.u32 v4, $0x5  }
0xf3: {  	v6 =	vld.idx.msk [tilespmem:v6+s3+$0x0], $0xffff;
	v53 =	vor.u32 v0, v4  }
0xf4: {  	v5 =	vor.u32 v2, v5;
	_ =	sdelay $0x3  }
0xf5: {  	[tilespmem:v53+s22+$0x0] =	vst.idx.add.f32.msk $0xffff, v6  }
0xf6: {  	s0 =	sadd.s32 $0xFFFFFFFC, s31;
	v4 =	vor.u32 v3, v4;
	v5 =	vld.idx.msk [tilespmem:v5+s3+$0x0], $0xffff  }
0xf7: {  	v54 =	vmov s0;
	_ =	sdelay $0x3  }
0xf8: {  	[tilespmem:v4+s22+$0x0] =	vst.idx.add.f32.msk $0xffff, v5  }
0xf9: {  	v5 =	vshll.u32 v54, $0x7;
	v4 =	vld.idx.msk [tilespmem:v54+s26+$0x0], $0xffff  }
0xfa: {  	v6 =	vor.u32 v1, v5;
	_ =	sdelay $0x3  }
0xfb: {  	v4 =	vshll.u32 v4, $0x5  }
0xfc: {  	v6 =	vld.idx.msk [tilespmem:v6+s3+$0x0], $0xffff;
	v55 =	vor.u32 v0, v4  }
0xfd: {  	v5 =	vor.u32 v2, v5;
	_ =	sdelay $0x3  }
0xfe: {  	[tilespmem:v55+s22+$0x0] =	vst.idx.add.f32.msk $0xffff, v6  }
0xff: {  	s0 =	sadd.s32 $0xFFFFFFFD, s31;
	v4 =	vor.u32 v3, v4;
	v5 =	vld.idx.msk [tilespmem:v5+s3+$0x0], $0xffff  }
0x100: {  	v56 =	vmov s0;
	_ =	sdelay $0x3  }
0x101: {  	[tilespmem:v4+s22+$0x0] =	vst.idx.add.f32.msk $0xffff, v5  }
0x102: {  	v5 =	vshll.u32 v56, $0x7;
	v4 =	vld.idx.msk [tilespmem:v56+s26+$0x0], $0xffff  }
0x103: {  	v6 =	vor.u32 v1, v5;
	_ =	sdelay $0x3  }
0x104: {  	v4 =	vshll.u32 v4, $0x5  }
0x105: {  	v6 =	vld.idx.msk [tilespmem:v6+s3+$0x0], $0xffff;
	v57 =	vor.u32 v0, v4  }
0x106: {  	v5 =	vor.u32 v2, v5;
	_ =	sdelay $0x3  }
0x107: {  	[tilespmem:v57+s22+$0x0] =	vst.idx.add.f32.msk $0xffff, v6  }
0x108: {  	s0 =	sadd.s32 $0xFFFFFFFE, s31;
	v4 =	vor.u32 v3, v4;
	v5 =	vld.idx.msk [tilespmem:v5+s3+$0x0], $0xffff  }
0x109: {  	v58 =	vmov s0;
	_ =	sdelay $0x3  }
0x10a: {  	[tilespmem:v4+s22+$0x0] =	vst.idx.add.f32.msk $0xffff, v5  }
0x10b: {  	v5 =	vshll.u32 v58, $0x7;
	v4 =	vld.idx.msk [tilespmem:v58+s26+$0x0], $0xffff  }
0x10c: {  	v6 =	vor.u32 v1, v5;
	_ =	sdelay $0x3  }
0x10d: {  	v4 =	vshll.u32 v4, $0x5  }
0x10e: {  	v6 =	vld.idx.msk [tilespmem:v6+s3+$0x0], $0xffff;
	v59 =	vor.u32 v0, v4  }
0x10f: {  	v5 =	vor.u32 v2, v5;
	_ =	sdelay $0x3  }
0x110: {  	[tilespmem:v59+s22+$0x0] =	vst.idx.add.f32.msk $0xffff, v6  }
0x111: {  	s0 =	sadd.s32 $0xFFFFFFFF, s31;
	v4 =	vor.u32 v3, v4;
	v5 =	vld.idx.msk [tilespmem:v5+s3+$0x0], $0xffff  }
0x112: {  	v60 =	vmov s0;
	_ =	sdelay $0x3  }
0x113: {  	[tilespmem:v4+s22+$0x0] =	vst.idx.add.f32.msk $0xffff, v5  }
0x114: {  	v5 =	vshll.u32 v60, $0x7;
	v4 =	vld.idx.msk [tilespmem:v60+s26+$0x0], $0xffff  }
0x115: {  	v6 =	vor.u32 v1, v5;
	_ =	sdelay $0x3  }
0x116: {  	v4 =	vshll.u32 v4, $0x5  }
0x117: {  	v6 =	vld.idx.msk [tilespmem:v6+s3+$0x0], $0xffff;
	v61 =	vor.u32 v0, v4  }
0x118: {  	v5 =	vor.u32 v2, v5;
	_ =	sdelay $0x3  }
0x119: {  	[tilespmem:v61+s22+$0x0] =	vst.idx.add.f32.msk $0xffff, v6  }
0x11a: {  	v4 =	vor.u32 v3, v4;
	v5 =	vld.idx.msk [tilespmem:v5+s3+$0x0], $0xffff  }
0x11b: {  	v62 =	vmov s31;
	_ =	sdelay $0x3  }
0x11c: {  	[tilespmem:v4+s22+$0x0] =	vst.idx.add.f32.msk $0xffff, v5  }
0x11d: {  	v5 =	vshll.u32 v62, $0x7;
	v4 =	vld.idx.msk [tilespmem:v62+s26+$0x0], $0xffff  }
0x11e: {  	v6 =	vor.u32 v1, v5;
	_ =	sdelay $0x3  }
0x11f: {  	v4 =	vshll.u32 v4, $0x5  }
0x120: {  	v6 =	vld.idx.msk [tilespmem:v6+s3+$0x0], $0xffff;
	v63 =	vor.u32 v0, v4  }
0x121: {  	v5 =	vor.u32 v2, v5;
	_ =	sdelay $0x3  }
0x122: {  	[tilespmem:v63+s22+$0x0] =	vst.idx.add.f32.msk $0xffff, v6  }
0x123: {  	p0 =	sne.s32 s31, $0xFF;
	v4 =	vor.u32 v3, v4;
	v5 =	vld.idx.msk [tilespmem:v5+s3+$0x0], $0xffff  }
.Ltmp2:
0x124: {  	_ = 	snop;
	(pc) =	sbr.rel @p0 .LBB2_6-.Ltmp2, $2  }
0x125: {  	_ =	sdelay $0x2  }
0x126: {  	s31 =	sadd.s32 $0x8, s31;
	[tilespmem:v4+s22+$0x0] =	vst.idx.add.f32.msk $0xffff, v5  }
0x127: {  	[tilespmem:s26], [sflag:$0x1] =	stream.strided.gather [hbm4b:s10+s24], $0x100, s25, s24, $0x38;
	[tilespmem:$0x10100] =	vst v63  }
0x128: {  	_ =	swait.ge [sflag:s23], $0x100  }
0x129: {  	[sflag:s23] =	ssyncset.done $0x0  }
0x12a: {  	[sflag:s23] =	ssyncadd.s32 $0xFFFFFF00  }
0x12b: {  	[tilespmem:s3], [sflag:$0x1] =	stream.strided.gather [hbm4b:s11+s28], $0x8000, s29, s28, $0x38;
	[tilespmem:$0x10100] =	vst v63  }
0x12c: {  	_ =	swait.ge [sflag:s23], $0x8000  }
0x12d: {  	[sflag:s23] =	ssyncset.done $0x0  }
0x12e: {  	s31 =	simm.s32 $0x7;
	[sflag:s23] =	ssyncadd.s32 $0xFFFF8000  }
.LBB2_8:
0x12f: {  	s0 =	sadd.s32 $0xFFFFFFF9, s31  }
0x130: {  	v4 =	vmov s0;
	_ =	sdelay $0x4  }
0x131: {  	v5 =	vld.idx.msk [tilespmem:v4+s26+$0x0], $0xffff;
	v4 =	vshll.u32 v4, $0x7  }
0x132: {  	v6 =	vor.u32 v1, v4;
	_ =	sdelay $0x3  }
0x133: {  	v5 =	vshll.u32 v5, $0x5  }
0x134: {  	v7 =	vor.u32 v0, v5;
	v6 =	vld.idx.msk [tilespmem:v6+s3+$0x0], $0xffff  }
0x135: {  	v4 =	vor.u32 v2, v4;
	_ =	sdelay $0x3  }
0x136: {  	[tilespmem:v7+s22+$0x0] =	vst.idx.add.f32.msk $0xffff, v6  }
0x137: {  	s0 =	sadd.s32 $0xFFFFFFFA, s31;
	v5 =	vor.u32 v3, v5;
	v4 =	vld.idx.msk [tilespmem:v4+s3+$0x0], $0xffff  }
0x138: {  	v50 =	vmov s0;
	_ =	sdelay $0x3  }
0x139: {  	[tilespmem:v5+s22+$0x0] =	vst.idx.add.f32.msk $0xffff, v4  }
0x13a: {  	v5 =	vshll.u32 v50, $0x7;
	v4 =	vld.idx.msk [tilespmem:v50+s26+$0x0], $0xffff  }
0x13b: {  	v6 =	vor.u32 v1, v5;
	_ =	sdelay $0x3  }
0x13c: {  	v4 =	vshll.u32 v4, $0x5  }
0x13d: {  	v6 =	vld.idx.msk [tilespmem:v6+s3+$0x0], $0xffff;
	v51 =	vor.u32 v0, v4  }
0x13e: {  	v5 =	vor.u32 v2, v5;
	_ =	sdelay $0x3  }
0x13f: {  	[tilespmem:v51+s22+$0x0] =	vst.idx.add.f32.msk $0xffff, v6  }
0x140: {  	s0 =	sadd.s32 $0xFFFFFFFB, s31;
	v4 =	vor.u32 v3, v4;
	v5 =	vld.idx.msk [tilespmem:v5+s3+$0x0], $0xffff  }
0x141: {  	v52 =	vmov s0;
	_ =	sdelay $0x3  }
0x142: {  	[tilespmem:v4+s22+$0x0] =	vst.idx.add.f32.msk $0xffff, v5  }
0x143: {  	v5 =	vshll.u32 v52, $0x7;
	v4 =	vld.idx.msk [tilespmem:v52+s26+$0x0], $0xffff  }
0x144: {  	v6 =	vor.u32 v1, v5;
	_ =	sdelay $0x3  }
0x145: {  	v4 =	vshll.u32 v4, $0x5  }
0x146: {  	v6 =	vld.idx.msk [tilespmem:v6+s3+$0x0], $0xffff;
	v53 =	vor.u32 v0, v4  }
0x147: {  	v5 =	vor.u32 v2, v5;
	_ =	sdelay $0x3  }
0x148: {  	[tilespmem:v53+s22+$0x0] =	vst.idx.add.f32.msk $0xffff, v6  }
0x149: {  	s0 =	sadd.s32 $0xFFFFFFFC, s31;
	v4 =	vor.u32 v3, v4;
	v5 =	vld.idx.msk [tilespmem:v5+s3+$0x0], $0xffff  }
0x14a: {  	v54 =	vmov s0;
	_ =	sdelay $0x3  }
0x14b: {  	[tilespmem:v4+s22+$0x0] =	vst.idx.add.f32.msk $0xffff, v5  }
0x14c: {  	v5 =	vshll.u32 v54, $0x7;
	v4 =	vld.idx.msk [tilespmem:v54+s26+$0x0], $0xffff  }
0x14d: {  	v6 =	vor.u32 v1, v5;
	_ =	sdelay $0x3  }
0x14e: {  	v4 =	vshll.u32 v4, $0x5  }
0x14f: {  	v6 =	vld.idx.msk [tilespmem:v6+s3+$0x0], $0xffff;
	v55 =	vor.u32 v0, v4  }
0x150: {  	v5 =	vor.u32 v2, v5;
	_ =	sdelay $0x3  }
0x151: {  	[tilespmem:v55+s22+$0x0] =	vst.idx.add.f32.msk $0xffff, v6  }
0x152: {  	s0 =	sadd.s32 $0xFFFFFFFD, s31;
	v4 =	vor.u32 v3, v4;
	v5 =	vld.idx.msk [tilespmem:v5+s3+$0x0], $0xffff  }
0x153: {  	v56 =	vmov s0;
	_ =	sdelay $0x3  }
0x154: {  	[tilespmem:v4+s22+$0x0] =	vst.idx.add.f32.msk $0xffff, v5  }
0x155: {  	v5 =	vshll.u32 v56, $0x7;
	v4 =	vld.idx.msk [tilespmem:v56+s26+$0x0], $0xffff  }
0x156: {  	v6 =	vor.u32 v1, v5;
	_ =	sdelay $0x3  }
0x157: {  	v4 =	vshll.u32 v4, $0x5  }
0x158: {  	v6 =	vld.idx.msk [tilespmem:v6+s3+$0x0], $0xffff;
	v57 =	vor.u32 v0, v4  }
0x159: {  	v5 =	vor.u32 v2, v5;
	_ =	sdelay $0x3  }
0x15a: {  	[tilespmem:v57+s22+$0x0] =	vst.idx.add.f32.msk $0xffff, v6  }
0x15b: {  	s0 =	sadd.s32 $0xFFFFFFFE, s31;
	v4 =	vor.u32 v3, v4;
	v5 =	vld.idx.msk [tilespmem:v5+s3+$0x0], $0xffff  }
0x15c: {  	v58 =	vmov s0;
	_ =	sdelay $0x3  }
0x15d: {  	[tilespmem:v4+s22+$0x0] =	vst.idx.add.f32.msk $0xffff, v5  }
0x15e: {  	v5 =	vshll.u32 v58, $0x7;
	v4 =	vld.idx.msk [tilespmem:v58+s26+$0x0], $0xffff  }
0x15f: {  	v6 =	vor.u32 v1, v5;
	_ =	sdelay $0x3  }
0x160: {  	v4 =	vshll.u32 v4, $0x5  }
0x161: {  	v6 =	vld.idx.msk [tilespmem:v6+s3+$0x0], $0xffff;
	v59 =	vor.u32 v0, v4  }
0x162: {  	v5 =	vor.u32 v2, v5;
	_ =	sdelay $0x3  }
0x163: {  	[tilespmem:v59+s22+$0x0] =	vst.idx.add.f32.msk $0xffff, v6  }
0x164: {  	s0 =	sadd.s32 $0xFFFFFFFF, s31;
	v4 =	vor.u32 v3, v4;
	v5 =	vld.idx.msk [tilespmem:v5+s3+$0x0], $0xffff  }
0x165: {  	v60 =	vmov s0;
	_ =	sdelay $0x3  }
0x166: {  	[tilespmem:v4+s22+$0x0] =	vst.idx.add.f32.msk $0xffff, v5  }
0x167: {  	v5 =	vshll.u32 v60, $0x7;
	v4 =	vld.idx.msk [tilespmem:v60+s26+$0x0], $0xffff  }
0x168: {  	v6 =	vor.u32 v1, v5;
	_ =	sdelay $0x3  }
0x169: {  	v4 =	vshll.u32 v4, $0x5  }
0x16a: {  	v6 =	vld.idx.msk [tilespmem:v6+s3+$0x0], $0xffff;
	v61 =	vor.u32 v0, v4  }
0x16b: {  	v5 =	vor.u32 v2, v5;
	_ =	sdelay $0x3  }
0x16c: {  	[tilespmem:v61+s22+$0x0] =	vst.idx.add.f32.msk $0xffff, v6  }
0x16d: {  	v4 =	vor.u32 v3, v4;
	v5 =	vld.idx.msk [tilespmem:v5+s3+$0x0], $0xffff  }
0x16e: {  	v62 =	vmov s31;
	_ =	sdelay $0x3  }
0x16f: {  	[tilespmem:v4+s22+$0x0] =	vst.idx.add.f32.msk $0xffff, v5  }
0x170: {  	v5 =	vshll.u32 v62, $0x7;
	v4 =	vld.idx.msk [tilespmem:v62+s26+$0x0], $0xffff  }
0x171: {  	v6 =	vor.u32 v1, v5;
	_ =	sdelay $0x3  }
0x172: {  	v4 =	vshll.u32 v4, $0x5  }
0x173: {  	v6 =	vld.idx.msk [tilespmem:v6+s3+$0x0], $0xffff;
	v63 =	vor.u32 v0, v4  }
0x174: {  	v5 =	vor.u32 v2, v5;
	_ =	sdelay $0x3  }
0x175: {  	[tilespmem:v63+s22+$0x0] =	vst.idx.add.f32.msk $0xffff, v6  }
0x176: {  	p0 =	sne.s32 s31, $0xFF;
	v4 =	vor.u32 v3, v4;
	v5 =	vld.idx.msk [tilespmem:v5+s3+$0x0], $0xffff  }
.Ltmp3:
0x177: {  	_ = 	snop;
	(pc) =	sbr.rel @p0 .LBB2_8-.Ltmp3, $2  }
0x178: {  	_ =	sdelay $0x2  }
0x179: {  	s31 =	sadd.s32 $0x8, s31;
	[tilespmem:v4+s22+$0x0] =	vst.idx.add.f32.msk $0xffff, v5  }
0x17a: {  	[tilespmem:s26], [sflag:$0x1] =	stream.strided.gather [hbm4b:s12+s24], $0x100, s25, s24, $0x38;
	[tilespmem:$0x10100] =	vst v63  }
0x17b: {  	_ =	swait.ge [sflag:s23], $0x100  }
0x17c: {  	[sflag:s23] =	ssyncset.done $0x0  }
0x17d: {  	[sflag:s23] =	ssyncadd.s32 $0xFFFFFF00  }
0x17e: {  	[tilespmem:s3], [sflag:$0x1] =	stream.strided.gather [hbm4b:s13+s28], $0x8000, s29, s28, $0x38;
	[tilespmem:$0x10100] =	vst v63  }
0x17f: {  	_ =	swait.ge [sflag:s23], $0x8000  }
0x180: {  	[sflag:s23] =	ssyncset.done $0x0  }
0x181: {  	s31 =	simm.s32 $0x7;
	[sflag:s23] =	ssyncadd.s32 $0xFFFF8000  }
.LBB2_10:
0x182: {  	s0 =	sadd.s32 $0xFFFFFFF9, s31  }
0x183: {  	v4 =	vmov s0;
	_ =	sdelay $0x4  }
0x184: {  	v5 =	vld.idx.msk [tilespmem:v4+s26+$0x0], $0xffff;
	v4 =	vshll.u32 v4, $0x7  }
0x185: {  	v6 =	vor.u32 v1, v4;
	_ =	sdelay $0x3  }
0x186: {  	v5 =	vshll.u32 v5, $0x5  }
0x187: {  	v7 =	vor.u32 v0, v5;
	v6 =	vld.idx.msk [tilespmem:v6+s3+$0x0], $0xffff  }
0x188: {  	v4 =	vor.u32 v2, v4;
	_ =	sdelay $0x3  }
0x189: {  	[tilespmem:v7+s22+$0x0] =	vst.idx.add.f32.msk $0xffff, v6  }
0x18a: {  	s0 =	sadd.s32 $0xFFFFFFFA, s31;
	v5 =	vor.u32 v3, v5;
	v4 =	vld.idx.msk [tilespmem:v4+s3+$0x0], $0xffff  }
0x18b: {  	v50 =	vmov s0;
	_ =	sdelay $0x3  }
0x18c: {  	[tilespmem:v5+s22+$0x0] =	vst.idx.add.f32.msk $0xffff, v4  }
0x18d: {  	v5 =	vshll.u32 v50, $0x7;
	v4 =	vld.idx.msk [tilespmem:v50+s26+$0x0], $0xffff  }
0x18e: {  	v6 =	vor.u32 v1, v5;
	_ =	sdelay $0x3  }
0x18f: {  	v4 =	vshll.u32 v4, $0x5  }
0x190: {  	v6 =	vld.idx.msk [tilespmem:v6+s3+$0x0], $0xffff;
	v51 =	vor.u32 v0, v4  }
0x191: {  	v5 =	vor.u32 v2, v5;
	_ =	sdelay $0x3  }
0x192: {  	[tilespmem:v51+s22+$0x0] =	vst.idx.add.f32.msk $0xffff, v6  }
0x193: {  	s0 =	sadd.s32 $0xFFFFFFFB, s31;
	v4 =	vor.u32 v3, v4;
	v5 =	vld.idx.msk [tilespmem:v5+s3+$0x0], $0xffff  }
0x194: {  	v52 =	vmov s0;
	_ =	sdelay $0x3  }
0x195: {  	[tilespmem:v4+s22+$0x0] =	vst.idx.add.f32.msk $0xffff, v5  }
0x196: {  	v5 =	vshll.u32 v52, $0x7;
	v4 =	vld.idx.msk [tilespmem:v52+s26+$0x0], $0xffff  }
0x197: {  	v6 =	vor.u32 v1, v5;
	_ =	sdelay $0x3  }
0x198: {  	v4 =	vshll.u32 v4, $0x5  }
0x199: {  	v6 =	vld.idx.msk [tilespmem:v6+s3+$0x0], $0xffff;
	v53 =	vor.u32 v0, v4  }
0x19a: {  	v5 =	vor.u32 v2, v5;
	_ =	sdelay $0x3  }
0x19b: {  	[tilespmem:v53+s22+$0x0] =	vst.idx.add.f32.msk $0xffff, v6  }
0x19c: {  	s0 =	sadd.s32 $0xFFFFFFFC, s31;
	v4 =	vor.u32 v3, v4;
	v5 =	vld.idx.msk [tilespmem:v5+s3+$0x0], $0xffff  }
0x19d: {  	v54 =	vmov s0;
	_ =	sdelay $0x3  }
0x19e: {  	[tilespmem:v4+s22+$0x0] =	vst.idx.add.f32.msk $0xffff, v5  }
0x19f: {  	v5 =	vshll.u32 v54, $0x7;
	v4 =	vld.idx.msk [tilespmem:v54+s26+$0x0], $0xffff  }
0x1a0: {  	v6 =	vor.u32 v1, v5;
	_ =	sdelay $0x3  }
0x1a1: {  	v4 =	vshll.u32 v4, $0x5  }
0x1a2: {  	v6 =	vld.idx.msk [tilespmem:v6+s3+$0x0], $0xffff;
	v55 =	vor.u32 v0, v4  }
0x1a3: {  	v5 =	vor.u32 v2, v5;
	_ =	sdelay $0x3  }
0x1a4: {  	[tilespmem:v55+s22+$0x0] =	vst.idx.add.f32.msk $0xffff, v6  }
0x1a5: {  	s0 =	sadd.s32 $0xFFFFFFFD, s31;
	v4 =	vor.u32 v3, v4;
	v5 =	vld.idx.msk [tilespmem:v5+s3+$0x0], $0xffff  }
0x1a6: {  	v56 =	vmov s0;
	_ =	sdelay $0x3  }
0x1a7: {  	[tilespmem:v4+s22+$0x0] =	vst.idx.add.f32.msk $0xffff, v5  }
0x1a8: {  	v5 =	vshll.u32 v56, $0x7;
	v4 =	vld.idx.msk [tilespmem:v56+s26+$0x0], $0xffff  }
0x1a9: {  	v6 =	vor.u32 v1, v5;
	_ =	sdelay $0x3  }
0x1aa: {  	v4 =	vshll.u32 v4, $0x5  }
0x1ab: {  	v6 =	vld.idx.msk [tilespmem:v6+s3+$0x0], $0xffff;
	v57 =	vor.u32 v0, v4  }
0x1ac: {  	v5 =	vor.u32 v2, v5;
	_ =	sdelay $0x3  }
0x1ad: {  	[tilespmem:v57+s22+$0x0] =	vst.idx.add.f32.msk $0xffff, v6  }
0x1ae: {  	s0 =	sadd.s32 $0xFFFFFFFE, s31;
	v4 =	vor.u32 v3, v4;
	v5 =	vld.idx.msk [tilespmem:v5+s3+$0x0], $0xffff  }
0x1af: {  	v58 =	vmov s0;
	_ =	sdelay $0x3  }
0x1b0: {  	[tilespmem:v4+s22+$0x0] =	vst.idx.add.f32.msk $0xffff, v5  }
0x1b1: {  	v5 =	vshll.u32 v58, $0x7;
	v4 =	vld.idx.msk [tilespmem:v58+s26+$0x0], $0xffff  }
0x1b2: {  	v6 =	vor.u32 v1, v5;
	_ =	sdelay $0x3  }
0x1b3: {  	v4 =	vshll.u32 v4, $0x5  }
0x1b4: {  	v6 =	vld.idx.msk [tilespmem:v6+s3+$0x0], $0xffff;
	v59 =	vor.u32 v0, v4  }
0x1b5: {  	v5 =	vor.u32 v2, v5;
	_ =	sdelay $0x3  }
0x1b6: {  	[tilespmem:v59+s22+$0x0] =	vst.idx.add.f32.msk $0xffff, v6  }
0x1b7: {  	s0 =	sadd.s32 $0xFFFFFFFF, s31;
	v4 =	vor.u32 v3, v4;
	v5 =	vld.idx.msk [tilespmem:v5+s3+$0x0], $0xffff  }
0x1b8: {  	v60 =	vmov s0;
	_ =	sdelay $0x3  }
0x1b9: {  	[tilespmem:v4+s22+$0x0] =	vst.idx.add.f32.msk $0xffff, v5  }
0x1ba: {  	v5 =	vshll.u32 v60, $0x7;
	v4 =	vld.idx.msk [tilespmem:v60+s26+$0x0], $0xffff  }
0x1bb: {  	v6 =	vor.u32 v1, v5;
	_ =	sdelay $0x3  }
0x1bc: {  	v4 =	vshll.u32 v4, $0x5  }
0x1bd: {  	v6 =	vld.idx.msk [tilespmem:v6+s3+$0x0], $0xffff;
	v61 =	vor.u32 v0, v4  }
0x1be: {  	v5 =	vor.u32 v2, v5;
	_ =	sdelay $0x3  }
0x1bf: {  	[tilespmem:v61+s22+$0x0] =	vst.idx.add.f32.msk $0xffff, v6  }
0x1c0: {  	v4 =	vor.u32 v3, v4;
	v5 =	vld.idx.msk [tilespmem:v5+s3+$0x0], $0xffff  }
0x1c1: {  	v62 =	vmov s31;
	_ =	sdelay $0x3  }
0x1c2: {  	[tilespmem:v4+s22+$0x0] =	vst.idx.add.f32.msk $0xffff, v5  }
0x1c3: {  	v5 =	vshll.u32 v62, $0x7;
	v4 =	vld.idx.msk [tilespmem:v62+s26+$0x0], $0xffff  }
0x1c4: {  	v6 =	vor.u32 v1, v5;
	_ =	sdelay $0x3  }
0x1c5: {  	v4 =	vshll.u32 v4, $0x5  }
0x1c6: {  	v6 =	vld.idx.msk [tilespmem:v6+s3+$0x0], $0xffff;
	v63 =	vor.u32 v0, v4  }
0x1c7: {  	v5 =	vor.u32 v2, v5;
	_ =	sdelay $0x3  }
0x1c8: {  	[tilespmem:v63+s22+$0x0] =	vst.idx.add.f32.msk $0xffff, v6  }
0x1c9: {  	p0 =	sne.s32 s31, $0xFF;
	v4 =	vor.u32 v3, v4;
	v5 =	vld.idx.msk [tilespmem:v5+s3+$0x0], $0xffff  }
.Ltmp4:
0x1ca: {  	_ = 	snop;
	(pc) =	sbr.rel @p0 .LBB2_10-.Ltmp4, $2  }
0x1cb: {  	_ =	sdelay $0x2  }
0x1cc: {  	s31 =	sadd.s32 $0x8, s31;
	[tilespmem:v4+s22+$0x0] =	vst.idx.add.f32.msk $0xffff, v5  }
0x1cd: {  	[tilespmem:s26], [sflag:$0x1] =	stream.strided.gather [hbm4b:s14+s24], $0x100, s25, s24, $0x38;
	[tilespmem:$0x10100] =	vst v63  }
0x1ce: {  	_ =	swait.ge [sflag:s23], $0x100  }
0x1cf: {  	[sflag:s23] =	ssyncset.done $0x0  }
0x1d0: {  	[sflag:s23] =	ssyncadd.s32 $0xFFFFFF00  }
0x1d1: {  	[tilespmem:s3], [sflag:$0x1] =	stream.strided.gather [hbm4b:s15+s28], $0x8000, s29, s28, $0x38;
	[tilespmem:$0x10100] =	vst v63  }
0x1d2: {  	_ =	swait.ge [sflag:s23], $0x8000  }
0x1d3: {  	[sflag:s23] =	ssyncset.done $0x0  }
0x1d4: {  	s31 =	simm.s32 $0x7;
	[sflag:s23] =	ssyncadd.s32 $0xFFFF8000  }
.LBB2_12:
0x1d5: {  	s0 =	sadd.s32 $0xFFFFFFF9, s31  }
0x1d6: {  	v4 =	vmov s0;
	_ =	sdelay $0x4  }
0x1d7: {  	v5 =	vld.idx.msk [tilespmem:v4+s26+$0x0], $0xffff;
	v4 =	vshll.u32 v4, $0x7  }
0x1d8: {  	v6 =	vor.u32 v1, v4;
	_ =	sdelay $0x3  }
0x1d9: {  	v5 =	vshll.u32 v5, $0x5  }
0x1da: {  	v7 =	vor.u32 v0, v5;
	v6 =	vld.idx.msk [tilespmem:v6+s3+$0x0], $0xffff  }
0x1db: {  	v4 =	vor.u32 v2, v4;
	_ =	sdelay $0x3  }
0x1dc: {  	[tilespmem:v7+s22+$0x0] =	vst.idx.add.f32.msk $0xffff, v6  }
0x1dd: {  	s0 =	sadd.s32 $0xFFFFFFFA, s31;
	v5 =	vor.u32 v3, v5;
	v4 =	vld.idx.msk [tilespmem:v4+s3+$0x0], $0xffff  }
0x1de: {  	v50 =	vmov s0;
	_ =	sdelay $0x3  }
0x1df: {  	[tilespmem:v5+s22+$0x0] =	vst.idx.add.f32.msk $0xffff, v4  }
0x1e0: {  	v5 =	vshll.u32 v50, $0x7;
	v4 =	vld.idx.msk [tilespmem:v50+s26+$0x0], $0xffff  }
0x1e1: {  	v6 =	vor.u32 v1, v5;
	_ =	sdelay $0x3  }
0x1e2: {  	v4 =	vshll.u32 v4, $0x5  }
0x1e3: {  	v6 =	vld.idx.msk [tilespmem:v6+s3+$0x0], $0xffff;
	v51 =	vor.u32 v0, v4  }
0x1e4: {  	v5 =	vor.u32 v2, v5;
	_ =	sdelay $0x3  }
0x1e5: {  	[tilespmem:v51+s22+$0x0] =	vst.idx.add.f32.msk $0xffff, v6  }
0x1e6: {  	s0 =	sadd.s32 $0xFFFFFFFB, s31;
	v4 =	vor.u32 v3, v4;
	v5 =	vld.idx.msk [tilespmem:v5+s3+$0x0], $0xffff  }
0x1e7: {  	v52 =	vmov s0;
	_ =	sdelay $0x3  }
0x1e8: {  	[tilespmem:v4+s22+$0x0] =	vst.idx.add.f32.msk $0xffff, v5  }
0x1e9: {  	v5 =	vshll.u32 v52, $0x7;
	v4 =	vld.idx.msk [tilespmem:v52+s26+$0x0], $0xffff  }
0x1ea: {  	v6 =	vor.u32 v1, v5;
	_ =	sdelay $0x3  }
0x1eb: {  	v4 =	vshll.u32 v4, $0x5  }
0x1ec: {  	v6 =	vld.idx.msk [tilespmem:v6+s3+$0x0], $0xffff;
	v53 =	vor.u32 v0, v4  }
0x1ed: {  	v5 =	vor.u32 v2, v5;
	_ =	sdelay $0x3  }
0x1ee: {  	[tilespmem:v53+s22+$0x0] =	vst.idx.add.f32.msk $0xffff, v6  }
0x1ef: {  	s0 =	sadd.s32 $0xFFFFFFFC, s31;
	v4 =	vor.u32 v3, v4;
	v5 =	vld.idx.msk [tilespmem:v5+s3+$0x0], $0xffff  }
0x1f0: {  	v54 =	vmov s0;
	_ =	sdelay $0x3  }
0x1f1: {  	[tilespmem:v4+s22+$0x0] =	vst.idx.add.f32.msk $0xffff, v5  }
0x1f2: {  	v5 =	vshll.u32 v54, $0x7;
	v4 =	vld.idx.msk [tilespmem:v54+s26+$0x0], $0xffff  }
0x1f3: {  	v6 =	vor.u32 v1, v5;
	_ =	sdelay $0x3  }
0x1f4: {  	v4 =	vshll.u32 v4, $0x5  }
0x1f5: {  	v6 =	vld.idx.msk [tilespmem:v6+s3+$0x0], $0xffff;
	v55 =	vor.u32 v0, v4  }
0x1f6: {  	v5 =	vor.u32 v2, v5;
	_ =	sdelay $0x3  }
0x1f7: {  	[tilespmem:v55+s22+$0x0] =	vst.idx.add.f32.msk $0xffff, v6  }
0x1f8: {  	s0 =	sadd.s32 $0xFFFFFFFD, s31;
	v4 =	vor.u32 v3, v4;
	v5 =	vld.idx.msk [tilespmem:v5+s3+$0x0], $0xffff  }
0x1f9: {  	v56 =	vmov s0;
	_ =	sdelay $0x3  }
0x1fa: {  	[tilespmem:v4+s22+$0x0] =	vst.idx.add.f32.msk $0xffff, v5  }
0x1fb: {  	v5 =	vshll.u32 v56, $0x7;
	v4 =	vld.idx.msk [tilespmem:v56+s26+$0x0], $0xffff  }
0x1fc: {  	v6 =	vor.u32 v1, v5;
	_ =	sdelay $0x3  }
0x1fd: {  	v4 =	vshll.u32 v4, $0x5  }
0x1fe: {  	v6 =	vld.idx.msk [tilespmem:v6+s3+$0x0], $0xffff;
	v57 =	vor.u32 v0, v4  }
0x1ff: {  	v5 =	vor.u32 v2, v5;
	_ =	sdelay $0x3  }
0x200: {  	[tilespmem:v57+s22+$0x0] =	vst.idx.add.f32.msk $0xffff, v6  }
0x201: {  	s0 =	sadd.s32 $0xFFFFFFFE, s31;
	v4 =	vor.u32 v3, v4;
	v5 =	vld.idx.msk [tilespmem:v5+s3+$0x0], $0xffff  }
0x202: {  	v58 =	vmov s0;
	_ =	sdelay $0x3  }
0x203: {  	[tilespmem:v4+s22+$0x0] =	vst.idx.add.f32.msk $0xffff, v5  }
0x204: {  	v5 =	vshll.u32 v58, $0x7;
	v4 =	vld.idx.msk [tilespmem:v58+s26+$0x0], $0xffff  }
0x205: {  	v6 =	vor.u32 v1, v5;
	_ =	sdelay $0x3  }
0x206: {  	v4 =	vshll.u32 v4, $0x5  }
0x207: {  	v6 =	vld.idx.msk [tilespmem:v6+s3+$0x0], $0xffff;
	v59 =	vor.u32 v0, v4  }
0x208: {  	v5 =	vor.u32 v2, v5;
	_ =	sdelay $0x3  }
0x209: {  	[tilespmem:v59+s22+$0x0] =	vst.idx.add.f32.msk $0xffff, v6  }
0x20a: {  	s0 =	sadd.s32 $0xFFFFFFFF, s31;
	v4 =	vor.u32 v3, v4;
	v5 =	vld.idx.msk [tilespmem:v5+s3+$0x0], $0xffff  }
0x20b: {  	v60 =	vmov s0;
	_ =	sdelay $0x3  }
0x20c: {  	[tilespmem:v4+s22+$0x0] =	vst.idx.add.f32.msk $0xffff, v5  }
0x20d: {  	v5 =	vshll.u32 v60, $0x7;
	v4 =	vld.idx.msk [tilespmem:v60+s26+$0x0], $0xffff  }
0x20e: {  	v6 =	vor.u32 v1, v5;
	_ =	sdelay $0x3  }
0x20f: {  	v4 =	vshll.u32 v4, $0x5  }
0x210: {  	v6 =	vld.idx.msk [tilespmem:v6+s3+$0x0], $0xffff;
	v61 =	vor.u32 v0, v4  }
0x211: {  	v5 =	vor.u32 v2, v5;
	_ =	sdelay $0x3  }
0x212: {  	[tilespmem:v61+s22+$0x0] =	vst.idx.add.f32.msk $0xffff, v6  }
0x213: {  	v4 =	vor.u32 v3, v4;
	v5 =	vld.idx.msk [tilespmem:v5+s3+$0x0], $0xffff  }
0x214: {  	v62 =	vmov s31;
	_ =	sdelay $0x3  }
0x215: {  	[tilespmem:v4+s22+$0x0] =	vst.idx.add.f32.msk $0xffff, v5  }
0x216: {  	v5 =	vshll.u32 v62, $0x7;
	v4 =	vld.idx.msk [tilespmem:v62+s26+$0x0], $0xffff  }
0x217: {  	v6 =	vor.u32 v1, v5;
	_ =	sdelay $0x3  }
0x218: {  	v4 =	vshll.u32 v4, $0x5  }
0x219: {  	v6 =	vld.idx.msk [tilespmem:v6+s3+$0x0], $0xffff;
	v63 =	vor.u32 v0, v4  }
0x21a: {  	v5 =	vor.u32 v2, v5;
	_ =	sdelay $0x3  }
0x21b: {  	[tilespmem:v63+s22+$0x0] =	vst.idx.add.f32.msk $0xffff, v6  }
0x21c: {  	p0 =	sne.s32 s31, $0xFF;
	v4 =	vor.u32 v3, v4;
	v5 =	vld.idx.msk [tilespmem:v5+s3+$0x0], $0xffff  }
.Ltmp5:
0x21d: {  	_ = 	snop;
	(pc) =	sbr.rel @p0 .LBB2_12-.Ltmp5, $2  }
0x21e: {  	_ =	sdelay $0x2  }
0x21f: {  	s31 =	sadd.s32 $0x8, s31;
	[tilespmem:v4+s22+$0x0] =	vst.idx.add.f32.msk $0xffff, v5  }
0x220: {  	[tilespmem:s26], [sflag:$0x1] =	stream.strided.gather [hbm4b:s16+s24], $0x100, s25, s24, $0x38;
	[tilespmem:$0x10100] =	vst v63  }
0x221: {  	_ =	swait.ge [sflag:s23], $0x100  }
0x222: {  	[sflag:s23] =	ssyncset.done $0x0  }
0x223: {  	[sflag:s23] =	ssyncadd.s32 $0xFFFFFF00  }
0x224: {  	[tilespmem:s3], [sflag:$0x1] =	stream.strided.gather [hbm4b:s17+s28], $0x8000, s29, s28, $0x38;
	[tilespmem:$0x10100] =	vst v63  }
0x225: {  	_ =	swait.ge [sflag:s23], $0x8000  }
0x226: {  	[sflag:s23] =	ssyncset.done $0x0  }
0x227: {  	s31 =	simm.s32 $0x7;
	[sflag:s23] =	ssyncadd.s32 $0xFFFF8000  }
.LBB2_14:
0x228: {  	s0 =	sadd.s32 $0xFFFFFFF9, s31  }
0x229: {  	v4 =	vmov s0;
	_ =	sdelay $0x4  }
0x22a: {  	v5 =	vld.idx.msk [tilespmem:v4+s26+$0x0], $0xffff;
	v4 =	vshll.u32 v4, $0x7  }
0x22b: {  	v6 =	vor.u32 v1, v4;
	_ =	sdelay $0x3  }
0x22c: {  	v5 =	vshll.u32 v5, $0x5  }
0x22d: {  	v7 =	vor.u32 v0, v5;
	v6 =	vld.idx.msk [tilespmem:v6+s3+$0x0], $0xffff  }
0x22e: {  	v4 =	vor.u32 v2, v4;
	_ =	sdelay $0x3  }
0x22f: {  	[tilespmem:v7+s22+$0x0] =	vst.idx.add.f32.msk $0xffff, v6  }
0x230: {  	s0 =	sadd.s32 $0xFFFFFFFA, s31;
	v5 =	vor.u32 v3, v5;
	v4 =	vld.idx.msk [tilespmem:v4+s3+$0x0], $0xffff  }
0x231: {  	v50 =	vmov s0;
	_ =	sdelay $0x3  }
0x232: {  	[tilespmem:v5+s22+$0x0] =	vst.idx.add.f32.msk $0xffff, v4  }
0x233: {  	v5 =	vshll.u32 v50, $0x7;
	v4 =	vld.idx.msk [tilespmem:v50+s26+$0x0], $0xffff  }
0x234: {  	v6 =	vor.u32 v1, v5;
	_ =	sdelay $0x3  }
0x235: {  	v4 =	vshll.u32 v4, $0x5  }
0x236: {  	v6 =	vld.idx.msk [tilespmem:v6+s3+$0x0], $0xffff;
	v51 =	vor.u32 v0, v4  }
0x237: {  	v5 =	vor.u32 v2, v5;
	_ =	sdelay $0x3  }
0x238: {  	[tilespmem:v51+s22+$0x0] =	vst.idx.add.f32.msk $0xffff, v6  }
0x239: {  	s0 =	sadd.s32 $0xFFFFFFFB, s31;
	v4 =	vor.u32 v3, v4;
	v5 =	vld.idx.msk [tilespmem:v5+s3+$0x0], $0xffff  }
0x23a: {  	v52 =	vmov s0;
	_ =	sdelay $0x3  }
0x23b: {  	[tilespmem:v4+s22+$0x0] =	vst.idx.add.f32.msk $0xffff, v5  }
0x23c: {  	v5 =	vshll.u32 v52, $0x7;
	v4 =	vld.idx.msk [tilespmem:v52+s26+$0x0], $0xffff  }
0x23d: {  	v6 =	vor.u32 v1, v5;
	_ =	sdelay $0x3  }
0x23e: {  	v4 =	vshll.u32 v4, $0x5  }
0x23f: {  	v6 =	vld.idx.msk [tilespmem:v6+s3+$0x0], $0xffff;
	v53 =	vor.u32 v0, v4  }
0x240: {  	v5 =	vor.u32 v2, v5;
	_ =	sdelay $0x3  }
0x241: {  	[tilespmem:v53+s22+$0x0] =	vst.idx.add.f32.msk $0xffff, v6  }
0x242: {  	s0 =	sadd.s32 $0xFFFFFFFC, s31;
	v4 =	vor.u32 v3, v4;
	v5 =	vld.idx.msk [tilespmem:v5+s3+$0x0], $0xffff  }
0x243: {  	v54 =	vmov s0;
	_ =	sdelay $0x3  }
0x244: {  	[tilespmem:v4+s22+$0x0] =	vst.idx.add.f32.msk $0xffff, v5  }
0x245: {  	v5 =	vshll.u32 v54, $0x7;
	v4 =	vld.idx.msk [tilespmem:v54+s26+$0x0], $0xffff  }
0x246: {  	v6 =	vor.u32 v1, v5;
	_ =	sdelay $0x3  }
0x247: {  	v4 =	vshll.u32 v4, $0x5  }
0x248: {  	v6 =	vld.idx.msk [tilespmem:v6+s3+$0x0], $0xffff;
	v55 =	vor.u32 v0, v4  }
0x249: {  	v5 =	vor.u32 v2, v5;
	_ =	sdelay $0x3  }
0x24a: {  	[tilespmem:v55+s22+$0x0] =	vst.idx.add.f32.msk $0xffff, v6  }
0x24b: {  	s0 =	sadd.s32 $0xFFFFFFFD, s31;
	v4 =	vor.u32 v3, v4;
	v5 =	vld.idx.msk [tilespmem:v5+s3+$0x0], $0xffff  }
0x24c: {  	v56 =	vmov s0;
	_ =	sdelay $0x3  }
0x24d: {  	[tilespmem:v4+s22+$0x0] =	vst.idx.add.f32.msk $0xffff, v5  }
0x24e: {  	v5 =	vshll.u32 v56, $0x7;
	v4 =	vld.idx.msk [tilespmem:v56+s26+$0x0], $0xffff  }
0x24f: {  	v6 =	vor.u32 v1, v5;
	_ =	sdelay $0x3  }
0x250: {  	v4 =	vshll.u32 v4, $0x5  }
0x251: {  	v6 =	vld.idx.msk [tilespmem:v6+s3+$0x0], $0xffff;
	v57 =	vor.u32 v0, v4  }
0x252: {  	v5 =	vor.u32 v2, v5;
	_ =	sdelay $0x3  }
0x253: {  	[tilespmem:v57+s22+$0x0] =	vst.idx.add.f32.msk $0xffff, v6  }
0x254: {  	s0 =	sadd.s32 $0xFFFFFFFE, s31;
	v4 =	vor.u32 v3, v4;
	v5 =	vld.idx.msk [tilespmem:v5+s3+$0x0], $0xffff  }
0x255: {  	v58 =	vmov s0;
	_ =	sdelay $0x3  }
0x256: {  	[tilespmem:v4+s22+$0x0] =	vst.idx.add.f32.msk $0xffff, v5  }
0x257: {  	v5 =	vshll.u32 v58, $0x7;
	v4 =	vld.idx.msk [tilespmem:v58+s26+$0x0], $0xffff  }
0x258: {  	v6 =	vor.u32 v1, v5;
	_ =	sdelay $0x3  }
0x259: {  	v4 =	vshll.u32 v4, $0x5  }
0x25a: {  	v6 =	vld.idx.msk [tilespmem:v6+s3+$0x0], $0xffff;
	v59 =	vor.u32 v0, v4  }
0x25b: {  	v5 =	vor.u32 v2, v5;
	_ =	sdelay $0x3  }
0x25c: {  	[tilespmem:v59+s22+$0x0] =	vst.idx.add.f32.msk $0xffff, v6  }
0x25d: {  	s0 =	sadd.s32 $0xFFFFFFFF, s31;
	v4 =	vor.u32 v3, v4;
	v5 =	vld.idx.msk [tilespmem:v5+s3+$0x0], $0xffff  }
0x25e: {  	v60 =	vmov s0;
	_ =	sdelay $0x3  }
0x25f: {  	[tilespmem:v4+s22+$0x0] =	vst.idx.add.f32.msk $0xffff, v5  }
0x260: {  	v5 =	vshll.u32 v60, $0x7;
	v4 =	vld.idx.msk [tilespmem:v60+s26+$0x0], $0xffff  }
0x261: {  	v6 =	vor.u32 v1, v5;
	_ =	sdelay $0x3  }
0x262: {  	v4 =	vshll.u32 v4, $0x5  }
0x263: {  	v6 =	vld.idx.msk [tilespmem:v6+s3+$0x0], $0xffff;
	v61 =	vor.u32 v0, v4  }
0x264: {  	v5 =	vor.u32 v2, v5;
	_ =	sdelay $0x3  }
0x265: {  	[tilespmem:v61+s22+$0x0] =	vst.idx.add.f32.msk $0xffff, v6  }
0x266: {  	v4 =	vor.u32 v3, v4;
	v5 =	vld.idx.msk [tilespmem:v5+s3+$0x0], $0xffff  }
0x267: {  	v62 =	vmov s31;
	_ =	sdelay $0x3  }
0x268: {  	[tilespmem:v4+s22+$0x0] =	vst.idx.add.f32.msk $0xffff, v5  }
0x269: {  	v5 =	vshll.u32 v62, $0x7;
	v4 =	vld.idx.msk [tilespmem:v62+s26+$0x0], $0xffff  }
0x26a: {  	v6 =	vor.u32 v1, v5;
	_ =	sdelay $0x3  }
0x26b: {  	v4 =	vshll.u32 v4, $0x5  }
0x26c: {  	v6 =	vld.idx.msk [tilespmem:v6+s3+$0x0], $0xffff;
	v63 =	vor.u32 v0, v4  }
0x26d: {  	v5 =	vor.u32 v2, v5;
	_ =	sdelay $0x3  }
0x26e: {  	[tilespmem:v63+s22+$0x0] =	vst.idx.add.f32.msk $0xffff, v6  }
0x26f: {  	p0 =	sne.s32 s31, $0xFF;
	v4 =	vor.u32 v3, v4;
	v5 =	vld.idx.msk [tilespmem:v5+s3+$0x0], $0xffff  }
.Ltmp6:
0x270: {  	_ = 	snop;
	(pc) =	sbr.rel @p0 .LBB2_14-.Ltmp6, $2  }
0x271: {  	_ =	sdelay $0x2  }
0x272: {  	s31 =	sadd.s32 $0x8, s31;
	[tilespmem:v4+s22+$0x0] =	vst.idx.add.f32.msk $0xffff, v5  }
0x273: {  	[tilespmem:s26], [sflag:$0x1] =	stream.strided.gather [hbm4b:s18+s24], $0x100, s25, s24, $0x38;
	[tilespmem:$0x10100] =	vst v63  }
0x274: {  	_ =	swait.ge [sflag:s23], $0x100  }
0x275: {  	[sflag:s23] =	ssyncset.done $0x0  }
0x276: {  	[sflag:s23] =	ssyncadd.s32 $0xFFFFFF00  }
0x277: {  	[tilespmem:s3], [sflag:$0x1] =	stream.strided.gather [hbm4b:s19+s28], $0x8000, s29, s28, $0x38;
	[tilespmem:$0x10100] =	vst v63  }
0x278: {  	_ =	swait.ge [sflag:s23], $0x8000  }
0x279: {  	[sflag:s23] =	ssyncset.done $0x0  }
0x27a: {  	s31 =	simm.s32 $0x7;
	[sflag:s23] =	ssyncadd.s32 $0xFFFF8000  }
.LBB2_16:
0x27b: {  	s0 =	sadd.s32 $0xFFFFFFF9, s31  }
0x27c: {  	v4 =	vmov s0;
	_ =	sdelay $0x4  }
0x27d: {  	v5 =	vld.idx.msk [tilespmem:v4+s26+$0x0], $0xffff;
	v4 =	vshll.u32 v4, $0x7  }
0x27e: {  	v6 =	vor.u32 v1, v4;
	_ =	sdelay $0x3  }
0x27f: {  	v5 =	vshll.u32 v5, $0x5  }
0x280: {  	v7 =	vor.u32 v0, v5;
	v6 =	vld.idx.msk [tilespmem:v6+s3+$0x0], $0xffff  }
0x281: {  	v4 =	vor.u32 v2, v4;
	_ =	sdelay $0x3  }
0x282: {  	[tilespmem:v7+s22+$0x0] =	vst.idx.add.f32.msk $0xffff, v6  }
0x283: {  	s0 =	sadd.s32 $0xFFFFFFFA, s31;
	v5 =	vor.u32 v3, v5;
	v4 =	vld.idx.msk [tilespmem:v4+s3+$0x0], $0xffff  }
0x284: {  	v50 =	vmov s0;
	_ =	sdelay $0x3  }
0x285: {  	[tilespmem:v5+s22+$0x0] =	vst.idx.add.f32.msk $0xffff, v4  }
0x286: {  	v5 =	vshll.u32 v50, $0x7;
	v4 =	vld.idx.msk [tilespmem:v50+s26+$0x0], $0xffff  }
0x287: {  	v6 =	vor.u32 v1, v5;
	_ =	sdelay $0x3  }
0x288: {  	v4 =	vshll.u32 v4, $0x5  }
0x289: {  	v6 =	vld.idx.msk [tilespmem:v6+s3+$0x0], $0xffff;
	v51 =	vor.u32 v0, v4  }
0x28a: {  	v5 =	vor.u32 v2, v5;
	_ =	sdelay $0x3  }
0x28b: {  	[tilespmem:v51+s22+$0x0] =	vst.idx.add.f32.msk $0xffff, v6  }
0x28c: {  	s0 =	sadd.s32 $0xFFFFFFFB, s31;
	v4 =	vor.u32 v3, v4;
	v5 =	vld.idx.msk [tilespmem:v5+s3+$0x0], $0xffff  }
0x28d: {  	v52 =	vmov s0;
	_ =	sdelay $0x3  }
0x28e: {  	[tilespmem:v4+s22+$0x0] =	vst.idx.add.f32.msk $0xffff, v5  }
0x28f: {  	v5 =	vshll.u32 v52, $0x7;
	v4 =	vld.idx.msk [tilespmem:v52+s26+$0x0], $0xffff  }
0x290: {  	v6 =	vor.u32 v1, v5;
	_ =	sdelay $0x3  }
0x291: {  	v4 =	vshll.u32 v4, $0x5  }
0x292: {  	v6 =	vld.idx.msk [tilespmem:v6+s3+$0x0], $0xffff;
	v53 =	vor.u32 v0, v4  }
0x293: {  	v5 =	vor.u32 v2, v5;
	_ =	sdelay $0x3  }
0x294: {  	[tilespmem:v53+s22+$0x0] =	vst.idx.add.f32.msk $0xffff, v6  }
0x295: {  	s0 =	sadd.s32 $0xFFFFFFFC, s31;
	v4 =	vor.u32 v3, v4;
	v5 =	vld.idx.msk [tilespmem:v5+s3+$0x0], $0xffff  }
0x296: {  	v54 =	vmov s0;
	_ =	sdelay $0x3  }
0x297: {  	[tilespmem:v4+s22+$0x0] =	vst.idx.add.f32.msk $0xffff, v5  }
0x298: {  	v5 =	vshll.u32 v54, $0x7;
	v4 =	vld.idx.msk [tilespmem:v54+s26+$0x0], $0xffff  }
0x299: {  	v6 =	vor.u32 v1, v5;
	_ =	sdelay $0x3  }
0x29a: {  	v4 =	vshll.u32 v4, $0x5  }
0x29b: {  	v6 =	vld.idx.msk [tilespmem:v6+s3+$0x0], $0xffff;
	v55 =	vor.u32 v0, v4  }
0x29c: {  	v5 =	vor.u32 v2, v5;
	_ =	sdelay $0x3  }
0x29d: {  	[tilespmem:v55+s22+$0x0] =	vst.idx.add.f32.msk $0xffff, v6  }
0x29e: {  	s0 =	sadd.s32 $0xFFFFFFFD, s31;
	v4 =	vor.u32 v3, v4;
	v5 =	vld.idx.msk [tilespmem:v5+s3+$0x0], $0xffff  }
0x29f: {  	v56 =	vmov s0;
	_ =	sdelay $0x3  }
0x2a0: {  	[tilespmem:v4+s22+$0x0] =	vst.idx.add.f32.msk $0xffff, v5  }
0x2a1: {  	v5 =	vshll.u32 v56, $0x7;
	v4 =	vld.idx.msk [tilespmem:v56+s26+$0x0], $0xffff  }
0x2a2: {  	v6 =	vor.u32 v1, v5;
	_ =	sdelay $0x3  }
0x2a3: {  	v4 =	vshll.u32 v4, $0x5  }
0x2a4: {  	v6 =	vld.idx.msk [tilespmem:v6+s3+$0x0], $0xffff;
	v57 =	vor.u32 v0, v4  }
0x2a5: {  	v5 =	vor.u32 v2, v5;
	_ =	sdelay $0x3  }
0x2a6: {  	[tilespmem:v57+s22+$0x0] =	vst.idx.add.f32.msk $0xffff, v6  }
0x2a7: {  	s0 =	sadd.s32 $0xFFFFFFFE, s31;
	v4 =	vor.u32 v3, v4;
	v5 =	vld.idx.msk [tilespmem:v5+s3+$0x0], $0xffff  }
0x2a8: {  	v58 =	vmov s0;
	_ =	sdelay $0x3  }
0x2a9: {  	[tilespmem:v4+s22+$0x0] =	vst.idx.add.f32.msk $0xffff, v5  }
0x2aa: {  	v5 =	vshll.u32 v58, $0x7;
	v4 =	vld.idx.msk [tilespmem:v58+s26+$0x0], $0xffff  }
0x2ab: {  	v6 =	vor.u32 v1, v5;
	_ =	sdelay $0x3  }
0x2ac: {  	v4 =	vshll.u32 v4, $0x5  }
0x2ad: {  	v6 =	vld.idx.msk [tilespmem:v6+s3+$0x0], $0xffff;
	v59 =	vor.u32 v0, v4  }
0x2ae: {  	v5 =	vor.u32 v2, v5;
	_ =	sdelay $0x3  }
0x2af: {  	[tilespmem:v59+s22+$0x0] =	vst.idx.add.f32.msk $0xffff, v6  }
0x2b0: {  	s0 =	sadd.s32 $0xFFFFFFFF, s31;
	v4 =	vor.u32 v3, v4;
	v5 =	vld.idx.msk [tilespmem:v5+s3+$0x0], $0xffff  }
0x2b1: {  	v60 =	vmov s0;
	_ =	sdelay $0x3  }
0x2b2: {  	[tilespmem:v4+s22+$0x0] =	vst.idx.add.f32.msk $0xffff, v5  }
0x2b3: {  	v5 =	vshll.u32 v60, $0x7;
	v4 =	vld.idx.msk [tilespmem:v60+s26+$0x0], $0xffff  }
0x2b4: {  	v6 =	vor.u32 v1, v5;
	_ =	sdelay $0x3  }
0x2b5: {  	v4 =	vshll.u32 v4, $0x5  }
0x2b6: {  	v6 =	vld.idx.msk [tilespmem:v6+s3+$0x0], $0xffff;
	v61 =	vor.u32 v0, v4  }
0x2b7: {  	v5 =	vor.u32 v2, v5;
	_ =	sdelay $0x3  }
0x2b8: {  	[tilespmem:v61+s22+$0x0] =	vst.idx.add.f32.msk $0xffff, v6  }
0x2b9: {  	v4 =	vor.u32 v3, v4;
	v5 =	vld.idx.msk [tilespmem:v5+s3+$0x0], $0xffff  }
0x2ba: {  	v62 =	vmov s31;
	_ =	sdelay $0x3  }
0x2bb: {  	[tilespmem:v4+s22+$0x0] =	vst.idx.add.f32.msk $0xffff, v5  }
0x2bc: {  	v5 =	vshll.u32 v62, $0x7;
	v4 =	vld.idx.msk [tilespmem:v62+s26+$0x0], $0xffff  }
0x2bd: {  	v6 =	vor.u32 v1, v5;
	_ =	sdelay $0x3  }
0x2be: {  	v4 =	vshll.u32 v4, $0x5  }
0x2bf: {  	v6 =	vld.idx.msk [tilespmem:v6+s3+$0x0], $0xffff;
	v63 =	vor.u32 v0, v4  }
0x2c0: {  	v5 =	vor.u32 v2, v5;
	_ =	sdelay $0x3  }
0x2c1: {  	[tilespmem:v63+s22+$0x0] =	vst.idx.add.f32.msk $0xffff, v6  }
0x2c2: {  	p0 =	sne.s32 s31, $0xFF;
	v4 =	vor.u32 v3, v4;
	v5 =	vld.idx.msk [tilespmem:v5+s3+$0x0], $0xffff  }
.Ltmp7:
0x2c3: {  	_ = 	snop;
	(pc) =	sbr.rel @p0 .LBB2_16-.Ltmp7, $2  }
0x2c4: {  	_ =	sdelay $0x2  }
0x2c5: {  	s31 =	sadd.s32 $0x8, s31;
	[tilespmem:v4+s22+$0x0] =	vst.idx.add.f32.msk $0xffff, v5  }
0x2c6: {  	s30 =	sadd.s32 $0x1, s30  }
0x2c7: {  	p0 =	sne.s32 s30, s21  }
.Ltmp8:
0x2c8: {  	_ = 	snop;
	(pc) =	sbr.rel @p0 .LBB2_1-.Ltmp8, $4  }
0x2c9: {  	[hbm4b:s20+s3] =	stream.linear.scatter [tilespmem:s22], [sflag:$0x1], $0x8000, $0x38;
	[tilespmem:$0x10100] =	vst v63  }
0x2ca: {  	_ =	swait.ge [sflag:s23], $0x8000  }
0x2cb: {  	[sflag:s23] =	ssyncset.done $0x0  }
0x2cc: {  	[sflag:s23] =	ssyncadd.s32 $0xFFFF8000  }
0x2cd: {  	_ =	sfence.sel $0x180000  }
0x2ce: {  	[bflag:$0x0] =	sbarrier.arrive $0xFFFF  }
0x2cf: {  	_ =	strace $0x90000047  }
0x2d0: {  	[bflag:$0x2] =	sbarrier.arrive $0xFFFF  }
0x2d1: {  	p0 =	sne.s32 s1, $0x0;
	s0 =	rddreg [dreg:$0x3]  }
0x2d2: {  	s0 =	sadd.s32 @!p0 $0x100000, s0  }
0x2d3: {  	[sflag:s0] =	ssyncadd.tile.s32 @!p0 $0x1;
	_ =	shalt  }
.Lfunc_end2:
_tile_overlayer_lowered:
.L_overlay_start_2:
0x2d4: {  	(tag) =	ssettag $0x2  }
0x2d5: {  	s0 =	rddreg [dreg:$0x0];
	s2 =	stileid.u32  }
0x2d6: {  	s1 =	rddreg [dreg:$0x1];
	p0 =	sne.s32 s2, $0x0  }
0x2d7: {  	s3 =	rddreg [dreg:$0x2];
	[bflag:$0x3] =	sbarrier.arrive $0xFFFF;
	s2 =	simm.s32 @!p0 $0x1C01  }
0x2d8: {  	[timem:s3], [sflag:s2] =	dma.local @!p0 [hbm:s0], s1  }
0x2d9: {  	s0 =	simm.s32 @!p0 $0x1  }
0x2da: {  	_ =	swait.ge @!p0 [sflag:s0], s1  }
0x2db: {  	s1 =	ssub.s32 @!p0 $0x0, s1;
	[sflag:s0] =	ssyncset.done @!p0 $0x0  }
0x2dc: {  	[sflag:s0] =	ssyncadd.s32 @!p0 s1  }
0x2dd: {  	[bflag:$0x3] =	sbarrier.arrive $0xFFFF  }
0x2de: {  	_ =	shalt  }

</sc_bundles>
